<compile_context>
chip_gen: v7x
topology: tpu7x:2x2x1
jax: 0.10.2.dev20260603
libtpu: 0.0.44.dev20260713+nightly
codegen_flags: <defaults>
</compile_context>

<pallas_src>
import functools

import jax
import jax.numpy as jnp
from jax import lax
from jax.experimental import pallas as pl
from jax.experimental.pallas import tpu as pltpu
from jax.experimental.pallas import tpu_sc as plsc

N = 10000
D = 128
DH = D // 2
NC, NS = 2, 16
LANES = 16
CHUNK = 128
E = 320000
K = -(-E // (NS * CHUNK))
EPAD = NS * K * CHUNK
ACC_ROWS = ((N + 1 + 127) // 128) * 128
RPT = ACC_ROWS // NS
NBUF = 6
KFULL = (K // NBUF) * NBUF
KHALF = -(-K // 2)
DEGW = 16


def _sc_scatter(table, src_slab, dst_slab, zrows):
    mesh = plsc.VectorSubcoreMesh(core_axis_name="c", subcore_axis_name="s")

    @functools.partial(
        pl.kernel,
        out_type=jax.ShapeDtypeStruct((NC, ACC_ROWS, DH), jnp.float32),
        mesh=mesh,
        scratch_types=[
            pltpu.VMEM((K, CHUNK), jnp.int32),
            pltpu.VMEM((K, CHUNK), jnp.int32),
            [pltpu.VMEM((CHUNK, DH), jnp.float32) for _ in range(NBUF)],
            pltpu.VMEM_SHARED((ACC_ROWS, DH), jnp.float32),
            [pltpu.SemaphoreType.DMA for _ in range(NBUF)],
            [pltpu.SemaphoreType.DMA for _ in range(NBUF)],
        ],
        compiler_params=pltpu.CompilerParams(use_tc_tiling_on_sc=False,
                                             skip_device_barrier=True),
    )
    def k(table_hbm, src_hbm, dst_hbm, z_hbm, out_hbm,
          src_v, dst_v, bufs, acc, gsems, ssems):
        c = lax.axis_index("c")
        s = lax.axis_index("s")
        pltpu.sync_copy(z_hbm, acc.at[pl.ds(s * RPT, RPT)])
        pltpu.sync_copy(src_hbm.at[s], src_v)
        pltpu.sync_copy(dst_hbm.at[s], dst_v)
        off = c * N

        @pl.loop(0, K)
        def _(r):
            for i in range(CHUNK // LANES):
                sl = pl.ds(i * LANES, LANES)
                src_v[r, sl] = src_v[r, sl] + off

        plsc.subcore_barrier()

        def gather(t, b):
            pltpu.async_copy(table_hbm.at[src_v.at[t]], bufs[b], gsems[b])

        def gather_wait(t, b):
            pltpu.make_async_copy(
                table_hbm.at[src_v.at[t]], bufs[b], gsems[b]).wait()

        def scat(t, b):
            pltpu.async_copy(bufs[b], acc.at[dst_v.at[t]], ssems[b], add=True)

        def scat_wait(t, b):
            pltpu.make_async_copy(bufs[b], acc.at[dst_v.at[t]], ssems[b]).wait()

        for b in range(NBUF):
            gather(b, b)

        @pl.loop(0, KFULL, step=NBUF)
        def _(j):
            for b in range(NBUF):
                gather_wait(j + b, b)
                scat(j + b, b)
            for b in range(NBUF):
                scat_wait(j + b, b)

                @pl.when(j + NBUF + b < K)
                def _():
                    gather(j + NBUF + b, b)

        for t in range(KFULL, K):
            b = t % NBUF
            gather_wait(t, b)
            pltpu.sync_copy(bufs[b], acc.at[dst_v.at[t]], add=True)

        plsc.subcore_barrier()
        pltpu.sync_copy(acc.at[pl.ds(s * RPT, RPT)],
                        out_hbm.at[c, pl.ds(s * RPT, RPT)])

    return k(table, src_slab, dst_slab, zrows)


def _sc_degree(dst_slab, zdeg):
    mesh = plsc.VectorSubcoreMesh(core_axis_name="c", subcore_axis_name="s")

    @functools.partial(
        pl.kernel,
        out_type=jax.ShapeDtypeStruct((NC, ACC_ROWS, DEGW), jnp.float32),
        mesh=mesh,
        scratch_types=[
            pltpu.VMEM((K, CHUNK), jnp.int32),
            pltpu.VMEM((CHUNK, DEGW), jnp.float32),
            pltpu.VMEM_SHARED((ACC_ROWS, DEGW), jnp.float32),
            pltpu.SemaphoreType.DMA,
        ],
        compiler_params=pltpu.CompilerParams(use_tc_tiling_on_sc=False,
                                             skip_device_barrier=True),
    )
    def k(dst_hbm, z_hbm, out_hbm, dst_v, ones_v, acc, sem):
        c = lax.axis_index("c")
        s = lax.axis_index("s")
        pltpu.sync_copy(z_hbm, acc.at[pl.ds(s * RPT, RPT)])
        pltpu.sync_copy(dst_hbm.at[s], dst_v)
        for i in range(CHUNK):
            ones_v[i] = jnp.ones((DEGW,), jnp.float32)
        plsc.subcore_barrier()

        lo = c * KHALF
        hi = KHALF + c * (K - KHALF)

        @pl.loop(lo, hi)
        def _(j):
            pltpu.async_copy(ones_v, acc.at[dst_v.at[j]], sem, add=True)

        @pl.loop(lo, hi)
        def _(j):
            pltpu.make_async_copy(ones_v, acc.at[dst_v.at[j]], sem).wait()

        plsc.subcore_barrier()
        pltpu.sync_copy(acc.at[pl.ds(s * RPT, RPT)],
                        out_hbm.at[c, pl.ds(s * RPT, RPT)])

    return k(dst_slab, zdeg)


def _dis_block(deg_ref, br):
    return lax.rsqrt(deg_ref[0][:, 0:1] + deg_ref[1][:, 0:1] + 1.0)


def _tc1(x, W, accd):
    BR = 1000

    def body(x_ref, w_ref, deg_ref, y_ref):
        dis = _dis_block(deg_ref, BR)
        y = dis * jnp.dot(x_ref[...], w_ref[...],
                          preferred_element_type=jnp.float32)
        y_ref[0] = y[:, :DH]
        y_ref[1] = y[:, DH:]

    return pl.pallas_call(
        body,
        grid=(N // BR,),
        in_specs=[
            pl.BlockSpec((BR, D), lambda j: (j, 0)),
            pl.BlockSpec((D, D), lambda j: (0, 0)),
            pl.BlockSpec((NC, BR, DEGW), lambda j: (0, j, 0)),
        ],
        out_specs=pl.BlockSpec((NC, BR, DH), lambda j: (0, j, 0)),
        out_shape=jax.ShapeDtypeStruct((NC, N, DH), jnp.float32),
        compiler_params=pltpu.CompilerParams(skip_device_barrier=True),
    )(x, W, accd)


def _tc2(acc, yt, accd, b, W):
    BR = 1000

    def body(a_ref, y_ref, deg_ref, b_ref, w_ref, o_ref):
        dis = _dis_block(deg_ref, BR)
        s = jnp.concatenate(
            [a_ref[0] + y_ref[0], a_ref[1] + y_ref[1]], axis=1)
        h = jnp.tanh(dis * s + b_ref[...])
        y2 = dis * jnp.dot(h, w_ref[...], preferred_element_type=jnp.float32)
        o_ref[0] = y2[:, :DH]
        o_ref[1] = y2[:, DH:]

    return pl.pallas_call(
        body,
        grid=(N // BR,),
        in_specs=[
            pl.BlockSpec((NC, BR, DH), lambda j: (0, j, 0)),
            pl.BlockSpec((NC, BR, DH), lambda j: (0, j, 0)),
            pl.BlockSpec((NC, BR, DEGW), lambda j: (0, j, 0)),
            pl.BlockSpec((1, D), lambda j: (0, 0)),
            pl.BlockSpec((D, D), lambda j: (0, 0)),
        ],
        out_specs=pl.BlockSpec((NC, BR, DH), lambda j: (0, j, 0)),
        out_shape=jax.ShapeDtypeStruct((NC, N, DH), jnp.float32),
        compiler_params=pltpu.CompilerParams(skip_device_barrier=True),
    )(acc, yt, accd, b, W)


def _tc3(acc, yt, accd, b):
    BR = 1000

    def body(a_ref, y_ref, deg_ref, b_ref, o_ref):
        dis = _dis_block(deg_ref, BR)
        s = jnp.concatenate(
            [a_ref[0] + y_ref[0], a_ref[1] + y_ref[1]], axis=1)
        o_ref[...] = jnp.tanh(dis * s + b_ref[...])

    return pl.pallas_call(
        body,
        grid=(N // BR,),
        in_specs=[
            pl.BlockSpec((NC, BR, DH), lambda j: (0, j, 0)),
            pl.BlockSpec((NC, BR, DH), lambda j: (0, j, 0)),
            pl.BlockSpec((NC, BR, DEGW), lambda j: (0, j, 0)),
            pl.BlockSpec((1, D), lambda j: (0, 0)),
        ],
        out_specs=pl.BlockSpec((BR, D), lambda j: (j, 0)),
        out_shape=jax.ShapeDtypeStruct((N, D), jnp.float32),
        compiler_params=pltpu.CompilerParams(skip_device_barrier=True),
    )(acc, yt, accd, b)


def kernel(x, edge_index, W1, b1, W2, b2):
    src = edge_index[0]
    dst = edge_index[1]
    pad = EPAD - E
    srcp = jnp.concatenate(
        [src, jnp.zeros((pad,), jnp.int32)]).reshape(NS, K, CHUNK)
    dstp = jnp.concatenate(
        [dst, jnp.full((pad,), N, jnp.int32)]).reshape(NS, K, CHUNK)
    zrows = jnp.zeros((RPT, DH), jnp.float32)

    accd = _sc_degree(dstp, jnp.zeros((RPT, DEGW), jnp.float32))

    y1t = _tc1(x, W1, accd)
    acc1 = _sc_scatter(y1t.reshape(NC * N, DH), srcp, dstp, zrows)
    y2t = _tc2(acc1, y1t, accd, b1.reshape(1, D), W2)
    acc2 = _sc_scatter(y2t.reshape(NC * N, DH), srcp, dstp, zrows)
    return _tc3(acc2, y2t, accd, b2.reshape(1, D))

# --- scband reference (transcript-rebuilt; emitter-appended) ---
"""Pipeline reference for scband-gcn-73246372266616 (READ-ONLY COPY).

The authoritative reference and input builder live on the scoring server;
editing this copy changes nothing except your own understanding.
"""

import jax, jax.numpy as jnp
import numpy as np

N = 10000
E = 320000
D_IN = 128
D_HID = 128
D_OUT = 128


def setup_inputs(seed: int = 0) -> dict:
    key = jax.random.key(seed)
    k1, k2, k3, k4, k5, k6 = jax.random.split(key, 6)
    x = jax.random.normal(k1, (N, D_IN), dtype=jnp.float32)
    edge_index = jax.random.randint(k2, (2, E), 0, N, dtype=jnp.int32)
    W1 = jax.random.normal(k3, (D_IN, D_HID), dtype=jnp.float32) * (1.0 / np.sqrt(D_IN))
    b1 = jnp.zeros((D_HID,), dtype=jnp.float32)
    W2 = jax.random.normal(k4, (D_HID, D_OUT), dtype=jnp.float32) * (1.0 / np.sqrt(D_HID))
    b2 = jnp.zeros((D_OUT,), dtype=jnp.float32)
    return {"x": x, "edge_index": edge_index, "W1": W1, "b1": b1, "W2": W2, "b2": b2}


def gcn_conv(x, edge_index, W, b):
    # GCNConv with add_self_loops=True, normalize=True (PyG semantics)
    n = x.shape[0]
    loop = jnp.arange(n, dtype=edge_index.dtype)
    src = jnp.concatenate([edge_index[0], loop])
    dst = jnp.concatenate([edge_index[1], loop])
    # symmetric normalization: deg computed on destination (in-degree incl. self-loops)
    deg = jnp.zeros((n,), dtype=x.dtype).at[dst].add(1.0)
    deg_inv_sqrt = jnp.where(deg > 0, 1.0 / jnp.sqrt(deg), 0.0)
    norm = deg_inv_sqrt[src] * deg_inv_sqrt[dst]
    xw = x @ W
    msg = xw[src] * norm[:, None]
    out = jnp.zeros((n, W.shape[1]), dtype=x.dtype).at[dst].add(msg)
    return out + b


def reference(x, edge_index, W1, b1, W2, b2):
    h = jnp.tanh(gcn_conv(x, edge_index, W1, b1))
    out = jnp.tanh(gcn_conv(h, edge_index, W2, b2))
    return out

if __name__ == "__main__":
    import jax
    _d = setup_inputs()
    print(jax.jit(kernel)(*tuple(_d.values())))

</pallas_src>

<mosaic_0001>
#map = affine_map<(d0, d1) -> (0, 0)>
#map1 = affine_map<(d0, d1) -> (0, 0, 0)>
module attributes {stable_mosaic.version = 14 : i64} {
  func.func @k(%arg0: i32, %arg1: i32, %arg2: memref<20000x64xf32, #tpu.memory_space<hbm>>, %arg3: memref<16x157x128xi32, #tpu.memory_space<hbm>>, %arg4: memref<16x157x128xi32, #tpu.memory_space<hbm>>, %arg5: memref<632x64xf32, #tpu.memory_space<hbm>>, %arg6: memref<2x10112x64xf32, #tpu.memory_space<hbm>>, %arg7: memref<157x128xi32, #tpu.memory_space<vmem>>, %arg8: memref<157x128xi32, #tpu.memory_space<vmem>>, %arg9: memref<128x64xf32, #tpu.memory_space<vmem>>, %arg10: memref<128x64xf32, #tpu.memory_space<vmem>>, %arg11: memref<128x64xf32, #tpu.memory_space<vmem>>, %arg12: memref<128x64xf32, #tpu.memory_space<vmem>>, %arg13: memref<128x64xf32, #tpu.memory_space<vmem>>, %arg14: memref<128x64xf32, #tpu.memory_space<vmem>>, %arg15: memref<10112x64xf32, #tpu.memory_space<vmem_shared>>, %arg16: memref<!tpu.dma_semaphore, #tpu.memory_space<semaphore_mem>>, %arg17: memref<!tpu.dma_semaphore, #tpu.memory_space<semaphore_mem>>, %arg18: memref<!tpu.dma_semaphore, #tpu.memory_space<semaphore_mem>>, %arg19: memref<!tpu.dma_semaphore, #tpu.memory_space<semaphore_mem>>, %arg20: memref<!tpu.dma_semaphore, #tpu.memory_space<semaphore_mem>>, %arg21: memref<!tpu.dma_semaphore, #tpu.memory_space<semaphore_mem>>, %arg22: memref<!tpu.dma_semaphore, #tpu.memory_space<semaphore_mem>>, %arg23: memref<!tpu.dma_semaphore, #tpu.memory_space<semaphore_mem>>, %arg24: memref<!tpu.dma_semaphore, #tpu.memory_space<semaphore_mem>>, %arg25: memref<!tpu.dma_semaphore, #tpu.memory_space<semaphore_mem>>, %arg26: memref<!tpu.dma_semaphore, #tpu.memory_space<semaphore_mem>>, %arg27: memref<!tpu.dma_semaphore, #tpu.memory_space<semaphore_mem>>) attributes {dimension_semantics = [#tpu.dimension_semantics<core_parallel>, #tpu.dimension_semantics<subcore_parallel>], iteration_bounds = array<i64: 2, 16>, scalar_prefetch = 0 : i64, scratch_operands = 21 : i64, tpu.core_type = #tpu.core_type<sc_vector_subcore>, window_params = [{transform_indices = #map}, {transform_indices = #map1}, {transform_indices = #map1}, {transform_indices = #map}, {transform_indices = #map1}]} {
    %mul3A = arith.constant 632 : i32
    %mul3A_0 = arith.muli %arg1, %mul3A : i32
    "tpu.region"() ({
      %run_scoped3A_64 = tpu.sem_alloc : memref<!tpu.dma_semaphore, #tpu.memory_space<semaphore_mem>>
      %dma_start3A_65 = arith.constant 0 : i32
      %dma_start3A_66 = tpu.memref_slice %arg15[%mul3A_0, %dma_start3A_65] : memref<10112x64xf32, #tpu.memory_space<vmem_shared>> -> memref<632x64xf32, #tpu.memory_space<vmem_shared>>
      tpu.enqueue_dma source(%arg5 : memref<632x64xf32, #tpu.memory_space<hbm>>) target(%dma_start3A_66 : memref<632x64xf32, #tpu.memory_space<vmem_shared>>) target_semaphore(%run_scoped3A_64 : memref<!tpu.dma_semaphore, #tpu.memory_space<semaphore_mem>>)
      %dma_wait3A_67 = arith.constant 0 : i32
      %dma_wait3A_68 = tpu.memref_slice %arg15[%mul3A_0, %dma_wait3A_67] : memref<10112x64xf32, #tpu.memory_space<vmem_shared>> -> memref<632x64xf32, #tpu.memory_space<vmem_shared>>
      tpu.wait_dma2 semaphore(%run_scoped3A_64 : memref<!tpu.dma_semaphore, #tpu.memory_space<semaphore_mem>>) src(%arg5 : memref<632x64xf32, #tpu.memory_space<hbm>>) dst(%dma_wait3A_68 : memref<632x64xf32, #tpu.memory_space<vmem_shared>>)
      tpu.yield
    }) : () -> ()
    "tpu.region"() ({
      %run_scoped3A_64 = tpu.sem_alloc : memref<!tpu.dma_semaphore, #tpu.memory_space<semaphore_mem>>
      %dma_start3A_65 = arith.constant 0 : i32
      %dma_start3A_66 = arith.constant 0 : i32
      %dma_start3A_67 = tpu.memref_slice %arg3[%arg1, %dma_start3A_65, %dma_start3A_66] : memref<16x157x128xi32, #tpu.memory_space<hbm>> -> memref<1x157x128xi32, #tpu.memory_space<hbm>>
      %dma_start3A_68 = tpu.memref_squeeze %dma_start3A_67 : memref<1x157x128xi32, #tpu.memory_space<hbm>> -> memref<157x128xi32, #tpu.memory_space<hbm>>
      %dma_start3A_69 = arith.constant 0 : i32
      %dma_start3A_70 = arith.constant 0 : i32
      %dma_start3A_71 = tpu.memref_slice %arg3[%arg1, %dma_start3A_69, %dma_start3A_70] : memref<16x157x128xi32, #tpu.memory_space<hbm>> -> memref<1x157x128xi32, #tpu.memory_space<hbm>>
      %dma_start3A_72 = tpu.memref_squeeze %dma_start3A_71 : memref<1x157x128xi32, #tpu.memory_space<hbm>> -> memref<157x128xi32, #tpu.memory_space<hbm>>
      tpu.enqueue_dma source(%dma_start3A_72 : memref<157x128xi32, #tpu.memory_space<hbm>>) target(%arg7 : memref<157x128xi32, #tpu.memory_space<vmem>>) target_semaphore(%run_scoped3A_64 : memref<!tpu.dma_semaphore, #tpu.memory_space<semaphore_mem>>)
      %dma_wait3A_73 = arith.constant 0 : i32
      %dma_wait3A_74 = arith.constant 0 : i32
      %dma_wait3A_75 = tpu.memref_slice %arg3[%arg1, %dma_wait3A_73, %dma_wait3A_74] : memref<16x157x128xi32, #tpu.memory_space<hbm>> -> memref<1x157x128xi32, #tpu.memory_space<hbm>>
      %dma_wait3A_76 = tpu.memref_squeeze %dma_wait3A_75 : memref<1x157x128xi32, #tpu.memory_space<hbm>> -> memref<157x128xi32, #tpu.memory_space<hbm>>
      %dma_wait3A_77 = arith.constant 0 : i32
      %dma_wait3A_78 = arith.constant 0 : i32
      %dma_wait3A_79 = tpu.memref_slice %arg3[%arg1, %dma_wait3A_77, %dma_wait3A_78] : memref<16x157x128xi32, #tpu.memory_space<hbm>> -> memref<1x157x128xi32, #tpu.memory_space<hbm>>
      %dma_wait3A_80 = tpu.memref_squeeze %dma_wait3A_79 : memref<1x157x128xi32, #tpu.memory_space<hbm>> -> memref<157x128xi32, #tpu.memory_space<hbm>>
      tpu.wait_dma2 semaphore(%run_scoped3A_64 : memref<!tpu.dma_semaphore, #tpu.memory_space<semaphore_mem>>) src(%dma_wait3A_80 : memref<157x128xi32, #tpu.memory_space<hbm>>) dst(%arg7 : memref<157x128xi32, #tpu.memory_space<vmem>>)
      tpu.yield
    }) : () -> ()
    "tpu.region"() ({
      %run_scoped3A_64 = tpu.sem_alloc : memref<!tpu.dma_semaphore, #tpu.memory_space<semaphore_mem>>
      %dma_start3A_65 = arith.constant 0 : i32
      %dma_start3A_66 = arith.constant 0 : i32
      %dma_start3A_67 = tpu.memref_slice %arg4[%arg1, %dma_start3A_65, %dma_start3A_66] : memref<16x157x128xi32, #tpu.memory_space<hbm>> -> memref<1x157x128xi32, #tpu.memory_space<hbm>>
      %dma_start3A_68 = tpu.memref_squeeze %dma_start3A_67 : memref<1x157x128xi32, #tpu.memory_space<hbm>> -> memref<157x128xi32, #tpu.memory_space<hbm>>
      %dma_start3A_69 = arith.constant 0 : i32
      %dma_start3A_70 = arith.constant 0 : i32
      %dma_start3A_71 = tpu.memref_slice %arg4[%arg1, %dma_start3A_69, %dma_start3A_70] : memref<16x157x128xi32, #tpu.memory_space<hbm>> -> memref<1x157x128xi32, #tpu.memory_space<hbm>>
      %dma_start3A_72 = tpu.memref_squeeze %dma_start3A_71 : memref<1x157x128xi32, #tpu.memory_space<hbm>> -> memref<157x128xi32, #tpu.memory_space<hbm>>
      tpu.enqueue_dma source(%dma_start3A_72 : memref<157x128xi32, #tpu.memory_space<hbm>>) target(%arg8 : memref<157x128xi32, #tpu.memory_space<vmem>>) target_semaphore(%run_scoped3A_64 : memref<!tpu.dma_semaphore, #tpu.memory_space<semaphore_mem>>)
      %dma_wait3A_73 = arith.constant 0 : i32
      %dma_wait3A_74 = arith.constant 0 : i32
      %dma_wait3A_75 = tpu.memref_slice %arg4[%arg1, %dma_wait3A_73, %dma_wait3A_74] : memref<16x157x128xi32, #tpu.memory_space<hbm>> -> memref<1x157x128xi32, #tpu.memory_space<hbm>>
      %dma_wait3A_76 = tpu.memref_squeeze %dma_wait3A_75 : memref<1x157x128xi32, #tpu.memory_space<hbm>> -> memref<157x128xi32, #tpu.memory_space<hbm>>
      %dma_wait3A_77 = arith.constant 0 : i32
      %dma_wait3A_78 = arith.constant 0 : i32
      %dma_wait3A_79 = tpu.memref_slice %arg4[%arg1, %dma_wait3A_77, %dma_wait3A_78] : memref<16x157x128xi32, #tpu.memory_space<hbm>> -> memref<1x157x128xi32, #tpu.memory_space<hbm>>
      %dma_wait3A_80 = tpu.memref_squeeze %dma_wait3A_79 : memref<1x157x128xi32, #tpu.memory_space<hbm>> -> memref<157x128xi32, #tpu.memory_space<hbm>>
      tpu.wait_dma2 semaphore(%run_scoped3A_64 : memref<!tpu.dma_semaphore, #tpu.memory_space<semaphore_mem>>) src(%dma_wait3A_80 : memref<157x128xi32, #tpu.memory_space<hbm>>) dst(%arg8 : memref<157x128xi32, #tpu.memory_space<vmem>>)
      tpu.yield
    }) : () -> ()
    %mul3A_1 = arith.constant 10000 : i32
    %mul3A_2 = arith.muli %arg0, %mul3A_1 : i32
    %scan3A = arith.constant 0 : i32
    %scan3A_3 = arith.constant 157 : i32
    %scan3A_4 = arith.addi %scan3A, %scan3A_3 : i32
    %scan3A_5 = arith.constant 1 : i32
    scf.for %scan3A_64 = %scan3A to %scan3A_4 step %scan3A_5  : i32 {
      %mul3A_65 = arith.constant 1 : i32
      %mul3A_66 = arith.muli %scan3A_64, %mul3A_65 : i32
      %add3A = arith.constant 0 : i32
      %add3A_67 = arith.addi %add3A, %mul3A_66 : i32
      %get3A = arith.index_cast %add3A_67 : i32 to index
      %get3A_68 = arith.constant 0 : index
      %get3A_69 = tpu.vector_load %arg7[%get3A, %get3A_68] {strides = array<i32>} : memref<157x128xi32, #tpu.memory_space<vmem>>, vector<1x16xi32>,
      %get3A_70 = vector.shape_cast %get3A_69 : vector<1x16xi32> to vector<16xi32>
      %add3A_71 = vector.broadcast %mul3A_2 : i32 to vector<16xi32>
      %add3A_72 = arith.addi %get3A_70, %add3A_71 : vector<16xi32>
      %swap3A = arith.index_cast %add3A_67 : i32 to index
      %swap3A_73 = arith.constant 0 : index
      %swap3A_74 = tpu.vector_load %arg7[%swap3A, %swap3A_73] {strides = array<i32>} : memref<157x128xi32, #tpu.memory_space<vmem>>, vector<1x16xi32>,
      %swap3A_75 = vector.shape_cast %swap3A_74 : vector<1x16xi32> to vector<16xi32>
      %swap3A_76 = vector.shape_cast %add3A_72 : vector<16xi32> to vector<1x16xi32>
      tpu.vector_store %arg7[%swap3A, %swap3A_73], %swap3A_76 {strides = array<i32>} : memref<157x128xi32, #tpu.memory_space<vmem>>, vector<1x16xi32>,
      %get3A_77 = arith.index_cast %add3A_67 : i32 to index
      %get3A_78 = arith.constant 16 : index
      %get3A_79 = tpu.vector_load %arg7[%get3A_77, %get3A_78] {strides = array<i32>} : memref<157x128xi32, #tpu.memory_space<vmem>>, vector<1x16xi32>,
      %get3A_80 = vector.shape_cast %get3A_79 : vector<1x16xi32> to vector<16xi32>
      %add3A_81 = vector.broadcast %mul3A_2 : i32 to vector<16xi32>
      %add3A_82 = arith.addi %get3A_80, %add3A_81 : vector<16xi32>
      %swap3A_83 = arith.index_cast %add3A_67 : i32 to index
      %swap3A_84 = arith.constant 16 : index
      %swap3A_85 = tpu.vector_load %arg7[%swap3A_83, %swap3A_84] {strides = array<i32>} : memref<157x128xi32, #tpu.memory_space<vmem>>, vector<1x16xi32>,
      %swap3A_86 = vector.shape_cast %swap3A_85 : vector<1x16xi32> to vector<16xi32>
      %swap3A_87 = vector.shape_cast %add3A_82 : vector<16xi32> to vector<1x16xi32>
      tpu.vector_store %arg7[%swap3A_83, %swap3A_84], %swap3A_87 {strides = array<i32>} : memref<157x128xi32, #tpu.memory_space<vmem>>, vector<1x16xi32>,
      %get3A_88 = arith.index_cast %add3A_67 : i32 to index
      %get3A_89 = arith.constant 32 : index
      %get3A_90 = tpu.vector_load %arg7[%get3A_88, %get3A_89] {strides = array<i32>} : memref<157x128xi32, #tpu.memory_space<vmem>>, vector<1x16xi32>,
      %get3A_91 = vector.shape_cast %get3A_90 : vector<1x16xi32> to vector<16xi32>
      %add3A_92 = vector.broadcast %mul3A_2 : i32 to vector<16xi32>
      %add3A_93 = arith.addi %get3A_91, %add3A_92 : vector<16xi32>
      %swap3A_94 = arith.index_cast %add3A_67 : i32 to index
      %swap3A_95 = arith.constant 32 : index
      %swap3A_96 = tpu.vector_load %arg7[%swap3A_94, %swap3A_95] {strides = array<i32>} : memref<157x128xi32, #tpu.memory_space<vmem>>, vector<1x16xi32>,
      %swap3A_97 = vector.shape_cast %swap3A_96 : vector<1x16xi32> to vector<16xi32>
      %swap3A_98 = vector.shape_cast %add3A_93 : vector<16xi32> to vector<1x16xi32>
      tpu.vector_store %arg7[%swap3A_94, %swap3A_95], %swap3A_98 {strides = array<i32>} : memref<157x128xi32, #tpu.memory_space<vmem>>, vector<1x16xi32>,
      %get3A_99 = arith.index_cast %add3A_67 : i32 to index
      %get3A_100 = arith.constant 48 : index
      %get3A_101 = tpu.vector_load %arg7[%get3A_99, %get3A_100] {strides = array<i32>} : memref<157x128xi32, #tpu.memory_space<vmem>>, vector<1x16xi32>,
      %get3A_102 = vector.shape_cast %get3A_101 : vector<1x16xi32> to vector<16xi32>
      %add3A_103 = vector.broadcast %mul3A_2 : i32 to vector<16xi32>
      %add3A_104 = arith.addi %get3A_102, %add3A_103 : vector<16xi32>
      %swap3A_105 = arith.index_cast %add3A_67 : i32 to index
      %swap3A_106 = arith.constant 48 : index
      %swap3A_107 = tpu.vector_load %arg7[%swap3A_105, %swap3A_106] {strides = array<i32>} : memref<157x128xi32, #tpu.memory_space<vmem>>, vector<1x16xi32>,
      %swap3A_108 = vector.shape_cast %swap3A_107 : vector<1x16xi32> to vector<16xi32>
      %swap3A_109 = vector.shape_cast %add3A_104 : vector<16xi32> to vector<1x16xi32>
      tpu.vector_store %arg7[%swap3A_105, %swap3A_106], %swap3A_109 {strides = array<i32>} : memref<157x128xi32, #tpu.memory_space<vmem>>, vector<1x16xi32>,
      %get3A_110 = arith.index_cast %add3A_67 : i32 to index
      %get3A_111 = arith.constant 64 : index
      %get3A_112 = tpu.vector_load %arg7[%get3A_110, %get3A_111] {strides = array<i32>} : memref<157x128xi32, #tpu.memory_space<vmem>>, vector<1x16xi32>,
      %get3A_113 = vector.shape_cast %get3A_112 : vector<1x16xi32> to vector<16xi32>
      %add3A_114 = vector.broadcast %mul3A_2 : i32 to vector<16xi32>
      %add3A_115 = arith.addi %get3A_113, %add3A_114 : vector<16xi32>
      %swap3A_116 = arith.index_cast %add3A_67 : i32 to index
      %swap3A_117 = arith.constant 64 : index
      %swap3A_118 = tpu.vector_load %arg7[%swap3A_116, %swap3A_117] {strides = array<i32>} : memref<157x128xi32, #tpu.memory_space<vmem>>, vector<1x16xi32>,
      %swap3A_119 = vector.shape_cast %swap3A_118 : vector<1x16xi32> to vector<16xi32>
      %swap3A_120 = vector.shape_cast %add3A_115 : vector<16xi32> to vector<1x16xi32>
      tpu.vector_store %arg7[%swap3A_116, %swap3A_117], %swap3A_120 {strides = array<i32>} : memref<157x128xi32, #tpu.memory_space<vmem>>, vector<1x16xi32>,
      %get3A_121 = arith.index_cast %add3A_67 : i32 to index
      %get3A_122 = arith.constant 80 : index
      %get3A_123 = tpu.vector_load %arg7[%get3A_121, %get3A_122] {strides = array<i32>} : memref<157x128xi32, #tpu.memory_space<vmem>>, vector<1x16xi32>,
      %get3A_124 = vector.shape_cast %get3A_123 : vector<1x16xi32> to vector<16xi32>
      %add3A_125 = vector.broadcast %mul3A_2 : i32 to vector<16xi32>
      %add3A_126 = arith.addi %get3A_124, %add3A_125 : vector<16xi32>
      %swap3A_127 = arith.index_cast %add3A_67 : i32 to index
      %swap3A_128 = arith.constant 80 : index
      %swap3A_129 = tpu.vector_load %arg7[%swap3A_127, %swap3A_128] {strides = array<i32>} : memref<157x128xi32, #tpu.memory_space<vmem>>, vector<1x16xi32>,
      %swap3A_130 = vector.shape_cast %swap3A_129 : vector<1x16xi32> to vector<16xi32>
      %swap3A_131 = vector.shape_cast %add3A_126 : vector<16xi32> to vector<1x16xi32>
      tpu.vector_store %arg7[%swap3A_127, %swap3A_128], %swap3A_131 {strides = array<i32>} : memref<157x128xi32, #tpu.memory_space<vmem>>, vector<1x16xi32>,
      %get3A_132 = arith.index_cast %add3A_67 : i32 to index
      %get3A_133 = arith.constant 96 : index
      %get3A_134 = tpu.vector_load %arg7[%get3A_132, %get3A_133] {strides = array<i32>} : memref<157x128xi32, #tpu.memory_space<vmem>>, vector<1x16xi32>,
      %get3A_135 = vector.shape_cast %get3A_134 : vector<1x16xi32> to vector<16xi32>
      %add3A_136 = vector.broadcast %mul3A_2 : i32 to vector<16xi32>
      %add3A_137 = arith.addi %get3A_135, %add3A_136 : vector<16xi32>
      %swap3A_138 = arith.index_cast %add3A_67 : i32 to index
      %swap3A_139 = arith.constant 96 : index
      %swap3A_140 = tpu.vector_load %arg7[%swap3A_138, %swap3A_139] {strides = array<i32>} : memref<157x128xi32, #tpu.memory_space<vmem>>, vector<1x16xi32>,
      %swap3A_141 = vector.shape_cast %swap3A_140 : vector<1x16xi32> to vector<16xi32>
      %swap3A_142 = vector.shape_cast %add3A_137 : vector<16xi32> to vector<1x16xi32>
      tpu.vector_store %arg7[%swap3A_138, %swap3A_139], %swap3A_142 {strides = array<i32>} : memref<157x128xi32, #tpu.memory_space<vmem>>, vector<1x16xi32>,
      %get3A_143 = arith.index_cast %add3A_67 : i32 to index
      %get3A_144 = arith.constant 112 : index
      %get3A_145 = tpu.vector_load %arg7[%get3A_143, %get3A_144] {strides = array<i32>} : memref<157x128xi32, #tpu.memory_space<vmem>>, vector<1x16xi32>,
      %get3A_146 = vector.shape_cast %get3A_145 : vector<1x16xi32> to vector<16xi32>
      %add3A_147 = vector.broadcast %mul3A_2 : i32 to vector<16xi32>
      %add3A_148 = arith.addi %get3A_146, %add3A_147 : vector<16xi32>
      %swap3A_149 = arith.index_cast %add3A_67 : i32 to index
      %swap3A_150 = arith.constant 112 : index
      %swap3A_151 = tpu.vector_load %arg7[%swap3A_149, %swap3A_150] {strides = array<i32>} : memref<157x128xi32, #tpu.memory_space<vmem>>, vector<1x16xi32>,
      %swap3A_152 = vector.shape_cast %swap3A_151 : vector<1x16xi32> to vector<16xi32>
      %swap3A_153 = vector.shape_cast %add3A_148 : vector<16xi32> to vector<1x16xi32>
      tpu.vector_store %arg7[%swap3A_149, %swap3A_150], %swap3A_153 {strides = array<i32>} : memref<157x128xi32, #tpu.memory_space<vmem>>, vector<1x16xi32>,
    }
    %scan3A_6 = arith.constant 157 : i32
    %barrier3A = arith.constant 0 : index
    tpu.barrier barrier_id(%barrier3A)
    %dma_start3A = arith.constant 0 : i32
    %dma_start3A_7 = arith.constant 0 : i32
    %dma_start3A_8 = tpu.memref_slice %arg7[%dma_start3A, %dma_start3A_7] : memref<157x128xi32, #tpu.memory_space<vmem>> -> memref<1x128xi32, #tpu.memory_space<vmem>>
    %dma_start3A_9 = tpu.memref_squeeze %dma_start3A_8 : memref<1x128xi32, #tpu.memory_space<vmem>> -> memref<128xi32, #tpu.memory_space<vmem>>
    %dma_start3A_10 = arith.constant 0 : i32
    %dma_start3A_11 = arith.constant 0 : i32
    %dma_start3A_12 = tpu.memref_slice %arg2[%dma_start3A_10, %dma_start3A_11] : memref<20000x64xf32, #tpu.memory_space<hbm>> -> memref<20000x64xf32, #tpu.memory_space<hbm>>
    tpu.enqueue_indirect_dma source(%dma_start3A_12 : memref<20000x64xf32, #tpu.memory_space<hbm>>) target(%arg9 : memref<128x64xf32, #tpu.memory_space<vmem>>) offsets(%dma_start3A_9 : memref<128xi32, #tpu.memory_space<vmem>>) semaphore(%arg16 : memref<!tpu.dma_semaphore, #tpu.memory_space<semaphore_mem>>)
    %dma_start3A_13 = arith.constant 1 : i32
    %dma_start3A_14 = arith.constant 0 : i32
    %dma_start3A_15 = tpu.memref_slice %arg7[%dma_start3A_13, %dma_start3A_14] : memref<157x128xi32, #tpu.memory_space<vmem>> -> memref<1x128xi32, #tpu.memory_space<vmem>>
    %dma_start3A_16 = tpu.memref_squeeze %dma_start3A_15 : memref<1x128xi32, #tpu.memory_space<vmem>> -> memref<128xi32, #tpu.memory_space<vmem>>
    %dma_start3A_17 = arith.constant 0 : i32
    %dma_start3A_18 = arith.constant 0 : i32
    %dma_start3A_19 = tpu.memref_slice %arg2[%dma_start3A_17, %dma_start3A_18] : memref<20000x64xf32, #tpu.memory_space<hbm>> -> memref<20000x64xf32, #tpu.memory_space<hbm>>
    tpu.enqueue_indirect_dma source(%dma_start3A_19 : memref<20000x64xf32, #tpu.memory_space<hbm>>) target(%arg10 : memref<128x64xf32, #tpu.memory_space<vmem>>) offsets(%dma_start3A_16 : memref<128xi32, #tpu.memory_space<vmem>>) semaphore(%arg17 : memref<!tpu.dma_semaphore, #tpu.memory_space<semaphore_mem>>)
    %dma_start3A_20 = arith.constant 2 : i32
    %dma_start3A_21 = arith.constant 0 : i32
    %dma_start3A_22 = tpu.memref_slice %arg7[%dma_start3A_20, %dma_start3A_21] : memref<157x128xi32, #tpu.memory_space<vmem>> -> memref<1x128xi32, #tpu.memory_space<vmem>>
    %dma_start3A_23 = tpu.memref_squeeze %dma_start3A_22 : memref<1x128xi32, #tpu.memory_space<vmem>> -> memref<128xi32, #tpu.memory_space<vmem>>
    %dma_start3A_24 = arith.constant 0 : i32
    %dma_start3A_25 = arith.constant 0 : i32
    %dma_start3A_26 = tpu.memref_slice %arg2[%dma_start3A_24, %dma_start3A_25] : memref<20000x64xf32, #tpu.memory_space<hbm>> -> memref<20000x64xf32, #tpu.memory_space<hbm>>
    tpu.enqueue_indirect_dma source(%dma_start3A_26 : memref<20000x64xf32, #tpu.memory_space<hbm>>) target(%arg11 : memref<128x64xf32, #tpu.memory_space<vmem>>) offsets(%dma_start3A_23 : memref<128xi32, #tpu.memory_space<vmem>>) semaphore(%arg18 : memref<!tpu.dma_semaphore, #tpu.memory_space<semaphore_mem>>)
    %dma_start3A_27 = arith.constant 3 : i32
    %dma_start3A_28 = arith.constant 0 : i32
    %dma_start3A_29 = tpu.memref_slice %arg7[%dma_start3A_27, %dma_start3A_28] : memref<157x128xi32, #tpu.memory_space<vmem>> -> memref<1x128xi32, #tpu.memory_space<vmem>>
    %dma_start3A_30 = tpu.memref_squeeze %dma_start3A_29 : memref<1x128xi32, #tpu.memory_space<vmem>> -> memref<128xi32, #tpu.memory_space<vmem>>
    %dma_start3A_31 = arith.constant 0 : i32
    %dma_start3A_32 = arith.constant 0 : i32
    %dma_start3A_33 = tpu.memref_slice %arg2[%dma_start3A_31, %dma_start3A_32] : memref<20000x64xf32, #tpu.memory_space<hbm>> -> memref<20000x64xf32, #tpu.memory_space<hbm>>
    tpu.enqueue_indirect_dma source(%dma_start3A_33 : memref<20000x64xf32, #tpu.memory_space<hbm>>) target(%arg12 : memref<128x64xf32, #tpu.memory_space<vmem>>) offsets(%dma_start3A_30 : memref<128xi32, #tpu.memory_space<vmem>>) semaphore(%arg19 : memref<!tpu.dma_semaphore, #tpu.memory_space<semaphore_mem>>)
    %dma_start3A_34 = arith.constant 4 : i32
    %dma_start3A_35 = arith.constant 0 : i32
    %dma_start3A_36 = tpu.memref_slice %arg7[%dma_start3A_34, %dma_start3A_35] : memref<157x128xi32, #tpu.memory_space<vmem>> -> memref<1x128xi32, #tpu.memory_space<vmem>>
    %dma_start3A_37 = tpu.memref_squeeze %dma_start3A_36 : memref<1x128xi32, #tpu.memory_space<vmem>> -> memref<128xi32, #tpu.memory_space<vmem>>
    %dma_start3A_38 = arith.constant 0 : i32
    %dma_start3A_39 = arith.constant 0 : i32
    %dma_start3A_40 = tpu.memref_slice %arg2[%dma_start3A_38, %dma_start3A_39] : memref<20000x64xf32, #tpu.memory_space<hbm>> -> memref<20000x64xf32, #tpu.memory_space<hbm>>
    tpu.enqueue_indirect_dma source(%dma_start3A_40 : memref<20000x64xf32, #tpu.memory_space<hbm>>) target(%arg13 : memref<128x64xf32, #tpu.memory_space<vmem>>) offsets(%dma_start3A_37 : memref<128xi32, #tpu.memory_space<vmem>>) semaphore(%arg20 : memref<!tpu.dma_semaphore, #tpu.memory_space<semaphore_mem>>)
    %dma_start3A_41 = arith.constant 5 : i32
    %dma_start3A_42 = arith.constant 0 : i32
    %dma_start3A_43 = tpu.memref_slice %arg7[%dma_start3A_41, %dma_start3A_42] : memref<157x128xi32, #tpu.memory_space<vmem>> -> memref<1x128xi32, #tpu.memory_space<vmem>>
    %dma_start3A_44 = tpu.memref_squeeze %dma_start3A_43 : memref<1x128xi32, #tpu.memory_space<vmem>> -> memref<128xi32, #tpu.memory_space<vmem>>
    %dma_start3A_45 = arith.constant 0 : i32
    %dma_start3A_46 = arith.constant 0 : i32
    %dma_start3A_47 = tpu.memref_slice %arg2[%dma_start3A_45, %dma_start3A_46] : memref<20000x64xf32, #tpu.memory_space<hbm>> -> memref<20000x64xf32, #tpu.memory_space<hbm>>
    tpu.enqueue_indirect_dma source(%dma_start3A_47 : memref<20000x64xf32, #tpu.memory_space<hbm>>) target(%arg14 : memref<128x64xf32, #tpu.memory_space<vmem>>) offsets(%dma_start3A_44 : memref<128xi32, #tpu.memory_space<vmem>>) semaphore(%arg21 : memref<!tpu.dma_semaphore, #tpu.memory_space<semaphore_mem>>)
    %scan3A_48 = arith.constant 0 : i32
    %scan3A_49 = arith.constant 26 : i32
    %scan3A_50 = arith.addi %scan3A_48, %scan3A_49 : i32
    %scan3A_51 = arith.constant 1 : i32
    scf.for %scan3A_64 = %scan3A_48 to %scan3A_50 step %scan3A_51  : i32 {
      %mul3A_65 = arith.constant 6 : i32
      %mul3A_66 = arith.muli %scan3A_64, %mul3A_65 : i32
      %add3A = arith.constant 0 : i32
      %add3A_67 = arith.addi %add3A, %mul3A_66 : i32
      %add3A_68 = arith.constant 0 : i32
      %add3A_69 = arith.addi %add3A_67, %add3A_68 : i32
      %dma_wait3A_70 = arith.constant 0 : i32
      %dma_wait3A_71 = tpu.memref_slice %arg7[%add3A_69, %dma_wait3A_70] : memref<157x128xi32, #tpu.memory_space<vmem>> -> memref<1x128xi32, #tpu.memory_space<vmem>>
      %dma_wait3A_72 = tpu.memref_squeeze %dma_wait3A_71 : memref<1x128xi32, #tpu.memory_space<vmem>> -> memref<128xi32, #tpu.memory_space<vmem>>
      %dma_wait3A_73 = arith.constant 0 : i32
      %dma_wait3A_74 = arith.constant 0 : i32
      %dma_wait3A_75 = tpu.memref_slice %arg2[%dma_wait3A_73, %dma_wait3A_74] : memref<20000x64xf32, #tpu.memory_space<hbm>> -> memref<20000x64xf32, #tpu.memory_space<hbm>>
      tpu.wait_indirect_dma semaphore(%arg16 : memref<!tpu.dma_semaphore, #tpu.memory_space<semaphore_mem>>) src(%dma_wait3A_75 : memref<20000x64xf32, #tpu.memory_space<hbm>>) dst(%arg9 : memref<128x64xf32, #tpu.memory_space<vmem>>)
      %add3A_76 = arith.constant 0 : i32
      %add3A_77 = arith.addi %add3A_67, %add3A_76 : i32
      %dma_start3A_78 = arith.constant 0 : i32
      %dma_start3A_79 = tpu.memref_slice %arg8[%add3A_77, %dma_start3A_78] : memref<157x128xi32, #tpu.memory_space<vmem>> -> memref<1x128xi32, #tpu.memory_space<vmem>>
      %dma_start3A_80 = tpu.memref_squeeze %dma_start3A_79 : memref<1x128xi32, #tpu.memory_space<vmem>> -> memref<128xi32, #tpu.memory_space<vmem>>
      %dma_start3A_81 = arith.constant 0 : i32
      %dma_start3A_82 = arith.constant 0 : i32
      %dma_start3A_83 = tpu.memref_slice %arg15[%dma_start3A_81, %dma_start3A_82] : memref<10112x64xf32, #tpu.memory_space<vmem_shared>> -> memref<10112x64xf32, #tpu.memory_space<vmem_shared>>
      tpu.enqueue_indirect_dma source(%arg9 : memref<128x64xf32, #tpu.memory_space<vmem>>) target(%dma_start3A_83 : memref<10112x64xf32, #tpu.memory_space<vmem_shared>>) offsets(%dma_start3A_80 : memref<128xi32, #tpu.memory_space<vmem>>) semaphore(%arg22 : memref<!tpu.dma_semaphore, #tpu.memory_space<semaphore_mem>>) {add = true}
      %add3A_84 = arith.constant 1 : i32
      %add3A_85 = arith.addi %add3A_67, %add3A_84 : i32
      %dma_wait3A_86 = arith.constant 0 : i32
      %dma_wait3A_87 = tpu.memref_slice %arg7[%add3A_85, %dma_wait3A_86] : memref<157x128xi32, #tpu.memory_space<vmem>> -> memref<1x128xi32, #tpu.memory_space<vmem>>
      %dma_wait3A_88 = tpu.memref_squeeze %dma_wait3A_87 : memref<1x128xi32, #tpu.memory_space<vmem>> -> memref<128xi32, #tpu.memory_space<vmem>>
      %dma_wait3A_89 = arith.constant 0 : i32
      %dma_wait3A_90 = arith.constant 0 : i32
      %dma_wait3A_91 = tpu.memref_slice %arg2[%dma_wait3A_89, %dma_wait3A_90] : memref<20000x64xf32, #tpu.memory_space<hbm>> -> memref<20000x64xf32, #tpu.memory_space<hbm>>
      tpu.wait_indirect_dma semaphore(%arg17 : memref<!tpu.dma_semaphore, #tpu.memory_space<semaphore_mem>>) src(%dma_wait3A_91 : memref<20000x64xf32, #tpu.memory_space<hbm>>) dst(%arg10 : memref<128x64xf32, #tpu.memory_space<vmem>>)
      %add3A_92 = arith.constant 1 : i32
      %add3A_93 = arith.addi %add3A_67, %add3A_92 : i32
      %dma_start3A_94 = arith.constant 0 : i32
      %dma_start3A_95 = tpu.memref_slice %arg8[%add3A_93, %dma_start3A_94] : memref<157x128xi32, #tpu.memory_space<vmem>> -> memref<1x128xi32, #tpu.memory_space<vmem>>
      %dma_start3A_96 = tpu.memref_squeeze %dma_start3A_95 : memref<1x128xi32, #tpu.memory_space<vmem>> -> memref<128xi32, #tpu.memory_space<vmem>>
      %dma_start3A_97 = arith.constant 0 : i32
      %dma_start3A_98 = arith.constant 0 : i32
      %dma_start3A_99 = tpu.memref_slice %arg15[%dma_start3A_97, %dma_start3A_98] : memref<10112x64xf32, #tpu.memory_space<vmem_shared>> -> memref<10112x64xf32, #tpu.memory_space<vmem_shared>>
      tpu.enqueue_indirect_dma source(%arg10 : memref<128x64xf32, #tpu.memory_space<vmem>>) target(%dma_start3A_99 : memref<10112x64xf32, #tpu.memory_space<vmem_shared>>) offsets(%dma_start3A_96 : memref<128xi32, #tpu.memory_space<vmem>>) semaphore(%arg23 : memref<!tpu.dma_semaphore, #tpu.memory_space<semaphore_mem>>) {add = true}
      %add3A_100 = arith.constant 2 : i32
      %add3A_101 = arith.addi %add3A_67, %add3A_100 : i32
      %dma_wait3A_102 = arith.constant 0 : i32
      %dma_wait3A_103 = tpu.memref_slice %arg7[%add3A_101, %dma_wait3A_102] : memref<157x128xi32, #tpu.memory_space<vmem>> -> memref<1x128xi32, #tpu.memory_space<vmem>>
      %dma_wait3A_104 = tpu.memref_squeeze %dma_wait3A_103 : memref<1x128xi32, #tpu.memory_space<vmem>> -> memref<128xi32, #tpu.memory_space<vmem>>
      %dma_wait3A_105 = arith.constant 0 : i32
      %dma_wait3A_106 = arith.constant 0 : i32
      %dma_wait3A_107 = tpu.memref_slice %arg2[%dma_wait3A_105, %dma_wait3A_106] : memref<20000x64xf32, #tpu.memory_space<hbm>> -> memref<20000x64xf32, #tpu.memory_space<hbm>>
      tpu.wait_indirect_dma semaphore(%arg18 : memref<!tpu.dma_semaphore, #tpu.memory_space<semaphore_mem>>) src(%dma_wait3A_107 : memref<20000x64xf32, #tpu.memory_space<hbm>>) dst(%arg11 : memref<128x64xf32, #tpu.memory_space<vmem>>)
      %add3A_108 = arith.constant 2 : i32
      %add3A_109 = arith.addi %add3A_67, %add3A_108 : i32
      %dma_start3A_110 = arith.constant 0 : i32
      %dma_start3A_111 = tpu.memref_slice %arg8[%add3A_109, %dma_start3A_110] : memref<157x128xi32, #tpu.memory_space<vmem>> -> memref<1x128xi32, #tpu.memory_space<vmem>>
      %dma_start3A_112 = tpu.memref_squeeze %dma_start3A_111 : memref<1x128xi32, #tpu.memory_space<vmem>> -> memref<128xi32, #tpu.memory_space<vmem>>
      %dma_start3A_113 = arith.constant 0 : i32
      %dma_start3A_114 = arith.constant 0 : i32
      %dma_start3A_115 = tpu.memref_slice %arg15[%dma_start3A_113, %dma_start3A_114] : memref<10112x64xf32, #tpu.memory_space<vmem_shared>> -> memref<10112x64xf32, #tpu.memory_space<vmem_shared>>
      tpu.enqueue_indirect_dma source(%arg11 : memref<128x64xf32, #tpu.memory_space<vmem>>) target(%dma_start3A_115 : memref<10112x64xf32, #tpu.memory_space<vmem_shared>>) offsets(%dma_start3A_112 : memref<128xi32, #tpu.memory_space<vmem>>) semaphore(%arg24 : memref<!tpu.dma_semaphore, #tpu.memory_space<semaphore_mem>>) {add = true}
      %add3A_116 = arith.constant 3 : i32
      %add3A_117 = arith.addi %add3A_67, %add3A_116 : i32
      %dma_wait3A_118 = arith.constant 0 : i32
      %dma_wait3A_119 = tpu.memref_slice %arg7[%add3A_117, %dma_wait3A_118] : memref<157x128xi32, #tpu.memory_space<vmem>> -> memref<1x128xi32, #tpu.memory_space<vmem>>
      %dma_wait3A_120 = tpu.memref_squeeze %dma_wait3A_119 : memref<1x128xi32, #tpu.memory_space<vmem>> -> memref<128xi32, #tpu.memory_space<vmem>>
      %dma_wait3A_121 = arith.constant 0 : i32
      %dma_wait3A_122 = arith.constant 0 : i32
      %dma_wait3A_123 = tpu.memref_slice %arg2[%dma_wait3A_121, %dma_wait3A_122] : memref<20000x64xf32, #tpu.memory_space<hbm>> -> memref<20000x64xf32, #tpu.memory_space<hbm>>
      tpu.wait_indirect_dma semaphore(%arg19 : memref<!tpu.dma_semaphore, #tpu.memory_space<semaphore_mem>>) src(%dma_wait3A_123 : memref<20000x64xf32, #tpu.memory_space<hbm>>) dst(%arg12 : memref<128x64xf32, #tpu.memory_space<vmem>>)
      %add3A_124 = arith.constant 3 : i32
      %add3A_125 = arith.addi %add3A_67, %add3A_124 : i32
      %dma_start3A_126 = arith.constant 0 : i32
      %dma_start3A_127 = tpu.memref_slice %arg8[%add3A_125, %dma_start3A_126] : memref<157x128xi32, #tpu.memory_space<vmem>> -> memref<1x128xi32, #tpu.memory_space<vmem>>
      %dma_start3A_128 = tpu.memref_squeeze %dma_start3A_127 : memref<1x128xi32, #tpu.memory_space<vmem>> -> memref<128xi32, #tpu.memory_space<vmem>>
      %dma_start3A_129 = arith.constant 0 : i32
      %dma_start3A_130 = arith.constant 0 : i32
      %dma_start3A_131 = tpu.memref_slice %arg15[%dma_start3A_129, %dma_start3A_130] : memref<10112x64xf32, #tpu.memory_space<vmem_shared>> -> memref<10112x64xf32, #tpu.memory_space<vmem_shared>>
      tpu.enqueue_indirect_dma source(%arg12 : memref<128x64xf32, #tpu.memory_space<vmem>>) target(%dma_start3A_131 : memref<10112x64xf32, #tpu.memory_space<vmem_shared>>) offsets(%dma_start3A_128 : memref<128xi32, #tpu.memory_space<vmem>>) semaphore(%arg25 : memref<!tpu.dma_semaphore, #tpu.memory_space<semaphore_mem>>) {add = true}
      %add3A_132 = arith.constant 4 : i32
      %add3A_133 = arith.addi %add3A_67, %add3A_132 : i32
      %dma_wait3A_134 = arith.constant 0 : i32
      %dma_wait3A_135 = tpu.memref_slice %arg7[%add3A_133, %dma_wait3A_134] : memref<157x128xi32, #tpu.memory_space<vmem>> -> memref<1x128xi32, #tpu.memory_space<vmem>>
      %dma_wait3A_136 = tpu.memref_squeeze %dma_wait3A_135 : memref<1x128xi32, #tpu.memory_space<vmem>> -> memref<128xi32, #tpu.memory_space<vmem>>
      %dma_wait3A_137 = arith.constant 0 : i32
      %dma_wait3A_138 = arith.constant 0 : i32
      %dma_wait3A_139 = tpu.memref_slice %arg2[%dma_wait3A_137, %dma_wait3A_138] : memref<20000x64xf32, #tpu.memory_space<hbm>> -> memref<20000x64xf32, #tpu.memory_space<hbm>>
      tpu.wait_indirect_dma semaphore(%arg20 : memref<!tpu.dma_semaphore, #tpu.memory_space<semaphore_mem>>) src(%dma_wait3A_139 : memref<20000x64xf32, #tpu.memory_space<hbm>>) dst(%arg13 : memref<128x64xf32, #tpu.memory_space<vmem>>)
      %add3A_140 = arith.constant 4 : i32
      %add3A_141 = arith.addi %add3A_67, %add3A_140 : i32
      %dma_start3A_142 = arith.constant 0 : i32
      %dma_start3A_143 = tpu.memref_slice %arg8[%add3A_141, %dma_start3A_142] : memref<157x128xi32, #tpu.memory_space<vmem>> -> memref<1x128xi32, #tpu.memory_space<vmem>>
      %dma_start3A_144 = tpu.memref_squeeze %dma_start3A_143 : memref<1x128xi32, #tpu.memory_space<vmem>> -> memref<128xi32, #tpu.memory_space<vmem>>
      %dma_start3A_145 = arith.constant 0 : i32
      %dma_start3A_146 = arith.constant 0 : i32
      %dma_start3A_147 = tpu.memref_slice %arg15[%dma_start3A_145, %dma_start3A_146] : memref<10112x64xf32, #tpu.memory_space<vmem_shared>> -> memref<10112x64xf32, #tpu.memory_space<vmem_shared>>
      tpu.enqueue_indirect_dma source(%arg13 : memref<128x64xf32, #tpu.memory_space<vmem>>) target(%dma_start3A_147 : memref<10112x64xf32, #tpu.memory_space<vmem_shared>>) offsets(%dma_start3A_144 : memref<128xi32, #tpu.memory_space<vmem>>) semaphore(%arg26 : memref<!tpu.dma_semaphore, #tpu.memory_space<semaphore_mem>>) {add = true}
      %add3A_148 = arith.constant 5 : i32
      %add3A_149 = arith.addi %add3A_67, %add3A_148 : i32
      %dma_wait3A_150 = arith.constant 0 : i32
      %dma_wait3A_151 = tpu.memref_slice %arg7[%add3A_149, %dma_wait3A_150] : memref<157x128xi32, #tpu.memory_space<vmem>> -> memref<1x128xi32, #tpu.memory_space<vmem>>
      %dma_wait3A_152 = tpu.memref_squeeze %dma_wait3A_151 : memref<1x128xi32, #tpu.memory_space<vmem>> -> memref<128xi32, #tpu.memory_space<vmem>>
      %dma_wait3A_153 = arith.constant 0 : i32
      %dma_wait3A_154 = arith.constant 0 : i32
      %dma_wait3A_155 = tpu.memref_slice %arg2[%dma_wait3A_153, %dma_wait3A_154] : memref<20000x64xf32, #tpu.memory_space<hbm>> -> memref<20000x64xf32, #tpu.memory_space<hbm>>
      tpu.wait_indirect_dma semaphore(%arg21 : memref<!tpu.dma_semaphore, #tpu.memory_space<semaphore_mem>>) src(%dma_wait3A_155 : memref<20000x64xf32, #tpu.memory_space<hbm>>) dst(%arg14 : memref<128x64xf32, #tpu.memory_space<vmem>>)
      %add3A_156 = arith.constant 5 : i32
      %add3A_157 = arith.addi %add3A_67, %add3A_156 : i32
      %dma_start3A_158 = arith.constant 0 : i32
      %dma_start3A_159 = tpu.memref_slice %arg8[%add3A_157, %dma_start3A_158] : memref<157x128xi32, #tpu.memory_space<vmem>> -> memref<1x128xi32, #tpu.memory_space<vmem>>
      %dma_start3A_160 = tpu.memref_squeeze %dma_start3A_159 : memref<1x128xi32, #tpu.memory_space<vmem>> -> memref<128xi32, #tpu.memory_space<vmem>>
      %dma_start3A_161 = arith.constant 0 : i32
      %dma_start3A_162 = arith.constant 0 : i32
      %dma_start3A_163 = tpu.memref_slice %arg15[%dma_start3A_161, %dma_start3A_162] : memref<10112x64xf32, #tpu.memory_space<vmem_shared>> -> memref<10112x64xf32, #tpu.memory_space<vmem_shared>>
      tpu.enqueue_indirect_dma source(%arg14 : memref<128x64xf32, #tpu.memory_space<vmem>>) target(%dma_start3A_163 : memref<10112x64xf32, #tpu.memory_space<vmem_shared>>) offsets(%dma_start3A_160 : memref<128xi32, #tpu.memory_space<vmem>>) semaphore(%arg27 : memref<!tpu.dma_semaphore, #tpu.memory_space<semaphore_mem>>) {add = true}
      %add3A_164 = arith.constant 0 : i32
      %add3A_165 = arith.addi %add3A_67, %add3A_164 : i32
      %dma_wait3A_166 = arith.constant 0 : i32
      %dma_wait3A_167 = tpu.memref_slice %arg8[%add3A_165, %dma_wait3A_166] : memref<157x128xi32, #tpu.memory_space<vmem>> -> memref<1x128xi32, #tpu.memory_space<vmem>>
      %dma_wait3A_168 = tpu.memref_squeeze %dma_wait3A_167 : memref<1x128xi32, #tpu.memory_space<vmem>> -> memref<128xi32, #tpu.memory_space<vmem>>
      %dma_wait3A_169 = arith.constant 0 : i32
      %dma_wait3A_170 = arith.constant 0 : i32
      %dma_wait3A_171 = tpu.memref_slice %arg15[%dma_wait3A_169, %dma_wait3A_170] : memref<10112x64xf32, #tpu.memory_space<vmem_shared>> -> memref<10112x64xf32, #tpu.memory_space<vmem_shared>>
      tpu.wait_indirect_dma semaphore(%arg22 : memref<!tpu.dma_semaphore, #tpu.memory_space<semaphore_mem>>) src(%arg9 : memref<128x64xf32, #tpu.memory_space<vmem>>) dst(%dma_wait3A_171 : memref<10112x64xf32, #tpu.memory_space<vmem_shared>>)
      %add3A_172 = arith.constant 6 : i32
      %add3A_173 = arith.addi %add3A_67, %add3A_172 : i32
      %add3A_174 = arith.constant 0 : i32
      %add3A_175 = arith.addi %add3A_173, %add3A_174 : i32
      %lt3A = arith.constant 157 : i32
      %lt3A_176 = arith.cmpi slt, %add3A_175, %lt3A : i32
      %convert_element_type3A = arith.extui %lt3A_176 : i1 to i32
      %cond3A = arith.constant 0 : i32
      %cond3A_177 = arith.cmpi ne, %convert_element_type3A, %cond3A : i32
      scf.if %cond3A_177 {
        %add3A_263 = arith.constant 6 : i32
        %add3A_264 = arith.addi %add3A_67, %add3A_263 : i32
        %add3A_265 = arith.constant 0 : i32
        %add3A_266 = arith.addi %add3A_264, %add3A_265 : i32
        %dma_start3A_267 = arith.constant 0 : i32
        %dma_start3A_268 = tpu.memref_slice %arg7[%add3A_266, %dma_start3A_267] : memref<157x128xi32, #tpu.memory_space<vmem>> -> memref<1x128xi32, #tpu.memory_space<vmem>>
        %dma_start3A_269 = tpu.memref_squeeze %dma_start3A_268 : memref<1x128xi32, #tpu.memory_space<vmem>> -> memref<128xi32, #tpu.memory_space<vmem>>
        %dma_start3A_270 = arith.constant 0 : i32
        %dma_start3A_271 = arith.constant 0 : i32
        %dma_start3A_272 = tpu.memref_slice %arg2[%dma_start3A_270, %dma_start3A_271] : memref<20000x64xf32, #tpu.memory_space<hbm>> -> memref<20000x64xf32, #tpu.memory_space<hbm>>
        tpu.enqueue_indirect_dma source(%dma_start3A_272 : memref<20000x64xf32, #tpu.memory_space<hbm>>) target(%arg9 : memref<128x64xf32, #tpu.memory_space<vmem>>) offsets(%dma_start3A_269 : memref<128xi32, #tpu.memory_space<vmem>>) semaphore(%arg16 : memref<!tpu.dma_semaphore, #tpu.memory_space<semaphore_mem>>)
      } else {
      }
      %add3A_178 = arith.constant 1 : i32
      %add3A_179 = arith.addi %add3A_67, %add3A_178 : i32
      %dma_wait3A_180 = arith.constant 0 : i32
      %dma_wait3A_181 = tpu.memref_slice %arg8[%add3A_179, %dma_wait3A_180] : memref<157x128xi32, #tpu.memory_space<vmem>> -> memref<1x128xi32, #tpu.memory_space<vmem>>
      %dma_wait3A_182 = tpu.memref_squeeze %dma_wait3A_181 : memref<1x128xi32, #tpu.memory_space<vmem>> -> memref<128xi32, #tpu.memory_space<vmem>>
      %dma_wait3A_183 = arith.constant 0 : i32
      %dma_wait3A_184 = arith.constant 0 : i32
      %dma_wait3A_185 = tpu.memref_slice %arg15[%dma_wait3A_183, %dma_wait3A_184] : memref<10112x64xf32, #tpu.memory_space<vmem_shared>> -> memref<10112x64xf32, #tpu.memory_space<vmem_shared>>
      tpu.wait_indirect_dma semaphore(%arg23 : memref<!tpu.dma_semaphore, #tpu.memory_space<semaphore_mem>>) src(%arg10 : memref<128x64xf32, #tpu.memory_space<vmem>>) dst(%dma_wait3A_185 : memref<10112x64xf32, #tpu.memory_space<vmem_shared>>)
      %add3A_186 = arith.constant 6 : i32
      %add3A_187 = arith.addi %add3A_67, %add3A_186 : i32
      %add3A_188 = arith.constant 1 : i32
      %add3A_189 = arith.addi %add3A_187, %add3A_188 : i32
      %lt3A_190 = arith.constant 157 : i32
      %lt3A_191 = arith.cmpi slt, %add3A_189, %lt3A_190 : i32
      %convert_element_type3A_192 = arith.extui %lt3A_191 : i1 to i32
      %cond3A_193 = arith.constant 0 : i32
      %cond3A_194 = arith.cmpi ne, %convert_element_type3A_192, %cond3A_193 : i32
      scf.if %cond3A_194 {
        %add3A_263 = arith.constant 6 : i32
        %add3A_264 = arith.addi %add3A_67, %add3A_263 : i32
        %add3A_265 = arith.constant 1 : i32
        %add3A_266 = arith.addi %add3A_264, %add3A_265 : i32
        %dma_start3A_267 = arith.constant 0 : i32
        %dma_start3A_268 = tpu.memref_slice %arg7[%add3A_266, %dma_start3A_267] : memref<157x128xi32, #tpu.memory_space<vmem>> -> memref<1x128xi32, #tpu.memory_space<vmem>>
        %dma_start3A_269 = tpu.memref_squeeze %dma_start3A_268 : memref<1x128xi32, #tpu.memory_space<vmem>> -> memref<128xi32, #tpu.memory_space<vmem>>
        %dma_start3A_270 = arith.constant 0 : i32
        %dma_start3A_271 = arith.constant 0 : i32
        %dma_start3A_272 = tpu.memref_slice %arg2[%dma_start3A_270, %dma_start3A_271] : memref<20000x64xf32, #tpu.memory_space<hbm>> -> memref<20000x64xf32, #tpu.memory_space<hbm>>
        tpu.enqueue_indirect_dma source(%dma_start3A_272 : memref<20000x64xf32, #tpu.memory_space<hbm>>) target(%arg10 : memref<128x64xf32, #tpu.memory_space<vmem>>) offsets(%dma_start3A_269 : memref<128xi32, #tpu.memory_space<vmem>>) semaphore(%arg17 : memref<!tpu.dma_semaphore, #tpu.memory_space<semaphore_mem>>)
      } else {
      }
      %add3A_195 = arith.constant 2 : i32
      %add3A_196 = arith.addi %add3A_67, %add3A_195 : i32
      %dma_wait3A_197 = arith.constant 0 : i32
      %dma_wait3A_198 = tpu.memref_slice %arg8[%add3A_196, %dma_wait3A_197] : memref<157x128xi32, #tpu.memory_space<vmem>> -> memref<1x128xi32, #tpu.memory_space<vmem>>
      %dma_wait3A_199 = tpu.memref_squeeze %dma_wait3A_198 : memref<1x128xi32, #tpu.memory_space<vmem>> -> memref<128xi32, #tpu.memory_space<vmem>>
      %dma_wait3A_200 = arith.constant 0 : i32
      %dma_wait3A_201 = arith.constant 0 : i32
      %dma_wait3A_202 = tpu.memref_slice %arg15[%dma_wait3A_200, %dma_wait3A_201] : memref<10112x64xf32, #tpu.memory_space<vmem_shared>> -> memref<10112x64xf32, #tpu.memory_space<vmem_shared>>
      tpu.wait_indirect_dma semaphore(%arg24 : memref<!tpu.dma_semaphore, #tpu.memory_space<semaphore_mem>>) src(%arg11 : memref<128x64xf32, #tpu.memory_space<vmem>>) dst(%dma_wait3A_202 : memref<10112x64xf32, #tpu.memory_space<vmem_shared>>)
      %add3A_203 = arith.constant 6 : i32
      %add3A_204 = arith.addi %add3A_67, %add3A_203 : i32
      %add3A_205 = arith.constant 2 : i32
      %add3A_206 = arith.addi %add3A_204, %add3A_205 : i32
      %lt3A_207 = arith.constant 157 : i32
      %lt3A_208 = arith.cmpi slt, %add3A_206, %lt3A_207 : i32
      %convert_element_type3A_209 = arith.extui %lt3A_208 : i1 to i32
      %cond3A_210 = arith.constant 0 : i32
      %cond3A_211 = arith.cmpi ne, %convert_element_type3A_209, %cond3A_210 : i32
      scf.if %cond3A_211 {
        %add3A_263 = arith.constant 6 : i32
        %add3A_264 = arith.addi %add3A_67, %add3A_263 : i32
        %add3A_265 = arith.constant 2 : i32
        %add3A_266 = arith.addi %add3A_264, %add3A_265 : i32
        %dma_start3A_267 = arith.constant 0 : i32
        %dma_start3A_268 = tpu.memref_slice %arg7[%add3A_266, %dma_start3A_267] : memref<157x128xi32, #tpu.memory_space<vmem>> -> memref<1x128xi32, #tpu.memory_space<vmem>>
        %dma_start3A_269 = tpu.memref_squeeze %dma_start3A_268 : memref<1x128xi32, #tpu.memory_space<vmem>> -> memref<128xi32, #tpu.memory_space<vmem>>
        %dma_start3A_270 = arith.constant 0 : i32
        %dma_start3A_271 = arith.constant 0 : i32
        %dma_start3A_272 = tpu.memref_slice %arg2[%dma_start3A_270, %dma_start3A_271] : memref<20000x64xf32, #tpu.memory_space<hbm>> -> memref<20000x64xf32, #tpu.memory_space<hbm>>
        tpu.enqueue_indirect_dma source(%dma_start3A_272 : memref<20000x64xf32, #tpu.memory_space<hbm>>) target(%arg11 : memref<128x64xf32, #tpu.memory_space<vmem>>) offsets(%dma_start3A_269 : memref<128xi32, #tpu.memory_space<vmem>>) semaphore(%arg18 : memref<!tpu.dma_semaphore, #tpu.memory_space<semaphore_mem>>)
      } else {
      }
      %add3A_212 = arith.constant 3 : i32
      %add3A_213 = arith.addi %add3A_67, %add3A_212 : i32
      %dma_wait3A_214 = arith.constant 0 : i32
      %dma_wait3A_215 = tpu.memref_slice %arg8[%add3A_213, %dma_wait3A_214] : memref<157x128xi32, #tpu.memory_space<vmem>> -> memref<1x128xi32, #tpu.memory_space<vmem>>
      %dma_wait3A_216 = tpu.memref_squeeze %dma_wait3A_215 : memref<1x128xi32, #tpu.memory_space<vmem>> -> memref<128xi32, #tpu.memory_space<vmem>>
      %dma_wait3A_217 = arith.constant 0 : i32
      %dma_wait3A_218 = arith.constant 0 : i32
      %dma_wait3A_219 = tpu.memref_slice %arg15[%dma_wait3A_217, %dma_wait3A_218] : memref<10112x64xf32, #tpu.memory_space<vmem_shared>> -> memref<10112x64xf32, #tpu.memory_space<vmem_shared>>
      tpu.wait_indirect_dma semaphore(%arg25 : memref<!tpu.dma_semaphore, #tpu.memory_space<semaphore_mem>>) src(%arg12 : memref<128x64xf32, #tpu.memory_space<vmem>>) dst(%dma_wait3A_219 : memref<10112x64xf32, #tpu.memory_space<vmem_shared>>)
      %add3A_220 = arith.constant 6 : i32
      %add3A_221 = arith.addi %add3A_67, %add3A_220 : i32
      %add3A_222 = arith.constant 3 : i32
      %add3A_223 = arith.addi %add3A_221, %add3A_222 : i32
      %lt3A_224 = arith.constant 157 : i32
      %lt3A_225 = arith.cmpi slt, %add3A_223, %lt3A_224 : i32
      %convert_element_type3A_226 = arith.extui %lt3A_225 : i1 to i32
      %cond3A_227 = arith.constant 0 : i32
      %cond3A_228 = arith.cmpi ne, %convert_element_type3A_226, %cond3A_227 : i32
      scf.if %cond3A_228 {
        %add3A_263 = arith.constant 6 : i32
        %add3A_264 = arith.addi %add3A_67, %add3A_263 : i32
        %add3A_265 = arith.constant 3 : i32
        %add3A_266 = arith.addi %add3A_264, %add3A_265 : i32
        %dma_start3A_267 = arith.constant 0 : i32
        %dma_start3A_268 = tpu.memref_slice %arg7[%add3A_266, %dma_start3A_267] : memref<157x128xi32, #tpu.memory_space<vmem>> -> memref<1x128xi32, #tpu.memory_space<vmem>>
        %dma_start3A_269 = tpu.memref_squeeze %dma_start3A_268 : memref<1x128xi32, #tpu.memory_space<vmem>> -> memref<128xi32, #tpu.memory_space<vmem>>
        %dma_start3A_270 = arith.constant 0 : i32
        %dma_start3A_271 = arith.constant 0 : i32
        %dma_start3A_272 = tpu.memref_slice %arg2[%dma_start3A_270, %dma_start3A_271] : memref<20000x64xf32, #tpu.memory_space<hbm>> -> memref<20000x64xf32, #tpu.memory_space<hbm>>
        tpu.enqueue_indirect_dma source(%dma_start3A_272 : memref<20000x64xf32, #tpu.memory_space<hbm>>) target(%arg12 : memref<128x64xf32, #tpu.memory_space<vmem>>) offsets(%dma_start3A_269 : memref<128xi32, #tpu.memory_space<vmem>>) semaphore(%arg19 : memref<!tpu.dma_semaphore, #tpu.memory_space<semaphore_mem>>)
      } else {
      }
      %add3A_229 = arith.constant 4 : i32
      %add3A_230 = arith.addi %add3A_67, %add3A_229 : i32
      %dma_wait3A_231 = arith.constant 0 : i32
      %dma_wait3A_232 = tpu.memref_slice %arg8[%add3A_230, %dma_wait3A_231] : memref<157x128xi32, #tpu.memory_space<vmem>> -> memref<1x128xi32, #tpu.memory_space<vmem>>
      %dma_wait3A_233 = tpu.memref_squeeze %dma_wait3A_232 : memref<1x128xi32, #tpu.memory_space<vmem>> -> memref<128xi32, #tpu.memory_space<vmem>>
      %dma_wait3A_234 = arith.constant 0 : i32
      %dma_wait3A_235 = arith.constant 0 : i32
      %dma_wait3A_236 = tpu.memref_slice %arg15[%dma_wait3A_234, %dma_wait3A_235] : memref<10112x64xf32, #tpu.memory_space<vmem_shared>> -> memref<10112x64xf32, #tpu.memory_space<vmem_shared>>
      tpu.wait_indirect_dma semaphore(%arg26 : memref<!tpu.dma_semaphore, #tpu.memory_space<semaphore_mem>>) src(%arg13 : memref<128x64xf32, #tpu.memory_space<vmem>>) dst(%dma_wait3A_236 : memref<10112x64xf32, #tpu.memory_space<vmem_shared>>)
      %add3A_237 = arith.constant 6 : i32
      %add3A_238 = arith.addi %add3A_67, %add3A_237 : i32
      %add3A_239 = arith.constant 4 : i32
      %add3A_240 = arith.addi %add3A_238, %add3A_239 : i32
      %lt3A_241 = arith.constant 157 : i32
      %lt3A_242 = arith.cmpi slt, %add3A_240, %lt3A_241 : i32
      %convert_element_type3A_243 = arith.extui %lt3A_242 : i1 to i32
      %cond3A_244 = arith.constant 0 : i32
      %cond3A_245 = arith.cmpi ne, %convert_element_type3A_243, %cond3A_244 : i32
      scf.if %cond3A_245 {
        %add3A_263 = arith.constant 6 : i32
        %add3A_264 = arith.addi %add3A_67, %add3A_263 : i32
        %add3A_265 = arith.constant 4 : i32
        %add3A_266 = arith.addi %add3A_264, %add3A_265 : i32
        %dma_start3A_267 = arith.constant 0 : i32
        %dma_start3A_268 = tpu.memref_slice %arg7[%add3A_266, %dma_start3A_267] : memref<157x128xi32, #tpu.memory_space<vmem>> -> memref<1x128xi32, #tpu.memory_space<vmem>>
        %dma_start3A_269 = tpu.memref_squeeze %dma_start3A_268 : memref<1x128xi32, #tpu.memory_space<vmem>> -> memref<128xi32, #tpu.memory_space<vmem>>
        %dma_start3A_270 = arith.constant 0 : i32
        %dma_start3A_271 = arith.constant 0 : i32
        %dma_start3A_272 = tpu.memref_slice %arg2[%dma_start3A_270, %dma_start3A_271] : memref<20000x64xf32, #tpu.memory_space<hbm>> -> memref<20000x64xf32, #tpu.memory_space<hbm>>
        tpu.enqueue_indirect_dma source(%dma_start3A_272 : memref<20000x64xf32, #tpu.memory_space<hbm>>) target(%arg13 : memref<128x64xf32, #tpu.memory_space<vmem>>) offsets(%dma_start3A_269 : memref<128xi32, #tpu.memory_space<vmem>>) semaphore(%arg20 : memref<!tpu.dma_semaphore, #tpu.memory_space<semaphore_mem>>)
      } else {
      }
      %add3A_246 = arith.constant 5 : i32
      %add3A_247 = arith.addi %add3A_67, %add3A_246 : i32
      %dma_wait3A_248 = arith.constant 0 : i32
      %dma_wait3A_249 = tpu.memref_slice %arg8[%add3A_247, %dma_wait3A_248] : memref<157x128xi32, #tpu.memory_space<vmem>> -> memref<1x128xi32, #tpu.memory_space<vmem>>
      %dma_wait3A_250 = tpu.memref_squeeze %dma_wait3A_249 : memref<1x128xi32, #tpu.memory_space<vmem>> -> memref<128xi32, #tpu.memory_space<vmem>>
      %dma_wait3A_251 = arith.constant 0 : i32
      %dma_wait3A_252 = arith.constant 0 : i32
      %dma_wait3A_253 = tpu.memref_slice %arg15[%dma_wait3A_251, %dma_wait3A_252] : memref<10112x64xf32, #tpu.memory_space<vmem_shared>> -> memref<10112x64xf32, #tpu.memory_space<vmem_shared>>
      tpu.wait_indirect_dma semaphore(%arg27 : memref<!tpu.dma_semaphore, #tpu.memory_space<semaphore_mem>>) src(%arg14 : memref<128x64xf32, #tpu.memory_space<vmem>>) dst(%dma_wait3A_253 : memref<10112x64xf32, #tpu.memory_space<vmem_shared>>)
      %add3A_254 = arith.constant 6 : i32
      %add3A_255 = arith.addi %add3A_67, %add3A_254 : i32
      %add3A_256 = arith.constant 5 : i32
      %add3A_257 = arith.addi %add3A_255, %add3A_256 : i32
      %lt3A_258 = arith.constant 157 : i32
      %lt3A_259 = arith.cmpi slt, %add3A_257, %lt3A_258 : i32
      %convert_element_type3A_260 = arith.extui %lt3A_259 : i1 to i32
      %cond3A_261 = arith.constant 0 : i32
      %cond3A_262 = arith.cmpi ne, %convert_element_type3A_260, %cond3A_261 : i32
      scf.if %cond3A_262 {
        %add3A_263 = arith.constant 6 : i32
        %add3A_264 = arith.addi %add3A_67, %add3A_263 : i32
        %add3A_265 = arith.constant 5 : i32
        %add3A_266 = arith.addi %add3A_264, %add3A_265 : i32
        %dma_start3A_267 = arith.constant 0 : i32
        %dma_start3A_268 = tpu.memref_slice %arg7[%add3A_266, %dma_start3A_267] : memref<157x128xi32, #tpu.memory_space<vmem>> -> memref<1x128xi32, #tpu.memory_space<vmem>>
        %dma_start3A_269 = tpu.memref_squeeze %dma_start3A_268 : memref<1x128xi32, #tpu.memory_space<vmem>> -> memref<128xi32, #tpu.memory_space<vmem>>
        %dma_start3A_270 = arith.constant 0 : i32
        %dma_start3A_271 = arith.constant 0 : i32
        %dma_start3A_272 = tpu.memref_slice %arg2[%dma_start3A_270, %dma_start3A_271] : memref<20000x64xf32, #tpu.memory_space<hbm>> -> memref<20000x64xf32, #tpu.memory_space<hbm>>
        tpu.enqueue_indirect_dma source(%dma_start3A_272 : memref<20000x64xf32, #tpu.memory_space<hbm>>) target(%arg14 : memref<128x64xf32, #tpu.memory_space<vmem>>) offsets(%dma_start3A_269 : memref<128xi32, #tpu.memory_space<vmem>>) semaphore(%arg21 : memref<!tpu.dma_semaphore, #tpu.memory_space<semaphore_mem>>)
      } else {
      }
    }
    %scan3A_52 = arith.constant 26 : i32
    %dma_wait3A = arith.constant 156 : i32
    %dma_wait3A_53 = arith.constant 0 : i32
    %dma_wait3A_54 = tpu.memref_slice %arg7[%dma_wait3A, %dma_wait3A_53] : memref<157x128xi32, #tpu.memory_space<vmem>> -> memref<1x128xi32, #tpu.memory_space<vmem>>
    %dma_wait3A_55 = tpu.memref_squeeze %dma_wait3A_54 : memref<1x128xi32, #tpu.memory_space<vmem>> -> memref<128xi32, #tpu.memory_space<vmem>>
    %dma_wait3A_56 = arith.constant 0 : i32
    %dma_wait3A_57 = arith.constant 0 : i32
    %dma_wait3A_58 = tpu.memref_slice %arg2[%dma_wait3A_56, %dma_wait3A_57] : memref<20000x64xf32, #tpu.memory_space<hbm>> -> memref<20000x64xf32, #tpu.memory_space<hbm>>
    tpu.wait_indirect_dma semaphore(%arg16 : memref<!tpu.dma_semaphore, #tpu.memory_space<semaphore_mem>>) src(%dma_wait3A_58 : memref<20000x64xf32, #tpu.memory_space<hbm>>) dst(%arg9 : memref<128x64xf32, #tpu.memory_space<vmem>>)
    %run_scoped3A = arith.constant 156 : i32
    "tpu.region"() ({
      %run_scoped3A_64 = tpu.sem_alloc : memref<!tpu.dma_semaphore, #tpu.memory_space<semaphore_mem>>
      %dma_start3A_65 = arith.constant 0 : i32
      %dma_start3A_66 = tpu.memref_slice %arg8[%run_scoped3A, %dma_start3A_65] : memref<157x128xi32, #tpu.memory_space<vmem>> -> memref<1x128xi32, #tpu.memory_space<vmem>>
      %dma_start3A_67 = tpu.memref_squeeze %dma_start3A_66 : memref<1x128xi32, #tpu.memory_space<vmem>> -> memref<128xi32, #tpu.memory_space<vmem>>
      %dma_start3A_68 = arith.constant 0 : i32
      %dma_start3A_69 = arith.constant 0 : i32
      %dma_start3A_70 = tpu.memref_slice %arg15[%dma_start3A_68, %dma_start3A_69] : memref<10112x64xf32, #tpu.memory_space<vmem_shared>> -> memref<10112x64xf32, #tpu.memory_space<vmem_shared>>
      tpu.enqueue_indirect_dma source(%arg9 : memref<128x64xf32, #tpu.memory_space<vmem>>) target(%dma_start3A_70 : memref<10112x64xf32, #tpu.memory_space<vmem_shared>>) offsets(%dma_start3A_67 : memref<128xi32, #tpu.memory_space<vmem>>) semaphore(%run_scoped3A_64 : memref<!tpu.dma_semaphore, #tpu.memory_space<semaphore_mem>>) {add = true}
      %dma_wait3A_71 = arith.constant 0 : i32
      %dma_wait3A_72 = tpu.memref_slice %arg8[%run_scoped3A, %dma_wait3A_71] : memref<157x128xi32, #tpu.memory_space<vmem>> -> memref<1x128xi32, #tpu.memory_space<vmem>>
      %dma_wait3A_73 = tpu.memref_squeeze %dma_wait3A_72 : memref<1x128xi32, #tpu.memory_space<vmem>> -> memref<128xi32, #tpu.memory_space<vmem>>
      %dma_wait3A_74 = arith.constant 0 : i32
      %dma_wait3A_75 = arith.constant 0 : i32
      %dma_wait3A_76 = tpu.memref_slice %arg15[%dma_wait3A_74, %dma_wait3A_75] : memref<10112x64xf32, #tpu.memory_space<vmem_shared>> -> memref<10112x64xf32, #tpu.memory_space<vmem_shared>>
      tpu.wait_indirect_dma semaphore(%run_scoped3A_64 : memref<!tpu.dma_semaphore, #tpu.memory_space<semaphore_mem>>) src(%arg9 : memref<128x64xf32, #tpu.memory_space<vmem>>) dst(%dma_wait3A_76 : memref<10112x64xf32, #tpu.memory_space<vmem_shared>>)
      tpu.yield
    }) : () -> ()
    %barrier3A_59 = arith.constant 0 : index
    tpu.barrier barrier_id(%barrier3A_59)
    %mul3A_60 = arith.constant 632 : i32
    %mul3A_61 = arith.muli %arg1, %mul3A_60 : i32
    %mul3A_62 = arith.constant 632 : i32
    %mul3A_63 = arith.muli %arg1, %mul3A_62 : i32
    "tpu.region"() ({
      %run_scoped3A_64 = tpu.sem_alloc : memref<!tpu.dma_semaphore, #tpu.memory_space<semaphore_mem>>
      %dma_start3A_65 = arith.constant 0 : i32
      %dma_start3A_66 = tpu.memref_slice %arg6[%arg0, %mul3A_63, %dma_start3A_65] : memref<2x10112x64xf32, #tpu.memory_space<hbm>> -> memref<1x632x64xf32, #tpu.memory_space<hbm>>
      %dma_start3A_67 = tpu.memref_squeeze %dma_start3A_66 : memref<1x632x64xf32, #tpu.memory_space<hbm>> -> memref<632x64xf32, #tpu.memory_space<hbm>>
      %dma_start3A_68 = arith.constant 0 : i32
      %dma_start3A_69 = tpu.memref_slice %arg15[%mul3A_61, %dma_start3A_68] : memref<10112x64xf32, #tpu.memory_space<vmem_shared>> -> memref<632x64xf32, #tpu.memory_space<vmem_shared>>
      tpu.enqueue_dma source(%dma_start3A_69 : memref<632x64xf32, #tpu.memory_space<vmem_shared>>) target(%dma_start3A_67 : memref<632x64xf32, #tpu.memory_space<hbm>>) target_semaphore(%run_scoped3A_64 : memref<!tpu.dma_semaphore, #tpu.memory_space<semaphore_mem>>)
      %dma_wait3A_70 = arith.constant 0 : i32
      %dma_wait3A_71 = tpu.memref_slice %arg6[%arg0, %mul3A_63, %dma_wait3A_70] : memref<2x10112x64xf32, #tpu.memory_space<hbm>> -> memref<1x632x64xf32, #tpu.memory_space<hbm>>
      %dma_wait3A_72 = tpu.memref_squeeze %dma_wait3A_71 : memref<1x632x64xf32, #tpu.memory_space<hbm>> -> memref<632x64xf32, #tpu.memory_space<hbm>>
      %dma_wait3A_73 = arith.constant 0 : i32
      %dma_wait3A_74 = tpu.memref_slice %arg15[%mul3A_61, %dma_wait3A_73] : memref<10112x64xf32, #tpu.memory_space<vmem_shared>> -> memref<632x64xf32, #tpu.memory_space<vmem_shared>>
      tpu.wait_dma2 semaphore(%run_scoped3A_64 : memref<!tpu.dma_semaphore, #tpu.memory_space<semaphore_mem>>) src(%dma_wait3A_74 : memref<632x64xf32, #tpu.memory_space<vmem_shared>>) dst(%dma_wait3A_72 : memref<632x64xf32, #tpu.memory_space<hbm>>)
      tpu.yield
    }) : () -> ()
    return
  }
}

#map = affine_map<(d0, d1) -> (0, 0, 0)>
#map1 = affine_map<(d0, d1) -> (0, 0)>
module attributes {stable_mosaic.version = 14 : i64} {
  func.func @k(%arg0: i32, %arg1: i32, %arg2: memref<16x157x128xi32, #tpu.memory_space<hbm>>, %arg3: memref<632x16xf32, #tpu.memory_space<hbm>>, %arg4: memref<2x10112x16xf32, #tpu.memory_space<hbm>>, %arg5: memref<157x128xi32, #tpu.memory_space<vmem>>, %arg6: memref<128x16xf32, #tpu.memory_space<vmem>>, %arg7: memref<10112x16xf32, #tpu.memory_space<vmem_shared>>, %arg8: memref<!tpu.dma_semaphore, #tpu.memory_space<semaphore_mem>>) attributes {dimension_semantics = [#tpu.dimension_semantics<core_parallel>, #tpu.dimension_semantics<subcore_parallel>], iteration_bounds = array<i64: 2, 16>, scalar_prefetch = 0 : i64, scratch_operands = 4 : i64, tpu.core_type = #tpu.core_type<sc_vector_subcore>, window_params = [{transform_indices = #map}, {transform_indices = #map1}, {transform_indices = #map}]} {
    %mul3A = arith.constant 632 : i32
    %mul3A_0 = arith.muli %arg1, %mul3A : i32
    "tpu.region"() ({
      %run_scoped3A = tpu.sem_alloc : memref<!tpu.dma_semaphore, #tpu.memory_space<semaphore_mem>>
      %dma_start3A = arith.constant 0 : i32
      %dma_start3A_1064 = tpu.memref_slice %arg7[%mul3A_0, %dma_start3A] : memref<10112x16xf32, #tpu.memory_space<vmem_shared>> -> memref<632x16xf32, #tpu.memory_space<vmem_shared>>
      tpu.enqueue_dma source(%arg3 : memref<632x16xf32, #tpu.memory_space<hbm>>) target(%dma_start3A_1064 : memref<632x16xf32, #tpu.memory_space<vmem_shared>>) target_semaphore(%run_scoped3A : memref<!tpu.dma_semaphore, #tpu.memory_space<semaphore_mem>>)
      %dma_wait3A = arith.constant 0 : i32
      %dma_wait3A_1065 = tpu.memref_slice %arg7[%mul3A_0, %dma_wait3A] : memref<10112x16xf32, #tpu.memory_space<vmem_shared>> -> memref<632x16xf32, #tpu.memory_space<vmem_shared>>
      tpu.wait_dma2 semaphore(%run_scoped3A : memref<!tpu.dma_semaphore, #tpu.memory_space<semaphore_mem>>) src(%arg3 : memref<632x16xf32, #tpu.memory_space<hbm>>) dst(%dma_wait3A_1065 : memref<632x16xf32, #tpu.memory_space<vmem_shared>>)
      tpu.yield
    }) : () -> ()
    "tpu.region"() ({
      %run_scoped3A = tpu.sem_alloc : memref<!tpu.dma_semaphore, #tpu.memory_space<semaphore_mem>>
      %dma_start3A = arith.constant 0 : i32
      %dma_start3A_1064 = arith.constant 0 : i32
      %dma_start3A_1065 = tpu.memref_slice %arg2[%arg1, %dma_start3A, %dma_start3A_1064] : memref<16x157x128xi32, #tpu.memory_space<hbm>> -> memref<1x157x128xi32, #tpu.memory_space<hbm>>
      %dma_start3A_1066 = tpu.memref_squeeze %dma_start3A_1065 : memref<1x157x128xi32, #tpu.memory_space<hbm>> -> memref<157x128xi32, #tpu.memory_space<hbm>>
      %dma_start3A_1067 = arith.constant 0 : i32
      %dma_start3A_1068 = arith.constant 0 : i32
      %dma_start3A_1069 = tpu.memref_slice %arg2[%arg1, %dma_start3A_1067, %dma_start3A_1068] : memref<16x157x128xi32, #tpu.memory_space<hbm>> -> memref<1x157x128xi32, #tpu.memory_space<hbm>>
      %dma_start3A_1070 = tpu.memref_squeeze %dma_start3A_1069 : memref<1x157x128xi32, #tpu.memory_space<hbm>> -> memref<157x128xi32, #tpu.memory_space<hbm>>
      tpu.enqueue_dma source(%dma_start3A_1070 : memref<157x128xi32, #tpu.memory_space<hbm>>) target(%arg5 : memref<157x128xi32, #tpu.memory_space<vmem>>) target_semaphore(%run_scoped3A : memref<!tpu.dma_semaphore, #tpu.memory_space<semaphore_mem>>)
      %dma_wait3A = arith.constant 0 : i32
      %dma_wait3A_1071 = arith.constant 0 : i32
      %dma_wait3A_1072 = tpu.memref_slice %arg2[%arg1, %dma_wait3A, %dma_wait3A_1071] : memref<16x157x128xi32, #tpu.memory_space<hbm>> -> memref<1x157x128xi32, #tpu.memory_space<hbm>>
      %dma_wait3A_1073 = tpu.memref_squeeze %dma_wait3A_1072 : memref<1x157x128xi32, #tpu.memory_space<hbm>> -> memref<157x128xi32, #tpu.memory_space<hbm>>
      %dma_wait3A_1074 = arith.constant 0 : i32
      %dma_wait3A_1075 = arith.constant 0 : i32
      %dma_wait3A_1076 = tpu.memref_slice %arg2[%arg1, %dma_wait3A_1074, %dma_wait3A_1075] : memref<16x157x128xi32, #tpu.memory_space<hbm>> -> memref<1x157x128xi32, #tpu.memory_space<hbm>>
      %dma_wait3A_1077 = tpu.memref_squeeze %dma_wait3A_1076 : memref<1x157x128xi32, #tpu.memory_space<hbm>> -> memref<157x128xi32, #tpu.memory_space<hbm>>
      tpu.wait_dma2 semaphore(%run_scoped3A : memref<!tpu.dma_semaphore, #tpu.memory_space<semaphore_mem>>) src(%dma_wait3A_1077 : memref<157x128xi32, #tpu.memory_space<hbm>>) dst(%arg5 : memref<157x128xi32, #tpu.memory_space<vmem>>)
      tpu.yield
    }) : () -> ()
    %broadcast_in_dim3A = arith.constant 1.000000e+00 : f32
    %broadcast_in_dim3A_1 = vector.broadcast %broadcast_in_dim3A : f32 to vector<16xf32>
    %swap3A = arith.constant 0 : i32
    %swap3A_2 = arith.index_cast %swap3A : i32 to index
    %swap3A_3 = arith.constant 0 : index
    %swap3A_4 = tpu.vector_load %arg6[%swap3A_2, %swap3A_3] {strides = array<i32>} : memref<128x16xf32, #tpu.memory_space<vmem>>, vector<1x16xf32>,
    %swap3A_5 = vector.shape_cast %swap3A_4 : vector<1x16xf32> to vector<16xf32>
    %swap3A_6 = vector.shape_cast %broadcast_in_dim3A_1 : vector<16xf32> to vector<1x16xf32>
    tpu.vector_store %arg6[%swap3A_2, %swap3A_3], %swap3A_6 {strides = array<i32>} : memref<128x16xf32, #tpu.memory_space<vmem>>, vector<1x16xf32>,
    %broadcast_in_dim3A_7 = arith.constant 1.000000e+00 : f32
    %broadcast_in_dim3A_8 = vector.broadcast %broadcast_in_dim3A_7 : f32 to vector<16xf32>
    %swap3A_9 = arith.constant 1 : i32
    %swap3A_10 = arith.index_cast %swap3A_9 : i32 to index
    %swap3A_11 = arith.constant 0 : index
    %swap3A_12 = tpu.vector_load %arg6[%swap3A_10, %swap3A_11] {strides = array<i32>} : memref<128x16xf32, #tpu.memory_space<vmem>>, vector<1x16xf32>,
    %swap3A_13 = vector.shape_cast %swap3A_12 : vector<1x16xf32> to vector<16xf32>
    %swap3A_14 = vector.shape_cast %broadcast_in_dim3A_8 : vector<16xf32> to vector<1x16xf32>
    tpu.vector_store %arg6[%swap3A_10, %swap3A_11], %swap3A_14 {strides = array<i32>} : memref<128x16xf32, #tpu.memory_space<vmem>>, vector<1x16xf32>,
    %broadcast_in_dim3A_15 = arith.constant 1.000000e+00 : f32
    %broadcast_in_dim3A_16 = vector.broadcast %broadcast_in_dim3A_15 : f32 to vector<16xf32>
    %swap3A_17 = arith.constant 2 : i32
    %swap3A_18 = arith.index_cast %swap3A_17 : i32 to index
    %swap3A_19 = arith.constant 0 : index
    %swap3A_20 = tpu.vector_load %arg6[%swap3A_18, %swap3A_19] {strides = array<i32>} : memref<128x16xf32, #tpu.memory_space<vmem>>, vector<1x16xf32>,
    %swap3A_21 = vector.shape_cast %swap3A_20 : vector<1x16xf32> to vector<16xf32>
    %swap3A_22 = vector.shape_cast %broadcast_in_dim3A_16 : vector<16xf32> to vector<1x16xf32>
    tpu.vector_store %arg6[%swap3A_18, %swap3A_19], %swap3A_22 {strides = array<i32>} : memref<128x16xf32, #tpu.memory_space<vmem>>, vector<1x16xf32>,
    %broadcast_in_dim3A_23 = arith.constant 1.000000e+00 : f32
    %broadcast_in_dim3A_24 = vector.broadcast %broadcast_in_dim3A_23 : f32 to vector<16xf32>
    %swap3A_25 = arith.constant 3 : i32
    %swap3A_26 = arith.index_cast %swap3A_25 : i32 to index
    %swap3A_27 = arith.constant 0 : index
    %swap3A_28 = tpu.vector_load %arg6[%swap3A_26, %swap3A_27] {strides = array<i32>} : memref<128x16xf32, #tpu.memory_space<vmem>>, vector<1x16xf32>,
    %swap3A_29 = vector.shape_cast %swap3A_28 : vector<1x16xf32> to vector<16xf32>
    %swap3A_30 = vector.shape_cast %broadcast_in_dim3A_24 : vector<16xf32> to vector<1x16xf32>
    tpu.vector_store %arg6[%swap3A_26, %swap3A_27], %swap3A_30 {strides = array<i32>} : memref<128x16xf32, #tpu.memory_space<vmem>>, vector<1x16xf32>,
    %broadcast_in_dim3A_31 = arith.constant 1.000000e+00 : f32
    %broadcast_in_dim3A_32 = vector.broadcast %broadcast_in_dim3A_31 : f32 to vector<16xf32>
    %swap3A_33 = arith.constant 4 : i32
    %swap3A_34 = arith.index_cast %swap3A_33 : i32 to index
    %swap3A_35 = arith.constant 0 : index
    %swap3A_36 = tpu.vector_load %arg6[%swap3A_34, %swap3A_35] {strides = array<i32>} : memref<128x16xf32, #tpu.memory_space<vmem>>, vector<1x16xf32>,
    %swap3A_37 = vector.shape_cast %swap3A_36 : vector<1x16xf32> to vector<16xf32>
    %swap3A_38 = vector.shape_cast %broadcast_in_dim3A_32 : vector<16xf32> to vector<1x16xf32>
    tpu.vector_store %arg6[%swap3A_34, %swap3A_35], %swap3A_38 {strides = array<i32>} : memref<128x16xf32, #tpu.memory_space<vmem>>, vector<1x16xf32>,
    %broadcast_in_dim3A_39 = arith.constant 1.000000e+00 : f32
    %broadcast_in_dim3A_40 = vector.broadcast %broadcast_in_dim3A_39 : f32 to vector<16xf32>
    %swap3A_41 = arith.constant 5 : i32
    %swap3A_42 = arith.index_cast %swap3A_41 : i32 to index
    %swap3A_43 = arith.constant 0 : index
    %swap3A_44 = tpu.vector_load %arg6[%swap3A_42, %swap3A_43] {strides = array<i32>} : memref<128x16xf32, #tpu.memory_space<vmem>>, vector<1x16xf32>,
    %swap3A_45 = vector.shape_cast %swap3A_44 : vector<1x16xf32> to vector<16xf32>
    %swap3A_46 = vector.shape_cast %broadcast_in_dim3A_40 : vector<16xf32> to vector<1x16xf32>
    tpu.vector_store %arg6[%swap3A_42, %swap3A_43], %swap3A_46 {strides = array<i32>} : memref<128x16xf32, #tpu.memory_space<vmem>>, vector<1x16xf32>,
    %broadcast_in_dim3A_47 = arith.constant 1.000000e+00 : f32
    %broadcast_in_dim3A_48 = vector.broadcast %broadcast_in_dim3A_47 : f32 to vector<16xf32>
    %swap3A_49 = arith.constant 6 : i32
    %swap3A_50 = arith.index_cast %swap3A_49 : i32 to index
    %swap3A_51 = arith.constant 0 : index
    %swap3A_52 = tpu.vector_load %arg6[%swap3A_50, %swap3A_51] {strides = array<i32>} : memref<128x16xf32, #tpu.memory_space<vmem>>, vector<1x16xf32>,
    %swap3A_53 = vector.shape_cast %swap3A_52 : vector<1x16xf32> to vector<16xf32>
    %swap3A_54 = vector.shape_cast %broadcast_in_dim3A_48 : vector<16xf32> to vector<1x16xf32>
    tpu.vector_store %arg6[%swap3A_50, %swap3A_51], %swap3A_54 {strides = array<i32>} : memref<128x16xf32, #tpu.memory_space<vmem>>, vector<1x16xf32>,
    %broadcast_in_dim3A_55 = arith.constant 1.000000e+00 : f32
    %broadcast_in_dim3A_56 = vector.broadcast %broadcast_in_dim3A_55 : f32 to vector<16xf32>
    %swap3A_57 = arith.constant 7 : i32
    %swap3A_58 = arith.index_cast %swap3A_57 : i32 to index
    %swap3A_59 = arith.constant 0 : index
    %swap3A_60 = tpu.vector_load %arg6[%swap3A_58, %swap3A_59] {strides = array<i32>} : memref<128x16xf32, #tpu.memory_space<vmem>>, vector<1x16xf32>,
    %swap3A_61 = vector.shape_cast %swap3A_60 : vector<1x16xf32> to vector<16xf32>
    %swap3A_62 = vector.shape_cast %broadcast_in_dim3A_56 : vector<16xf32> to vector<1x16xf32>
    tpu.vector_store %arg6[%swap3A_58, %swap3A_59], %swap3A_62 {strides = array<i32>} : memref<128x16xf32, #tpu.memory_space<vmem>>, vector<1x16xf32>,
    %broadcast_in_dim3A_63 = arith.constant 1.000000e+00 : f32
    %broadcast_in_dim3A_64 = vector.broadcast %broadcast_in_dim3A_63 : f32 to vector<16xf32>
    %swap3A_65 = arith.constant 8 : i32
    %swap3A_66 = arith.index_cast %swap3A_65 : i32 to index
    %swap3A_67 = arith.constant 0 : index
    %swap3A_68 = tpu.vector_load %arg6[%swap3A_66, %swap3A_67] {strides = array<i32>} : memref<128x16xf32, #tpu.memory_space<vmem>>, vector<1x16xf32>,
    %swap3A_69 = vector.shape_cast %swap3A_68 : vector<1x16xf32> to vector<16xf32>
    %swap3A_70 = vector.shape_cast %broadcast_in_dim3A_64 : vector<16xf32> to vector<1x16xf32>
    tpu.vector_store %arg6[%swap3A_66, %swap3A_67], %swap3A_70 {strides = array<i32>} : memref<128x16xf32, #tpu.memory_space<vmem>>, vector<1x16xf32>,
    %broadcast_in_dim3A_71 = arith.constant 1.000000e+00 : f32
    %broadcast_in_dim3A_72 = vector.broadcast %broadcast_in_dim3A_71 : f32 to vector<16xf32>
    %swap3A_73 = arith.constant 9 : i32
    %swap3A_74 = arith.index_cast %swap3A_73 : i32 to index
    %swap3A_75 = arith.constant 0 : index
    %swap3A_76 = tpu.vector_load %arg6[%swap3A_74, %swap3A_75] {strides = array<i32>} : memref<128x16xf32, #tpu.memory_space<vmem>>, vector<1x16xf32>,
    %swap3A_77 = vector.shape_cast %swap3A_76 : vector<1x16xf32> to vector<16xf32>
    %swap3A_78 = vector.shape_cast %broadcast_in_dim3A_72 : vector<16xf32> to vector<1x16xf32>
    tpu.vector_store %arg6[%swap3A_74, %swap3A_75], %swap3A_78 {strides = array<i32>} : memref<128x16xf32, #tpu.memory_space<vmem>>, vector<1x16xf32>,
    %broadcast_in_dim3A_79 = arith.constant 1.000000e+00 : f32
    %broadcast_in_dim3A_80 = vector.broadcast %broadcast_in_dim3A_79 : f32 to vector<16xf32>
    %swap3A_81 = arith.constant 10 : i32
    %swap3A_82 = arith.index_cast %swap3A_81 : i32 to index
    %swap3A_83 = arith.constant 0 : index
    %swap3A_84 = tpu.vector_load %arg6[%swap3A_82, %swap3A_83] {strides = array<i32>} : memref<128x16xf32, #tpu.memory_space<vmem>>, vector<1x16xf32>,
    %swap3A_85 = vector.shape_cast %swap3A_84 : vector<1x16xf32> to vector<16xf32>
    %swap3A_86 = vector.shape_cast %broadcast_in_dim3A_80 : vector<16xf32> to vector<1x16xf32>
    tpu.vector_store %arg6[%swap3A_82, %swap3A_83], %swap3A_86 {strides = array<i32>} : memref<128x16xf32, #tpu.memory_space<vmem>>, vector<1x16xf32>,
    %broadcast_in_dim3A_87 = arith.constant 1.000000e+00 : f32
    %broadcast_in_dim3A_88 = vector.broadcast %broadcast_in_dim3A_87 : f32 to vector<16xf32>
    %swap3A_89 = arith.constant 11 : i32
    %swap3A_90 = arith.index_cast %swap3A_89 : i32 to index
    %swap3A_91 = arith.constant 0 : index
    %swap3A_92 = tpu.vector_load %arg6[%swap3A_90, %swap3A_91] {strides = array<i32>} : memref<128x16xf32, #tpu.memory_space<vmem>>, vector<1x16xf32>,
    %swap3A_93 = vector.shape_cast %swap3A_92 : vector<1x16xf32> to vector<16xf32>
    %swap3A_94 = vector.shape_cast %broadcast_in_dim3A_88 : vector<16xf32> to vector<1x16xf32>
    tpu.vector_store %arg6[%swap3A_90, %swap3A_91], %swap3A_94 {strides = array<i32>} : memref<128x16xf32, #tpu.memory_space<vmem>>, vector<1x16xf32>,
    %broadcast_in_dim3A_95 = arith.constant 1.000000e+00 : f32
    %broadcast_in_dim3A_96 = vector.broadcast %broadcast_in_dim3A_95 : f32 to vector<16xf32>
    %swap3A_97 = arith.constant 12 : i32
    %swap3A_98 = arith.index_cast %swap3A_97 : i32 to index
    %swap3A_99 = arith.constant 0 : index
    %swap3A_100 = tpu.vector_load %arg6[%swap3A_98, %swap3A_99] {strides = array<i32>} : memref<128x16xf32, #tpu.memory_space<vmem>>, vector<1x16xf32>,
    %swap3A_101 = vector.shape_cast %swap3A_100 : vector<1x16xf32> to vector<16xf32>
    %swap3A_102 = vector.shape_cast %broadcast_in_dim3A_96 : vector<16xf32> to vector<1x16xf32>
    tpu.vector_store %arg6[%swap3A_98, %swap3A_99], %swap3A_102 {strides = array<i32>} : memref<128x16xf32, #tpu.memory_space<vmem>>, vector<1x16xf32>,
    %broadcast_in_dim3A_103 = arith.constant 1.000000e+00 : f32
    %broadcast_in_dim3A_104 = vector.broadcast %broadcast_in_dim3A_103 : f32 to vector<16xf32>
    %swap3A_105 = arith.constant 13 : i32
    %swap3A_106 = arith.index_cast %swap3A_105 : i32 to index
    %swap3A_107 = arith.constant 0 : index
    %swap3A_108 = tpu.vector_load %arg6[%swap3A_106, %swap3A_107] {strides = array<i32>} : memref<128x16xf32, #tpu.memory_space<vmem>>, vector<1x16xf32>,
    %swap3A_109 = vector.shape_cast %swap3A_108 : vector<1x16xf32> to vector<16xf32>
    %swap3A_110 = vector.shape_cast %broadcast_in_dim3A_104 : vector<16xf32> to vector<1x16xf32>
    tpu.vector_store %arg6[%swap3A_106, %swap3A_107], %swap3A_110 {strides = array<i32>} : memref<128x16xf32, #tpu.memory_space<vmem>>, vector<1x16xf32>,
    %broadcast_in_dim3A_111 = arith.constant 1.000000e+00 : f32
    %broadcast_in_dim3A_112 = vector.broadcast %broadcast_in_dim3A_111 : f32 to vector<16xf32>
    %swap3A_113 = arith.constant 14 : i32
    %swap3A_114 = arith.index_cast %swap3A_113 : i32 to index
    %swap3A_115 = arith.constant 0 : index
    %swap3A_116 = tpu.vector_load %arg6[%swap3A_114, %swap3A_115] {strides = array<i32>} : memref<128x16xf32, #tpu.memory_space<vmem>>, vector<1x16xf32>,
    %swap3A_117 = vector.shape_cast %swap3A_116 : vector<1x16xf32> to vector<16xf32>
    %swap3A_118 = vector.shape_cast %broadcast_in_dim3A_112 : vector<16xf32> to vector<1x16xf32>
    tpu.vector_store %arg6[%swap3A_114, %swap3A_115], %swap3A_118 {strides = array<i32>} : memref<128x16xf32, #tpu.memory_space<vmem>>, vector<1x16xf32>,
    %broadcast_in_dim3A_119 = arith.constant 1.000000e+00 : f32
    %broadcast_in_dim3A_120 = vector.broadcast %broadcast_in_dim3A_119 : f32 to vector<16xf32>
    %swap3A_121 = arith.constant 15 : i32
    %swap3A_122 = arith.index_cast %swap3A_121 : i32 to index
    %swap3A_123 = arith.constant 0 : index
    %swap3A_124 = tpu.vector_load %arg6[%swap3A_122, %swap3A_123] {strides = array<i32>} : memref<128x16xf32, #tpu.memory_space<vmem>>, vector<1x16xf32>,
    %swap3A_125 = vector.shape_cast %swap3A_124 : vector<1x16xf32> to vector<16xf32>
    %swap3A_126 = vector.shape_cast %broadcast_in_dim3A_120 : vector<16xf32> to vector<1x16xf32>
    tpu.vector_store %arg6[%swap3A_122, %swap3A_123], %swap3A_126 {strides = array<i32>} : memref<128x16xf32, #tpu.memory_space<vmem>>, vector<1x16xf32>,
    %broadcast_in_dim3A_127 = arith.constant 1.000000e+00 : f32
    %broadcast_in_dim3A_128 = vector.broadcast %broadcast_in_dim3A_127 : f32 to vector<16xf32>
    %swap3A_129 = arith.constant 16 : i32
    %swap3A_130 = arith.index_cast %swap3A_129 : i32 to index
    %swap3A_131 = arith.constant 0 : index
    %swap3A_132 = tpu.vector_load %arg6[%swap3A_130, %swap3A_131] {strides = array<i32>} : memref<128x16xf32, #tpu.memory_space<vmem>>, vector<1x16xf32>,
    %swap3A_133 = vector.shape_cast %swap3A_132 : vector<1x16xf32> to vector<16xf32>
    %swap3A_134 = vector.shape_cast %broadcast_in_dim3A_128 : vector<16xf32> to vector<1x16xf32>
    tpu.vector_store %arg6[%swap3A_130, %swap3A_131], %swap3A_134 {strides = array<i32>} : memref<128x16xf32, #tpu.memory_space<vmem>>, vector<1x16xf32>,
    %broadcast_in_dim3A_135 = arith.constant 1.000000e+00 : f32
    %broadcast_in_dim3A_136 = vector.broadcast %broadcast_in_dim3A_135 : f32 to vector<16xf32>
    %swap3A_137 = arith.constant 17 : i32
    %swap3A_138 = arith.index_cast %swap3A_137 : i32 to index
    %swap3A_139 = arith.constant 0 : index
    %swap3A_140 = tpu.vector_load %arg6[%swap3A_138, %swap3A_139] {strides = array<i32>} : memref<128x16xf32, #tpu.memory_space<vmem>>, vector<1x16xf32>,
    %swap3A_141 = vector.shape_cast %swap3A_140 : vector<1x16xf32> to vector<16xf32>
    %swap3A_142 = vector.shape_cast %broadcast_in_dim3A_136 : vector<16xf32> to vector<1x16xf32>
    tpu.vector_store %arg6[%swap3A_138, %swap3A_139], %swap3A_142 {strides = array<i32>} : memref<128x16xf32, #tpu.memory_space<vmem>>, vector<1x16xf32>,
    %broadcast_in_dim3A_143 = arith.constant 1.000000e+00 : f32
    %broadcast_in_dim3A_144 = vector.broadcast %broadcast_in_dim3A_143 : f32 to vector<16xf32>
    %swap3A_145 = arith.constant 18 : i32
    %swap3A_146 = arith.index_cast %swap3A_145 : i32 to index
    %swap3A_147 = arith.constant 0 : index
    %swap3A_148 = tpu.vector_load %arg6[%swap3A_146, %swap3A_147] {strides = array<i32>} : memref<128x16xf32, #tpu.memory_space<vmem>>, vector<1x16xf32>,
    %swap3A_149 = vector.shape_cast %swap3A_148 : vector<1x16xf32> to vector<16xf32>
    %swap3A_150 = vector.shape_cast %broadcast_in_dim3A_144 : vector<16xf32> to vector<1x16xf32>
    tpu.vector_store %arg6[%swap3A_146, %swap3A_147], %swap3A_150 {strides = array<i32>} : memref<128x16xf32, #tpu.memory_space<vmem>>, vector<1x16xf32>,
    %broadcast_in_dim3A_151 = arith.constant 1.000000e+00 : f32
    %broadcast_in_dim3A_152 = vector.broadcast %broadcast_in_dim3A_151 : f32 to vector<16xf32>
    %swap3A_153 = arith.constant 19 : i32
    %swap3A_154 = arith.index_cast %swap3A_153 : i32 to index
    %swap3A_155 = arith.constant 0 : index
    %swap3A_156 = tpu.vector_load %arg6[%swap3A_154, %swap3A_155] {strides = array<i32>} : memref<128x16xf32, #tpu.memory_space<vmem>>, vector<1x16xf32>,
    %swap3A_157 = vector.shape_cast %swap3A_156 : vector<1x16xf32> to vector<16xf32>
    %swap3A_158 = vector.shape_cast %broadcast_in_dim3A_152 : vector<16xf32> to vector<1x16xf32>
    tpu.vector_store %arg6[%swap3A_154, %swap3A_155], %swap3A_158 {strides = array<i32>} : memref<128x16xf32, #tpu.memory_space<vmem>>, vector<1x16xf32>,
    %broadcast_in_dim3A_159 = arith.constant 1.000000e+00 : f32
    %broadcast_in_dim3A_160 = vector.broadcast %broadcast_in_dim3A_159 : f32 to vector<16xf32>
    %swap3A_161 = arith.constant 20 : i32
    %swap3A_162 = arith.index_cast %swap3A_161 : i32 to index
    %swap3A_163 = arith.constant 0 : index
    %swap3A_164 = tpu.vector_load %arg6[%swap3A_162, %swap3A_163] {strides = array<i32>} : memref<128x16xf32, #tpu.memory_space<vmem>>, vector<1x16xf32>,
    %swap3A_165 = vector.shape_cast %swap3A_164 : vector<1x16xf32> to vector<16xf32>
    %swap3A_166 = vector.shape_cast %broadcast_in_dim3A_160 : vector<16xf32> to vector<1x16xf32>
    tpu.vector_store %arg6[%swap3A_162, %swap3A_163], %swap3A_166 {strides = array<i32>} : memref<128x16xf32, #tpu.memory_space<vmem>>, vector<1x16xf32>,
    %broadcast_in_dim3A_167 = arith.constant 1.000000e+00 : f32
    %broadcast_in_dim3A_168 = vector.broadcast %broadcast_in_dim3A_167 : f32 to vector<16xf32>
    %swap3A_169 = arith.constant 21 : i32
    %swap3A_170 = arith.index_cast %swap3A_169 : i32 to index
    %swap3A_171 = arith.constant 0 : index
    %swap3A_172 = tpu.vector_load %arg6[%swap3A_170, %swap3A_171] {strides = array<i32>} : memref<128x16xf32, #tpu.memory_space<vmem>>, vector<1x16xf32>,
    %swap3A_173 = vector.shape_cast %swap3A_172 : vector<1x16xf32> to vector<16xf32>
    %swap3A_174 = vector.shape_cast %broadcast_in_dim3A_168 : vector<16xf32> to vector<1x16xf32>
    tpu.vector_store %arg6[%swap3A_170, %swap3A_171], %swap3A_174 {strides = array<i32>} : memref<128x16xf32, #tpu.memory_space<vmem>>, vector<1x16xf32>,
    %broadcast_in_dim3A_175 = arith.constant 1.000000e+00 : f32
    %broadcast_in_dim3A_176 = vector.broadcast %broadcast_in_dim3A_175 : f32 to vector<16xf32>
    %swap3A_177 = arith.constant 22 : i32
    %swap3A_178 = arith.index_cast %swap3A_177 : i32 to index
    %swap3A_179 = arith.constant 0 : index
    %swap3A_180 = tpu.vector_load %arg6[%swap3A_178, %swap3A_179] {strides = array<i32>} : memref<128x16xf32, #tpu.memory_space<vmem>>, vector<1x16xf32>,
    %swap3A_181 = vector.shape_cast %swap3A_180 : vector<1x16xf32> to vector<16xf32>
    %swap3A_182 = vector.shape_cast %broadcast_in_dim3A_176 : vector<16xf32> to vector<1x16xf32>
    tpu.vector_store %arg6[%swap3A_178, %swap3A_179], %swap3A_182 {strides = array<i32>} : memref<128x16xf32, #tpu.memory_space<vmem>>, vector<1x16xf32>,
    %broadcast_in_dim3A_183 = arith.constant 1.000000e+00 : f32
    %broadcast_in_dim3A_184 = vector.broadcast %broadcast_in_dim3A_183 : f32 to vector<16xf32>
    %swap3A_185 = arith.constant 23 : i32
    %swap3A_186 = arith.index_cast %swap3A_185 : i32 to index
    %swap3A_187 = arith.constant 0 : index
    %swap3A_188 = tpu.vector_load %arg6[%swap3A_186, %swap3A_187] {strides = array<i32>} : memref<128x16xf32, #tpu.memory_space<vmem>>, vector<1x16xf32>,
    %swap3A_189 = vector.shape_cast %swap3A_188 : vector<1x16xf32> to vector<16xf32>
    %swap3A_190 = vector.shape_cast %broadcast_in_dim3A_184 : vector<16xf32> to vector<1x16xf32>
    tpu.vector_store %arg6[%swap3A_186, %swap3A_187], %swap3A_190 {strides = array<i32>} : memref<128x16xf32, #tpu.memory_space<vmem>>, vector<1x16xf32>,
    %broadcast_in_dim3A_191 = arith.constant 1.000000e+00 : f32
    %broadcast_in_dim3A_192 = vector.broadcast %broadcast_in_dim3A_191 : f32 to vector<16xf32>
    %swap3A_193 = arith.constant 24 : i32
    %swap3A_194 = arith.index_cast %swap3A_193 : i32 to index
    %swap3A_195 = arith.constant 0 : index
    %swap3A_196 = tpu.vector_load %arg6[%swap3A_194, %swap3A_195] {strides = array<i32>} : memref<128x16xf32, #tpu.memory_space<vmem>>, vector<1x16xf32>,
    %swap3A_197 = vector.shape_cast %swap3A_196 : vector<1x16xf32> to vector<16xf32>
    %swap3A_198 = vector.shape_cast %broadcast_in_dim3A_192 : vector<16xf32> to vector<1x16xf32>
    tpu.vector_store %arg6[%swap3A_194, %swap3A_195], %swap3A_198 {strides = array<i32>} : memref<128x16xf32, #tpu.memory_space<vmem>>, vector<1x16xf32>,
    %broadcast_in_dim3A_199 = arith.constant 1.000000e+00 : f32
    %broadcast_in_dim3A_200 = vector.broadcast %broadcast_in_dim3A_199 : f32 to vector<16xf32>
    %swap3A_201 = arith.constant 25 : i32
    %swap3A_202 = arith.index_cast %swap3A_201 : i32 to index
    %swap3A_203 = arith.constant 0 : index
    %swap3A_204 = tpu.vector_load %arg6[%swap3A_202, %swap3A_203] {strides = array<i32>} : memref<128x16xf32, #tpu.memory_space<vmem>>, vector<1x16xf32>,
    %swap3A_205 = vector.shape_cast %swap3A_204 : vector<1x16xf32> to vector<16xf32>
    %swap3A_206 = vector.shape_cast %broadcast_in_dim3A_200 : vector<16xf32> to vector<1x16xf32>
    tpu.vector_store %arg6[%swap3A_202, %swap3A_203], %swap3A_206 {strides = array<i32>} : memref<128x16xf32, #tpu.memory_space<vmem>>, vector<1x16xf32>,
    %broadcast_in_dim3A_207 = arith.constant 1.000000e+00 : f32
    %broadcast_in_dim3A_208 = vector.broadcast %broadcast_in_dim3A_207 : f32 to vector<16xf32>
    %swap3A_209 = arith.constant 26 : i32
    %swap3A_210 = arith.index_cast %swap3A_209 : i32 to index
    %swap3A_211 = arith.constant 0 : index
    %swap3A_212 = tpu.vector_load %arg6[%swap3A_210, %swap3A_211] {strides = array<i32>} : memref<128x16xf32, #tpu.memory_space<vmem>>, vector<1x16xf32>,
    %swap3A_213 = vector.shape_cast %swap3A_212 : vector<1x16xf32> to vector<16xf32>
    %swap3A_214 = vector.shape_cast %broadcast_in_dim3A_208 : vector<16xf32> to vector<1x16xf32>
    tpu.vector_store %arg6[%swap3A_210, %swap3A_211], %swap3A_214 {strides = array<i32>} : memref<128x16xf32, #tpu.memory_space<vmem>>, vector<1x16xf32>,
    %broadcast_in_dim3A_215 = arith.constant 1.000000e+00 : f32
    %broadcast_in_dim3A_216 = vector.broadcast %broadcast_in_dim3A_215 : f32 to vector<16xf32>
    %swap3A_217 = arith.constant 27 : i32
    %swap3A_218 = arith.index_cast %swap3A_217 : i32 to index
    %swap3A_219 = arith.constant 0 : index
    %swap3A_220 = tpu.vector_load %arg6[%swap3A_218, %swap3A_219] {strides = array<i32>} : memref<128x16xf32, #tpu.memory_space<vmem>>, vector<1x16xf32>,
    %swap3A_221 = vector.shape_cast %swap3A_220 : vector<1x16xf32> to vector<16xf32>
    %swap3A_222 = vector.shape_cast %broadcast_in_dim3A_216 : vector<16xf32> to vector<1x16xf32>
    tpu.vector_store %arg6[%swap3A_218, %swap3A_219], %swap3A_222 {strides = array<i32>} : memref<128x16xf32, #tpu.memory_space<vmem>>, vector<1x16xf32>,
    %broadcast_in_dim3A_223 = arith.constant 1.000000e+00 : f32
    %broadcast_in_dim3A_224 = vector.broadcast %broadcast_in_dim3A_223 : f32 to vector<16xf32>
    %swap3A_225 = arith.constant 28 : i32
    %swap3A_226 = arith.index_cast %swap3A_225 : i32 to index
    %swap3A_227 = arith.constant 0 : index
    %swap3A_228 = tpu.vector_load %arg6[%swap3A_226, %swap3A_227] {strides = array<i32>} : memref<128x16xf32, #tpu.memory_space<vmem>>, vector<1x16xf32>,
    %swap3A_229 = vector.shape_cast %swap3A_228 : vector<1x16xf32> to vector<16xf32>
    %swap3A_230 = vector.shape_cast %broadcast_in_dim3A_224 : vector<16xf32> to vector<1x16xf32>
    tpu.vector_store %arg6[%swap3A_226, %swap3A_227], %swap3A_230 {strides = array<i32>} : memref<128x16xf32, #tpu.memory_space<vmem>>, vector<1x16xf32>,
    %broadcast_in_dim3A_231 = arith.constant 1.000000e+00 : f32
    %broadcast_in_dim3A_232 = vector.broadcast %broadcast_in_dim3A_231 : f32 to vector<16xf32>
    %swap3A_233 = arith.constant 29 : i32
    %swap3A_234 = arith.index_cast %swap3A_233 : i32 to index
    %swap3A_235 = arith.constant 0 : index
    %swap3A_236 = tpu.vector_load %arg6[%swap3A_234, %swap3A_235] {strides = array<i32>} : memref<128x16xf32, #tpu.memory_space<vmem>>, vector<1x16xf32>,
    %swap3A_237 = vector.shape_cast %swap3A_236 : vector<1x16xf32> to vector<16xf32>
    %swap3A_238 = vector.shape_cast %broadcast_in_dim3A_232 : vector<16xf32> to vector<1x16xf32>
    tpu.vector_store %arg6[%swap3A_234, %swap3A_235], %swap3A_238 {strides = array<i32>} : memref<128x16xf32, #tpu.memory_space<vmem>>, vector<1x16xf32>,
    %broadcast_in_dim3A_239 = arith.constant 1.000000e+00 : f32
    %broadcast_in_dim3A_240 = vector.broadcast %broadcast_in_dim3A_239 : f32 to vector<16xf32>
    %swap3A_241 = arith.constant 30 : i32
    %swap3A_242 = arith.index_cast %swap3A_241 : i32 to index
    %swap3A_243 = arith.constant 0 : index
    %swap3A_244 = tpu.vector_load %arg6[%swap3A_242, %swap3A_243] {strides = array<i32>} : memref<128x16xf32, #tpu.memory_space<vmem>>, vector<1x16xf32>,
    %swap3A_245 = vector.shape_cast %swap3A_244 : vector<1x16xf32> to vector<16xf32>
    %swap3A_246 = vector.shape_cast %broadcast_in_dim3A_240 : vector<16xf32> to vector<1x16xf32>
    tpu.vector_store %arg6[%swap3A_242, %swap3A_243], %swap3A_246 {strides = array<i32>} : memref<128x16xf32, #tpu.memory_space<vmem>>, vector<1x16xf32>,
    %broadcast_in_dim3A_247 = arith.constant 1.000000e+00 : f32
    %broadcast_in_dim3A_248 = vector.broadcast %broadcast_in_dim3A_247 : f32 to vector<16xf32>
    %swap3A_249 = arith.constant 31 : i32
    %swap3A_250 = arith.index_cast %swap3A_249 : i32 to index
    %swap3A_251 = arith.constant 0 : index
    %swap3A_252 = tpu.vector_load %arg6[%swap3A_250, %swap3A_251] {strides = array<i32>} : memref<128x16xf32, #tpu.memory_space<vmem>>, vector<1x16xf32>,
    %swap3A_253 = vector.shape_cast %swap3A_252 : vector<1x16xf32> to vector<16xf32>
    %swap3A_254 = vector.shape_cast %broadcast_in_dim3A_248 : vector<16xf32> to vector<1x16xf32>
    tpu.vector_store %arg6[%swap3A_250, %swap3A_251], %swap3A_254 {strides = array<i32>} : memref<128x16xf32, #tpu.memory_space<vmem>>, vector<1x16xf32>,
    %broadcast_in_dim3A_255 = arith.constant 1.000000e+00 : f32
    %broadcast_in_dim3A_256 = vector.broadcast %broadcast_in_dim3A_255 : f32 to vector<16xf32>
    %swap3A_257 = arith.constant 32 : i32
    %swap3A_258 = arith.index_cast %swap3A_257 : i32 to index
    %swap3A_259 = arith.constant 0 : index
    %swap3A_260 = tpu.vector_load %arg6[%swap3A_258, %swap3A_259] {strides = array<i32>} : memref<128x16xf32, #tpu.memory_space<vmem>>, vector<1x16xf32>,
    %swap3A_261 = vector.shape_cast %swap3A_260 : vector<1x16xf32> to vector<16xf32>
    %swap3A_262 = vector.shape_cast %broadcast_in_dim3A_256 : vector<16xf32> to vector<1x16xf32>
    tpu.vector_store %arg6[%swap3A_258, %swap3A_259], %swap3A_262 {strides = array<i32>} : memref<128x16xf32, #tpu.memory_space<vmem>>, vector<1x16xf32>,
    %broadcast_in_dim3A_263 = arith.constant 1.000000e+00 : f32
    %broadcast_in_dim3A_264 = vector.broadcast %broadcast_in_dim3A_263 : f32 to vector<16xf32>
    %swap3A_265 = arith.constant 33 : i32
    %swap3A_266 = arith.index_cast %swap3A_265 : i32 to index
    %swap3A_267 = arith.constant 0 : index
    %swap3A_268 = tpu.vector_load %arg6[%swap3A_266, %swap3A_267] {strides = array<i32>} : memref<128x16xf32, #tpu.memory_space<vmem>>, vector<1x16xf32>,
    %swap3A_269 = vector.shape_cast %swap3A_268 : vector<1x16xf32> to vector<16xf32>
    %swap3A_270 = vector.shape_cast %broadcast_in_dim3A_264 : vector<16xf32> to vector<1x16xf32>
    tpu.vector_store %arg6[%swap3A_266, %swap3A_267], %swap3A_270 {strides = array<i32>} : memref<128x16xf32, #tpu.memory_space<vmem>>, vector<1x16xf32>,
    %broadcast_in_dim3A_271 = arith.constant 1.000000e+00 : f32
    %broadcast_in_dim3A_272 = vector.broadcast %broadcast_in_dim3A_271 : f32 to vector<16xf32>
    %swap3A_273 = arith.constant 34 : i32
    %swap3A_274 = arith.index_cast %swap3A_273 : i32 to index
    %swap3A_275 = arith.constant 0 : index
    %swap3A_276 = tpu.vector_load %arg6[%swap3A_274, %swap3A_275] {strides = array<i32>} : memref<128x16xf32, #tpu.memory_space<vmem>>, vector<1x16xf32>,
    %swap3A_277 = vector.shape_cast %swap3A_276 : vector<1x16xf32> to vector<16xf32>
    %swap3A_278 = vector.shape_cast %broadcast_in_dim3A_272 : vector<16xf32> to vector<1x16xf32>
    tpu.vector_store %arg6[%swap3A_274, %swap3A_275], %swap3A_278 {strides = array<i32>} : memref<128x16xf32, #tpu.memory_space<vmem>>, vector<1x16xf32>,
    %broadcast_in_dim3A_279 = arith.constant 1.000000e+00 : f32
    %broadcast_in_dim3A_280 = vector.broadcast %broadcast_in_dim3A_279 : f32 to vector<16xf32>
    %swap3A_281 = arith.constant 35 : i32
    %swap3A_282 = arith.index_cast %swap3A_281 : i32 to index
    %swap3A_283 = arith.constant 0 : index
    %swap3A_284 = tpu.vector_load %arg6[%swap3A_282, %swap3A_283] {strides = array<i32>} : memref<128x16xf32, #tpu.memory_space<vmem>>, vector<1x16xf32>,
    %swap3A_285 = vector.shape_cast %swap3A_284 : vector<1x16xf32> to vector<16xf32>
    %swap3A_286 = vector.shape_cast %broadcast_in_dim3A_280 : vector<16xf32> to vector<1x16xf32>
    tpu.vector_store %arg6[%swap3A_282, %swap3A_283], %swap3A_286 {strides = array<i32>} : memref<128x16xf32, #tpu.memory_space<vmem>>, vector<1x16xf32>,
    %broadcast_in_dim3A_287 = arith.constant 1.000000e+00 : f32
    %broadcast_in_dim3A_288 = vector.broadcast %broadcast_in_dim3A_287 : f32 to vector<16xf32>
    %swap3A_289 = arith.constant 36 : i32
    %swap3A_290 = arith.index_cast %swap3A_289 : i32 to index
    %swap3A_291 = arith.constant 0 : index
    %swap3A_292 = tpu.vector_load %arg6[%swap3A_290, %swap3A_291] {strides = array<i32>} : memref<128x16xf32, #tpu.memory_space<vmem>>, vector<1x16xf32>,
    %swap3A_293 = vector.shape_cast %swap3A_292 : vector<1x16xf32> to vector<16xf32>
    %swap3A_294 = vector.shape_cast %broadcast_in_dim3A_288 : vector<16xf32> to vector<1x16xf32>
    tpu.vector_store %arg6[%swap3A_290, %swap3A_291], %swap3A_294 {strides = array<i32>} : memref<128x16xf32, #tpu.memory_space<vmem>>, vector<1x16xf32>,
    %broadcast_in_dim3A_295 = arith.constant 1.000000e+00 : f32
    %broadcast_in_dim3A_296 = vector.broadcast %broadcast_in_dim3A_295 : f32 to vector<16xf32>
    %swap3A_297 = arith.constant 37 : i32
    %swap3A_298 = arith.index_cast %swap3A_297 : i32 to index
    %swap3A_299 = arith.constant 0 : index
    %swap3A_300 = tpu.vector_load %arg6[%swap3A_298, %swap3A_299] {strides = array<i32>} : memref<128x16xf32, #tpu.memory_space<vmem>>, vector<1x16xf32>,
    %swap3A_301 = vector.shape_cast %swap3A_300 : vector<1x16xf32> to vector<16xf32>
    %swap3A_302 = vector.shape_cast %broadcast_in_dim3A_296 : vector<16xf32> to vector<1x16xf32>
    tpu.vector_store %arg6[%swap3A_298, %swap3A_299], %swap3A_302 {strides = array<i32>} : memref<128x16xf32, #tpu.memory_space<vmem>>, vector<1x16xf32>,
    %broadcast_in_dim3A_303 = arith.constant 1.000000e+00 : f32
    %broadcast_in_dim3A_304 = vector.broadcast %broadcast_in_dim3A_303 : f32 to vector<16xf32>
    %swap3A_305 = arith.constant 38 : i32
    %swap3A_306 = arith.index_cast %swap3A_305 : i32 to index
    %swap3A_307 = arith.constant 0 : index
    %swap3A_308 = tpu.vector_load %arg6[%swap3A_306, %swap3A_307] {strides = array<i32>} : memref<128x16xf32, #tpu.memory_space<vmem>>, vector<1x16xf32>,
    %swap3A_309 = vector.shape_cast %swap3A_308 : vector<1x16xf32> to vector<16xf32>
    %swap3A_310 = vector.shape_cast %broadcast_in_dim3A_304 : vector<16xf32> to vector<1x16xf32>
    tpu.vector_store %arg6[%swap3A_306, %swap3A_307], %swap3A_310 {strides = array<i32>} : memref<128x16xf32, #tpu.memory_space<vmem>>, vector<1x16xf32>,
    %broadcast_in_dim3A_311 = arith.constant 1.000000e+00 : f32
    %broadcast_in_dim3A_312 = vector.broadcast %broadcast_in_dim3A_311 : f32 to vector<16xf32>
    %swap3A_313 = arith.constant 39 : i32
    %swap3A_314 = arith.index_cast %swap3A_313 : i32 to index
    %swap3A_315 = arith.constant 0 : index
    %swap3A_316 = tpu.vector_load %arg6[%swap3A_314, %swap3A_315] {strides = array<i32>} : memref<128x16xf32, #tpu.memory_space<vmem>>, vector<1x16xf32>,
    %swap3A_317 = vector.shape_cast %swap3A_316 : vector<1x16xf32> to vector<16xf32>
    %swap3A_318 = vector.shape_cast %broadcast_in_dim3A_312 : vector<16xf32> to vector<1x16xf32>
    tpu.vector_store %arg6[%swap3A_314, %swap3A_315], %swap3A_318 {strides = array<i32>} : memref<128x16xf32, #tpu.memory_space<vmem>>, vector<1x16xf32>,
    %broadcast_in_dim3A_319 = arith.constant 1.000000e+00 : f32
    %broadcast_in_dim3A_320 = vector.broadcast %broadcast_in_dim3A_319 : f32 to vector<16xf32>
    %swap3A_321 = arith.constant 40 : i32
    %swap3A_322 = arith.index_cast %swap3A_321 : i32 to index
    %swap3A_323 = arith.constant 0 : index
    %swap3A_324 = tpu.vector_load %arg6[%swap3A_322, %swap3A_323] {strides = array<i32>} : memref<128x16xf32, #tpu.memory_space<vmem>>, vector<1x16xf32>,
    %swap3A_325 = vector.shape_cast %swap3A_324 : vector<1x16xf32> to vector<16xf32>
    %swap3A_326 = vector.shape_cast %broadcast_in_dim3A_320 : vector<16xf32> to vector<1x16xf32>
    tpu.vector_store %arg6[%swap3A_322, %swap3A_323], %swap3A_326 {strides = array<i32>} : memref<128x16xf32, #tpu.memory_space<vmem>>, vector<1x16xf32>,
    %broadcast_in_dim3A_327 = arith.constant 1.000000e+00 : f32
    %broadcast_in_dim3A_328 = vector.broadcast %broadcast_in_dim3A_327 : f32 to vector<16xf32>
    %swap3A_329 = arith.constant 41 : i32
    %swap3A_330 = arith.index_cast %swap3A_329 : i32 to index
    %swap3A_331 = arith.constant 0 : index
    %swap3A_332 = tpu.vector_load %arg6[%swap3A_330, %swap3A_331] {strides = array<i32>} : memref<128x16xf32, #tpu.memory_space<vmem>>, vector<1x16xf32>,
    %swap3A_333 = vector.shape_cast %swap3A_332 : vector<1x16xf32> to vector<16xf32>
    %swap3A_334 = vector.shape_cast %broadcast_in_dim3A_328 : vector<16xf32> to vector<1x16xf32>
    tpu.vector_store %arg6[%swap3A_330, %swap3A_331], %swap3A_334 {strides = array<i32>} : memref<128x16xf32, #tpu.memory_space<vmem>>, vector<1x16xf32>,
    %broadcast_in_dim3A_335 = arith.constant 1.000000e+00 : f32
    %broadcast_in_dim3A_336 = vector.broadcast %broadcast_in_dim3A_335 : f32 to vector<16xf32>
    %swap3A_337 = arith.constant 42 : i32
    %swap3A_338 = arith.index_cast %swap3A_337 : i32 to index
    %swap3A_339 = arith.constant 0 : index
    %swap3A_340 = tpu.vector_load %arg6[%swap3A_338, %swap3A_339] {strides = array<i32>} : memref<128x16xf32, #tpu.memory_space<vmem>>, vector<1x16xf32>,
    %swap3A_341 = vector.shape_cast %swap3A_340 : vector<1x16xf32> to vector<16xf32>
    %swap3A_342 = vector.shape_cast %broadcast_in_dim3A_336 : vector<16xf32> to vector<1x16xf32>
    tpu.vector_store %arg6[%swap3A_338, %swap3A_339], %swap3A_342 {strides = array<i32>} : memref<128x16xf32, #tpu.memory_space<vmem>>, vector<1x16xf32>,
    %broadcast_in_dim3A_343 = arith.constant 1.000000e+00 : f32
    %broadcast_in_dim3A_344 = vector.broadcast %broadcast_in_dim3A_343 : f32 to vector<16xf32>
    %swap3A_345 = arith.constant 43 : i32
    %swap3A_346 = arith.index_cast %swap3A_345 : i32 to index
    %swap3A_347 = arith.constant 0 : index
    %swap3A_348 = tpu.vector_load %arg6[%swap3A_346, %swap3A_347] {strides = array<i32>} : memref<128x16xf32, #tpu.memory_space<vmem>>, vector<1x16xf32>,
    %swap3A_349 = vector.shape_cast %swap3A_348 : vector<1x16xf32> to vector<16xf32>
    %swap3A_350 = vector.shape_cast %broadcast_in_dim3A_344 : vector<16xf32> to vector<1x16xf32>
    tpu.vector_store %arg6[%swap3A_346, %swap3A_347], %swap3A_350 {strides = array<i32>} : memref<128x16xf32, #tpu.memory_space<vmem>>, vector<1x16xf32>,
    %broadcast_in_dim3A_351 = arith.constant 1.000000e+00 : f32
    %broadcast_in_dim3A_352 = vector.broadcast %broadcast_in_dim3A_351 : f32 to vector<16xf32>
    %swap3A_353 = arith.constant 44 : i32
    %swap3A_354 = arith.index_cast %swap3A_353 : i32 to index
    %swap3A_355 = arith.constant 0 : index
    %swap3A_356 = tpu.vector_load %arg6[%swap3A_354, %swap3A_355] {strides = array<i32>} : memref<128x16xf32, #tpu.memory_space<vmem>>, vector<1x16xf32>,
    %swap3A_357 = vector.shape_cast %swap3A_356 : vector<1x16xf32> to vector<16xf32>
    %swap3A_358 = vector.shape_cast %broadcast_in_dim3A_352 : vector<16xf32> to vector<1x16xf32>
    tpu.vector_store %arg6[%swap3A_354, %swap3A_355], %swap3A_358 {strides = array<i32>} : memref<128x16xf32, #tpu.memory_space<vmem>>, vector<1x16xf32>,
    %broadcast_in_dim3A_359 = arith.constant 1.000000e+00 : f32
    %broadcast_in_dim3A_360 = vector.broadcast %broadcast_in_dim3A_359 : f32 to vector<16xf32>
    %swap3A_361 = arith.constant 45 : i32
    %swap3A_362 = arith.index_cast %swap3A_361 : i32 to index
    %swap3A_363 = arith.constant 0 : index
    %swap3A_364 = tpu.vector_load %arg6[%swap3A_362, %swap3A_363] {strides = array<i32>} : memref<128x16xf32, #tpu.memory_space<vmem>>, vector<1x16xf32>,
    %swap3A_365 = vector.shape_cast %swap3A_364 : vector<1x16xf32> to vector<16xf32>
    %swap3A_366 = vector.shape_cast %broadcast_in_dim3A_360 : vector<16xf32> to vector<1x16xf32>
    tpu.vector_store %arg6[%swap3A_362, %swap3A_363], %swap3A_366 {strides = array<i32>} : memref<128x16xf32, #tpu.memory_space<vmem>>, vector<1x16xf32>,
    %broadcast_in_dim3A_367 = arith.constant 1.000000e+00 : f32
    %broadcast_in_dim3A_368 = vector.broadcast %broadcast_in_dim3A_367 : f32 to vector<16xf32>
    %swap3A_369 = arith.constant 46 : i32
    %swap3A_370 = arith.index_cast %swap3A_369 : i32 to index
    %swap3A_371 = arith.constant 0 : index
    %swap3A_372 = tpu.vector_load %arg6[%swap3A_370, %swap3A_371] {strides = array<i32>} : memref<128x16xf32, #tpu.memory_space<vmem>>, vector<1x16xf32>,
    %swap3A_373 = vector.shape_cast %swap3A_372 : vector<1x16xf32> to vector<16xf32>
    %swap3A_374 = vector.shape_cast %broadcast_in_dim3A_368 : vector<16xf32> to vector<1x16xf32>
    tpu.vector_store %arg6[%swap3A_370, %swap3A_371], %swap3A_374 {strides = array<i32>} : memref<128x16xf32, #tpu.memory_space<vmem>>, vector<1x16xf32>,
    %broadcast_in_dim3A_375 = arith.constant 1.000000e+00 : f32
    %broadcast_in_dim3A_376 = vector.broadcast %broadcast_in_dim3A_375 : f32 to vector<16xf32>
    %swap3A_377 = arith.constant 47 : i32
    %swap3A_378 = arith.index_cast %swap3A_377 : i32 to index
    %swap3A_379 = arith.constant 0 : index
    %swap3A_380 = tpu.vector_load %arg6[%swap3A_378, %swap3A_379] {strides = array<i32>} : memref<128x16xf32, #tpu.memory_space<vmem>>, vector<1x16xf32>,
    %swap3A_381 = vector.shape_cast %swap3A_380 : vector<1x16xf32> to vector<16xf32>
    %swap3A_382 = vector.shape_cast %broadcast_in_dim3A_376 : vector<16xf32> to vector<1x16xf32>
    tpu.vector_store %arg6[%swap3A_378, %swap3A_379], %swap3A_382 {strides = array<i32>} : memref<128x16xf32, #tpu.memory_space<vmem>>, vector<1x16xf32>,
    %broadcast_in_dim3A_383 = arith.constant 1.000000e+00 : f32
    %broadcast_in_dim3A_384 = vector.broadcast %broadcast_in_dim3A_383 : f32 to vector<16xf32>
    %swap3A_385 = arith.constant 48 : i32
    %swap3A_386 = arith.index_cast %swap3A_385 : i32 to index
    %swap3A_387 = arith.constant 0 : index
    %swap3A_388 = tpu.vector_load %arg6[%swap3A_386, %swap3A_387] {strides = array<i32>} : memref<128x16xf32, #tpu.memory_space<vmem>>, vector<1x16xf32>,
    %swap3A_389 = vector.shape_cast %swap3A_388 : vector<1x16xf32> to vector<16xf32>
    %swap3A_390 = vector.shape_cast %broadcast_in_dim3A_384 : vector<16xf32> to vector<1x16xf32>
    tpu.vector_store %arg6[%swap3A_386, %swap3A_387], %swap3A_390 {strides = array<i32>} : memref<128x16xf32, #tpu.memory_space<vmem>>, vector<1x16xf32>,
    %broadcast_in_dim3A_391 = arith.constant 1.000000e+00 : f32
    %broadcast_in_dim3A_392 = vector.broadcast %broadcast_in_dim3A_391 : f32 to vector<16xf32>
    %swap3A_393 = arith.constant 49 : i32
    %swap3A_394 = arith.index_cast %swap3A_393 : i32 to index
    %swap3A_395 = arith.constant 0 : index
    %swap3A_396 = tpu.vector_load %arg6[%swap3A_394, %swap3A_395] {strides = array<i32>} : memref<128x16xf32, #tpu.memory_space<vmem>>, vector<1x16xf32>,
    %swap3A_397 = vector.shape_cast %swap3A_396 : vector<1x16xf32> to vector<16xf32>
    %swap3A_398 = vector.shape_cast %broadcast_in_dim3A_392 : vector<16xf32> to vector<1x16xf32>
    tpu.vector_store %arg6[%swap3A_394, %swap3A_395], %swap3A_398 {strides = array<i32>} : memref<128x16xf32, #tpu.memory_space<vmem>>, vector<1x16xf32>,
    %broadcast_in_dim3A_399 = arith.constant 1.000000e+00 : f32
    %broadcast_in_dim3A_400 = vector.broadcast %broadcast_in_dim3A_399 : f32 to vector<16xf32>
    %swap3A_401 = arith.constant 50 : i32
    %swap3A_402 = arith.index_cast %swap3A_401 : i32 to index
    %swap3A_403 = arith.constant 0 : index
    %swap3A_404 = tpu.vector_load %arg6[%swap3A_402, %swap3A_403] {strides = array<i32>} : memref<128x16xf32, #tpu.memory_space<vmem>>, vector<1x16xf32>,
    %swap3A_405 = vector.shape_cast %swap3A_404 : vector<1x16xf32> to vector<16xf32>
    %swap3A_406 = vector.shape_cast %broadcast_in_dim3A_400 : vector<16xf32> to vector<1x16xf32>
    tpu.vector_store %arg6[%swap3A_402, %swap3A_403], %swap3A_406 {strides = array<i32>} : memref<128x16xf32, #tpu.memory_space<vmem>>, vector<1x16xf32>,
    %broadcast_in_dim3A_407 = arith.constant 1.000000e+00 : f32
    %broadcast_in_dim3A_408 = vector.broadcast %broadcast_in_dim3A_407 : f32 to vector<16xf32>
    %swap3A_409 = arith.constant 51 : i32
    %swap3A_410 = arith.index_cast %swap3A_409 : i32 to index
    %swap3A_411 = arith.constant 0 : index
    %swap3A_412 = tpu.vector_load %arg6[%swap3A_410, %swap3A_411] {strides = array<i32>} : memref<128x16xf32, #tpu.memory_space<vmem>>, vector<1x16xf32>,
    %swap3A_413 = vector.shape_cast %swap3A_412 : vector<1x16xf32> to vector<16xf32>
    %swap3A_414 = vector.shape_cast %broadcast_in_dim3A_408 : vector<16xf32> to vector<1x16xf32>
    tpu.vector_store %arg6[%swap3A_410, %swap3A_411], %swap3A_414 {strides = array<i32>} : memref<128x16xf32, #tpu.memory_space<vmem>>, vector<1x16xf32>,
    %broadcast_in_dim3A_415 = arith.constant 1.000000e+00 : f32
    %broadcast_in_dim3A_416 = vector.broadcast %broadcast_in_dim3A_415 : f32 to vector<16xf32>
    %swap3A_417 = arith.constant 52 : i32
    %swap3A_418 = arith.index_cast %swap3A_417 : i32 to index
    %swap3A_419 = arith.constant 0 : index
    %swap3A_420 = tpu.vector_load %arg6[%swap3A_418, %swap3A_419] {strides = array<i32>} : memref<128x16xf32, #tpu.memory_space<vmem>>, vector<1x16xf32>,
    %swap3A_421 = vector.shape_cast %swap3A_420 : vector<1x16xf32> to vector<16xf32>
    %swap3A_422 = vector.shape_cast %broadcast_in_dim3A_416 : vector<16xf32> to vector<1x16xf32>
    tpu.vector_store %arg6[%swap3A_418, %swap3A_419], %swap3A_422 {strides = array<i32>} : memref<128x16xf32, #tpu.memory_space<vmem>>, vector<1x16xf32>,
    %broadcast_in_dim3A_423 = arith.constant 1.000000e+00 : f32
    %broadcast_in_dim3A_424 = vector.broadcast %broadcast_in_dim3A_423 : f32 to vector<16xf32>
    %swap3A_425 = arith.constant 53 : i32
    %swap3A_426 = arith.index_cast %swap3A_425 : i32 to index
    %swap3A_427 = arith.constant 0 : index
    %swap3A_428 = tpu.vector_load %arg6[%swap3A_426, %swap3A_427] {strides = array<i32>} : memref<128x16xf32, #tpu.memory_space<vmem>>, vector<1x16xf32>,
    %swap3A_429 = vector.shape_cast %swap3A_428 : vector<1x16xf32> to vector<16xf32>
    %swap3A_430 = vector.shape_cast %broadcast_in_dim3A_424 : vector<16xf32> to vector<1x16xf32>
    tpu.vector_store %arg6[%swap3A_426, %swap3A_427], %swap3A_430 {strides = array<i32>} : memref<128x16xf32, #tpu.memory_space<vmem>>, vector<1x16xf32>,
    %broadcast_in_dim3A_431 = arith.constant 1.000000e+00 : f32
    %broadcast_in_dim3A_432 = vector.broadcast %broadcast_in_dim3A_431 : f32 to vector<16xf32>
    %swap3A_433 = arith.constant 54 : i32
    %swap3A_434 = arith.index_cast %swap3A_433 : i32 to index
    %swap3A_435 = arith.constant 0 : index
    %swap3A_436 = tpu.vector_load %arg6[%swap3A_434, %swap3A_435] {strides = array<i32>} : memref<128x16xf32, #tpu.memory_space<vmem>>, vector<1x16xf32>,
    %swap3A_437 = vector.shape_cast %swap3A_436 : vector<1x16xf32> to vector<16xf32>
    %swap3A_438 = vector.shape_cast %broadcast_in_dim3A_432 : vector<16xf32> to vector<1x16xf32>
    tpu.vector_store %arg6[%swap3A_434, %swap3A_435], %swap3A_438 {strides = array<i32>} : memref<128x16xf32, #tpu.memory_space<vmem>>, vector<1x16xf32>,
    %broadcast_in_dim3A_439 = arith.constant 1.000000e+00 : f32
    %broadcast_in_dim3A_440 = vector.broadcast %broadcast_in_dim3A_439 : f32 to vector<16xf32>
    %swap3A_441 = arith.constant 55 : i32
    %swap3A_442 = arith.index_cast %swap3A_441 : i32 to index
    %swap3A_443 = arith.constant 0 : index
    %swap3A_444 = tpu.vector_load %arg6[%swap3A_442, %swap3A_443] {strides = array<i32>} : memref<128x16xf32, #tpu.memory_space<vmem>>, vector<1x16xf32>,
    %swap3A_445 = vector.shape_cast %swap3A_444 : vector<1x16xf32> to vector<16xf32>
    %swap3A_446 = vector.shape_cast %broadcast_in_dim3A_440 : vector<16xf32> to vector<1x16xf32>
    tpu.vector_store %arg6[%swap3A_442, %swap3A_443], %swap3A_446 {strides = array<i32>} : memref<128x16xf32, #tpu.memory_space<vmem>>, vector<1x16xf32>,
    %broadcast_in_dim3A_447 = arith.constant 1.000000e+00 : f32
    %broadcast_in_dim3A_448 = vector.broadcast %broadcast_in_dim3A_447 : f32 to vector<16xf32>
    %swap3A_449 = arith.constant 56 : i32
    %swap3A_450 = arith.index_cast %swap3A_449 : i32 to index
    %swap3A_451 = arith.constant 0 : index
    %swap3A_452 = tpu.vector_load %arg6[%swap3A_450, %swap3A_451] {strides = array<i32>} : memref<128x16xf32, #tpu.memory_space<vmem>>, vector<1x16xf32>,
    %swap3A_453 = vector.shape_cast %swap3A_452 : vector<1x16xf32> to vector<16xf32>
    %swap3A_454 = vector.shape_cast %broadcast_in_dim3A_448 : vector<16xf32> to vector<1x16xf32>
    tpu.vector_store %arg6[%swap3A_450, %swap3A_451], %swap3A_454 {strides = array<i32>} : memref<128x16xf32, #tpu.memory_space<vmem>>, vector<1x16xf32>,
    %broadcast_in_dim3A_455 = arith.constant 1.000000e+00 : f32
    %broadcast_in_dim3A_456 = vector.broadcast %broadcast_in_dim3A_455 : f32 to vector<16xf32>
    %swap3A_457 = arith.constant 57 : i32
    %swap3A_458 = arith.index_cast %swap3A_457 : i32 to index
    %swap3A_459 = arith.constant 0 : index
    %swap3A_460 = tpu.vector_load %arg6[%swap3A_458, %swap3A_459] {strides = array<i32>} : memref<128x16xf32, #tpu.memory_space<vmem>>, vector<1x16xf32>,
    %swap3A_461 = vector.shape_cast %swap3A_460 : vector<1x16xf32> to vector<16xf32>
    %swap3A_462 = vector.shape_cast %broadcast_in_dim3A_456 : vector<16xf32> to vector<1x16xf32>
    tpu.vector_store %arg6[%swap3A_458, %swap3A_459], %swap3A_462 {strides = array<i32>} : memref<128x16xf32, #tpu.memory_space<vmem>>, vector<1x16xf32>,
    %broadcast_in_dim3A_463 = arith.constant 1.000000e+00 : f32
    %broadcast_in_dim3A_464 = vector.broadcast %broadcast_in_dim3A_463 : f32 to vector<16xf32>
    %swap3A_465 = arith.constant 58 : i32
    %swap3A_466 = arith.index_cast %swap3A_465 : i32 to index
    %swap3A_467 = arith.constant 0 : index
    %swap3A_468 = tpu.vector_load %arg6[%swap3A_466, %swap3A_467] {strides = array<i32>} : memref<128x16xf32, #tpu.memory_space<vmem>>, vector<1x16xf32>,
    %swap3A_469 = vector.shape_cast %swap3A_468 : vector<1x16xf32> to vector<16xf32>
    %swap3A_470 = vector.shape_cast %broadcast_in_dim3A_464 : vector<16xf32> to vector<1x16xf32>
    tpu.vector_store %arg6[%swap3A_466, %swap3A_467], %swap3A_470 {strides = array<i32>} : memref<128x16xf32, #tpu.memory_space<vmem>>, vector<1x16xf32>,
    %broadcast_in_dim3A_471 = arith.constant 1.000000e+00 : f32
    %broadcast_in_dim3A_472 = vector.broadcast %broadcast_in_dim3A_471 : f32 to vector<16xf32>
    %swap3A_473 = arith.constant 59 : i32
    %swap3A_474 = arith.index_cast %swap3A_473 : i32 to index
    %swap3A_475 = arith.constant 0 : index
    %swap3A_476 = tpu.vector_load %arg6[%swap3A_474, %swap3A_475] {strides = array<i32>} : memref<128x16xf32, #tpu.memory_space<vmem>>, vector<1x16xf32>,
    %swap3A_477 = vector.shape_cast %swap3A_476 : vector<1x16xf32> to vector<16xf32>
    %swap3A_478 = vector.shape_cast %broadcast_in_dim3A_472 : vector<16xf32> to vector<1x16xf32>
    tpu.vector_store %arg6[%swap3A_474, %swap3A_475], %swap3A_478 {strides = array<i32>} : memref<128x16xf32, #tpu.memory_space<vmem>>, vector<1x16xf32>,
    %broadcast_in_dim3A_479 = arith.constant 1.000000e+00 : f32
    %broadcast_in_dim3A_480 = vector.broadcast %broadcast_in_dim3A_479 : f32 to vector<16xf32>
    %swap3A_481 = arith.constant 60 : i32
    %swap3A_482 = arith.index_cast %swap3A_481 : i32 to index
    %swap3A_483 = arith.constant 0 : index
    %swap3A_484 = tpu.vector_load %arg6[%swap3A_482, %swap3A_483] {strides = array<i32>} : memref<128x16xf32, #tpu.memory_space<vmem>>, vector<1x16xf32>,
    %swap3A_485 = vector.shape_cast %swap3A_484 : vector<1x16xf32> to vector<16xf32>
    %swap3A_486 = vector.shape_cast %broadcast_in_dim3A_480 : vector<16xf32> to vector<1x16xf32>
    tpu.vector_store %arg6[%swap3A_482, %swap3A_483], %swap3A_486 {strides = array<i32>} : memref<128x16xf32, #tpu.memory_space<vmem>>, vector<1x16xf32>,
    %broadcast_in_dim3A_487 = arith.constant 1.000000e+00 : f32
    %broadcast_in_dim3A_488 = vector.broadcast %broadcast_in_dim3A_487 : f32 to vector<16xf32>
    %swap3A_489 = arith.constant 61 : i32
    %swap3A_490 = arith.index_cast %swap3A_489 : i32 to index
    %swap3A_491 = arith.constant 0 : index
    %swap3A_492 = tpu.vector_load %arg6[%swap3A_490, %swap3A_491] {strides = array<i32>} : memref<128x16xf32, #tpu.memory_space<vmem>>, vector<1x16xf32>,
    %swap3A_493 = vector.shape_cast %swap3A_492 : vector<1x16xf32> to vector<16xf32>
    %swap3A_494 = vector.shape_cast %broadcast_in_dim3A_488 : vector<16xf32> to vector<1x16xf32>
    tpu.vector_store %arg6[%swap3A_490, %swap3A_491], %swap3A_494 {strides = array<i32>} : memref<128x16xf32, #tpu.memory_space<vmem>>, vector<1x16xf32>,
    %broadcast_in_dim3A_495 = arith.constant 1.000000e+00 : f32
    %broadcast_in_dim3A_496 = vector.broadcast %broadcast_in_dim3A_495 : f32 to vector<16xf32>
    %swap3A_497 = arith.constant 62 : i32
    %swap3A_498 = arith.index_cast %swap3A_497 : i32 to index
    %swap3A_499 = arith.constant 0 : index
    %swap3A_500 = tpu.vector_load %arg6[%swap3A_498, %swap3A_499] {strides = array<i32>} : memref<128x16xf32, #tpu.memory_space<vmem>>, vector<1x16xf32>,
    %swap3A_501 = vector.shape_cast %swap3A_500 : vector<1x16xf32> to vector<16xf32>
    %swap3A_502 = vector.shape_cast %broadcast_in_dim3A_496 : vector<16xf32> to vector<1x16xf32>
    tpu.vector_store %arg6[%swap3A_498, %swap3A_499], %swap3A_502 {strides = array<i32>} : memref<128x16xf32, #tpu.memory_space<vmem>>, vector<1x16xf32>,
    %broadcast_in_dim3A_503 = arith.constant 1.000000e+00 : f32
    %broadcast_in_dim3A_504 = vector.broadcast %broadcast_in_dim3A_503 : f32 to vector<16xf32>
    %swap3A_505 = arith.constant 63 : i32
    %swap3A_506 = arith.index_cast %swap3A_505 : i32 to index
    %swap3A_507 = arith.constant 0 : index
    %swap3A_508 = tpu.vector_load %arg6[%swap3A_506, %swap3A_507] {strides = array<i32>} : memref<128x16xf32, #tpu.memory_space<vmem>>, vector<1x16xf32>,
    %swap3A_509 = vector.shape_cast %swap3A_508 : vector<1x16xf32> to vector<16xf32>
    %swap3A_510 = vector.shape_cast %broadcast_in_dim3A_504 : vector<16xf32> to vector<1x16xf32>
    tpu.vector_store %arg6[%swap3A_506, %swap3A_507], %swap3A_510 {strides = array<i32>} : memref<128x16xf32, #tpu.memory_space<vmem>>, vector<1x16xf32>,
    %broadcast_in_dim3A_511 = arith.constant 1.000000e+00 : f32
    %broadcast_in_dim3A_512 = vector.broadcast %broadcast_in_dim3A_511 : f32 to vector<16xf32>
    %swap3A_513 = arith.constant 64 : i32
    %swap3A_514 = arith.index_cast %swap3A_513 : i32 to index
    %swap3A_515 = arith.constant 0 : index
    %swap3A_516 = tpu.vector_load %arg6[%swap3A_514, %swap3A_515] {strides = array<i32>} : memref<128x16xf32, #tpu.memory_space<vmem>>, vector<1x16xf32>,
    %swap3A_517 = vector.shape_cast %swap3A_516 : vector<1x16xf32> to vector<16xf32>
    %swap3A_518 = vector.shape_cast %broadcast_in_dim3A_512 : vector<16xf32> to vector<1x16xf32>
    tpu.vector_store %arg6[%swap3A_514, %swap3A_515], %swap3A_518 {strides = array<i32>} : memref<128x16xf32, #tpu.memory_space<vmem>>, vector<1x16xf32>,
    %broadcast_in_dim3A_519 = arith.constant 1.000000e+00 : f32
    %broadcast_in_dim3A_520 = vector.broadcast %broadcast_in_dim3A_519 : f32 to vector<16xf32>
    %swap3A_521 = arith.constant 65 : i32
    %swap3A_522 = arith.index_cast %swap3A_521 : i32 to index
    %swap3A_523 = arith.constant 0 : index
    %swap3A_524 = tpu.vector_load %arg6[%swap3A_522, %swap3A_523] {strides = array<i32>} : memref<128x16xf32, #tpu.memory_space<vmem>>, vector<1x16xf32>,
    %swap3A_525 = vector.shape_cast %swap3A_524 : vector<1x16xf32> to vector<16xf32>
    %swap3A_526 = vector.shape_cast %broadcast_in_dim3A_520 : vector<16xf32> to vector<1x16xf32>
    tpu.vector_store %arg6[%swap3A_522, %swap3A_523], %swap3A_526 {strides = array<i32>} : memref<128x16xf32, #tpu.memory_space<vmem>>, vector<1x16xf32>,
    %broadcast_in_dim3A_527 = arith.constant 1.000000e+00 : f32
    %broadcast_in_dim3A_528 = vector.broadcast %broadcast_in_dim3A_527 : f32 to vector<16xf32>
    %swap3A_529 = arith.constant 66 : i32
    %swap3A_530 = arith.index_cast %swap3A_529 : i32 to index
    %swap3A_531 = arith.constant 0 : index
    %swap3A_532 = tpu.vector_load %arg6[%swap3A_530, %swap3A_531] {strides = array<i32>} : memref<128x16xf32, #tpu.memory_space<vmem>>, vector<1x16xf32>,
    %swap3A_533 = vector.shape_cast %swap3A_532 : vector<1x16xf32> to vector<16xf32>
    %swap3A_534 = vector.shape_cast %broadcast_in_dim3A_528 : vector<16xf32> to vector<1x16xf32>
    tpu.vector_store %arg6[%swap3A_530, %swap3A_531], %swap3A_534 {strides = array<i32>} : memref<128x16xf32, #tpu.memory_space<vmem>>, vector<1x16xf32>,
    %broadcast_in_dim3A_535 = arith.constant 1.000000e+00 : f32
    %broadcast_in_dim3A_536 = vector.broadcast %broadcast_in_dim3A_535 : f32 to vector<16xf32>
    %swap3A_537 = arith.constant 67 : i32
    %swap3A_538 = arith.index_cast %swap3A_537 : i32 to index
    %swap3A_539 = arith.constant 0 : index
    %swap3A_540 = tpu.vector_load %arg6[%swap3A_538, %swap3A_539] {strides = array<i32>} : memref<128x16xf32, #tpu.memory_space<vmem>>, vector<1x16xf32>,
    %swap3A_541 = vector.shape_cast %swap3A_540 : vector<1x16xf32> to vector<16xf32>
    %swap3A_542 = vector.shape_cast %broadcast_in_dim3A_536 : vector<16xf32> to vector<1x16xf32>
    tpu.vector_store %arg6[%swap3A_538, %swap3A_539], %swap3A_542 {strides = array<i32>} : memref<128x16xf32, #tpu.memory_space<vmem>>, vector<1x16xf32>,
    %broadcast_in_dim3A_543 = arith.constant 1.000000e+00 : f32
    %broadcast_in_dim3A_544 = vector.broadcast %broadcast_in_dim3A_543 : f32 to vector<16xf32>
    %swap3A_545 = arith.constant 68 : i32
    %swap3A_546 = arith.index_cast %swap3A_545 : i32 to index
    %swap3A_547 = arith.constant 0 : index
    %swap3A_548 = tpu.vector_load %arg6[%swap3A_546, %swap3A_547] {strides = array<i32>} : memref<128x16xf32, #tpu.memory_space<vmem>>, vector<1x16xf32>,
    %swap3A_549 = vector.shape_cast %swap3A_548 : vector<1x16xf32> to vector<16xf32>
    %swap3A_550 = vector.shape_cast %broadcast_in_dim3A_544 : vector<16xf32> to vector<1x16xf32>
    tpu.vector_store %arg6[%swap3A_546, %swap3A_547], %swap3A_550 {strides = array<i32>} : memref<128x16xf32, #tpu.memory_space<vmem>>, vector<1x16xf32>,
    %broadcast_in_dim3A_551 = arith.constant 1.000000e+00 : f32
    %broadcast_in_dim3A_552 = vector.broadcast %broadcast_in_dim3A_551 : f32 to vector<16xf32>
    %swap3A_553 = arith.constant 69 : i32
    %swap3A_554 = arith.index_cast %swap3A_553 : i32 to index
    %swap3A_555 = arith.constant 0 : index
    %swap3A_556 = tpu.vector_load %arg6[%swap3A_554, %swap3A_555] {strides = array<i32>} : memref<128x16xf32, #tpu.memory_space<vmem>>, vector<1x16xf32>,
    %swap3A_557 = vector.shape_cast %swap3A_556 : vector<1x16xf32> to vector<16xf32>
    %swap3A_558 = vector.shape_cast %broadcast_in_dim3A_552 : vector<16xf32> to vector<1x16xf32>
    tpu.vector_store %arg6[%swap3A_554, %swap3A_555], %swap3A_558 {strides = array<i32>} : memref<128x16xf32, #tpu.memory_space<vmem>>, vector<1x16xf32>,
    %broadcast_in_dim3A_559 = arith.constant 1.000000e+00 : f32
    %broadcast_in_dim3A_560 = vector.broadcast %broadcast_in_dim3A_559 : f32 to vector<16xf32>
    %swap3A_561 = arith.constant 70 : i32
    %swap3A_562 = arith.index_cast %swap3A_561 : i32 to index
    %swap3A_563 = arith.constant 0 : index
    %swap3A_564 = tpu.vector_load %arg6[%swap3A_562, %swap3A_563] {strides = array<i32>} : memref<128x16xf32, #tpu.memory_space<vmem>>, vector<1x16xf32>,
    %swap3A_565 = vector.shape_cast %swap3A_564 : vector<1x16xf32> to vector<16xf32>
    %swap3A_566 = vector.shape_cast %broadcast_in_dim3A_560 : vector<16xf32> to vector<1x16xf32>
    tpu.vector_store %arg6[%swap3A_562, %swap3A_563], %swap3A_566 {strides = array<i32>} : memref<128x16xf32, #tpu.memory_space<vmem>>, vector<1x16xf32>,
    %broadcast_in_dim3A_567 = arith.constant 1.000000e+00 : f32
    %broadcast_in_dim3A_568 = vector.broadcast %broadcast_in_dim3A_567 : f32 to vector<16xf32>
    %swap3A_569 = arith.constant 71 : i32
    %swap3A_570 = arith.index_cast %swap3A_569 : i32 to index
    %swap3A_571 = arith.constant 0 : index
    %swap3A_572 = tpu.vector_load %arg6[%swap3A_570, %swap3A_571] {strides = array<i32>} : memref<128x16xf32, #tpu.memory_space<vmem>>, vector<1x16xf32>,
    %swap3A_573 = vector.shape_cast %swap3A_572 : vector<1x16xf32> to vector<16xf32>
    %swap3A_574 = vector.shape_cast %broadcast_in_dim3A_568 : vector<16xf32> to vector<1x16xf32>
    tpu.vector_store %arg6[%swap3A_570, %swap3A_571], %swap3A_574 {strides = array<i32>} : memref<128x16xf32, #tpu.memory_space<vmem>>, vector<1x16xf32>,
    %broadcast_in_dim3A_575 = arith.constant 1.000000e+00 : f32
    %broadcast_in_dim3A_576 = vector.broadcast %broadcast_in_dim3A_575 : f32 to vector<16xf32>
    %swap3A_577 = arith.constant 72 : i32
    %swap3A_578 = arith.index_cast %swap3A_577 : i32 to index
    %swap3A_579 = arith.constant 0 : index
    %swap3A_580 = tpu.vector_load %arg6[%swap3A_578, %swap3A_579] {strides = array<i32>} : memref<128x16xf32, #tpu.memory_space<vmem>>, vector<1x16xf32>,
    %swap3A_581 = vector.shape_cast %swap3A_580 : vector<1x16xf32> to vector<16xf32>
    %swap3A_582 = vector.shape_cast %broadcast_in_dim3A_576 : vector<16xf32> to vector<1x16xf32>
    tpu.vector_store %arg6[%swap3A_578, %swap3A_579], %swap3A_582 {strides = array<i32>} : memref<128x16xf32, #tpu.memory_space<vmem>>, vector<1x16xf32>,
    %broadcast_in_dim3A_583 = arith.constant 1.000000e+00 : f32
    %broadcast_in_dim3A_584 = vector.broadcast %broadcast_in_dim3A_583 : f32 to vector<16xf32>
    %swap3A_585 = arith.constant 73 : i32
    %swap3A_586 = arith.index_cast %swap3A_585 : i32 to index
    %swap3A_587 = arith.constant 0 : index
    %swap3A_588 = tpu.vector_load %arg6[%swap3A_586, %swap3A_587] {strides = array<i32>} : memref<128x16xf32, #tpu.memory_space<vmem>>, vector<1x16xf32>,
    %swap3A_589 = vector.shape_cast %swap3A_588 : vector<1x16xf32> to vector<16xf32>
    %swap3A_590 = vector.shape_cast %broadcast_in_dim3A_584 : vector<16xf32> to vector<1x16xf32>
    tpu.vector_store %arg6[%swap3A_586, %swap3A_587], %swap3A_590 {strides = array<i32>} : memref<128x16xf32, #tpu.memory_space<vmem>>, vector<1x16xf32>,
    %broadcast_in_dim3A_591 = arith.constant 1.000000e+00 : f32
    %broadcast_in_dim3A_592 = vector.broadcast %broadcast_in_dim3A_591 : f32 to vector<16xf32>
    %swap3A_593 = arith.constant 74 : i32
    %swap3A_594 = arith.index_cast %swap3A_593 : i32 to index
    %swap3A_595 = arith.constant 0 : index
    %swap3A_596 = tpu.vector_load %arg6[%swap3A_594, %swap3A_595] {strides = array<i32>} : memref<128x16xf32, #tpu.memory_space<vmem>>, vector<1x16xf32>,
    %swap3A_597 = vector.shape_cast %swap3A_596 : vector<1x16xf32> to vector<16xf32>
    %swap3A_598 = vector.shape_cast %broadcast_in_dim3A_592 : vector<16xf32> to vector<1x16xf32>
    tpu.vector_store %arg6[%swap3A_594, %swap3A_595], %swap3A_598 {strides = array<i32>} : memref<128x16xf32, #tpu.memory_space<vmem>>, vector<1x16xf32>,
    %broadcast_in_dim3A_599 = arith.constant 1.000000e+00 : f32
    %broadcast_in_dim3A_600 = vector.broadcast %broadcast_in_dim3A_599 : f32 to vector<16xf32>
    %swap3A_601 = arith.constant 75 : i32
    %swap3A_602 = arith.index_cast %swap3A_601 : i32 to index
    %swap3A_603 = arith.constant 0 : index
    %swap3A_604 = tpu.vector_load %arg6[%swap3A_602, %swap3A_603] {strides = array<i32>} : memref<128x16xf32, #tpu.memory_space<vmem>>, vector<1x16xf32>,
    %swap3A_605 = vector.shape_cast %swap3A_604 : vector<1x16xf32> to vector<16xf32>
    %swap3A_606 = vector.shape_cast %broadcast_in_dim3A_600 : vector<16xf32> to vector<1x16xf32>
    tpu.vector_store %arg6[%swap3A_602, %swap3A_603], %swap3A_606 {strides = array<i32>} : memref<128x16xf32, #tpu.memory_space<vmem>>, vector<1x16xf32>,
    %broadcast_in_dim3A_607 = arith.constant 1.000000e+00 : f32
    %broadcast_in_dim3A_608 = vector.broadcast %broadcast_in_dim3A_607 : f32 to vector<16xf32>
    %swap3A_609 = arith.constant 76 : i32
    %swap3A_610 = arith.index_cast %swap3A_609 : i32 to index
    %swap3A_611 = arith.constant 0 : index
    %swap3A_612 = tpu.vector_load %arg6[%swap3A_610, %swap3A_611] {strides = array<i32>} : memref<128x16xf32, #tpu.memory_space<vmem>>, vector<1x16xf32>,
    %swap3A_613 = vector.shape_cast %swap3A_612 : vector<1x16xf32> to vector<16xf32>
    %swap3A_614 = vector.shape_cast %broadcast_in_dim3A_608 : vector<16xf32> to vector<1x16xf32>
    tpu.vector_store %arg6[%swap3A_610, %swap3A_611], %swap3A_614 {strides = array<i32>} : memref<128x16xf32, #tpu.memory_space<vmem>>, vector<1x16xf32>,
    %broadcast_in_dim3A_615 = arith.constant 1.000000e+00 : f32
    %broadcast_in_dim3A_616 = vector.broadcast %broadcast_in_dim3A_615 : f32 to vector<16xf32>
    %swap3A_617 = arith.constant 77 : i32
    %swap3A_618 = arith.index_cast %swap3A_617 : i32 to index
    %swap3A_619 = arith.constant 0 : index
    %swap3A_620 = tpu.vector_load %arg6[%swap3A_618, %swap3A_619] {strides = array<i32>} : memref<128x16xf32, #tpu.memory_space<vmem>>, vector<1x16xf32>,
    %swap3A_621 = vector.shape_cast %swap3A_620 : vector<1x16xf32> to vector<16xf32>
    %swap3A_622 = vector.shape_cast %broadcast_in_dim3A_616 : vector<16xf32> to vector<1x16xf32>
    tpu.vector_store %arg6[%swap3A_618, %swap3A_619], %swap3A_622 {strides = array<i32>} : memref<128x16xf32, #tpu.memory_space<vmem>>, vector<1x16xf32>,
    %broadcast_in_dim3A_623 = arith.constant 1.000000e+00 : f32
    %broadcast_in_dim3A_624 = vector.broadcast %broadcast_in_dim3A_623 : f32 to vector<16xf32>
    %swap3A_625 = arith.constant 78 : i32
    %swap3A_626 = arith.index_cast %swap3A_625 : i32 to index
    %swap3A_627 = arith.constant 0 : index
    %swap3A_628 = tpu.vector_load %arg6[%swap3A_626, %swap3A_627] {strides = array<i32>} : memref<128x16xf32, #tpu.memory_space<vmem>>, vector<1x16xf32>,
    %swap3A_629 = vector.shape_cast %swap3A_628 : vector<1x16xf32> to vector<16xf32>
    %swap3A_630 = vector.shape_cast %broadcast_in_dim3A_624 : vector<16xf32> to vector<1x16xf32>
    tpu.vector_store %arg6[%swap3A_626, %swap3A_627], %swap3A_630 {strides = array<i32>} : memref<128x16xf32, #tpu.memory_space<vmem>>, vector<1x16xf32>,
    %broadcast_in_dim3A_631 = arith.constant 1.000000e+00 : f32
    %broadcast_in_dim3A_632 = vector.broadcast %broadcast_in_dim3A_631 : f32 to vector<16xf32>
    %swap3A_633 = arith.constant 79 : i32
    %swap3A_634 = arith.index_cast %swap3A_633 : i32 to index
    %swap3A_635 = arith.constant 0 : index
    %swap3A_636 = tpu.vector_load %arg6[%swap3A_634, %swap3A_635] {strides = array<i32>} : memref<128x16xf32, #tpu.memory_space<vmem>>, vector<1x16xf32>,
    %swap3A_637 = vector.shape_cast %swap3A_636 : vector<1x16xf32> to vector<16xf32>
    %swap3A_638 = vector.shape_cast %broadcast_in_dim3A_632 : vector<16xf32> to vector<1x16xf32>
    tpu.vector_store %arg6[%swap3A_634, %swap3A_635], %swap3A_638 {strides = array<i32>} : memref<128x16xf32, #tpu.memory_space<vmem>>, vector<1x16xf32>,
    %broadcast_in_dim3A_639 = arith.constant 1.000000e+00 : f32
    %broadcast_in_dim3A_640 = vector.broadcast %broadcast_in_dim3A_639 : f32 to vector<16xf32>
    %swap3A_641 = arith.constant 80 : i32
    %swap3A_642 = arith.index_cast %swap3A_641 : i32 to index
    %swap3A_643 = arith.constant 0 : index
    %swap3A_644 = tpu.vector_load %arg6[%swap3A_642, %swap3A_643] {strides = array<i32>} : memref<128x16xf32, #tpu.memory_space<vmem>>, vector<1x16xf32>,
    %swap3A_645 = vector.shape_cast %swap3A_644 : vector<1x16xf32> to vector<16xf32>
    %swap3A_646 = vector.shape_cast %broadcast_in_dim3A_640 : vector<16xf32> to vector<1x16xf32>
    tpu.vector_store %arg6[%swap3A_642, %swap3A_643], %swap3A_646 {strides = array<i32>} : memref<128x16xf32, #tpu.memory_space<vmem>>, vector<1x16xf32>,
    %broadcast_in_dim3A_647 = arith.constant 1.000000e+00 : f32
    %broadcast_in_dim3A_648 = vector.broadcast %broadcast_in_dim3A_647 : f32 to vector<16xf32>
    %swap3A_649 = arith.constant 81 : i32
    %swap3A_650 = arith.index_cast %swap3A_649 : i32 to index
    %swap3A_651 = arith.constant 0 : index
    %swap3A_652 = tpu.vector_load %arg6[%swap3A_650, %swap3A_651] {strides = array<i32>} : memref<128x16xf32, #tpu.memory_space<vmem>>, vector<1x16xf32>,
    %swap3A_653 = vector.shape_cast %swap3A_652 : vector<1x16xf32> to vector<16xf32>
    %swap3A_654 = vector.shape_cast %broadcast_in_dim3A_648 : vector<16xf32> to vector<1x16xf32>
    tpu.vector_store %arg6[%swap3A_650, %swap3A_651], %swap3A_654 {strides = array<i32>} : memref<128x16xf32, #tpu.memory_space<vmem>>, vector<1x16xf32>,
    %broadcast_in_dim3A_655 = arith.constant 1.000000e+00 : f32
    %broadcast_in_dim3A_656 = vector.broadcast %broadcast_in_dim3A_655 : f32 to vector<16xf32>
    %swap3A_657 = arith.constant 82 : i32
    %swap3A_658 = arith.index_cast %swap3A_657 : i32 to index
    %swap3A_659 = arith.constant 0 : index
    %swap3A_660 = tpu.vector_load %arg6[%swap3A_658, %swap3A_659] {strides = array<i32>} : memref<128x16xf32, #tpu.memory_space<vmem>>, vector<1x16xf32>,
    %swap3A_661 = vector.shape_cast %swap3A_660 : vector<1x16xf32> to vector<16xf32>
    %swap3A_662 = vector.shape_cast %broadcast_in_dim3A_656 : vector<16xf32> to vector<1x16xf32>
    tpu.vector_store %arg6[%swap3A_658, %swap3A_659], %swap3A_662 {strides = array<i32>} : memref<128x16xf32, #tpu.memory_space<vmem>>, vector<1x16xf32>,
    %broadcast_in_dim3A_663 = arith.constant 1.000000e+00 : f32
    %broadcast_in_dim3A_664 = vector.broadcast %broadcast_in_dim3A_663 : f32 to vector<16xf32>
    %swap3A_665 = arith.constant 83 : i32
    %swap3A_666 = arith.index_cast %swap3A_665 : i32 to index
    %swap3A_667 = arith.constant 0 : index
    %swap3A_668 = tpu.vector_load %arg6[%swap3A_666, %swap3A_667] {strides = array<i32>} : memref<128x16xf32, #tpu.memory_space<vmem>>, vector<1x16xf32>,
    %swap3A_669 = vector.shape_cast %swap3A_668 : vector<1x16xf32> to vector<16xf32>
    %swap3A_670 = vector.shape_cast %broadcast_in_dim3A_664 : vector<16xf32> to vector<1x16xf32>
    tpu.vector_store %arg6[%swap3A_666, %swap3A_667], %swap3A_670 {strides = array<i32>} : memref<128x16xf32, #tpu.memory_space<vmem>>, vector<1x16xf32>,
    %broadcast_in_dim3A_671 = arith.constant 1.000000e+00 : f32
    %broadcast_in_dim3A_672 = vector.broadcast %broadcast_in_dim3A_671 : f32 to vector<16xf32>
    %swap3A_673 = arith.constant 84 : i32
    %swap3A_674 = arith.index_cast %swap3A_673 : i32 to index
    %swap3A_675 = arith.constant 0 : index
    %swap3A_676 = tpu.vector_load %arg6[%swap3A_674, %swap3A_675] {strides = array<i32>} : memref<128x16xf32, #tpu.memory_space<vmem>>, vector<1x16xf32>,
    %swap3A_677 = vector.shape_cast %swap3A_676 : vector<1x16xf32> to vector<16xf32>
    %swap3A_678 = vector.shape_cast %broadcast_in_dim3A_672 : vector<16xf32> to vector<1x16xf32>
    tpu.vector_store %arg6[%swap3A_674, %swap3A_675], %swap3A_678 {strides = array<i32>} : memref<128x16xf32, #tpu.memory_space<vmem>>, vector<1x16xf32>,
    %broadcast_in_dim3A_679 = arith.constant 1.000000e+00 : f32
    %broadcast_in_dim3A_680 = vector.broadcast %broadcast_in_dim3A_679 : f32 to vector<16xf32>
    %swap3A_681 = arith.constant 85 : i32
    %swap3A_682 = arith.index_cast %swap3A_681 : i32 to index
    %swap3A_683 = arith.constant 0 : index
    %swap3A_684 = tpu.vector_load %arg6[%swap3A_682, %swap3A_683] {strides = array<i32>} : memref<128x16xf32, #tpu.memory_space<vmem>>, vector<1x16xf32>,
    %swap3A_685 = vector.shape_cast %swap3A_684 : vector<1x16xf32> to vector<16xf32>
    %swap3A_686 = vector.shape_cast %broadcast_in_dim3A_680 : vector<16xf32> to vector<1x16xf32>
    tpu.vector_store %arg6[%swap3A_682, %swap3A_683], %swap3A_686 {strides = array<i32>} : memref<128x16xf32, #tpu.memory_space<vmem>>, vector<1x16xf32>,
    %broadcast_in_dim3A_687 = arith.constant 1.000000e+00 : f32
    %broadcast_in_dim3A_688 = vector.broadcast %broadcast_in_dim3A_687 : f32 to vector<16xf32>
    %swap3A_689 = arith.constant 86 : i32
    %swap3A_690 = arith.index_cast %swap3A_689 : i32 to index
    %swap3A_691 = arith.constant 0 : index
    %swap3A_692 = tpu.vector_load %arg6[%swap3A_690, %swap3A_691] {strides = array<i32>} : memref<128x16xf32, #tpu.memory_space<vmem>>, vector<1x16xf32>,
    %swap3A_693 = vector.shape_cast %swap3A_692 : vector<1x16xf32> to vector<16xf32>
    %swap3A_694 = vector.shape_cast %broadcast_in_dim3A_688 : vector<16xf32> to vector<1x16xf32>
    tpu.vector_store %arg6[%swap3A_690, %swap3A_691], %swap3A_694 {strides = array<i32>} : memref<128x16xf32, #tpu.memory_space<vmem>>, vector<1x16xf32>,
    %broadcast_in_dim3A_695 = arith.constant 1.000000e+00 : f32
    %broadcast_in_dim3A_696 = vector.broadcast %broadcast_in_dim3A_695 : f32 to vector<16xf32>
    %swap3A_697 = arith.constant 87 : i32
    %swap3A_698 = arith.index_cast %swap3A_697 : i32 to index
    %swap3A_699 = arith.constant 0 : index
    %swap3A_700 = tpu.vector_load %arg6[%swap3A_698, %swap3A_699] {strides = array<i32>} : memref<128x16xf32, #tpu.memory_space<vmem>>, vector<1x16xf32>,
    %swap3A_701 = vector.shape_cast %swap3A_700 : vector<1x16xf32> to vector<16xf32>
    %swap3A_702 = vector.shape_cast %broadcast_in_dim3A_696 : vector<16xf32> to vector<1x16xf32>
    tpu.vector_store %arg6[%swap3A_698, %swap3A_699], %swap3A_702 {strides = array<i32>} : memref<128x16xf32, #tpu.memory_space<vmem>>, vector<1x16xf32>,
    %broadcast_in_dim3A_703 = arith.constant 1.000000e+00 : f32
    %broadcast_in_dim3A_704 = vector.broadcast %broadcast_in_dim3A_703 : f32 to vector<16xf32>
    %swap3A_705 = arith.constant 88 : i32
    %swap3A_706 = arith.index_cast %swap3A_705 : i32 to index
    %swap3A_707 = arith.constant 0 : index
    %swap3A_708 = tpu.vector_load %arg6[%swap3A_706, %swap3A_707] {strides = array<i32>} : memref<128x16xf32, #tpu.memory_space<vmem>>, vector<1x16xf32>,
    %swap3A_709 = vector.shape_cast %swap3A_708 : vector<1x16xf32> to vector<16xf32>
    %swap3A_710 = vector.shape_cast %broadcast_in_dim3A_704 : vector<16xf32> to vector<1x16xf32>
    tpu.vector_store %arg6[%swap3A_706, %swap3A_707], %swap3A_710 {strides = array<i32>} : memref<128x16xf32, #tpu.memory_space<vmem>>, vector<1x16xf32>,
    %broadcast_in_dim3A_711 = arith.constant 1.000000e+00 : f32
    %broadcast_in_dim3A_712 = vector.broadcast %broadcast_in_dim3A_711 : f32 to vector<16xf32>
    %swap3A_713 = arith.constant 89 : i32
    %swap3A_714 = arith.index_cast %swap3A_713 : i32 to index
    %swap3A_715 = arith.constant 0 : index
    %swap3A_716 = tpu.vector_load %arg6[%swap3A_714, %swap3A_715] {strides = array<i32>} : memref<128x16xf32, #tpu.memory_space<vmem>>, vector<1x16xf32>,
    %swap3A_717 = vector.shape_cast %swap3A_716 : vector<1x16xf32> to vector<16xf32>
    %swap3A_718 = vector.shape_cast %broadcast_in_dim3A_712 : vector<16xf32> to vector<1x16xf32>
    tpu.vector_store %arg6[%swap3A_714, %swap3A_715], %swap3A_718 {strides = array<i32>} : memref<128x16xf32, #tpu.memory_space<vmem>>, vector<1x16xf32>,
    %broadcast_in_dim3A_719 = arith.constant 1.000000e+00 : f32
    %broadcast_in_dim3A_720 = vector.broadcast %broadcast_in_dim3A_719 : f32 to vector<16xf32>
    %swap3A_721 = arith.constant 90 : i32
    %swap3A_722 = arith.index_cast %swap3A_721 : i32 to index
    %swap3A_723 = arith.constant 0 : index
    %swap3A_724 = tpu.vector_load %arg6[%swap3A_722, %swap3A_723] {strides = array<i32>} : memref<128x16xf32, #tpu.memory_space<vmem>>, vector<1x16xf32>,
    %swap3A_725 = vector.shape_cast %swap3A_724 : vector<1x16xf32> to vector<16xf32>
    %swap3A_726 = vector.shape_cast %broadcast_in_dim3A_720 : vector<16xf32> to vector<1x16xf32>
    tpu.vector_store %arg6[%swap3A_722, %swap3A_723], %swap3A_726 {strides = array<i32>} : memref<128x16xf32, #tpu.memory_space<vmem>>, vector<1x16xf32>,
    %broadcast_in_dim3A_727 = arith.constant 1.000000e+00 : f32
    %broadcast_in_dim3A_728 = vector.broadcast %broadcast_in_dim3A_727 : f32 to vector<16xf32>
    %swap3A_729 = arith.constant 91 : i32
    %swap3A_730 = arith.index_cast %swap3A_729 : i32 to index
    %swap3A_731 = arith.constant 0 : index
    %swap3A_732 = tpu.vector_load %arg6[%swap3A_730, %swap3A_731] {strides = array<i32>} : memref<128x16xf32, #tpu.memory_space<vmem>>, vector<1x16xf32>,
    %swap3A_733 = vector.shape_cast %swap3A_732 : vector<1x16xf32> to vector<16xf32>
    %swap3A_734 = vector.shape_cast %broadcast_in_dim3A_728 : vector<16xf32> to vector<1x16xf32>
    tpu.vector_store %arg6[%swap3A_730, %swap3A_731], %swap3A_734 {strides = array<i32>} : memref<128x16xf32, #tpu.memory_space<vmem>>, vector<1x16xf32>,
    %broadcast_in_dim3A_735 = arith.constant 1.000000e+00 : f32
    %broadcast_in_dim3A_736 = vector.broadcast %broadcast_in_dim3A_735 : f32 to vector<16xf32>
    %swap3A_737 = arith.constant 92 : i32
    %swap3A_738 = arith.index_cast %swap3A_737 : i32 to index
    %swap3A_739 = arith.constant 0 : index
    %swap3A_740 = tpu.vector_load %arg6[%swap3A_738, %swap3A_739] {strides = array<i32>} : memref<128x16xf32, #tpu.memory_space<vmem>>, vector<1x16xf32>,
    %swap3A_741 = vector.shape_cast %swap3A_740 : vector<1x16xf32> to vector<16xf32>
    %swap3A_742 = vector.shape_cast %broadcast_in_dim3A_736 : vector<16xf32> to vector<1x16xf32>
    tpu.vector_store %arg6[%swap3A_738, %swap3A_739], %swap3A_742 {strides = array<i32>} : memref<128x16xf32, #tpu.memory_space<vmem>>, vector<1x16xf32>,
    %broadcast_in_dim3A_743 = arith.constant 1.000000e+00 : f32
    %broadcast_in_dim3A_744 = vector.broadcast %broadcast_in_dim3A_743 : f32 to vector<16xf32>
    %swap3A_745 = arith.constant 93 : i32
    %swap3A_746 = arith.index_cast %swap3A_745 : i32 to index
    %swap3A_747 = arith.constant 0 : index
    %swap3A_748 = tpu.vector_load %arg6[%swap3A_746, %swap3A_747] {strides = array<i32>} : memref<128x16xf32, #tpu.memory_space<vmem>>, vector<1x16xf32>,
    %swap3A_749 = vector.shape_cast %swap3A_748 : vector<1x16xf32> to vector<16xf32>
    %swap3A_750 = vector.shape_cast %broadcast_in_dim3A_744 : vector<16xf32> to vector<1x16xf32>
    tpu.vector_store %arg6[%swap3A_746, %swap3A_747], %swap3A_750 {strides = array<i32>} : memref<128x16xf32, #tpu.memory_space<vmem>>, vector<1x16xf32>,
    %broadcast_in_dim3A_751 = arith.constant 1.000000e+00 : f32
    %broadcast_in_dim3A_752 = vector.broadcast %broadcast_in_dim3A_751 : f32 to vector<16xf32>
    %swap3A_753 = arith.constant 94 : i32
    %swap3A_754 = arith.index_cast %swap3A_753 : i32 to index
    %swap3A_755 = arith.constant 0 : index
    %swap3A_756 = tpu.vector_load %arg6[%swap3A_754, %swap3A_755] {strides = array<i32>} : memref<128x16xf32, #tpu.memory_space<vmem>>, vector<1x16xf32>,
    %swap3A_757 = vector.shape_cast %swap3A_756 : vector<1x16xf32> to vector<16xf32>
    %swap3A_758 = vector.shape_cast %broadcast_in_dim3A_752 : vector<16xf32> to vector<1x16xf32>
    tpu.vector_store %arg6[%swap3A_754, %swap3A_755], %swap3A_758 {strides = array<i32>} : memref<128x16xf32, #tpu.memory_space<vmem>>, vector<1x16xf32>,
    %broadcast_in_dim3A_759 = arith.constant 1.000000e+00 : f32
    %broadcast_in_dim3A_760 = vector.broadcast %broadcast_in_dim3A_759 : f32 to vector<16xf32>
    %swap3A_761 = arith.constant 95 : i32
    %swap3A_762 = arith.index_cast %swap3A_761 : i32 to index
    %swap3A_763 = arith.constant 0 : index
    %swap3A_764 = tpu.vector_load %arg6[%swap3A_762, %swap3A_763] {strides = array<i32>} : memref<128x16xf32, #tpu.memory_space<vmem>>, vector<1x16xf32>,
    %swap3A_765 = vector.shape_cast %swap3A_764 : vector<1x16xf32> to vector<16xf32>
    %swap3A_766 = vector.shape_cast %broadcast_in_dim3A_760 : vector<16xf32> to vector<1x16xf32>
    tpu.vector_store %arg6[%swap3A_762, %swap3A_763], %swap3A_766 {strides = array<i32>} : memref<128x16xf32, #tpu.memory_space<vmem>>, vector<1x16xf32>,
    %broadcast_in_dim3A_767 = arith.constant 1.000000e+00 : f32
    %broadcast_in_dim3A_768 = vector.broadcast %broadcast_in_dim3A_767 : f32 to vector<16xf32>
    %swap3A_769 = arith.constant 96 : i32
    %swap3A_770 = arith.index_cast %swap3A_769 : i32 to index
    %swap3A_771 = arith.constant 0 : index
    %swap3A_772 = tpu.vector_load %arg6[%swap3A_770, %swap3A_771] {strides = array<i32>} : memref<128x16xf32, #tpu.memory_space<vmem>>, vector<1x16xf32>,
    %swap3A_773 = vector.shape_cast %swap3A_772 : vector<1x16xf32> to vector<16xf32>
    %swap3A_774 = vector.shape_cast %broadcast_in_dim3A_768 : vector<16xf32> to vector<1x16xf32>
    tpu.vector_store %arg6[%swap3A_770, %swap3A_771], %swap3A_774 {strides = array<i32>} : memref<128x16xf32, #tpu.memory_space<vmem>>, vector<1x16xf32>,
    %broadcast_in_dim3A_775 = arith.constant 1.000000e+00 : f32
    %broadcast_in_dim3A_776 = vector.broadcast %broadcast_in_dim3A_775 : f32 to vector<16xf32>
    %swap3A_777 = arith.constant 97 : i32
    %swap3A_778 = arith.index_cast %swap3A_777 : i32 to index
    %swap3A_779 = arith.constant 0 : index
    %swap3A_780 = tpu.vector_load %arg6[%swap3A_778, %swap3A_779] {strides = array<i32>} : memref<128x16xf32, #tpu.memory_space<vmem>>, vector<1x16xf32>,
    %swap3A_781 = vector.shape_cast %swap3A_780 : vector<1x16xf32> to vector<16xf32>
    %swap3A_782 = vector.shape_cast %broadcast_in_dim3A_776 : vector<16xf32> to vector<1x16xf32>
    tpu.vector_store %arg6[%swap3A_778, %swap3A_779], %swap3A_782 {strides = array<i32>} : memref<128x16xf32, #tpu.memory_space<vmem>>, vector<1x16xf32>,
    %broadcast_in_dim3A_783 = arith.constant 1.000000e+00 : f32
    %broadcast_in_dim3A_784 = vector.broadcast %broadcast_in_dim3A_783 : f32 to vector<16xf32>
    %swap3A_785 = arith.constant 98 : i32
    %swap3A_786 = arith.index_cast %swap3A_785 : i32 to index
    %swap3A_787 = arith.constant 0 : index
    %swap3A_788 = tpu.vector_load %arg6[%swap3A_786, %swap3A_787] {strides = array<i32>} : memref<128x16xf32, #tpu.memory_space<vmem>>, vector<1x16xf32>,
    %swap3A_789 = vector.shape_cast %swap3A_788 : vector<1x16xf32> to vector<16xf32>
    %swap3A_790 = vector.shape_cast %broadcast_in_dim3A_784 : vector<16xf32> to vector<1x16xf32>
    tpu.vector_store %arg6[%swap3A_786, %swap3A_787], %swap3A_790 {strides = array<i32>} : memref<128x16xf32, #tpu.memory_space<vmem>>, vector<1x16xf32>,
    %broadcast_in_dim3A_791 = arith.constant 1.000000e+00 : f32
    %broadcast_in_dim3A_792 = vector.broadcast %broadcast_in_dim3A_791 : f32 to vector<16xf32>
    %swap3A_793 = arith.constant 99 : i32
    %swap3A_794 = arith.index_cast %swap3A_793 : i32 to index
    %swap3A_795 = arith.constant 0 : index
    %swap3A_796 = tpu.vector_load %arg6[%swap3A_794, %swap3A_795] {strides = array<i32>} : memref<128x16xf32, #tpu.memory_space<vmem>>, vector<1x16xf32>,
    %swap3A_797 = vector.shape_cast %swap3A_796 : vector<1x16xf32> to vector<16xf32>
    %swap3A_798 = vector.shape_cast %broadcast_in_dim3A_792 : vector<16xf32> to vector<1x16xf32>
    tpu.vector_store %arg6[%swap3A_794, %swap3A_795], %swap3A_798 {strides = array<i32>} : memref<128x16xf32, #tpu.memory_space<vmem>>, vector<1x16xf32>,
    %broadcast_in_dim3A_799 = arith.constant 1.000000e+00 : f32
    %broadcast_in_dim3A_800 = vector.broadcast %broadcast_in_dim3A_799 : f32 to vector<16xf32>
    %swap3A_801 = arith.constant 100 : i32
    %swap3A_802 = arith.index_cast %swap3A_801 : i32 to index
    %swap3A_803 = arith.constant 0 : index
    %swap3A_804 = tpu.vector_load %arg6[%swap3A_802, %swap3A_803] {strides = array<i32>} : memref<128x16xf32, #tpu.memory_space<vmem>>, vector<1x16xf32>,
    %swap3A_805 = vector.shape_cast %swap3A_804 : vector<1x16xf32> to vector<16xf32>
    %swap3A_806 = vector.shape_cast %broadcast_in_dim3A_800 : vector<16xf32> to vector<1x16xf32>
    tpu.vector_store %arg6[%swap3A_802, %swap3A_803], %swap3A_806 {strides = array<i32>} : memref<128x16xf32, #tpu.memory_space<vmem>>, vector<1x16xf32>,
    %broadcast_in_dim3A_807 = arith.constant 1.000000e+00 : f32
    %broadcast_in_dim3A_808 = vector.broadcast %broadcast_in_dim3A_807 : f32 to vector<16xf32>
    %swap3A_809 = arith.constant 101 : i32
    %swap3A_810 = arith.index_cast %swap3A_809 : i32 to index
    %swap3A_811 = arith.constant 0 : index
    %swap3A_812 = tpu.vector_load %arg6[%swap3A_810, %swap3A_811] {strides = array<i32>} : memref<128x16xf32, #tpu.memory_space<vmem>>, vector<1x16xf32>,
    %swap3A_813 = vector.shape_cast %swap3A_812 : vector<1x16xf32> to vector<16xf32>
    %swap3A_814 = vector.shape_cast %broadcast_in_dim3A_808 : vector<16xf32> to vector<1x16xf32>
    tpu.vector_store %arg6[%swap3A_810, %swap3A_811], %swap3A_814 {strides = array<i32>} : memref<128x16xf32, #tpu.memory_space<vmem>>, vector<1x16xf32>,
    %broadcast_in_dim3A_815 = arith.constant 1.000000e+00 : f32
    %broadcast_in_dim3A_816 = vector.broadcast %broadcast_in_dim3A_815 : f32 to vector<16xf32>
    %swap3A_817 = arith.constant 102 : i32
    %swap3A_818 = arith.index_cast %swap3A_817 : i32 to index
    %swap3A_819 = arith.constant 0 : index
    %swap3A_820 = tpu.vector_load %arg6[%swap3A_818, %swap3A_819] {strides = array<i32>} : memref<128x16xf32, #tpu.memory_space<vmem>>, vector<1x16xf32>,
    %swap3A_821 = vector.shape_cast %swap3A_820 : vector<1x16xf32> to vector<16xf32>
    %swap3A_822 = vector.shape_cast %broadcast_in_dim3A_816 : vector<16xf32> to vector<1x16xf32>
    tpu.vector_store %arg6[%swap3A_818, %swap3A_819], %swap3A_822 {strides = array<i32>} : memref<128x16xf32, #tpu.memory_space<vmem>>, vector<1x16xf32>,
    %broadcast_in_dim3A_823 = arith.constant 1.000000e+00 : f32
    %broadcast_in_dim3A_824 = vector.broadcast %broadcast_in_dim3A_823 : f32 to vector<16xf32>
    %swap3A_825 = arith.constant 103 : i32
    %swap3A_826 = arith.index_cast %swap3A_825 : i32 to index
    %swap3A_827 = arith.constant 0 : index
    %swap3A_828 = tpu.vector_load %arg6[%swap3A_826, %swap3A_827] {strides = array<i32>} : memref<128x16xf32, #tpu.memory_space<vmem>>, vector<1x16xf32>,
    %swap3A_829 = vector.shape_cast %swap3A_828 : vector<1x16xf32> to vector<16xf32>
    %swap3A_830 = vector.shape_cast %broadcast_in_dim3A_824 : vector<16xf32> to vector<1x16xf32>
    tpu.vector_store %arg6[%swap3A_826, %swap3A_827], %swap3A_830 {strides = array<i32>} : memref<128x16xf32, #tpu.memory_space<vmem>>, vector<1x16xf32>,
    %broadcast_in_dim3A_831 = arith.constant 1.000000e+00 : f32
    %broadcast_in_dim3A_832 = vector.broadcast %broadcast_in_dim3A_831 : f32 to vector<16xf32>
    %swap3A_833 = arith.constant 104 : i32
    %swap3A_834 = arith.index_cast %swap3A_833 : i32 to index
    %swap3A_835 = arith.constant 0 : index
    %swap3A_836 = tpu.vector_load %arg6[%swap3A_834, %swap3A_835] {strides = array<i32>} : memref<128x16xf32, #tpu.memory_space<vmem>>, vector<1x16xf32>,
    %swap3A_837 = vector.shape_cast %swap3A_836 : vector<1x16xf32> to vector<16xf32>
    %swap3A_838 = vector.shape_cast %broadcast_in_dim3A_832 : vector<16xf32> to vector<1x16xf32>
    tpu.vector_store %arg6[%swap3A_834, %swap3A_835], %swap3A_838 {strides = array<i32>} : memref<128x16xf32, #tpu.memory_space<vmem>>, vector<1x16xf32>,
    %broadcast_in_dim3A_839 = arith.constant 1.000000e+00 : f32
    %broadcast_in_dim3A_840 = vector.broadcast %broadcast_in_dim3A_839 : f32 to vector<16xf32>
    %swap3A_841 = arith.constant 105 : i32
    %swap3A_842 = arith.index_cast %swap3A_841 : i32 to index
    %swap3A_843 = arith.constant 0 : index
    %swap3A_844 = tpu.vector_load %arg6[%swap3A_842, %swap3A_843] {strides = array<i32>} : memref<128x16xf32, #tpu.memory_space<vmem>>, vector<1x16xf32>,
    %swap3A_845 = vector.shape_cast %swap3A_844 : vector<1x16xf32> to vector<16xf32>
    %swap3A_846 = vector.shape_cast %broadcast_in_dim3A_840 : vector<16xf32> to vector<1x16xf32>
    tpu.vector_store %arg6[%swap3A_842, %swap3A_843], %swap3A_846 {strides = array<i32>} : memref<128x16xf32, #tpu.memory_space<vmem>>, vector<1x16xf32>,
    %broadcast_in_dim3A_847 = arith.constant 1.000000e+00 : f32
    %broadcast_in_dim3A_848 = vector.broadcast %broadcast_in_dim3A_847 : f32 to vector<16xf32>
    %swap3A_849 = arith.constant 106 : i32
    %swap3A_850 = arith.index_cast %swap3A_849 : i32 to index
    %swap3A_851 = arith.constant 0 : index
    %swap3A_852 = tpu.vector_load %arg6[%swap3A_850, %swap3A_851] {strides = array<i32>} : memref<128x16xf32, #tpu.memory_space<vmem>>, vector<1x16xf32>,
    %swap3A_853 = vector.shape_cast %swap3A_852 : vector<1x16xf32> to vector<16xf32>
    %swap3A_854 = vector.shape_cast %broadcast_in_dim3A_848 : vector<16xf32> to vector<1x16xf32>
    tpu.vector_store %arg6[%swap3A_850, %swap3A_851], %swap3A_854 {strides = array<i32>} : memref<128x16xf32, #tpu.memory_space<vmem>>, vector<1x16xf32>,
    %broadcast_in_dim3A_855 = arith.constant 1.000000e+00 : f32
    %broadcast_in_dim3A_856 = vector.broadcast %broadcast_in_dim3A_855 : f32 to vector<16xf32>
    %swap3A_857 = arith.constant 107 : i32
    %swap3A_858 = arith.index_cast %swap3A_857 : i32 to index
    %swap3A_859 = arith.constant 0 : index
    %swap3A_860 = tpu.vector_load %arg6[%swap3A_858, %swap3A_859] {strides = array<i32>} : memref<128x16xf32, #tpu.memory_space<vmem>>, vector<1x16xf32>,
    %swap3A_861 = vector.shape_cast %swap3A_860 : vector<1x16xf32> to vector<16xf32>
    %swap3A_862 = vector.shape_cast %broadcast_in_dim3A_856 : vector<16xf32> to vector<1x16xf32>
    tpu.vector_store %arg6[%swap3A_858, %swap3A_859], %swap3A_862 {strides = array<i32>} : memref<128x16xf32, #tpu.memory_space<vmem>>, vector<1x16xf32>,
    %broadcast_in_dim3A_863 = arith.constant 1.000000e+00 : f32
    %broadcast_in_dim3A_864 = vector.broadcast %broadcast_in_dim3A_863 : f32 to vector<16xf32>
    %swap3A_865 = arith.constant 108 : i32
    %swap3A_866 = arith.index_cast %swap3A_865 : i32 to index
    %swap3A_867 = arith.constant 0 : index
    %swap3A_868 = tpu.vector_load %arg6[%swap3A_866, %swap3A_867] {strides = array<i32>} : memref<128x16xf32, #tpu.memory_space<vmem>>, vector<1x16xf32>,
    %swap3A_869 = vector.shape_cast %swap3A_868 : vector<1x16xf32> to vector<16xf32>
    %swap3A_870 = vector.shape_cast %broadcast_in_dim3A_864 : vector<16xf32> to vector<1x16xf32>
    tpu.vector_store %arg6[%swap3A_866, %swap3A_867], %swap3A_870 {strides = array<i32>} : memref<128x16xf32, #tpu.memory_space<vmem>>, vector<1x16xf32>,
    %broadcast_in_dim3A_871 = arith.constant 1.000000e+00 : f32
    %broadcast_in_dim3A_872 = vector.broadcast %broadcast_in_dim3A_871 : f32 to vector<16xf32>
    %swap3A_873 = arith.constant 109 : i32
    %swap3A_874 = arith.index_cast %swap3A_873 : i32 to index
    %swap3A_875 = arith.constant 0 : index
    %swap3A_876 = tpu.vector_load %arg6[%swap3A_874, %swap3A_875] {strides = array<i32>} : memref<128x16xf32, #tpu.memory_space<vmem>>, vector<1x16xf32>,
    %swap3A_877 = vector.shape_cast %swap3A_876 : vector<1x16xf32> to vector<16xf32>
    %swap3A_878 = vector.shape_cast %broadcast_in_dim3A_872 : vector<16xf32> to vector<1x16xf32>
    tpu.vector_store %arg6[%swap3A_874, %swap3A_875], %swap3A_878 {strides = array<i32>} : memref<128x16xf32, #tpu.memory_space<vmem>>, vector<1x16xf32>,
    %broadcast_in_dim3A_879 = arith.constant 1.000000e+00 : f32
    %broadcast_in_dim3A_880 = vector.broadcast %broadcast_in_dim3A_879 : f32 to vector<16xf32>
    %swap3A_881 = arith.constant 110 : i32
    %swap3A_882 = arith.index_cast %swap3A_881 : i32 to index
    %swap3A_883 = arith.constant 0 : index
    %swap3A_884 = tpu.vector_load %arg6[%swap3A_882, %swap3A_883] {strides = array<i32>} : memref<128x16xf32, #tpu.memory_space<vmem>>, vector<1x16xf32>,
    %swap3A_885 = vector.shape_cast %swap3A_884 : vector<1x16xf32> to vector<16xf32>
    %swap3A_886 = vector.shape_cast %broadcast_in_dim3A_880 : vector<16xf32> to vector<1x16xf32>
    tpu.vector_store %arg6[%swap3A_882, %swap3A_883], %swap3A_886 {strides = array<i32>} : memref<128x16xf32, #tpu.memory_space<vmem>>, vector<1x16xf32>,
    %broadcast_in_dim3A_887 = arith.constant 1.000000e+00 : f32
    %broadcast_in_dim3A_888 = vector.broadcast %broadcast_in_dim3A_887 : f32 to vector<16xf32>
    %swap3A_889 = arith.constant 111 : i32
    %swap3A_890 = arith.index_cast %swap3A_889 : i32 to index
    %swap3A_891 = arith.constant 0 : index
    %swap3A_892 = tpu.vector_load %arg6[%swap3A_890, %swap3A_891] {strides = array<i32>} : memref<128x16xf32, #tpu.memory_space<vmem>>, vector<1x16xf32>,
    %swap3A_893 = vector.shape_cast %swap3A_892 : vector<1x16xf32> to vector<16xf32>
    %swap3A_894 = vector.shape_cast %broadcast_in_dim3A_888 : vector<16xf32> to vector<1x16xf32>
    tpu.vector_store %arg6[%swap3A_890, %swap3A_891], %swap3A_894 {strides = array<i32>} : memref<128x16xf32, #tpu.memory_space<vmem>>, vector<1x16xf32>,
    %broadcast_in_dim3A_895 = arith.constant 1.000000e+00 : f32
    %broadcast_in_dim3A_896 = vector.broadcast %broadcast_in_dim3A_895 : f32 to vector<16xf32>
    %swap3A_897 = arith.constant 112 : i32
    %swap3A_898 = arith.index_cast %swap3A_897 : i32 to index
    %swap3A_899 = arith.constant 0 : index
    %swap3A_900 = tpu.vector_load %arg6[%swap3A_898, %swap3A_899] {strides = array<i32>} : memref<128x16xf32, #tpu.memory_space<vmem>>, vector<1x16xf32>,
    %swap3A_901 = vector.shape_cast %swap3A_900 : vector<1x16xf32> to vector<16xf32>
    %swap3A_902 = vector.shape_cast %broadcast_in_dim3A_896 : vector<16xf32> to vector<1x16xf32>
    tpu.vector_store %arg6[%swap3A_898, %swap3A_899], %swap3A_902 {strides = array<i32>} : memref<128x16xf32, #tpu.memory_space<vmem>>, vector<1x16xf32>,
    %broadcast_in_dim3A_903 = arith.constant 1.000000e+00 : f32
    %broadcast_in_dim3A_904 = vector.broadcast %broadcast_in_dim3A_903 : f32 to vector<16xf32>
    %swap3A_905 = arith.constant 113 : i32
    %swap3A_906 = arith.index_cast %swap3A_905 : i32 to index
    %swap3A_907 = arith.constant 0 : index
    %swap3A_908 = tpu.vector_load %arg6[%swap3A_906, %swap3A_907] {strides = array<i32>} : memref<128x16xf32, #tpu.memory_space<vmem>>, vector<1x16xf32>,
    %swap3A_909 = vector.shape_cast %swap3A_908 : vector<1x16xf32> to vector<16xf32>
    %swap3A_910 = vector.shape_cast %broadcast_in_dim3A_904 : vector<16xf32> to vector<1x16xf32>
    tpu.vector_store %arg6[%swap3A_906, %swap3A_907], %swap3A_910 {strides = array<i32>} : memref<128x16xf32, #tpu.memory_space<vmem>>, vector<1x16xf32>,
    %broadcast_in_dim3A_911 = arith.constant 1.000000e+00 : f32
    %broadcast_in_dim3A_912 = vector.broadcast %broadcast_in_dim3A_911 : f32 to vector<16xf32>
    %swap3A_913 = arith.constant 114 : i32
    %swap3A_914 = arith.index_cast %swap3A_913 : i32 to index
    %swap3A_915 = arith.constant 0 : index
    %swap3A_916 = tpu.vector_load %arg6[%swap3A_914, %swap3A_915] {strides = array<i32>} : memref<128x16xf32, #tpu.memory_space<vmem>>, vector<1x16xf32>,
    %swap3A_917 = vector.shape_cast %swap3A_916 : vector<1x16xf32> to vector<16xf32>
    %swap3A_918 = vector.shape_cast %broadcast_in_dim3A_912 : vector<16xf32> to vector<1x16xf32>
    tpu.vector_store %arg6[%swap3A_914, %swap3A_915], %swap3A_918 {strides = array<i32>} : memref<128x16xf32, #tpu.memory_space<vmem>>, vector<1x16xf32>,
    %broadcast_in_dim3A_919 = arith.constant 1.000000e+00 : f32
    %broadcast_in_dim3A_920 = vector.broadcast %broadcast_in_dim3A_919 : f32 to vector<16xf32>
    %swap3A_921 = arith.constant 115 : i32
    %swap3A_922 = arith.index_cast %swap3A_921 : i32 to index
    %swap3A_923 = arith.constant 0 : index
    %swap3A_924 = tpu.vector_load %arg6[%swap3A_922, %swap3A_923] {strides = array<i32>} : memref<128x16xf32, #tpu.memory_space<vmem>>, vector<1x16xf32>,
    %swap3A_925 = vector.shape_cast %swap3A_924 : vector<1x16xf32> to vector<16xf32>
    %swap3A_926 = vector.shape_cast %broadcast_in_dim3A_920 : vector<16xf32> to vector<1x16xf32>
    tpu.vector_store %arg6[%swap3A_922, %swap3A_923], %swap3A_926 {strides = array<i32>} : memref<128x16xf32, #tpu.memory_space<vmem>>, vector<1x16xf32>,
    %broadcast_in_dim3A_927 = arith.constant 1.000000e+00 : f32
    %broadcast_in_dim3A_928 = vector.broadcast %broadcast_in_dim3A_927 : f32 to vector<16xf32>
    %swap3A_929 = arith.constant 116 : i32
    %swap3A_930 = arith.index_cast %swap3A_929 : i32 to index
    %swap3A_931 = arith.constant 0 : index
    %swap3A_932 = tpu.vector_load %arg6[%swap3A_930, %swap3A_931] {strides = array<i32>} : memref<128x16xf32, #tpu.memory_space<vmem>>, vector<1x16xf32>,
    %swap3A_933 = vector.shape_cast %swap3A_932 : vector<1x16xf32> to vector<16xf32>
    %swap3A_934 = vector.shape_cast %broadcast_in_dim3A_928 : vector<16xf32> to vector<1x16xf32>
    tpu.vector_store %arg6[%swap3A_930, %swap3A_931], %swap3A_934 {strides = array<i32>} : memref<128x16xf32, #tpu.memory_space<vmem>>, vector<1x16xf32>,
    %broadcast_in_dim3A_935 = arith.constant 1.000000e+00 : f32
    %broadcast_in_dim3A_936 = vector.broadcast %broadcast_in_dim3A_935 : f32 to vector<16xf32>
    %swap3A_937 = arith.constant 117 : i32
    %swap3A_938 = arith.index_cast %swap3A_937 : i32 to index
    %swap3A_939 = arith.constant 0 : index
    %swap3A_940 = tpu.vector_load %arg6[%swap3A_938, %swap3A_939] {strides = array<i32>} : memref<128x16xf32, #tpu.memory_space<vmem>>, vector<1x16xf32>,
    %swap3A_941 = vector.shape_cast %swap3A_940 : vector<1x16xf32> to vector<16xf32>
    %swap3A_942 = vector.shape_cast %broadcast_in_dim3A_936 : vector<16xf32> to vector<1x16xf32>
    tpu.vector_store %arg6[%swap3A_938, %swap3A_939], %swap3A_942 {strides = array<i32>} : memref<128x16xf32, #tpu.memory_space<vmem>>, vector<1x16xf32>,
    %broadcast_in_dim3A_943 = arith.constant 1.000000e+00 : f32
    %broadcast_in_dim3A_944 = vector.broadcast %broadcast_in_dim3A_943 : f32 to vector<16xf32>
    %swap3A_945 = arith.constant 118 : i32
    %swap3A_946 = arith.index_cast %swap3A_945 : i32 to index
    %swap3A_947 = arith.constant 0 : index
    %swap3A_948 = tpu.vector_load %arg6[%swap3A_946, %swap3A_947] {strides = array<i32>} : memref<128x16xf32, #tpu.memory_space<vmem>>, vector<1x16xf32>,
    %swap3A_949 = vector.shape_cast %swap3A_948 : vector<1x16xf32> to vector<16xf32>
    %swap3A_950 = vector.shape_cast %broadcast_in_dim3A_944 : vector<16xf32> to vector<1x16xf32>
    tpu.vector_store %arg6[%swap3A_946, %swap3A_947], %swap3A_950 {strides = array<i32>} : memref<128x16xf32, #tpu.memory_space<vmem>>, vector<1x16xf32>,
    %broadcast_in_dim3A_951 = arith.constant 1.000000e+00 : f32
    %broadcast_in_dim3A_952 = vector.broadcast %broadcast_in_dim3A_951 : f32 to vector<16xf32>
    %swap3A_953 = arith.constant 119 : i32
    %swap3A_954 = arith.index_cast %swap3A_953 : i32 to index
    %swap3A_955 = arith.constant 0 : index
    %swap3A_956 = tpu.vector_load %arg6[%swap3A_954, %swap3A_955] {strides = array<i32>} : memref<128x16xf32, #tpu.memory_space<vmem>>, vector<1x16xf32>,
    %swap3A_957 = vector.shape_cast %swap3A_956 : vector<1x16xf32> to vector<16xf32>
    %swap3A_958 = vector.shape_cast %broadcast_in_dim3A_952 : vector<16xf32> to vector<1x16xf32>
    tpu.vector_store %arg6[%swap3A_954, %swap3A_955], %swap3A_958 {strides = array<i32>} : memref<128x16xf32, #tpu.memory_space<vmem>>, vector<1x16xf32>,
    %broadcast_in_dim3A_959 = arith.constant 1.000000e+00 : f32
    %broadcast_in_dim3A_960 = vector.broadcast %broadcast_in_dim3A_959 : f32 to vector<16xf32>
    %swap3A_961 = arith.constant 120 : i32
    %swap3A_962 = arith.index_cast %swap3A_961 : i32 to index
    %swap3A_963 = arith.constant 0 : index
    %swap3A_964 = tpu.vector_load %arg6[%swap3A_962, %swap3A_963] {strides = array<i32>} : memref<128x16xf32, #tpu.memory_space<vmem>>, vector<1x16xf32>,
    %swap3A_965 = vector.shape_cast %swap3A_964 : vector<1x16xf32> to vector<16xf32>
    %swap3A_966 = vector.shape_cast %broadcast_in_dim3A_960 : vector<16xf32> to vector<1x16xf32>
    tpu.vector_store %arg6[%swap3A_962, %swap3A_963], %swap3A_966 {strides = array<i32>} : memref<128x16xf32, #tpu.memory_space<vmem>>, vector<1x16xf32>,
    %broadcast_in_dim3A_967 = arith.constant 1.000000e+00 : f32
    %broadcast_in_dim3A_968 = vector.broadcast %broadcast_in_dim3A_967 : f32 to vector<16xf32>
    %swap3A_969 = arith.constant 121 : i32
    %swap3A_970 = arith.index_cast %swap3A_969 : i32 to index
    %swap3A_971 = arith.constant 0 : index
    %swap3A_972 = tpu.vector_load %arg6[%swap3A_970, %swap3A_971] {strides = array<i32>} : memref<128x16xf32, #tpu.memory_space<vmem>>, vector<1x16xf32>,
    %swap3A_973 = vector.shape_cast %swap3A_972 : vector<1x16xf32> to vector<16xf32>
    %swap3A_974 = vector.shape_cast %broadcast_in_dim3A_968 : vector<16xf32> to vector<1x16xf32>
    tpu.vector_store %arg6[%swap3A_970, %swap3A_971], %swap3A_974 {strides = array<i32>} : memref<128x16xf32, #tpu.memory_space<vmem>>, vector<1x16xf32>,
    %broadcast_in_dim3A_975 = arith.constant 1.000000e+00 : f32
    %broadcast_in_dim3A_976 = vector.broadcast %broadcast_in_dim3A_975 : f32 to vector<16xf32>
    %swap3A_977 = arith.constant 122 : i32
    %swap3A_978 = arith.index_cast %swap3A_977 : i32 to index
    %swap3A_979 = arith.constant 0 : index
    %swap3A_980 = tpu.vector_load %arg6[%swap3A_978, %swap3A_979] {strides = array<i32>} : memref<128x16xf32, #tpu.memory_space<vmem>>, vector<1x16xf32>,
    %swap3A_981 = vector.shape_cast %swap3A_980 : vector<1x16xf32> to vector<16xf32>
    %swap3A_982 = vector.shape_cast %broadcast_in_dim3A_976 : vector<16xf32> to vector<1x16xf32>
    tpu.vector_store %arg6[%swap3A_978, %swap3A_979], %swap3A_982 {strides = array<i32>} : memref<128x16xf32, #tpu.memory_space<vmem>>, vector<1x16xf32>,
    %broadcast_in_dim3A_983 = arith.constant 1.000000e+00 : f32
    %broadcast_in_dim3A_984 = vector.broadcast %broadcast_in_dim3A_983 : f32 to vector<16xf32>
    %swap3A_985 = arith.constant 123 : i32
    %swap3A_986 = arith.index_cast %swap3A_985 : i32 to index
    %swap3A_987 = arith.constant 0 : index
    %swap3A_988 = tpu.vector_load %arg6[%swap3A_986, %swap3A_987] {strides = array<i32>} : memref<128x16xf32, #tpu.memory_space<vmem>>, vector<1x16xf32>,
    %swap3A_989 = vector.shape_cast %swap3A_988 : vector<1x16xf32> to vector<16xf32>
    %swap3A_990 = vector.shape_cast %broadcast_in_dim3A_984 : vector<16xf32> to vector<1x16xf32>
    tpu.vector_store %arg6[%swap3A_986, %swap3A_987], %swap3A_990 {strides = array<i32>} : memref<128x16xf32, #tpu.memory_space<vmem>>, vector<1x16xf32>,
    %broadcast_in_dim3A_991 = arith.constant 1.000000e+00 : f32
    %broadcast_in_dim3A_992 = vector.broadcast %broadcast_in_dim3A_991 : f32 to vector<16xf32>
    %swap3A_993 = arith.constant 124 : i32
    %swap3A_994 = arith.index_cast %swap3A_993 : i32 to index
    %swap3A_995 = arith.constant 0 : index
    %swap3A_996 = tpu.vector_load %arg6[%swap3A_994, %swap3A_995] {strides = array<i32>} : memref<128x16xf32, #tpu.memory_space<vmem>>, vector<1x16xf32>,
    %swap3A_997 = vector.shape_cast %swap3A_996 : vector<1x16xf32> to vector<16xf32>
    %swap3A_998 = vector.shape_cast %broadcast_in_dim3A_992 : vector<16xf32> to vector<1x16xf32>
    tpu.vector_store %arg6[%swap3A_994, %swap3A_995], %swap3A_998 {strides = array<i32>} : memref<128x16xf32, #tpu.memory_space<vmem>>, vector<1x16xf32>,
    %broadcast_in_dim3A_999 = arith.constant 1.000000e+00 : f32
    %broadcast_in_dim3A_1000 = vector.broadcast %broadcast_in_dim3A_999 : f32 to vector<16xf32>
    %swap3A_1001 = arith.constant 125 : i32
    %swap3A_1002 = arith.index_cast %swap3A_1001 : i32 to index
    %swap3A_1003 = arith.constant 0 : index
    %swap3A_1004 = tpu.vector_load %arg6[%swap3A_1002, %swap3A_1003] {strides = array<i32>} : memref<128x16xf32, #tpu.memory_space<vmem>>, vector<1x16xf32>,
    %swap3A_1005 = vector.shape_cast %swap3A_1004 : vector<1x16xf32> to vector<16xf32>
    %swap3A_1006 = vector.shape_cast %broadcast_in_dim3A_1000 : vector<16xf32> to vector<1x16xf32>
    tpu.vector_store %arg6[%swap3A_1002, %swap3A_1003], %swap3A_1006 {strides = array<i32>} : memref<128x16xf32, #tpu.memory_space<vmem>>, vector<1x16xf32>,
    %broadcast_in_dim3A_1007 = arith.constant 1.000000e+00 : f32
    %broadcast_in_dim3A_1008 = vector.broadcast %broadcast_in_dim3A_1007 : f32 to vector<16xf32>
    %swap3A_1009 = arith.constant 126 : i32
    %swap3A_1010 = arith.index_cast %swap3A_1009 : i32 to index
    %swap3A_1011 = arith.constant 0 : index
    %swap3A_1012 = tpu.vector_load %arg6[%swap3A_1010, %swap3A_1011] {strides = array<i32>} : memref<128x16xf32, #tpu.memory_space<vmem>>, vector<1x16xf32>,
    %swap3A_1013 = vector.shape_cast %swap3A_1012 : vector<1x16xf32> to vector<16xf32>
    %swap3A_1014 = vector.shape_cast %broadcast_in_dim3A_1008 : vector<16xf32> to vector<1x16xf32>
    tpu.vector_store %arg6[%swap3A_1010, %swap3A_1011], %swap3A_1014 {strides = array<i32>} : memref<128x16xf32, #tpu.memory_space<vmem>>, vector<1x16xf32>,
    %broadcast_in_dim3A_1015 = arith.constant 1.000000e+00 : f32
    %broadcast_in_dim3A_1016 = vector.broadcast %broadcast_in_dim3A_1015 : f32 to vector<16xf32>
    %swap3A_1017 = arith.constant 127 : i32
    %swap3A_1018 = arith.index_cast %swap3A_1017 : i32 to index
    %swap3A_1019 = arith.constant 0 : index
    %swap3A_1020 = tpu.vector_load %arg6[%swap3A_1018, %swap3A_1019] {strides = array<i32>} : memref<128x16xf32, #tpu.memory_space<vmem>>, vector<1x16xf32>,
    %swap3A_1021 = vector.shape_cast %swap3A_1020 : vector<1x16xf32> to vector<16xf32>
    %swap3A_1022 = vector.shape_cast %broadcast_in_dim3A_1016 : vector<16xf32> to vector<1x16xf32>
    tpu.vector_store %arg6[%swap3A_1018, %swap3A_1019], %swap3A_1022 {strides = array<i32>} : memref<128x16xf32, #tpu.memory_space<vmem>>, vector<1x16xf32>,
    %barrier3A = arith.constant 0 : index
    tpu.barrier barrier_id(%barrier3A)
    %mul3A_1023 = arith.constant 79 : i32
    %mul3A_1024 = arith.muli %arg0, %mul3A_1023 : i32
    %mul3A_1025 = arith.constant 78 : i32
    %mul3A_1026 = arith.muli %arg0, %mul3A_1025 : i32
    %add3A = arith.constant 79 : i32
    %add3A_1027 = arith.addi %add3A, %mul3A_1026 : i32
    %sub3A = arith.subi %add3A_1027, %mul3A_1024 : i32
    %sub3A_1028 = arith.constant 1 : i32
    %sub3A_1029 = arith.constant 1 : i32
    %sub3A_1030 = arith.subi %sub3A_1028, %sub3A_1029 : i32
    %add3A_1031 = arith.addi %sub3A, %sub3A_1030 : i32
    %div3A = arith.constant 1 : i32
    %div3A_1032 = arith.divsi %add3A_1031, %div3A : i32
    %while3A = arith.constant 1 : i32
    %while3A_1033 = arith.constant 0 : i32
    %while3A_1034 = arith.subi %div3A_1032, %while3A_1033 : i32
    %while3A_1035 = arith.addi %while3A_1033, %while3A_1034 : i32
    %while3A_1036 = arith.constant 1 : i32
    %while3A_1037 = arith.divsi %while3A_1034, %while3A_1036 : i32
    %while3A_1038 = arith.muli %while3A_1037, %while3A_1036 : i32
    %while3A_1039 = arith.addi %while3A_1033, %while3A_1038 : i32
    %while3A_1040 = arith.constant 1 : i32
    scf.for %while3A_1064 = %while3A_1033 to %while3A_1039 step %while3A_1040  : i32 {
      %mul3A_1065 = arith.muli %while3A_1064, %while3A : i32
      %add3A_1066 = arith.addi %mul3A_1024, %mul3A_1065 : i32
      %dma_start3A = arith.constant 0 : i32
      %dma_start3A_1067 = tpu.memref_slice %arg5[%add3A_1066, %dma_start3A] : memref<157x128xi32, #tpu.memory_space<vmem>> -> memref<1x128xi32, #tpu.memory_space<vmem>>
      %dma_start3A_1068 = tpu.memref_squeeze %dma_start3A_1067 : memref<1x128xi32, #tpu.memory_space<vmem>> -> memref<128xi32, #tpu.memory_space<vmem>>
      %dma_start3A_1069 = arith.constant 0 : i32
      %dma_start3A_1070 = arith.constant 0 : i32
      %dma_start3A_1071 = tpu.memref_slice %arg7[%dma_start3A_1069, %dma_start3A_1070] : memref<10112x16xf32, #tpu.memory_space<vmem_shared>> -> memref<10112x16xf32, #tpu.memory_space<vmem_shared>>
      tpu.enqueue_indirect_dma source(%arg6 : memref<128x16xf32, #tpu.memory_space<vmem>>) target(%dma_start3A_1071 : memref<10112x16xf32, #tpu.memory_space<vmem_shared>>) offsets(%dma_start3A_1068 : memref<128xi32, #tpu.memory_space<vmem>>) semaphore(%arg8 : memref<!tpu.dma_semaphore, #tpu.memory_space<semaphore_mem>>) {add = true}
    }
    %while3A_1041 = arith.constant 1 : i32
    scf.for %while3A_1064 = %while3A_1039 to %while3A_1035 step %while3A_1041  : i32 {
      %mul3A_1065 = arith.muli %while3A_1064, %while3A : i32
      %add3A_1066 = arith.addi %mul3A_1024, %mul3A_1065 : i32
      %dma_start3A = arith.constant 0 : i32
      %dma_start3A_1067 = tpu.memref_slice %arg5[%add3A_1066, %dma_start3A] : memref<157x128xi32, #tpu.memory_space<vmem>> -> memref<1x128xi32, #tpu.memory_space<vmem>>
      %dma_start3A_1068 = tpu.memref_squeeze %dma_start3A_1067 : memref<1x128xi32, #tpu.memory_space<vmem>> -> memref<128xi32, #tpu.memory_space<vmem>>
      %dma_start3A_1069 = arith.constant 0 : i32
      %dma_start3A_1070 = arith.constant 0 : i32
      %dma_start3A_1071 = tpu.memref_slice %arg7[%dma_start3A_1069, %dma_start3A_1070] : memref<10112x16xf32, #tpu.memory_space<vmem_shared>> -> memref<10112x16xf32, #tpu.memory_space<vmem_shared>>
      tpu.enqueue_indirect_dma source(%arg6 : memref<128x16xf32, #tpu.memory_space<vmem>>) target(%dma_start3A_1071 : memref<10112x16xf32, #tpu.memory_space<vmem_shared>>) offsets(%dma_start3A_1068 : memref<128xi32, #tpu.memory_space<vmem>>) semaphore(%arg8 : memref<!tpu.dma_semaphore, #tpu.memory_space<semaphore_mem>>) {add = true}
    }
    %sub3A_1042 = arith.subi %add3A_1027, %mul3A_1024 : i32
    %sub3A_1043 = arith.constant 1 : i32
    %sub3A_1044 = arith.constant 1 : i32
    %sub3A_1045 = arith.subi %sub3A_1043, %sub3A_1044 : i32
    %add3A_1046 = arith.addi %sub3A_1042, %sub3A_1045 : i32
    %div3A_1047 = arith.constant 1 : i32
    %div3A_1048 = arith.divsi %add3A_1046, %div3A_1047 : i32
    %while3A_1049 = arith.constant 1 : i32
    %while3A_1050 = arith.constant 0 : i32
    %while3A_1051 = arith.subi %div3A_1048, %while3A_1050 : i32
    %while3A_1052 = arith.addi %while3A_1050, %while3A_1051 : i32
    %while3A_1053 = arith.constant 1 : i32
    %while3A_1054 = arith.divsi %while3A_1051, %while3A_1053 : i32
    %while3A_1055 = arith.muli %while3A_1054, %while3A_1053 : i32
    %while3A_1056 = arith.addi %while3A_1050, %while3A_1055 : i32
    %while3A_1057 = arith.constant 1 : i32
    scf.for %while3A_1064 = %while3A_1050 to %while3A_1056 step %while3A_1057  : i32 {
      %mul3A_1065 = arith.muli %while3A_1064, %while3A_1049 : i32
      %add3A_1066 = arith.addi %mul3A_1024, %mul3A_1065 : i32
      %dma_wait3A = arith.constant 0 : i32
      %dma_wait3A_1067 = tpu.memref_slice %arg5[%add3A_1066, %dma_wait3A] : memref<157x128xi32, #tpu.memory_space<vmem>> -> memref<1x128xi32, #tpu.memory_space<vmem>>
      %dma_wait3A_1068 = tpu.memref_squeeze %dma_wait3A_1067 : memref<1x128xi32, #tpu.memory_space<vmem>> -> memref<128xi32, #tpu.memory_space<vmem>>
      %dma_wait3A_1069 = arith.constant 0 : i32
      %dma_wait3A_1070 = arith.constant 0 : i32
      %dma_wait3A_1071 = tpu.memref_slice %arg7[%dma_wait3A_1069, %dma_wait3A_1070] : memref<10112x16xf32, #tpu.memory_space<vmem_shared>> -> memref<10112x16xf32, #tpu.memory_space<vmem_shared>>
      tpu.wait_indirect_dma semaphore(%arg8 : memref<!tpu.dma_semaphore, #tpu.memory_space<semaphore_mem>>) src(%arg6 : memref<128x16xf32, #tpu.memory_space<vmem>>) dst(%dma_wait3A_1071 : memref<10112x16xf32, #tpu.memory_space<vmem_shared>>)
    }
    %while3A_1058 = arith.constant 1 : i32
    scf.for %while3A_1064 = %while3A_1056 to %while3A_1052 step %while3A_1058  : i32 {
      %mul3A_1065 = arith.muli %while3A_1064, %while3A_1049 : i32
      %add3A_1066 = arith.addi %mul3A_1024, %mul3A_1065 : i32
      %dma_wait3A = arith.constant 0 : i32
      %dma_wait3A_1067 = tpu.memref_slice %arg5[%add3A_1066, %dma_wait3A] : memref<157x128xi32, #tpu.memory_space<vmem>> -> memref<1x128xi32, #tpu.memory_space<vmem>>
      %dma_wait3A_1068 = tpu.memref_squeeze %dma_wait3A_1067 : memref<1x128xi32, #tpu.memory_space<vmem>> -> memref<128xi32, #tpu.memory_space<vmem>>
      %dma_wait3A_1069 = arith.constant 0 : i32
      %dma_wait3A_1070 = arith.constant 0 : i32
      %dma_wait3A_1071 = tpu.memref_slice %arg7[%dma_wait3A_1069, %dma_wait3A_1070] : memref<10112x16xf32, #tpu.memory_space<vmem_shared>> -> memref<10112x16xf32, #tpu.memory_space<vmem_shared>>
      tpu.wait_indirect_dma semaphore(%arg8 : memref<!tpu.dma_semaphore, #tpu.memory_space<semaphore_mem>>) src(%arg6 : memref<128x16xf32, #tpu.memory_space<vmem>>) dst(%dma_wait3A_1071 : memref<10112x16xf32, #tpu.memory_space<vmem_shared>>)
    }
    %barrier3A_1059 = arith.constant 0 : index
    tpu.barrier barrier_id(%barrier3A_1059)
    %mul3A_1060 = arith.constant 632 : i32
    %mul3A_1061 = arith.muli %arg1, %mul3A_1060 : i32
    %mul3A_1062 = arith.constant 632 : i32
    %mul3A_1063 = arith.muli %arg1, %mul3A_1062 : i32
    "tpu.region"() ({
      %run_scoped3A = tpu.sem_alloc : memref<!tpu.dma_semaphore, #tpu.memory_space<semaphore_mem>>
      %dma_start3A = arith.constant 0 : i32
      %dma_start3A_1064 = tpu.memref_slice %arg4[%arg0, %mul3A_1063, %dma_start3A] : memref<2x10112x16xf32, #tpu.memory_space<hbm>> -> memref<1x632x16xf32, #tpu.memory_space<hbm>>
      %dma_start3A_1065 = tpu.memref_squeeze %dma_start3A_1064 : memref<1x632x16xf32, #tpu.memory_space<hbm>> -> memref<632x16xf32, #tpu.memory_space<hbm>>
      %dma_start3A_1066 = arith.constant 0 : i32
      %dma_start3A_1067 = tpu.memref_slice %arg7[%mul3A_1061, %dma_start3A_1066] : memref<10112x16xf32, #tpu.memory_space<vmem_shared>> -> memref<632x16xf32, #tpu.memory_space<vmem_shared>>
      tpu.enqueue_dma source(%dma_start3A_1067 : memref<632x16xf32, #tpu.memory_space<vmem_shared>>) target(%dma_start3A_1065 : memref<632x16xf32, #tpu.memory_space<hbm>>) target_semaphore(%run_scoped3A : memref<!tpu.dma_semaphore, #tpu.memory_space<semaphore_mem>>)
      %dma_wait3A = arith.constant 0 : i32
      %dma_wait3A_1068 = tpu.memref_slice %arg4[%arg0, %mul3A_1063, %dma_wait3A] : memref<2x10112x16xf32, #tpu.memory_space<hbm>> -> memref<1x632x16xf32, #tpu.memory_space<hbm>>
      %dma_wait3A_1069 = tpu.memref_squeeze %dma_wait3A_1068 : memref<1x632x16xf32, #tpu.memory_space<hbm>> -> memref<632x16xf32, #tpu.memory_space<hbm>>
      %dma_wait3A_1070 = arith.constant 0 : i32
      %dma_wait3A_1071 = tpu.memref_slice %arg7[%mul3A_1061, %dma_wait3A_1070] : memref<10112x16xf32, #tpu.memory_space<vmem_shared>> -> memref<632x16xf32, #tpu.memory_space<vmem_shared>>
      tpu.wait_dma2 semaphore(%run_scoped3A : memref<!tpu.dma_semaphore, #tpu.memory_space<semaphore_mem>>) src(%dma_wait3A_1071 : memref<632x16xf32, #tpu.memory_space<vmem_shared>>) dst(%dma_wait3A_1069 : memref<632x16xf32, #tpu.memory_space<hbm>>)
      tpu.yield
    }) : () -> ()
    return
  }
}

#map = affine_map<(d0, d1) -> (0, 0)>
#map1 = affine_map<(d0, d1) -> (0, 0, 0)>
module attributes {stable_mosaic.version = 14 : i64} {
  func.func @k(%arg0: i32, %arg1: i32, %arg2: memref<20000x64xf32, #tpu.memory_space<hbm>>, %arg3: memref<16x157x128xi32, #tpu.memory_space<hbm>>, %arg4: memref<16x157x128xi32, #tpu.memory_space<hbm>>, %arg5: memref<632x64xf32, #tpu.memory_space<hbm>>, %arg6: memref<2x10112x64xf32, #tpu.memory_space<hbm>>, %arg7: memref<157x128xi32, #tpu.memory_space<vmem>>, %arg8: memref<157x128xi32, #tpu.memory_space<vmem>>, %arg9: memref<128x64xf32, #tpu.memory_space<vmem>>, %arg10: memref<128x64xf32, #tpu.memory_space<vmem>>, %arg11: memref<128x64xf32, #tpu.memory_space<vmem>>, %arg12: memref<128x64xf32, #tpu.memory_space<vmem>>, %arg13: memref<128x64xf32, #tpu.memory_space<vmem>>, %arg14: memref<128x64xf32, #tpu.memory_space<vmem>>, %arg15: memref<10112x64xf32, #tpu.memory_space<vmem_shared>>, %arg16: memref<!tpu.dma_semaphore, #tpu.memory_space<semaphore_mem>>, %arg17: memref<!tpu.dma_semaphore, #tpu.memory_space<semaphore_mem>>, %arg18: memref<!tpu.dma_semaphore, #tpu.memory_space<semaphore_mem>>, %arg19: memref<!tpu.dma_semaphore, #tpu.memory_space<semaphore_mem>>, %arg20: memref<!tpu.dma_semaphore, #tpu.memory_space<semaphore_mem>>, %arg21: memref<!tpu.dma_semaphore, #tpu.memory_space<semaphore_mem>>, %arg22: memref<!tpu.dma_semaphore, #tpu.memory_space<semaphore_mem>>, %arg23: memref<!tpu.dma_semaphore, #tpu.memory_space<semaphore_mem>>, %arg24: memref<!tpu.dma_semaphore, #tpu.memory_space<semaphore_mem>>, %arg25: memref<!tpu.dma_semaphore, #tpu.memory_space<semaphore_mem>>, %arg26: memref<!tpu.dma_semaphore, #tpu.memory_space<semaphore_mem>>, %arg27: memref<!tpu.dma_semaphore, #tpu.memory_space<semaphore_mem>>) attributes {dimension_semantics = [#tpu.dimension_semantics<core_parallel>, #tpu.dimension_semantics<subcore_parallel>], iteration_bounds = array<i64: 2, 16>, scalar_prefetch = 0 : i64, scratch_operands = 21 : i64, tpu.core_type = #tpu.core_type<sc_vector_subcore>, window_params = [{transform_indices = #map}, {transform_indices = #map1}, {transform_indices = #map1}, {transform_indices = #map}, {transform_indices = #map1}]} {
    %mul3A = arith.constant 632 : i32
    %mul3A_0 = arith.muli %arg1, %mul3A : i32
    "tpu.region"() ({
      %run_scoped3A_64 = tpu.sem_alloc : memref<!tpu.dma_semaphore, #tpu.memory_space<semaphore_mem>>
      %dma_start3A_65 = arith.constant 0 : i32
      %dma_start3A_66 = tpu.memref_slice %arg15[%mul3A_0, %dma_start3A_65] : memref<10112x64xf32, #tpu.memory_space<vmem_shared>> -> memref<632x64xf32, #tpu.memory_space<vmem_shared>>
      tpu.enqueue_dma source(%arg5 : memref<632x64xf32, #tpu.memory_space<hbm>>) target(%dma_start3A_66 : memref<632x64xf32, #tpu.memory_space<vmem_shared>>) target_semaphore(%run_scoped3A_64 : memref<!tpu.dma_semaphore, #tpu.memory_space<semaphore_mem>>)
      %dma_wait3A_67 = arith.constant 0 : i32
      %dma_wait3A_68 = tpu.memref_slice %arg15[%mul3A_0, %dma_wait3A_67] : memref<10112x64xf32, #tpu.memory_space<vmem_shared>> -> memref<632x64xf32, #tpu.memory_space<vmem_shared>>
      tpu.wait_dma2 semaphore(%run_scoped3A_64 : memref<!tpu.dma_semaphore, #tpu.memory_space<semaphore_mem>>) src(%arg5 : memref<632x64xf32, #tpu.memory_space<hbm>>) dst(%dma_wait3A_68 : memref<632x64xf32, #tpu.memory_space<vmem_shared>>)
      tpu.yield
    }) : () -> ()
    "tpu.region"() ({
      %run_scoped3A_64 = tpu.sem_alloc : memref<!tpu.dma_semaphore, #tpu.memory_space<semaphore_mem>>
      %dma_start3A_65 = arith.constant 0 : i32
      %dma_start3A_66 = arith.constant 0 : i32
      %dma_start3A_67 = tpu.memref_slice %arg3[%arg1, %dma_start3A_65, %dma_start3A_66] : memref<16x157x128xi32, #tpu.memory_space<hbm>> -> memref<1x157x128xi32, #tpu.memory_space<hbm>>
      %dma_start3A_68 = tpu.memref_squeeze %dma_start3A_67 : memref<1x157x128xi32, #tpu.memory_space<hbm>> -> memref<157x128xi32, #tpu.memory_space<hbm>>
      %dma_start3A_69 = arith.constant 0 : i32
      %dma_start3A_70 = arith.constant 0 : i32
      %dma_start3A_71 = tpu.memref_slice %arg3[%arg1, %dma_start3A_69, %dma_start3A_70] : memref<16x157x128xi32, #tpu.memory_space<hbm>> -> memref<1x157x128xi32, #tpu.memory_space<hbm>>
      %dma_start3A_72 = tpu.memref_squeeze %dma_start3A_71 : memref<1x157x128xi32, #tpu.memory_space<hbm>> -> memref<157x128xi32, #tpu.memory_space<hbm>>
      tpu.enqueue_dma source(%dma_start3A_72 : memref<157x128xi32, #tpu.memory_space<hbm>>) target(%arg7 : memref<157x128xi32, #tpu.memory_space<vmem>>) target_semaphore(%run_scoped3A_64 : memref<!tpu.dma_semaphore, #tpu.memory_space<semaphore_mem>>)
      %dma_wait3A_73 = arith.constant 0 : i32
      %dma_wait3A_74 = arith.constant 0 : i32
      %dma_wait3A_75 = tpu.memref_slice %arg3[%arg1, %dma_wait3A_73, %dma_wait3A_74] : memref<16x157x128xi32, #tpu.memory_space<hbm>> -> memref<1x157x128xi32, #tpu.memory_space<hbm>>
      %dma_wait3A_76 = tpu.memref_squeeze %dma_wait3A_75 : memref<1x157x128xi32, #tpu.memory_space<hbm>> -> memref<157x128xi32, #tpu.memory_space<hbm>>
      %dma_wait3A_77 = arith.constant 0 : i32
      %dma_wait3A_78 = arith.constant 0 : i32
      %dma_wait3A_79 = tpu.memref_slice %arg3[%arg1, %dma_wait3A_77, %dma_wait3A_78] : memref<16x157x128xi32, #tpu.memory_space<hbm>> -> memref<1x157x128xi32, #tpu.memory_space<hbm>>
      %dma_wait3A_80 = tpu.memref_squeeze %dma_wait3A_79 : memref<1x157x128xi32, #tpu.memory_space<hbm>> -> memref<157x128xi32, #tpu.memory_space<hbm>>
      tpu.wait_dma2 semaphore(%run_scoped3A_64 : memref<!tpu.dma_semaphore, #tpu.memory_space<semaphore_mem>>) src(%dma_wait3A_80 : memref<157x128xi32, #tpu.memory_space<hbm>>) dst(%arg7 : memref<157x128xi32, #tpu.memory_space<vmem>>)
      tpu.yield
    }) : () -> ()
    "tpu.region"() ({
      %run_scoped3A_64 = tpu.sem_alloc : memref<!tpu.dma_semaphore, #tpu.memory_space<semaphore_mem>>
      %dma_start3A_65 = arith.constant 0 : i32
      %dma_start3A_66 = arith.constant 0 : i32
      %dma_start3A_67 = tpu.memref_slice %arg4[%arg1, %dma_start3A_65, %dma_start3A_66] : memref<16x157x128xi32, #tpu.memory_space<hbm>> -> memref<1x157x128xi32, #tpu.memory_space<hbm>>
      %dma_start3A_68 = tpu.memref_squeeze %dma_start3A_67 : memref<1x157x128xi32, #tpu.memory_space<hbm>> -> memref<157x128xi32, #tpu.memory_space<hbm>>
      %dma_start3A_69 = arith.constant 0 : i32
      %dma_start3A_70 = arith.constant 0 : i32
      %dma_start3A_71 = tpu.memref_slice %arg4[%arg1, %dma_start3A_69, %dma_start3A_70] : memref<16x157x128xi32, #tpu.memory_space<hbm>> -> memref<1x157x128xi32, #tpu.memory_space<hbm>>
      %dma_start3A_72 = tpu.memref_squeeze %dma_start3A_71 : memref<1x157x128xi32, #tpu.memory_space<hbm>> -> memref<157x128xi32, #tpu.memory_space<hbm>>
      tpu.enqueue_dma source(%dma_start3A_72 : memref<157x128xi32, #tpu.memory_space<hbm>>) target(%arg8 : memref<157x128xi32, #tpu.memory_space<vmem>>) target_semaphore(%run_scoped3A_64 : memref<!tpu.dma_semaphore, #tpu.memory_space<semaphore_mem>>)
      %dma_wait3A_73 = arith.constant 0 : i32
      %dma_wait3A_74 = arith.constant 0 : i32
      %dma_wait3A_75 = tpu.memref_slice %arg4[%arg1, %dma_wait3A_73, %dma_wait3A_74] : memref<16x157x128xi32, #tpu.memory_space<hbm>> -> memref<1x157x128xi32, #tpu.memory_space<hbm>>
      %dma_wait3A_76 = tpu.memref_squeeze %dma_wait3A_75 : memref<1x157x128xi32, #tpu.memory_space<hbm>> -> memref<157x128xi32, #tpu.memory_space<hbm>>
      %dma_wait3A_77 = arith.constant 0 : i32
      %dma_wait3A_78 = arith.constant 0 : i32
      %dma_wait3A_79 = tpu.memref_slice %arg4[%arg1, %dma_wait3A_77, %dma_wait3A_78] : memref<16x157x128xi32, #tpu.memory_space<hbm>> -> memref<1x157x128xi32, #tpu.memory_space<hbm>>
      %dma_wait3A_80 = tpu.memref_squeeze %dma_wait3A_79 : memref<1x157x128xi32, #tpu.memory_space<hbm>> -> memref<157x128xi32, #tpu.memory_space<hbm>>
      tpu.wait_dma2 semaphore(%run_scoped3A_64 : memref<!tpu.dma_semaphore, #tpu.memory_space<semaphore_mem>>) src(%dma_wait3A_80 : memref<157x128xi32, #tpu.memory_space<hbm>>) dst(%arg8 : memref<157x128xi32, #tpu.memory_space<vmem>>)
      tpu.yield
    }) : () -> ()
    %mul3A_1 = arith.constant 10000 : i32
    %mul3A_2 = arith.muli %arg0, %mul3A_1 : i32
    %scan3A = arith.constant 0 : i32
    %scan3A_3 = arith.constant 157 : i32
    %scan3A_4 = arith.addi %scan3A, %scan3A_3 : i32
    %scan3A_5 = arith.constant 1 : i32
    scf.for %scan3A_64 = %scan3A to %scan3A_4 step %scan3A_5  : i32 {
      %mul3A_65 = arith.constant 1 : i32
      %mul3A_66 = arith.muli %scan3A_64, %mul3A_65 : i32
      %add3A = arith.constant 0 : i32
      %add3A_67 = arith.addi %add3A, %mul3A_66 : i32
      %get3A = arith.index_cast %add3A_67 : i32 to index
      %get3A_68 = arith.constant 0 : index
      %get3A_69 = tpu.vector_load %arg7[%get3A, %get3A_68] {strides = array<i32>} : memref<157x128xi32, #tpu.memory_space<vmem>>, vector<1x16xi32>,
      %get3A_70 = vector.shape_cast %get3A_69 : vector<1x16xi32> to vector<16xi32>
      %add3A_71 = vector.broadcast %mul3A_2 : i32 to vector<16xi32>
      %add3A_72 = arith.addi %get3A_70, %add3A_71 : vector<16xi32>
      %swap3A = arith.index_cast %add3A_67 : i32 to index
      %swap3A_73 = arith.constant 0 : index
      %swap3A_74 = tpu.vector_load %arg7[%swap3A, %swap3A_73] {strides = array<i32>} : memref<157x128xi32, #tpu.memory_space<vmem>>, vector<1x16xi32>,
      %swap3A_75 = vector.shape_cast %swap3A_74 : vector<1x16xi32> to vector<16xi32>
      %swap3A_76 = vector.shape_cast %add3A_72 : vector<16xi32> to vector<1x16xi32>
      tpu.vector_store %arg7[%swap3A, %swap3A_73], %swap3A_76 {strides = array<i32>} : memref<157x128xi32, #tpu.memory_space<vmem>>, vector<1x16xi32>,
      %get3A_77 = arith.index_cast %add3A_67 : i32 to index
      %get3A_78 = arith.constant 16 : index
      %get3A_79 = tpu.vector_load %arg7[%get3A_77, %get3A_78] {strides = array<i32>} : memref<157x128xi32, #tpu.memory_space<vmem>>, vector<1x16xi32>,
      %get3A_80 = vector.shape_cast %get3A_79 : vector<1x16xi32> to vector<16xi32>
      %add3A_81 = vector.broadcast %mul3A_2 : i32 to vector<16xi32>
      %add3A_82 = arith.addi %get3A_80, %add3A_81 : vector<16xi32>
      %swap3A_83 = arith.index_cast %add3A_67 : i32 to index
      %swap3A_84 = arith.constant 16 : index
      %swap3A_85 = tpu.vector_load %arg7[%swap3A_83, %swap3A_84] {strides = array<i32>} : memref<157x128xi32, #tpu.memory_space<vmem>>, vector<1x16xi32>,
      %swap3A_86 = vector.shape_cast %swap3A_85 : vector<1x16xi32> to vector<16xi32>
      %swap3A_87 = vector.shape_cast %add3A_82 : vector<16xi32> to vector<1x16xi32>
      tpu.vector_store %arg7[%swap3A_83, %swap3A_84], %swap3A_87 {strides = array<i32>} : memref<157x128xi32, #tpu.memory_space<vmem>>, vector<1x16xi32>,
      %get3A_88 = arith.index_cast %add3A_67 : i32 to index
      %get3A_89 = arith.constant 32 : index
      %get3A_90 = tpu.vector_load %arg7[%get3A_88, %get3A_89] {strides = array<i32>} : memref<157x128xi32, #tpu.memory_space<vmem>>, vector<1x16xi32>,
      %get3A_91 = vector.shape_cast %get3A_90 : vector<1x16xi32> to vector<16xi32>
      %add3A_92 = vector.broadcast %mul3A_2 : i32 to vector<16xi32>
      %add3A_93 = arith.addi %get3A_91, %add3A_92 : vector<16xi32>
      %swap3A_94 = arith.index_cast %add3A_67 : i32 to index
      %swap3A_95 = arith.constant 32 : index
      %swap3A_96 = tpu.vector_load %arg7[%swap3A_94, %swap3A_95] {strides = array<i32>} : memref<157x128xi32, #tpu.memory_space<vmem>>, vector<1x16xi32>,
      %swap3A_97 = vector.shape_cast %swap3A_96 : vector<1x16xi32> to vector<16xi32>
      %swap3A_98 = vector.shape_cast %add3A_93 : vector<16xi32> to vector<1x16xi32>
      tpu.vector_store %arg7[%swap3A_94, %swap3A_95], %swap3A_98 {strides = array<i32>} : memref<157x128xi32, #tpu.memory_space<vmem>>, vector<1x16xi32>,
      %get3A_99 = arith.index_cast %add3A_67 : i32 to index
      %get3A_100 = arith.constant 48 : index
      %get3A_101 = tpu.vector_load %arg7[%get3A_99, %get3A_100] {strides = array<i32>} : memref<157x128xi32, #tpu.memory_space<vmem>>, vector<1x16xi32>,
      %get3A_102 = vector.shape_cast %get3A_101 : vector<1x16xi32> to vector<16xi32>
      %add3A_103 = vector.broadcast %mul3A_2 : i32 to vector<16xi32>
      %add3A_104 = arith.addi %get3A_102, %add3A_103 : vector<16xi32>
      %swap3A_105 = arith.index_cast %add3A_67 : i32 to index
      %swap3A_106 = arith.constant 48 : index
      %swap3A_107 = tpu.vector_load %arg7[%swap3A_105, %swap3A_106] {strides = array<i32>} : memref<157x128xi32, #tpu.memory_space<vmem>>, vector<1x16xi32>,
      %swap3A_108 = vector.shape_cast %swap3A_107 : vector<1x16xi32> to vector<16xi32>
      %swap3A_109 = vector.shape_cast %add3A_104 : vector<16xi32> to vector<1x16xi32>
      tpu.vector_store %arg7[%swap3A_105, %swap3A_106], %swap3A_109 {strides = array<i32>} : memref<157x128xi32, #tpu.memory_space<vmem>>, vector<1x16xi32>,
      %get3A_110 = arith.index_cast %add3A_67 : i32 to index
      %get3A_111 = arith.constant 64 : index
      %get3A_112 = tpu.vector_load %arg7[%get3A_110, %get3A_111] {strides = array<i32>} : memref<157x128xi32, #tpu.memory_space<vmem>>, vector<1x16xi32>,
      %get3A_113 = vector.shape_cast %get3A_112 : vector<1x16xi32> to vector<16xi32>
      %add3A_114 = vector.broadcast %mul3A_2 : i32 to vector<16xi32>
      %add3A_115 = arith.addi %get3A_113, %add3A_114 : vector<16xi32>
      %swap3A_116 = arith.index_cast %add3A_67 : i32 to index
      %swap3A_117 = arith.constant 64 : index
      %swap3A_118 = tpu.vector_load %arg7[%swap3A_116, %swap3A_117] {strides = array<i32>} : memref<157x128xi32, #tpu.memory_space<vmem>>, vector<1x16xi32>,
      %swap3A_119 = vector.shape_cast %swap3A_118 : vector<1x16xi32> to vector<16xi32>
      %swap3A_120 = vector.shape_cast %add3A_115 : vector<16xi32> to vector<1x16xi32>
      tpu.vector_store %arg7[%swap3A_116, %swap3A_117], %swap3A_120 {strides = array<i32>} : memref<157x128xi32, #tpu.memory_space<vmem>>, vector<1x16xi32>,
      %get3A_121 = arith.index_cast %add3A_67 : i32 to index
      %get3A_122 = arith.constant 80 : index
      %get3A_123 = tpu.vector_load %arg7[%get3A_121, %get3A_122] {strides = array<i32>} : memref<157x128xi32, #tpu.memory_space<vmem>>, vector<1x16xi32>,
      %get3A_124 = vector.shape_cast %get3A_123 : vector<1x16xi32> to vector<16xi32>
      %add3A_125 = vector.broadcast %mul3A_2 : i32 to vector<16xi32>
      %add3A_126 = arith.addi %get3A_124, %add3A_125 : vector<16xi32>
      %swap3A_127 = arith.index_cast %add3A_67 : i32 to index
      %swap3A_128 = arith.constant 80 : index
      %swap3A_129 = tpu.vector_load %arg7[%swap3A_127, %swap3A_128] {strides = array<i32>} : memref<157x128xi32, #tpu.memory_space<vmem>>, vector<1x16xi32>,
      %swap3A_130 = vector.shape_cast %swap3A_129 : vector<1x16xi32> to vector<16xi32>
      %swap3A_131 = vector.shape_cast %add3A_126 : vector<16xi32> to vector<1x16xi32>
      tpu.vector_store %arg7[%swap3A_127, %swap3A_128], %swap3A_131 {strides = array<i32>} : memref<157x128xi32, #tpu.memory_space<vmem>>, vector<1x16xi32>,
      %get3A_132 = arith.index_cast %add3A_67 : i32 to index
      %get3A_133 = arith.constant 96 : index
      %get3A_134 = tpu.vector_load %arg7[%get3A_132, %get3A_133] {strides = array<i32>} : memref<157x128xi32, #tpu.memory_space<vmem>>, vector<1x16xi32>,
      %get3A_135 = vector.shape_cast %get3A_134 : vector<1x16xi32> to vector<16xi32>
      %add3A_136 = vector.broadcast %mul3A_2 : i32 to vector<16xi32>
      %add3A_137 = arith.addi %get3A_135, %add3A_136 : vector<16xi32>
      %swap3A_138 = arith.index_cast %add3A_67 : i32 to index
      %swap3A_139 = arith.constant 96 : index
      %swap3A_140 = tpu.vector_load %arg7[%swap3A_138, %swap3A_139] {strides = array<i32>} : memref<157x128xi32, #tpu.memory_space<vmem>>, vector<1x16xi32>,
      %swap3A_141 = vector.shape_cast %swap3A_140 : vector<1x16xi32> to vector<16xi32>
      %swap3A_142 = vector.shape_cast %add3A_137 : vector<16xi32> to vector<1x16xi32>
      tpu.vector_store %arg7[%swap3A_138, %swap3A_139], %swap3A_142 {strides = array<i32>} : memref<157x128xi32, #tpu.memory_space<vmem>>, vector<1x16xi32>,
      %get3A_143 = arith.index_cast %add3A_67 : i32 to index
      %get3A_144 = arith.constant 112 : index
      %get3A_145 = tpu.vector_load %arg7[%get3A_143, %get3A_144] {strides = array<i32>} : memref<157x128xi32, #tpu.memory_space<vmem>>, vector<1x16xi32>,
      %get3A_146 = vector.shape_cast %get3A_145 : vector<1x16xi32> to vector<16xi32>
      %add3A_147 = vector.broadcast %mul3A_2 : i32 to vector<16xi32>
      %add3A_148 = arith.addi %get3A_146, %add3A_147 : vector<16xi32>
      %swap3A_149 = arith.index_cast %add3A_67 : i32 to index
      %swap3A_150 = arith.constant 112 : index
      %swap3A_151 = tpu.vector_load %arg7[%swap3A_149, %swap3A_150] {strides = array<i32>} : memref<157x128xi32, #tpu.memory_space<vmem>>, vector<1x16xi32>,
      %swap3A_152 = vector.shape_cast %swap3A_151 : vector<1x16xi32> to vector<16xi32>
      %swap3A_153 = vector.shape_cast %add3A_148 : vector<16xi32> to vector<1x16xi32>
      tpu.vector_store %arg7[%swap3A_149, %swap3A_150], %swap3A_153 {strides = array<i32>} : memref<157x128xi32, #tpu.memory_space<vmem>>, vector<1x16xi32>,
    }
    %scan3A_6 = arith.constant 157 : i32
    %barrier3A = arith.constant 0 : index
    tpu.barrier barrier_id(%barrier3A)
    %dma_start3A = arith.constant 0 : i32
    %dma_start3A_7 = arith.constant 0 : i32
    %dma_start3A_8 = tpu.memref_slice %arg7[%dma_start3A, %dma_start3A_7] : memref<157x128xi32, #tpu.memory_space<vmem>> -> memref<1x128xi32, #tpu.memory_space<vmem>>
    %dma_start3A_9 = tpu.memref_squeeze %dma_start3A_8 : memref<1x128xi32, #tpu.memory_space<vmem>> -> memref<128xi32, #tpu.memory_space<vmem>>
    %dma_start3A_10 = arith.constant 0 : i32
    %dma_start3A_11 = arith.constant 0 : i32
    %dma_start3A_12 = tpu.memref_slice %arg2[%dma_start3A_10, %dma_start3A_11] : memref<20000x64xf32, #tpu.memory_space<hbm>> -> memref<20000x64xf32, #tpu.memory_space<hbm>>
    tpu.enqueue_indirect_dma source(%dma_start3A_12 : memref<20000x64xf32, #tpu.memory_space<hbm>>) target(%arg9 : memref<128x64xf32, #tpu.memory_space<vmem>>) offsets(%dma_start3A_9 : memref<128xi32, #tpu.memory_space<vmem>>) semaphore(%arg16 : memref<!tpu.dma_semaphore, #tpu.memory_space<semaphore_mem>>)
    %dma_start3A_13 = arith.constant 1 : i32
    %dma_start3A_14 = arith.constant 0 : i32
    %dma_start3A_15 = tpu.memref_slice %arg7[%dma_start3A_13, %dma_start3A_14] : memref<157x128xi32, #tpu.memory_space<vmem>> -> memref<1x128xi32, #tpu.memory_space<vmem>>
    %dma_start3A_16 = tpu.memref_squeeze %dma_start3A_15 : memref<1x128xi32, #tpu.memory_space<vmem>> -> memref<128xi32, #tpu.memory_space<vmem>>
    %dma_start3A_17 = arith.constant 0 : i32
    %dma_start3A_18 = arith.constant 0 : i32
    %dma_start3A_19 = tpu.memref_slice %arg2[%dma_start3A_17, %dma_start3A_18] : memref<20000x64xf32, #tpu.memory_space<hbm>> -> memref<20000x64xf32, #tpu.memory_space<hbm>>
    tpu.enqueue_indirect_dma source(%dma_start3A_19 : memref<20000x64xf32, #tpu.memory_space<hbm>>) target(%arg10 : memref<128x64xf32, #tpu.memory_space<vmem>>) offsets(%dma_start3A_16 : memref<128xi32, #tpu.memory_space<vmem>>) semaphore(%arg17 : memref<!tpu.dma_semaphore, #tpu.memory_space<semaphore_mem>>)
    %dma_start3A_20 = arith.constant 2 : i32
    %dma_start3A_21 = arith.constant 0 : i32
    %dma_start3A_22 = tpu.memref_slice %arg7[%dma_start3A_20, %dma_start3A_21] : memref<157x128xi32, #tpu.memory_space<vmem>> -> memref<1x128xi32, #tpu.memory_space<vmem>>
    %dma_start3A_23 = tpu.memref_squeeze %dma_start3A_22 : memref<1x128xi32, #tpu.memory_space<vmem>> -> memref<128xi32, #tpu.memory_space<vmem>>
    %dma_start3A_24 = arith.constant 0 : i32
    %dma_start3A_25 = arith.constant 0 : i32
    %dma_start3A_26 = tpu.memref_slice %arg2[%dma_start3A_24, %dma_start3A_25] : memref<20000x64xf32, #tpu.memory_space<hbm>> -> memref<20000x64xf32, #tpu.memory_space<hbm>>
    tpu.enqueue_indirect_dma source(%dma_start3A_26 : memref<20000x64xf32, #tpu.memory_space<hbm>>) target(%arg11 : memref<128x64xf32, #tpu.memory_space<vmem>>) offsets(%dma_start3A_23 : memref<128xi32, #tpu.memory_space<vmem>>) semaphore(%arg18 : memref<!tpu.dma_semaphore, #tpu.memory_space<semaphore_mem>>)
    %dma_start3A_27 = arith.constant 3 : i32
    %dma_start3A_28 = arith.constant 0 : i32
    %dma_start3A_29 = tpu.memref_slice %arg7[%dma_start3A_27, %dma_start3A_28] : memref<157x128xi32, #tpu.memory_space<vmem>> -> memref<1x128xi32, #tpu.memory_space<vmem>>
    %dma_start3A_30 = tpu.memref_squeeze %dma_start3A_29 : memref<1x128xi32, #tpu.memory_space<vmem>> -> memref<128xi32, #tpu.memory_space<vmem>>
    %dma_start3A_31 = arith.constant 0 : i32
    %dma_start3A_32 = arith.constant 0 : i32
    %dma_start3A_33 = tpu.memref_slice %arg2[%dma_start3A_31, %dma_start3A_32] : memref<20000x64xf32, #tpu.memory_space<hbm>> -> memref<20000x64xf32, #tpu.memory_space<hbm>>
    tpu.enqueue_indirect_dma source(%dma_start3A_33 : memref<20000x64xf32, #tpu.memory_space<hbm>>) target(%arg12 : memref<128x64xf32, #tpu.memory_space<vmem>>) offsets(%dma_start3A_30 : memref<128xi32, #tpu.memory_space<vmem>>) semaphore(%arg19 : memref<!tpu.dma_semaphore, #tpu.memory_space<semaphore_mem>>)
    %dma_start3A_34 = arith.constant 4 : i32
    %dma_start3A_35 = arith.constant 0 : i32
    %dma_start3A_36 = tpu.memref_slice %arg7[%dma_start3A_34, %dma_start3A_35] : memref<157x128xi32, #tpu.memory_space<vmem>> -> memref<1x128xi32, #tpu.memory_space<vmem>>
    %dma_start3A_37 = tpu.memref_squeeze %dma_start3A_36 : memref<1x128xi32, #tpu.memory_space<vmem>> -> memref<128xi32, #tpu.memory_space<vmem>>
    %dma_start3A_38 = arith.constant 0 : i32
    %dma_start3A_39 = arith.constant 0 : i32
    %dma_start3A_40 = tpu.memref_slice %arg2[%dma_start3A_38, %dma_start3A_39] : memref<20000x64xf32, #tpu.memory_space<hbm>> -> memref<20000x64xf32, #tpu.memory_space<hbm>>
    tpu.enqueue_indirect_dma source(%dma_start3A_40 : memref<20000x64xf32, #tpu.memory_space<hbm>>) target(%arg13 : memref<128x64xf32, #tpu.memory_space<vmem>>) offsets(%dma_start3A_37 : memref<128xi32, #tpu.memory_space<vmem>>) semaphore(%arg20 : memref<!tpu.dma_semaphore, #tpu.memory_space<semaphore_mem>>)
    %dma_start3A_41 = arith.constant 5 : i32
    %dma_start3A_42 = arith.constant 0 : i32
    %dma_start3A_43 = tpu.memref_slice %arg7[%dma_start3A_41, %dma_start3A_42] : memref<157x128xi32, #tpu.memory_space<vmem>> -> memref<1x128xi32, #tpu.memory_space<vmem>>
    %dma_start3A_44 = tpu.memref_squeeze %dma_start3A_43 : memref<1x128xi32, #tpu.memory_space<vmem>> -> memref<128xi32, #tpu.memory_space<vmem>>
    %dma_start3A_45 = arith.constant 0 : i32
    %dma_start3A_46 = arith.constant 0 : i32
    %dma_start3A_47 = tpu.memref_slice %arg2[%dma_start3A_45, %dma_start3A_46] : memref<20000x64xf32, #tpu.memory_space<hbm>> -> memref<20000x64xf32, #tpu.memory_space<hbm>>
    tpu.enqueue_indirect_dma source(%dma_start3A_47 : memref<20000x64xf32, #tpu.memory_space<hbm>>) target(%arg14 : memref<128x64xf32, #tpu.memory_space<vmem>>) offsets(%dma_start3A_44 : memref<128xi32, #tpu.memory_space<vmem>>) semaphore(%arg21 : memref<!tpu.dma_semaphore, #tpu.memory_space<semaphore_mem>>)
    %scan3A_48 = arith.constant 0 : i32
    %scan3A_49 = arith.constant 26 : i32
    %scan3A_50 = arith.addi %scan3A_48, %scan3A_49 : i32
    %scan3A_51 = arith.constant 1 : i32
    scf.for %scan3A_64 = %scan3A_48 to %scan3A_50 step %scan3A_51  : i32 {
      %mul3A_65 = arith.constant 6 : i32
      %mul3A_66 = arith.muli %scan3A_64, %mul3A_65 : i32
      %add3A = arith.constant 0 : i32
      %add3A_67 = arith.addi %add3A, %mul3A_66 : i32
      %add3A_68 = arith.constant 0 : i32
      %add3A_69 = arith.addi %add3A_67, %add3A_68 : i32
      %dma_wait3A_70 = arith.constant 0 : i32
      %dma_wait3A_71 = tpu.memref_slice %arg7[%add3A_69, %dma_wait3A_70] : memref<157x128xi32, #tpu.memory_space<vmem>> -> memref<1x128xi32, #tpu.memory_space<vmem>>
      %dma_wait3A_72 = tpu.memref_squeeze %dma_wait3A_71 : memref<1x128xi32, #tpu.memory_space<vmem>> -> memref<128xi32, #tpu.memory_space<vmem>>
      %dma_wait3A_73 = arith.constant 0 : i32
      %dma_wait3A_74 = arith.constant 0 : i32
      %dma_wait3A_75 = tpu.memref_slice %arg2[%dma_wait3A_73, %dma_wait3A_74] : memref<20000x64xf32, #tpu.memory_space<hbm>> -> memref<20000x64xf32, #tpu.memory_space<hbm>>
      tpu.wait_indirect_dma semaphore(%arg16 : memref<!tpu.dma_semaphore, #tpu.memory_space<semaphore_mem>>) src(%dma_wait3A_75 : memref<20000x64xf32, #tpu.memory_space<hbm>>) dst(%arg9 : memref<128x64xf32, #tpu.memory_space<vmem>>)
      %add3A_76 = arith.constant 0 : i32
      %add3A_77 = arith.addi %add3A_67, %add3A_76 : i32
      %dma_start3A_78 = arith.constant 0 : i32
      %dma_start3A_79 = tpu.memref_slice %arg8[%add3A_77, %dma_start3A_78] : memref<157x128xi32, #tpu.memory_space<vmem>> -> memref<1x128xi32, #tpu.memory_space<vmem>>
      %dma_start3A_80 = tpu.memref_squeeze %dma_start3A_79 : memref<1x128xi32, #tpu.memory_space<vmem>> -> memref<128xi32, #tpu.memory_space<vmem>>
      %dma_start3A_81 = arith.constant 0 : i32
      %dma_start3A_82 = arith.constant 0 : i32
      %dma_start3A_83 = tpu.memref_slice %arg15[%dma_start3A_81, %dma_start3A_82] : memref<10112x64xf32, #tpu.memory_space<vmem_shared>> -> memref<10112x64xf32, #tpu.memory_space<vmem_shared>>
      tpu.enqueue_indirect_dma source(%arg9 : memref<128x64xf32, #tpu.memory_space<vmem>>) target(%dma_start3A_83 : memref<10112x64xf32, #tpu.memory_space<vmem_shared>>) offsets(%dma_start3A_80 : memref<128xi32, #tpu.memory_space<vmem>>) semaphore(%arg22 : memref<!tpu.dma_semaphore, #tpu.memory_space<semaphore_mem>>) {add = true}
      %add3A_84 = arith.constant 1 : i32
      %add3A_85 = arith.addi %add3A_67, %add3A_84 : i32
      %dma_wait3A_86 = arith.constant 0 : i32
      %dma_wait3A_87 = tpu.memref_slice %arg7[%add3A_85, %dma_wait3A_86] : memref<157x128xi32, #tpu.memory_space<vmem>> -> memref<1x128xi32, #tpu.memory_space<vmem>>
      %dma_wait3A_88 = tpu.memref_squeeze %dma_wait3A_87 : memref<1x128xi32, #tpu.memory_space<vmem>> -> memref<128xi32, #tpu.memory_space<vmem>>
      %dma_wait3A_89 = arith.constant 0 : i32
      %dma_wait3A_90 = arith.constant 0 : i32
      %dma_wait3A_91 = tpu.memref_slice %arg2[%dma_wait3A_89, %dma_wait3A_90] : memref<20000x64xf32, #tpu.memory_space<hbm>> -> memref<20000x64xf32, #tpu.memory_space<hbm>>
      tpu.wait_indirect_dma semaphore(%arg17 : memref<!tpu.dma_semaphore, #tpu.memory_space<semaphore_mem>>) src(%dma_wait3A_91 : memref<20000x64xf32, #tpu.memory_space<hbm>>) dst(%arg10 : memref<128x64xf32, #tpu.memory_space<vmem>>)
      %add3A_92 = arith.constant 1 : i32
      %add3A_93 = arith.addi %add3A_67, %add3A_92 : i32
      %dma_start3A_94 = arith.constant 0 : i32
      %dma_start3A_95 = tpu.memref_slice %arg8[%add3A_93, %dma_start3A_94] : memref<157x128xi32, #tpu.memory_space<vmem>> -> memref<1x128xi32, #tpu.memory_space<vmem>>
      %dma_start3A_96 = tpu.memref_squeeze %dma_start3A_95 : memref<1x128xi32, #tpu.memory_space<vmem>> -> memref<128xi32, #tpu.memory_space<vmem>>
      %dma_start3A_97 = arith.constant 0 : i32
      %dma_start3A_98 = arith.constant 0 : i32
      %dma_start3A_99 = tpu.memref_slice %arg15[%dma_start3A_97, %dma_start3A_98] : memref<10112x64xf32, #tpu.memory_space<vmem_shared>> -> memref<10112x64xf32, #tpu.memory_space<vmem_shared>>
      tpu.enqueue_indirect_dma source(%arg10 : memref<128x64xf32, #tpu.memory_space<vmem>>) target(%dma_start3A_99 : memref<10112x64xf32, #tpu.memory_space<vmem_shared>>) offsets(%dma_start3A_96 : memref<128xi32, #tpu.memory_space<vmem>>) semaphore(%arg23 : memref<!tpu.dma_semaphore, #tpu.memory_space<semaphore_mem>>) {add = true}
      %add3A_100 = arith.constant 2 : i32
      %add3A_101 = arith.addi %add3A_67, %add3A_100 : i32
      %dma_wait3A_102 = arith.constant 0 : i32
      %dma_wait3A_103 = tpu.memref_slice %arg7[%add3A_101, %dma_wait3A_102] : memref<157x128xi32, #tpu.memory_space<vmem>> -> memref<1x128xi32, #tpu.memory_space<vmem>>
      %dma_wait3A_104 = tpu.memref_squeeze %dma_wait3A_103 : memref<1x128xi32, #tpu.memory_space<vmem>> -> memref<128xi32, #tpu.memory_space<vmem>>
      %dma_wait3A_105 = arith.constant 0 : i32
      %dma_wait3A_106 = arith.constant 0 : i32
      %dma_wait3A_107 = tpu.memref_slice %arg2[%dma_wait3A_105, %dma_wait3A_106] : memref<20000x64xf32, #tpu.memory_space<hbm>> -> memref<20000x64xf32, #tpu.memory_space<hbm>>
      tpu.wait_indirect_dma semaphore(%arg18 : memref<!tpu.dma_semaphore, #tpu.memory_space<semaphore_mem>>) src(%dma_wait3A_107 : memref<20000x64xf32, #tpu.memory_space<hbm>>) dst(%arg11 : memref<128x64xf32, #tpu.memory_space<vmem>>)
      %add3A_108 = arith.constant 2 : i32
      %add3A_109 = arith.addi %add3A_67, %add3A_108 : i32
      %dma_start3A_110 = arith.constant 0 : i32
      %dma_start3A_111 = tpu.memref_slice %arg8[%add3A_109, %dma_start3A_110] : memref<157x128xi32, #tpu.memory_space<vmem>> -> memref<1x128xi32, #tpu.memory_space<vmem>>
      %dma_start3A_112 = tpu.memref_squeeze %dma_start3A_111 : memref<1x128xi32, #tpu.memory_space<vmem>> -> memref<128xi32, #tpu.memory_space<vmem>>
      %dma_start3A_113 = arith.constant 0 : i32
      %dma_start3A_114 = arith.constant 0 : i32
      %dma_start3A_115 = tpu.memref_slice %arg15[%dma_start3A_113, %dma_start3A_114] : memref<10112x64xf32, #tpu.memory_space<vmem_shared>> -> memref<10112x64xf32, #tpu.memory_space<vmem_shared>>
      tpu.enqueue_indirect_dma source(%arg11 : memref<128x64xf32, #tpu.memory_space<vmem>>) target(%dma_start3A_115 : memref<10112x64xf32, #tpu.memory_space<vmem_shared>>) offsets(%dma_start3A_112 : memref<128xi32, #tpu.memory_space<vmem>>) semaphore(%arg24 : memref<!tpu.dma_semaphore, #tpu.memory_space<semaphore_mem>>) {add = true}
      %add3A_116 = arith.constant 3 : i32
      %add3A_117 = arith.addi %add3A_67, %add3A_116 : i32
      %dma_wait3A_118 = arith.constant 0 : i32
      %dma_wait3A_119 = tpu.memref_slice %arg7[%add3A_117, %dma_wait3A_118] : memref<157x128xi32, #tpu.memory_space<vmem>> -> memref<1x128xi32, #tpu.memory_space<vmem>>
      %dma_wait3A_120 = tpu.memref_squeeze %dma_wait3A_119 : memref<1x128xi32, #tpu.memory_space<vmem>> -> memref<128xi32, #tpu.memory_space<vmem>>
      %dma_wait3A_121 = arith.constant 0 : i32
      %dma_wait3A_122 = arith.constant 0 : i32
      %dma_wait3A_123 = tpu.memref_slice %arg2[%dma_wait3A_121, %dma_wait3A_122] : memref<20000x64xf32, #tpu.memory_space<hbm>> -> memref<20000x64xf32, #tpu.memory_space<hbm>>
      tpu.wait_indirect_dma semaphore(%arg19 : memref<!tpu.dma_semaphore, #tpu.memory_space<semaphore_mem>>) src(%dma_wait3A_123 : memref<20000x64xf32, #tpu.memory_space<hbm>>) dst(%arg12 : memref<128x64xf32, #tpu.memory_space<vmem>>)
      %add3A_124 = arith.constant 3 : i32
      %add3A_125 = arith.addi %add3A_67, %add3A_124 : i32
      %dma_start3A_126 = arith.constant 0 : i32
      %dma_start3A_127 = tpu.memref_slice %arg8[%add3A_125, %dma_start3A_126] : memref<157x128xi32, #tpu.memory_space<vmem>> -> memref<1x128xi32, #tpu.memory_space<vmem>>
      %dma_start3A_128 = tpu.memref_squeeze %dma_start3A_127 : memref<1x128xi32, #tpu.memory_space<vmem>> -> memref<128xi32, #tpu.memory_space<vmem>>
      %dma_start3A_129 = arith.constant 0 : i32
      %dma_start3A_130 = arith.constant 0 : i32
      %dma_start3A_131 = tpu.memref_slice %arg15[%dma_start3A_129, %dma_start3A_130] : memref<10112x64xf32, #tpu.memory_space<vmem_shared>> -> memref<10112x64xf32, #tpu.memory_space<vmem_shared>>
      tpu.enqueue_indirect_dma source(%arg12 : memref<128x64xf32, #tpu.memory_space<vmem>>) target(%dma_start3A_131 : memref<10112x64xf32, #tpu.memory_space<vmem_shared>>) offsets(%dma_start3A_128 : memref<128xi32, #tpu.memory_space<vmem>>) semaphore(%arg25 : memref<!tpu.dma_semaphore, #tpu.memory_space<semaphore_mem>>) {add = true}
      %add3A_132 = arith.constant 4 : i32
      %add3A_133 = arith.addi %add3A_67, %add3A_132 : i32
      %dma_wait3A_134 = arith.constant 0 : i32
      %dma_wait3A_135 = tpu.memref_slice %arg7[%add3A_133, %dma_wait3A_134] : memref<157x128xi32, #tpu.memory_space<vmem>> -> memref<1x128xi32, #tpu.memory_space<vmem>>
      %dma_wait3A_136 = tpu.memref_squeeze %dma_wait3A_135 : memref<1x128xi32, #tpu.memory_space<vmem>> -> memref<128xi32, #tpu.memory_space<vmem>>
      %dma_wait3A_137 = arith.constant 0 : i32
      %dma_wait3A_138 = arith.constant 0 : i32
      %dma_wait3A_139 = tpu.memref_slice %arg2[%dma_wait3A_137, %dma_wait3A_138] : memref<20000x64xf32, #tpu.memory_space<hbm>> -> memref<20000x64xf32, #tpu.memory_space<hbm>>
      tpu.wait_indirect_dma semaphore(%arg20 : memref<!tpu.dma_semaphore, #tpu.memory_space<semaphore_mem>>) src(%dma_wait3A_139 : memref<20000x64xf32, #tpu.memory_space<hbm>>) dst(%arg13 : memref<128x64xf32, #tpu.memory_space<vmem>>)
      %add3A_140 = arith.constant 4 : i32
      %add3A_141 = arith.addi %add3A_67, %add3A_140 : i32
      %dma_start3A_142 = arith.constant 0 : i32
      %dma_start3A_143 = tpu.memref_slice %arg8[%add3A_141, %dma_start3A_142] : memref<157x128xi32, #tpu.memory_space<vmem>> -> memref<1x128xi32, #tpu.memory_space<vmem>>
      %dma_start3A_144 = tpu.memref_squeeze %dma_start3A_143 : memref<1x128xi32, #tpu.memory_space<vmem>> -> memref<128xi32, #tpu.memory_space<vmem>>
      %dma_start3A_145 = arith.constant 0 : i32
      %dma_start3A_146 = arith.constant 0 : i32
      %dma_start3A_147 = tpu.memref_slice %arg15[%dma_start3A_145, %dma_start3A_146] : memref<10112x64xf32, #tpu.memory_space<vmem_shared>> -> memref<10112x64xf32, #tpu.memory_space<vmem_shared>>
      tpu.enqueue_indirect_dma source(%arg13 : memref<128x64xf32, #tpu.memory_space<vmem>>) target(%dma_start3A_147 : memref<10112x64xf32, #tpu.memory_space<vmem_shared>>) offsets(%dma_start3A_144 : memref<128xi32, #tpu.memory_space<vmem>>) semaphore(%arg26 : memref<!tpu.dma_semaphore, #tpu.memory_space<semaphore_mem>>) {add = true}
      %add3A_148 = arith.constant 5 : i32
      %add3A_149 = arith.addi %add3A_67, %add3A_148 : i32
      %dma_wait3A_150 = arith.constant 0 : i32
      %dma_wait3A_151 = tpu.memref_slice %arg7[%add3A_149, %dma_wait3A_150] : memref<157x128xi32, #tpu.memory_space<vmem>> -> memref<1x128xi32, #tpu.memory_space<vmem>>
      %dma_wait3A_152 = tpu.memref_squeeze %dma_wait3A_151 : memref<1x128xi32, #tpu.memory_space<vmem>> -> memref<128xi32, #tpu.memory_space<vmem>>
      %dma_wait3A_153 = arith.constant 0 : i32
      %dma_wait3A_154 = arith.constant 0 : i32
      %dma_wait3A_155 = tpu.memref_slice %arg2[%dma_wait3A_153, %dma_wait3A_154] : memref<20000x64xf32, #tpu.memory_space<hbm>> -> memref<20000x64xf32, #tpu.memory_space<hbm>>
      tpu.wait_indirect_dma semaphore(%arg21 : memref<!tpu.dma_semaphore, #tpu.memory_space<semaphore_mem>>) src(%dma_wait3A_155 : memref<20000x64xf32, #tpu.memory_space<hbm>>) dst(%arg14 : memref<128x64xf32, #tpu.memory_space<vmem>>)
      %add3A_156 = arith.constant 5 : i32
      %add3A_157 = arith.addi %add3A_67, %add3A_156 : i32
      %dma_start3A_158 = arith.constant 0 : i32
      %dma_start3A_159 = tpu.memref_slice %arg8[%add3A_157, %dma_start3A_158] : memref<157x128xi32, #tpu.memory_space<vmem>> -> memref<1x128xi32, #tpu.memory_space<vmem>>
      %dma_start3A_160 = tpu.memref_squeeze %dma_start3A_159 : memref<1x128xi32, #tpu.memory_space<vmem>> -> memref<128xi32, #tpu.memory_space<vmem>>
      %dma_start3A_161 = arith.constant 0 : i32
      %dma_start3A_162 = arith.constant 0 : i32
      %dma_start3A_163 = tpu.memref_slice %arg15[%dma_start3A_161, %dma_start3A_162] : memref<10112x64xf32, #tpu.memory_space<vmem_shared>> -> memref<10112x64xf32, #tpu.memory_space<vmem_shared>>
      tpu.enqueue_indirect_dma source(%arg14 : memref<128x64xf32, #tpu.memory_space<vmem>>) target(%dma_start3A_163 : memref<10112x64xf32, #tpu.memory_space<vmem_shared>>) offsets(%dma_start3A_160 : memref<128xi32, #tpu.memory_space<vmem>>) semaphore(%arg27 : memref<!tpu.dma_semaphore, #tpu.memory_space<semaphore_mem>>) {add = true}
      %add3A_164 = arith.constant 0 : i32
      %add3A_165 = arith.addi %add3A_67, %add3A_164 : i32
      %dma_wait3A_166 = arith.constant 0 : i32
      %dma_wait3A_167 = tpu.memref_slice %arg8[%add3A_165, %dma_wait3A_166] : memref<157x128xi32, #tpu.memory_space<vmem>> -> memref<1x128xi32, #tpu.memory_space<vmem>>
      %dma_wait3A_168 = tpu.memref_squeeze %dma_wait3A_167 : memref<1x128xi32, #tpu.memory_space<vmem>> -> memref<128xi32, #tpu.memory_space<vmem>>
      %dma_wait3A_169 = arith.constant 0 : i32
      %dma_wait3A_170 = arith.constant 0 : i32
      %dma_wait3A_171 = tpu.memref_slice %arg15[%dma_wait3A_169, %dma_wait3A_170] : memref<10112x64xf32, #tpu.memory_space<vmem_shared>> -> memref<10112x64xf32, #tpu.memory_space<vmem_shared>>
      tpu.wait_indirect_dma semaphore(%arg22 : memref<!tpu.dma_semaphore, #tpu.memory_space<semaphore_mem>>) src(%arg9 : memref<128x64xf32, #tpu.memory_space<vmem>>) dst(%dma_wait3A_171 : memref<10112x64xf32, #tpu.memory_space<vmem_shared>>)
      %add3A_172 = arith.constant 6 : i32
      %add3A_173 = arith.addi %add3A_67, %add3A_172 : i32
      %add3A_174 = arith.constant 0 : i32
      %add3A_175 = arith.addi %add3A_173, %add3A_174 : i32
      %lt3A = arith.constant 157 : i32
      %lt3A_176 = arith.cmpi slt, %add3A_175, %lt3A : i32
      %convert_element_type3A = arith.extui %lt3A_176 : i1 to i32
      %cond3A = arith.constant 0 : i32
      %cond3A_177 = arith.cmpi ne, %convert_element_type3A, %cond3A : i32
      scf.if %cond3A_177 {
        %add3A_263 = arith.constant 6 : i32
        %add3A_264 = arith.addi %add3A_67, %add3A_263 : i32
        %add3A_265 = arith.constant 0 : i32
        %add3A_266 = arith.addi %add3A_264, %add3A_265 : i32
        %dma_start3A_267 = arith.constant 0 : i32
        %dma_start3A_268 = tpu.memref_slice %arg7[%add3A_266, %dma_start3A_267] : memref<157x128xi32, #tpu.memory_space<vmem>> -> memref<1x128xi32, #tpu.memory_space<vmem>>
        %dma_start3A_269 = tpu.memref_squeeze %dma_start3A_268 : memref<1x128xi32, #tpu.memory_space<vmem>> -> memref<128xi32, #tpu.memory_space<vmem>>
        %dma_start3A_270 = arith.constant 0 : i32
        %dma_start3A_271 = arith.constant 0 : i32
        %dma_start3A_272 = tpu.memref_slice %arg2[%dma_start3A_270, %dma_start3A_271] : memref<20000x64xf32, #tpu.memory_space<hbm>> -> memref<20000x64xf32, #tpu.memory_space<hbm>>
        tpu.enqueue_indirect_dma source(%dma_start3A_272 : memref<20000x64xf32, #tpu.memory_space<hbm>>) target(%arg9 : memref<128x64xf32, #tpu.memory_space<vmem>>) offsets(%dma_start3A_269 : memref<128xi32, #tpu.memory_space<vmem>>) semaphore(%arg16 : memref<!tpu.dma_semaphore, #tpu.memory_space<semaphore_mem>>)
      } else {
      }
      %add3A_178 = arith.constant 1 : i32
      %add3A_179 = arith.addi %add3A_67, %add3A_178 : i32
      %dma_wait3A_180 = arith.constant 0 : i32
      %dma_wait3A_181 = tpu.memref_slice %arg8[%add3A_179, %dma_wait3A_180] : memref<157x128xi32, #tpu.memory_space<vmem>> -> memref<1x128xi32, #tpu.memory_space<vmem>>
      %dma_wait3A_182 = tpu.memref_squeeze %dma_wait3A_181 : memref<1x128xi32, #tpu.memory_space<vmem>> -> memref<128xi32, #tpu.memory_space<vmem>>
      %dma_wait3A_183 = arith.constant 0 : i32
      %dma_wait3A_184 = arith.constant 0 : i32
      %dma_wait3A_185 = tpu.memref_slice %arg15[%dma_wait3A_183, %dma_wait3A_184] : memref<10112x64xf32, #tpu.memory_space<vmem_shared>> -> memref<10112x64xf32, #tpu.memory_space<vmem_shared>>
      tpu.wait_indirect_dma semaphore(%arg23 : memref<!tpu.dma_semaphore, #tpu.memory_space<semaphore_mem>>) src(%arg10 : memref<128x64xf32, #tpu.memory_space<vmem>>) dst(%dma_wait3A_185 : memref<10112x64xf32, #tpu.memory_space<vmem_shared>>)
      %add3A_186 = arith.constant 6 : i32
      %add3A_187 = arith.addi %add3A_67, %add3A_186 : i32
      %add3A_188 = arith.constant 1 : i32
      %add3A_189 = arith.addi %add3A_187, %add3A_188 : i32
      %lt3A_190 = arith.constant 157 : i32
      %lt3A_191 = arith.cmpi slt, %add3A_189, %lt3A_190 : i32
      %convert_element_type3A_192 = arith.extui %lt3A_191 : i1 to i32
      %cond3A_193 = arith.constant 0 : i32
      %cond3A_194 = arith.cmpi ne, %convert_element_type3A_192, %cond3A_193 : i32
      scf.if %cond3A_194 {
        %add3A_263 = arith.constant 6 : i32
        %add3A_264 = arith.addi %add3A_67, %add3A_263 : i32
        %add3A_265 = arith.constant 1 : i32
        %add3A_266 = arith.addi %add3A_264, %add3A_265 : i32
        %dma_start3A_267 = arith.constant 0 : i32
        %dma_start3A_268 = tpu.memref_slice %arg7[%add3A_266, %dma_start3A_267] : memref<157x128xi32, #tpu.memory_space<vmem>> -> memref<1x128xi32, #tpu.memory_space<vmem>>
        %dma_start3A_269 = tpu.memref_squeeze %dma_start3A_268 : memref<1x128xi32, #tpu.memory_space<vmem>> -> memref<128xi32, #tpu.memory_space<vmem>>
        %dma_start3A_270 = arith.constant 0 : i32
        %dma_start3A_271 = arith.constant 0 : i32
        %dma_start3A_272 = tpu.memref_slice %arg2[%dma_start3A_270, %dma_start3A_271] : memref<20000x64xf32, #tpu.memory_space<hbm>> -> memref<20000x64xf32, #tpu.memory_space<hbm>>
        tpu.enqueue_indirect_dma source(%dma_start3A_272 : memref<20000x64xf32, #tpu.memory_space<hbm>>) target(%arg10 : memref<128x64xf32, #tpu.memory_space<vmem>>) offsets(%dma_start3A_269 : memref<128xi32, #tpu.memory_space<vmem>>) semaphore(%arg17 : memref<!tpu.dma_semaphore, #tpu.memory_space<semaphore_mem>>)
      } else {
      }
      %add3A_195 = arith.constant 2 : i32
      %add3A_196 = arith.addi %add3A_67, %add3A_195 : i32
      %dma_wait3A_197 = arith.constant 0 : i32
      %dma_wait3A_198 = tpu.memref_slice %arg8[%add3A_196, %dma_wait3A_197] : memref<157x128xi32, #tpu.memory_space<vmem>> -> memref<1x128xi32, #tpu.memory_space<vmem>>
      %dma_wait3A_199 = tpu.memref_squeeze %dma_wait3A_198 : memref<1x128xi32, #tpu.memory_space<vmem>> -> memref<128xi32, #tpu.memory_space<vmem>>
      %dma_wait3A_200 = arith.constant 0 : i32
      %dma_wait3A_201 = arith.constant 0 : i32
      %dma_wait3A_202 = tpu.memref_slice %arg15[%dma_wait3A_200, %dma_wait3A_201] : memref<10112x64xf32, #tpu.memory_space<vmem_shared>> -> memref<10112x64xf32, #tpu.memory_space<vmem_shared>>
      tpu.wait_indirect_dma semaphore(%arg24 : memref<!tpu.dma_semaphore, #tpu.memory_space<semaphore_mem>>) src(%arg11 : memref<128x64xf32, #tpu.memory_space<vmem>>) dst(%dma_wait3A_202 : memref<10112x64xf32, #tpu.memory_space<vmem_shared>>)
      %add3A_203 = arith.constant 6 : i32
      %add3A_204 = arith.addi %add3A_67, %add3A_203 : i32
      %add3A_205 = arith.constant 2 : i32
      %add3A_206 = arith.addi %add3A_204, %add3A_205 : i32
      %lt3A_207 = arith.constant 157 : i32
      %lt3A_208 = arith.cmpi slt, %add3A_206, %lt3A_207 : i32
      %convert_element_type3A_209 = arith.extui %lt3A_208 : i1 to i32
      %cond3A_210 = arith.constant 0 : i32
      %cond3A_211 = arith.cmpi ne, %convert_element_type3A_209, %cond3A_210 : i32
      scf.if %cond3A_211 {
        %add3A_263 = arith.constant 6 : i32
        %add3A_264 = arith.addi %add3A_67, %add3A_263 : i32
        %add3A_265 = arith.constant 2 : i32
        %add3A_266 = arith.addi %add3A_264, %add3A_265 : i32
        %dma_start3A_267 = arith.constant 0 : i32
        %dma_start3A_268 = tpu.memref_slice %arg7[%add3A_266, %dma_start3A_267] : memref<157x128xi32, #tpu.memory_space<vmem>> -> memref<1x128xi32, #tpu.memory_space<vmem>>
        %dma_start3A_269 = tpu.memref_squeeze %dma_start3A_268 : memref<1x128xi32, #tpu.memory_space<vmem>> -> memref<128xi32, #tpu.memory_space<vmem>>
        %dma_start3A_270 = arith.constant 0 : i32
        %dma_start3A_271 = arith.constant 0 : i32
        %dma_start3A_272 = tpu.memref_slice %arg2[%dma_start3A_270, %dma_start3A_271] : memref<20000x64xf32, #tpu.memory_space<hbm>> -> memref<20000x64xf32, #tpu.memory_space<hbm>>
        tpu.enqueue_indirect_dma source(%dma_start3A_272 : memref<20000x64xf32, #tpu.memory_space<hbm>>) target(%arg11 : memref<128x64xf32, #tpu.memory_space<vmem>>) offsets(%dma_start3A_269 : memref<128xi32, #tpu.memory_space<vmem>>) semaphore(%arg18 : memref<!tpu.dma_semaphore, #tpu.memory_space<semaphore_mem>>)
      } else {
      }
      %add3A_212 = arith.constant 3 : i32
      %add3A_213 = arith.addi %add3A_67, %add3A_212 : i32
      %dma_wait3A_214 = arith.constant 0 : i32
      %dma_wait3A_215 = tpu.memref_slice %arg8[%add3A_213, %dma_wait3A_214] : memref<157x128xi32, #tpu.memory_space<vmem>> -> memref<1x128xi32, #tpu.memory_space<vmem>>
      %dma_wait3A_216 = tpu.memref_squeeze %dma_wait3A_215 : memref<1x128xi32, #tpu.memory_space<vmem>> -> memref<128xi32, #tpu.memory_space<vmem>>
      %dma_wait3A_217 = arith.constant 0 : i32
      %dma_wait3A_218 = arith.constant 0 : i32
      %dma_wait3A_219 = tpu.memref_slice %arg15[%dma_wait3A_217, %dma_wait3A_218] : memref<10112x64xf32, #tpu.memory_space<vmem_shared>> -> memref<10112x64xf32, #tpu.memory_space<vmem_shared>>
      tpu.wait_indirect_dma semaphore(%arg25 : memref<!tpu.dma_semaphore, #tpu.memory_space<semaphore_mem>>) src(%arg12 : memref<128x64xf32, #tpu.memory_space<vmem>>) dst(%dma_wait3A_219 : memref<10112x64xf32, #tpu.memory_space<vmem_shared>>)
      %add3A_220 = arith.constant 6 : i32
      %add3A_221 = arith.addi %add3A_67, %add3A_220 : i32
      %add3A_222 = arith.constant 3 : i32
      %add3A_223 = arith.addi %add3A_221, %add3A_222 : i32
      %lt3A_224 = arith.constant 157 : i32
      %lt3A_225 = arith.cmpi slt, %add3A_223, %lt3A_224 : i32
      %convert_element_type3A_226 = arith.extui %lt3A_225 : i1 to i32
      %cond3A_227 = arith.constant 0 : i32
      %cond3A_228 = arith.cmpi ne, %convert_element_type3A_226, %cond3A_227 : i32
      scf.if %cond3A_228 {
        %add3A_263 = arith.constant 6 : i32
        %add3A_264 = arith.addi %add3A_67, %add3A_263 : i32
        %add3A_265 = arith.constant 3 : i32
        %add3A_266 = arith.addi %add3A_264, %add3A_265 : i32
        %dma_start3A_267 = arith.constant 0 : i32
        %dma_start3A_268 = tpu.memref_slice %arg7[%add3A_266, %dma_start3A_267] : memref<157x128xi32, #tpu.memory_space<vmem>> -> memref<1x128xi32, #tpu.memory_space<vmem>>
        %dma_start3A_269 = tpu.memref_squeeze %dma_start3A_268 : memref<1x128xi32, #tpu.memory_space<vmem>> -> memref<128xi32, #tpu.memory_space<vmem>>
        %dma_start3A_270 = arith.constant 0 : i32
        %dma_start3A_271 = arith.constant 0 : i32
        %dma_start3A_272 = tpu.memref_slice %arg2[%dma_start3A_270, %dma_start3A_271] : memref<20000x64xf32, #tpu.memory_space<hbm>> -> memref<20000x64xf32, #tpu.memory_space<hbm>>
        tpu.enqueue_indirect_dma source(%dma_start3A_272 : memref<20000x64xf32, #tpu.memory_space<hbm>>) target(%arg12 : memref<128x64xf32, #tpu.memory_space<vmem>>) offsets(%dma_start3A_269 : memref<128xi32, #tpu.memory_space<vmem>>) semaphore(%arg19 : memref<!tpu.dma_semaphore, #tpu.memory_space<semaphore_mem>>)
      } else {
      }
      %add3A_229 = arith.constant 4 : i32
      %add3A_230 = arith.addi %add3A_67, %add3A_229 : i32
      %dma_wait3A_231 = arith.constant 0 : i32
      %dma_wait3A_232 = tpu.memref_slice %arg8[%add3A_230, %dma_wait3A_231] : memref<157x128xi32, #tpu.memory_space<vmem>> -> memref<1x128xi32, #tpu.memory_space<vmem>>
      %dma_wait3A_233 = tpu.memref_squeeze %dma_wait3A_232 : memref<1x128xi32, #tpu.memory_space<vmem>> -> memref<128xi32, #tpu.memory_space<vmem>>
      %dma_wait3A_234 = arith.constant 0 : i32
      %dma_wait3A_235 = arith.constant 0 : i32
      %dma_wait3A_236 = tpu.memref_slice %arg15[%dma_wait3A_234, %dma_wait3A_235] : memref<10112x64xf32, #tpu.memory_space<vmem_shared>> -> memref<10112x64xf32, #tpu.memory_space<vmem_shared>>
      tpu.wait_indirect_dma semaphore(%arg26 : memref<!tpu.dma_semaphore, #tpu.memory_space<semaphore_mem>>) src(%arg13 : memref<128x64xf32, #tpu.memory_space<vmem>>) dst(%dma_wait3A_236 : memref<10112x64xf32, #tpu.memory_space<vmem_shared>>)
      %add3A_237 = arith.constant 6 : i32
      %add3A_238 = arith.addi %add3A_67, %add3A_237 : i32
      %add3A_239 = arith.constant 4 : i32
      %add3A_240 = arith.addi %add3A_238, %add3A_239 : i32
      %lt3A_241 = arith.constant 157 : i32
      %lt3A_242 = arith.cmpi slt, %add3A_240, %lt3A_241 : i32
      %convert_element_type3A_243 = arith.extui %lt3A_242 : i1 to i32
      %cond3A_244 = arith.constant 0 : i32
      %cond3A_245 = arith.cmpi ne, %convert_element_type3A_243, %cond3A_244 : i32
      scf.if %cond3A_245 {
        %add3A_263 = arith.constant 6 : i32
        %add3A_264 = arith.addi %add3A_67, %add3A_263 : i32
        %add3A_265 = arith.constant 4 : i32
        %add3A_266 = arith.addi %add3A_264, %add3A_265 : i32
        %dma_start3A_267 = arith.constant 0 : i32
        %dma_start3A_268 = tpu.memref_slice %arg7[%add3A_266, %dma_start3A_267] : memref<157x128xi32, #tpu.memory_space<vmem>> -> memref<1x128xi32, #tpu.memory_space<vmem>>
        %dma_start3A_269 = tpu.memref_squeeze %dma_start3A_268 : memref<1x128xi32, #tpu.memory_space<vmem>> -> memref<128xi32, #tpu.memory_space<vmem>>
        %dma_start3A_270 = arith.constant 0 : i32
        %dma_start3A_271 = arith.constant 0 : i32
        %dma_start3A_272 = tpu.memref_slice %arg2[%dma_start3A_270, %dma_start3A_271] : memref<20000x64xf32, #tpu.memory_space<hbm>> -> memref<20000x64xf32, #tpu.memory_space<hbm>>
        tpu.enqueue_indirect_dma source(%dma_start3A_272 : memref<20000x64xf32, #tpu.memory_space<hbm>>) target(%arg13 : memref<128x64xf32, #tpu.memory_space<vmem>>) offsets(%dma_start3A_269 : memref<128xi32, #tpu.memory_space<vmem>>) semaphore(%arg20 : memref<!tpu.dma_semaphore, #tpu.memory_space<semaphore_mem>>)
      } else {
      }
      %add3A_246 = arith.constant 5 : i32
      %add3A_247 = arith.addi %add3A_67, %add3A_246 : i32
      %dma_wait3A_248 = arith.constant 0 : i32
      %dma_wait3A_249 = tpu.memref_slice %arg8[%add3A_247, %dma_wait3A_248] : memref<157x128xi32, #tpu.memory_space<vmem>> -> memref<1x128xi32, #tpu.memory_space<vmem>>
      %dma_wait3A_250 = tpu.memref_squeeze %dma_wait3A_249 : memref<1x128xi32, #tpu.memory_space<vmem>> -> memref<128xi32, #tpu.memory_space<vmem>>
      %dma_wait3A_251 = arith.constant 0 : i32
      %dma_wait3A_252 = arith.constant 0 : i32
      %dma_wait3A_253 = tpu.memref_slice %arg15[%dma_wait3A_251, %dma_wait3A_252] : memref<10112x64xf32, #tpu.memory_space<vmem_shared>> -> memref<10112x64xf32, #tpu.memory_space<vmem_shared>>
      tpu.wait_indirect_dma semaphore(%arg27 : memref<!tpu.dma_semaphore, #tpu.memory_space<semaphore_mem>>) src(%arg14 : memref<128x64xf32, #tpu.memory_space<vmem>>) dst(%dma_wait3A_253 : memref<10112x64xf32, #tpu.memory_space<vmem_shared>>)
      %add3A_254 = arith.constant 6 : i32
      %add3A_255 = arith.addi %add3A_67, %add3A_254 : i32
      %add3A_256 = arith.constant 5 : i32
      %add3A_257 = arith.addi %add3A_255, %add3A_256 : i32
      %lt3A_258 = arith.constant 157 : i32
      %lt3A_259 = arith.cmpi slt, %add3A_257, %lt3A_258 : i32
      %convert_element_type3A_260 = arith.extui %lt3A_259 : i1 to i32
      %cond3A_261 = arith.constant 0 : i32
      %cond3A_262 = arith.cmpi ne, %convert_element_type3A_260, %cond3A_261 : i32
      scf.if %cond3A_262 {
        %add3A_263 = arith.constant 6 : i32
        %add3A_264 = arith.addi %add3A_67, %add3A_263 : i32
        %add3A_265 = arith.constant 5 : i32
        %add3A_266 = arith.addi %add3A_264, %add3A_265 : i32
        %dma_start3A_267 = arith.constant 0 : i32
        %dma_start3A_268 = tpu.memref_slice %arg7[%add3A_266, %dma_start3A_267] : memref<157x128xi32, #tpu.memory_space<vmem>> -> memref<1x128xi32, #tpu.memory_space<vmem>>
        %dma_start3A_269 = tpu.memref_squeeze %dma_start3A_268 : memref<1x128xi32, #tpu.memory_space<vmem>> -> memref<128xi32, #tpu.memory_space<vmem>>
        %dma_start3A_270 = arith.constant 0 : i32
        %dma_start3A_271 = arith.constant 0 : i32
        %dma_start3A_272 = tpu.memref_slice %arg2[%dma_start3A_270, %dma_start3A_271] : memref<20000x64xf32, #tpu.memory_space<hbm>> -> memref<20000x64xf32, #tpu.memory_space<hbm>>
        tpu.enqueue_indirect_dma source(%dma_start3A_272 : memref<20000x64xf32, #tpu.memory_space<hbm>>) target(%arg14 : memref<128x64xf32, #tpu.memory_space<vmem>>) offsets(%dma_start3A_269 : memref<128xi32, #tpu.memory_space<vmem>>) semaphore(%arg21 : memref<!tpu.dma_semaphore, #tpu.memory_space<semaphore_mem>>)
      } else {
      }
    }
    %scan3A_52 = arith.constant 26 : i32
    %dma_wait3A = arith.constant 156 : i32
    %dma_wait3A_53 = arith.constant 0 : i32
    %dma_wait3A_54 = tpu.memref_slice %arg7[%dma_wait3A, %dma_wait3A_53] : memref<157x128xi32, #tpu.memory_space<vmem>> -> memref<1x128xi32, #tpu.memory_space<vmem>>
    %dma_wait3A_55 = tpu.memref_squeeze %dma_wait3A_54 : memref<1x128xi32, #tpu.memory_space<vmem>> -> memref<128xi32, #tpu.memory_space<vmem>>
    %dma_wait3A_56 = arith.constant 0 : i32
    %dma_wait3A_57 = arith.constant 0 : i32
    %dma_wait3A_58 = tpu.memref_slice %arg2[%dma_wait3A_56, %dma_wait3A_57] : memref<20000x64xf32, #tpu.memory_space<hbm>> -> memref<20000x64xf32, #tpu.memory_space<hbm>>
    tpu.wait_indirect_dma semaphore(%arg16 : memref<!tpu.dma_semaphore, #tpu.memory_space<semaphore_mem>>) src(%dma_wait3A_58 : memref<20000x64xf32, #tpu.memory_space<hbm>>) dst(%arg9 : memref<128x64xf32, #tpu.memory_space<vmem>>)
    %run_scoped3A = arith.constant 156 : i32
    "tpu.region"() ({
      %run_scoped3A_64 = tpu.sem_alloc : memref<!tpu.dma_semaphore, #tpu.memory_space<semaphore_mem>>
      %dma_start3A_65 = arith.constant 0 : i32
      %dma_start3A_66 = tpu.memref_slice %arg8[%run_scoped3A, %dma_start3A_65] : memref<157x128xi32, #tpu.memory_space<vmem>> -> memref<1x128xi32, #tpu.memory_space<vmem>>
      %dma_start3A_67 = tpu.memref_squeeze %dma_start3A_66 : memref<1x128xi32, #tpu.memory_space<vmem>> -> memref<128xi32, #tpu.memory_space<vmem>>
      %dma_start3A_68 = arith.constant 0 : i32
      %dma_start3A_69 = arith.constant 0 : i32
      %dma_start3A_70 = tpu.memref_slice %arg15[%dma_start3A_68, %dma_start3A_69] : memref<10112x64xf32, #tpu.memory_space<vmem_shared>> -> memref<10112x64xf32, #tpu.memory_space<vmem_shared>>
      tpu.enqueue_indirect_dma source(%arg9 : memref<128x64xf32, #tpu.memory_space<vmem>>) target(%dma_start3A_70 : memref<10112x64xf32, #tpu.memory_space<vmem_shared>>) offsets(%dma_start3A_67 : memref<128xi32, #tpu.memory_space<vmem>>) semaphore(%run_scoped3A_64 : memref<!tpu.dma_semaphore, #tpu.memory_space<semaphore_mem>>) {add = true}
      %dma_wait3A_71 = arith.constant 0 : i32
      %dma_wait3A_72 = tpu.memref_slice %arg8[%run_scoped3A, %dma_wait3A_71] : memref<157x128xi32, #tpu.memory_space<vmem>> -> memref<1x128xi32, #tpu.memory_space<vmem>>
      %dma_wait3A_73 = tpu.memref_squeeze %dma_wait3A_72 : memref<1x128xi32, #tpu.memory_space<vmem>> -> memref<128xi32, #tpu.memory_space<vmem>>
      %dma_wait3A_74 = arith.constant 0 : i32
      %dma_wait3A_75 = arith.constant 0 : i32
      %dma_wait3A_76 = tpu.memref_slice %arg15[%dma_wait3A_74, %dma_wait3A_75] : memref<10112x64xf32, #tpu.memory_space<vmem_shared>> -> memref<10112x64xf32, #tpu.memory_space<vmem_shared>>
      tpu.wait_indirect_dma semaphore(%run_scoped3A_64 : memref<!tpu.dma_semaphore, #tpu.memory_space<semaphore_mem>>) src(%arg9 : memref<128x64xf32, #tpu.memory_space<vmem>>) dst(%dma_wait3A_76 : memref<10112x64xf32, #tpu.memory_space<vmem_shared>>)
      tpu.yield
    }) : () -> ()
    %barrier3A_59 = arith.constant 0 : index
    tpu.barrier barrier_id(%barrier3A_59)
    %mul3A_60 = arith.constant 632 : i32
    %mul3A_61 = arith.muli %arg1, %mul3A_60 : i32
    %mul3A_62 = arith.constant 632 : i32
    %mul3A_63 = arith.muli %arg1, %mul3A_62 : i32
    "tpu.region"() ({
      %run_scoped3A_64 = tpu.sem_alloc : memref<!tpu.dma_semaphore, #tpu.memory_space<semaphore_mem>>
      %dma_start3A_65 = arith.constant 0 : i32
      %dma_start3A_66 = tpu.memref_slice %arg6[%arg0, %mul3A_63, %dma_start3A_65] : memref<2x10112x64xf32, #tpu.memory_space<hbm>> -> memref<1x632x64xf32, #tpu.memory_space<hbm>>
      %dma_start3A_67 = tpu.memref_squeeze %dma_start3A_66 : memref<1x632x64xf32, #tpu.memory_space<hbm>> -> memref<632x64xf32, #tpu.memory_space<hbm>>
      %dma_start3A_68 = arith.constant 0 : i32
      %dma_start3A_69 = tpu.memref_slice %arg15[%mul3A_61, %dma_start3A_68] : memref<10112x64xf32, #tpu.memory_space<vmem_shared>> -> memref<632x64xf32, #tpu.memory_space<vmem_shared>>
      tpu.enqueue_dma source(%dma_start3A_69 : memref<632x64xf32, #tpu.memory_space<vmem_shared>>) target(%dma_start3A_67 : memref<632x64xf32, #tpu.memory_space<hbm>>) target_semaphore(%run_scoped3A_64 : memref<!tpu.dma_semaphore, #tpu.memory_space<semaphore_mem>>)
      %dma_wait3A_70 = arith.constant 0 : i32
      %dma_wait3A_71 = tpu.memref_slice %arg6[%arg0, %mul3A_63, %dma_wait3A_70] : memref<2x10112x64xf32, #tpu.memory_space<hbm>> -> memref<1x632x64xf32, #tpu.memory_space<hbm>>
      %dma_wait3A_72 = tpu.memref_squeeze %dma_wait3A_71 : memref<1x632x64xf32, #tpu.memory_space<hbm>> -> memref<632x64xf32, #tpu.memory_space<hbm>>
      %dma_wait3A_73 = arith.constant 0 : i32
      %dma_wait3A_74 = tpu.memref_slice %arg15[%mul3A_61, %dma_wait3A_73] : memref<10112x64xf32, #tpu.memory_space<vmem_shared>> -> memref<632x64xf32, #tpu.memory_space<vmem_shared>>
      tpu.wait_dma2 semaphore(%run_scoped3A_64 : memref<!tpu.dma_semaphore, #tpu.memory_space<semaphore_mem>>) src(%dma_wait3A_74 : memref<632x64xf32, #tpu.memory_space<vmem_shared>>) dst(%dma_wait3A_72 : memref<632x64xf32, #tpu.memory_space<hbm>>)
      tpu.yield
    }) : () -> ()
    return
  }
}

module attributes {stable_mosaic.version = 14 : i64} {
  func.func @body(%arg0: i32, %arg1: memref<1000x128xf32, #tpu.memory_space<vmem>>, %arg2: memref<128x128xf32, #tpu.memory_space<vmem>>, %arg3: memref<2x1000x16xf32, #tpu.memory_space<vmem>>, %arg4: memref<2x1000x64xf32, #tpu.memory_space<vmem>>) attributes {dimension_semantics = [#tpu.dimension_semantics<arbitrary>], iteration_bounds = array<i64: 10>, scalar_prefetch = 0 : i64, scratch_operands = 0 : i64, tpu.core_type = #tpu.core_type<tc>, window_params = [{transform_indices = @transform_0, window_bounds = array<i64: 1000, 128>}, {pipeline_mode = #tpu.pipeline_mode<synchronous>, transform_indices = @transform_1, window_bounds = array<i64: 128, 128>}, {transform_indices = @transform_2, window_bounds = array<i64: 2, 1000, 16>}, {transform_indices = @transform_3, window_bounds = array<i64: 2, 1000, 64>}]} {
    %get3A = arith.constant 0 : index
    %get3A_0 = arith.constant 0 : index
    %get3A_1 = arith.constant 0 : index
    %get3A_2 = vector.load %arg3[%get3A, %get3A_0, %get3A_1] : memref<2x1000x16xf32, #tpu.memory_space<vmem>>, vector<1x1000x16xf32>
    %get3A_3 = vector.shape_cast %get3A_2 : vector<1x1000x16xf32> to vector<1000x16xf32>
    %slice3A = vector.extract_strided_slice %get3A_3 {offsets = [0, 0], sizes = [1000, 1], strides = [1, 1]} : vector<1000x16xf32> to vector<1000x1xf32>
    %get3A_4 = arith.constant 1 : index
    %get3A_5 = arith.constant 0 : index
    %get3A_6 = arith.constant 0 : index
    %get3A_7 = vector.load %arg3[%get3A_4, %get3A_5, %get3A_6] : memref<2x1000x16xf32, #tpu.memory_space<vmem>>, vector<1x1000x16xf32>
    %get3A_8 = vector.shape_cast %get3A_7 : vector<1x1000x16xf32> to vector<1000x16xf32>
    %slice3A_9 = vector.extract_strided_slice %get3A_8 {offsets = [0, 0], sizes = [1000, 1], strides = [1, 1]} : vector<1000x16xf32> to vector<1000x1xf32>
    %add3A = arith.addf %slice3A, %slice3A_9 : vector<1000x1xf32>
    %add3A_10 = arith.constant 1.000000e+00 : f32
    %add3A_11 = vector.broadcast %add3A_10 : f32 to vector<1000x1xf32>
    %add3A_12 = arith.addf %add3A, %add3A_11 : vector<1000x1xf32>
    %rsqrt3A = math.rsqrt %add3A_12 : vector<1000x1xf32>
    %get3A_13 = arith.constant 0 : index
    %get3A_14 = arith.constant 0 : index
    %get3A_15 = vector.load %arg1[%get3A_13, %get3A_14] : memref<1000x128xf32, #tpu.memory_space<vmem>>, vector<1000x128xf32>
    %get3A_16 = arith.constant 0 : index
    %get3A_17 = arith.constant 0 : index
    %get3A_18 = vector.load %arg2[%get3A_16, %get3A_17] : memref<128x128xf32, #tpu.memory_space<vmem>>, vector<128x128xf32>
    %dot_general3A = arith.constant dense<0.000000e+00> : vector<1000x128xf32>
    %dot_general3A_19 = tpu.matmul %get3A_15, %get3A_18, %dot_general3A {dimension_numbers = #tpu.dot_dimension_numbers<[1], [0], [0], [1], [0, 0, 1, 1], [], []>, transpose_lhs_hint = false} : vector<1000x128xf32>, vector<128x128xf32>, vector<1000x128xf32> -> vector<1000x128xf32>
    %mul3A = vector.broadcast %rsqrt3A : vector<1000x1xf32> to vector<1000x128xf32>
    %mul3A_20 = arith.mulf %mul3A, %dot_general3A_19 : vector<1000x128xf32>
    %slice3A_21 = vector.extract_strided_slice %mul3A_20 {offsets = [0, 0], sizes = [1000, 64], strides = [1, 1]} : vector<1000x128xf32> to vector<1000x64xf32>
    %swap3A = arith.constant 0 : index
    %swap3A_22 = arith.constant 0 : index
    %swap3A_23 = arith.constant 0 : index
    %swap3A_24 = vector.load %arg4[%swap3A, %swap3A_22, %swap3A_23] : memref<2x1000x64xf32, #tpu.memory_space<vmem>>, vector<1x1000x64xf32>
    %swap3A_25 = vector.shape_cast %swap3A_24 : vector<1x1000x64xf32> to vector<1000x64xf32>
    %swap3A_26 = vector.shape_cast %slice3A_21 : vector<1000x64xf32> to vector<1x1000x64xf32>
    tpu.vector_store %arg4[%swap3A, %swap3A_22, %swap3A_23], %swap3A_26 {strides = array<i32>} : memref<2x1000x64xf32, #tpu.memory_space<vmem>>, vector<1x1000x64xf32>,
    %slice3A_27 = vector.extract_strided_slice %mul3A_20 {offsets = [0, 64], sizes = [1000, 64], strides = [1, 1]} : vector<1000x128xf32> to vector<1000x64xf32>
    %swap3A_28 = arith.constant 1 : index
    %swap3A_29 = arith.constant 0 : index
    %swap3A_30 = arith.constant 0 : index
    %swap3A_31 = vector.load %arg4[%swap3A_28, %swap3A_29, %swap3A_30] : memref<2x1000x64xf32, #tpu.memory_space<vmem>>, vector<1x1000x64xf32>
    %swap3A_32 = vector.shape_cast %swap3A_31 : vector<1x1000x64xf32> to vector<1000x64xf32>
    %swap3A_33 = vector.shape_cast %slice3A_27 : vector<1000x64xf32> to vector<1x1000x64xf32>
    tpu.vector_store %arg4[%swap3A_28, %swap3A_29, %swap3A_30], %swap3A_33 {strides = array<i32>} : memref<2x1000x64xf32, #tpu.memory_space<vmem>>, vector<1x1000x64xf32>,
    return
  }
  func.func @transform_0(%arg0: i32) -> (i32, i32) {
    %c0_i32 = arith.constant 0 : i32
    %c0_i32_0 = arith.constant 0 : i32
    return %arg0, %c0_i32 : i32, i32
  }
  func.func @transform_1(%arg0: i32) -> (i32, i32) {
    %c0_i32 = arith.constant 0 : i32
    %c0_i32_0 = arith.constant 0 : i32
    %c0_i32_1 = arith.constant 0 : i32
    return %c0_i32, %c0_i32_0 : i32, i32
  }
  func.func @transform_2(%arg0: i32) -> (i32, i32, i32) {
    %c0_i32 = arith.constant 0 : i32
    %c0_i32_0 = arith.constant 0 : i32
    %c0_i32_1 = arith.constant 0 : i32
    return %c0_i32, %arg0, %c0_i32_0 : i32, i32, i32
  }
  func.func @transform_3(%arg0: i32) -> (i32, i32, i32) {
    %c0_i32 = arith.constant 0 : i32
    %c0_i32_0 = arith.constant 0 : i32
    %c0_i32_1 = arith.constant 0 : i32
    return %c0_i32, %arg0, %c0_i32_0 : i32, i32, i32
  }
}

module attributes {stable_mosaic.version = 14 : i64} {
  func.func @body(%arg0: i32, %arg1: memref<2x1000x64xf32, #tpu.memory_space<vmem>>, %arg2: memref<2x1000x64xf32, #tpu.memory_space<vmem>>, %arg3: memref<2x1000x16xf32, #tpu.memory_space<vmem>>, %arg4: memref<1x128xf32, #tpu.memory_space<vmem>>, %arg5: memref<128x128xf32, #tpu.memory_space<vmem>>, %arg6: memref<2x1000x64xf32, #tpu.memory_space<vmem>>) attributes {dimension_semantics = [#tpu.dimension_semantics<arbitrary>], iteration_bounds = array<i64: 10>, scalar_prefetch = 0 : i64, scratch_operands = 0 : i64, tpu.core_type = #tpu.core_type<tc>, window_params = [{transform_indices = @transform_0, window_bounds = array<i64: 2, 1000, 64>}, {transform_indices = @transform_1, window_bounds = array<i64: 2, 1000, 64>}, {transform_indices = @transform_2, window_bounds = array<i64: 2, 1000, 16>}, {pipeline_mode = #tpu.pipeline_mode<synchronous>, transform_indices = @transform_3, window_bounds = array<i64: 1, 128>}, {pipeline_mode = #tpu.pipeline_mode<synchronous>, transform_indices = @transform_4, window_bounds = array<i64: 128, 128>}, {transform_indices = @transform_5, window_bounds = array<i64: 2, 1000, 64>}]} {
    %get3A = arith.constant 0 : index
    %get3A_0 = arith.constant 0 : index
    %get3A_1 = arith.constant 0 : index
    %get3A_2 = vector.load %arg3[%get3A, %get3A_0, %get3A_1] : memref<2x1000x16xf32, #tpu.memory_space<vmem>>, vector<1x1000x16xf32>
    %get3A_3 = vector.shape_cast %get3A_2 : vector<1x1000x16xf32> to vector<1000x16xf32>
    %slice3A = vector.extract_strided_slice %get3A_3 {offsets = [0, 0], sizes = [1000, 1], strides = [1, 1]} : vector<1000x16xf32> to vector<1000x1xf32>
    %get3A_4 = arith.constant 1 : index
    %get3A_5 = arith.constant 0 : index
    %get3A_6 = arith.constant 0 : index
    %get3A_7 = vector.load %arg3[%get3A_4, %get3A_5, %get3A_6] : memref<2x1000x16xf32, #tpu.memory_space<vmem>>, vector<1x1000x16xf32>
    %get3A_8 = vector.shape_cast %get3A_7 : vector<1x1000x16xf32> to vector<1000x16xf32>
    %slice3A_9 = vector.extract_strided_slice %get3A_8 {offsets = [0, 0], sizes = [1000, 1], strides = [1, 1]} : vector<1000x16xf32> to vector<1000x1xf32>
    %add3A = arith.addf %slice3A, %slice3A_9 : vector<1000x1xf32>
    %add3A_10 = arith.constant 1.000000e+00 : f32
    %add3A_11 = vector.broadcast %add3A_10 : f32 to vector<1000x1xf32>
    %add3A_12 = arith.addf %add3A, %add3A_11 : vector<1000x1xf32>
    %rsqrt3A = math.rsqrt %add3A_12 : vector<1000x1xf32>
    %get3A_13 = arith.constant 0 : index
    %get3A_14 = arith.constant 0 : index
    %get3A_15 = arith.constant 0 : index
    %get3A_16 = vector.load %arg1[%get3A_13, %get3A_14, %get3A_15] : memref<2x1000x64xf32, #tpu.memory_space<vmem>>, vector<1x1000x64xf32>
    %get3A_17 = vector.shape_cast %get3A_16 : vector<1x1000x64xf32> to vector<1000x64xf32>
    %get3A_18 = arith.constant 0 : index
    %get3A_19 = arith.constant 0 : index
    %get3A_20 = arith.constant 0 : index
    %get3A_21 = vector.load %arg2[%get3A_18, %get3A_19, %get3A_20] : memref<2x1000x64xf32, #tpu.memory_space<vmem>>, vector<1x1000x64xf32>
    %get3A_22 = vector.shape_cast %get3A_21 : vector<1x1000x64xf32> to vector<1000x64xf32>
    %add3A_23 = arith.addf %get3A_17, %get3A_22 : vector<1000x64xf32>
    %get3A_24 = arith.constant 1 : index
    %get3A_25 = arith.constant 0 : index
    %get3A_26 = arith.constant 0 : index
    %get3A_27 = vector.load %arg1[%get3A_24, %get3A_25, %get3A_26] : memref<2x1000x64xf32, #tpu.memory_space<vmem>>, vector<1x1000x64xf32>
    %get3A_28 = vector.shape_cast %get3A_27 : vector<1x1000x64xf32> to vector<1000x64xf32>
    %get3A_29 = arith.constant 1 : index
    %get3A_30 = arith.constant 0 : index
    %get3A_31 = arith.constant 0 : index
    %get3A_32 = vector.load %arg2[%get3A_29, %get3A_30, %get3A_31] : memref<2x1000x64xf32, #tpu.memory_space<vmem>>, vector<1x1000x64xf32>
    %get3A_33 = vector.shape_cast %get3A_32 : vector<1x1000x64xf32> to vector<1000x64xf32>
    %add3A_34 = arith.addf %get3A_28, %get3A_33 : vector<1000x64xf32>
    %concatenate3A = tpu.concatenate %add3A_23, %add3A_34 in 1 : vector<1000x64xf32>, vector<1000x64xf32> -> vector<1000x128xf32>
    %mul3A = vector.broadcast %rsqrt3A : vector<1000x1xf32> to vector<1000x128xf32>
    %mul3A_35 = arith.mulf %mul3A, %concatenate3A : vector<1000x128xf32>
    %get3A_36 = arith.constant 0 : index
    %get3A_37 = arith.constant 0 : index
    %get3A_38 = vector.load %arg4[%get3A_36, %get3A_37] : memref<1x128xf32, #tpu.memory_space<vmem>>, vector<1x128xf32>
    %add3A_39 = vector.broadcast %get3A_38 : vector<1x128xf32> to vector<1000x128xf32>
    %add3A_40 = arith.addf %mul3A_35, %add3A_39 : vector<1000x128xf32>
    %tanh3A = math.tanh %add3A_40 : vector<1000x128xf32>
    %get3A_41 = arith.constant 0 : index
    %get3A_42 = arith.constant 0 : index
    %get3A_43 = vector.load %arg5[%get3A_41, %get3A_42] : memref<128x128xf32, #tpu.memory_space<vmem>>, vector<128x128xf32>
    %dot_general3A = arith.constant dense<0.000000e+00> : vector<1000x128xf32>
    %dot_general3A_44 = tpu.matmul %tanh3A, %get3A_43, %dot_general3A {dimension_numbers = #tpu.dot_dimension_numbers<[1], [0], [0], [1], [0, 0, 1, 1], [], []>, transpose_lhs_hint = false} : vector<1000x128xf32>, vector<128x128xf32>, vector<1000x128xf32> -> vector<1000x128xf32>
    %mul3A_45 = vector.broadcast %rsqrt3A : vector<1000x1xf32> to vector<1000x128xf32>
    %mul3A_46 = arith.mulf %mul3A_45, %dot_general3A_44 : vector<1000x128xf32>
    %slice3A_47 = vector.extract_strided_slice %mul3A_46 {offsets = [0, 0], sizes = [1000, 64], strides = [1, 1]} : vector<1000x128xf32> to vector<1000x64xf32>
    %swap3A = arith.constant 0 : index
    %swap3A_48 = arith.constant 0 : index
    %swap3A_49 = arith.constant 0 : index
    %swap3A_50 = vector.load %arg6[%swap3A, %swap3A_48, %swap3A_49] : memref<2x1000x64xf32, #tpu.memory_space<vmem>>, vector<1x1000x64xf32>
    %swap3A_51 = vector.shape_cast %swap3A_50 : vector<1x1000x64xf32> to vector<1000x64xf32>
    %swap3A_52 = vector.shape_cast %slice3A_47 : vector<1000x64xf32> to vector<1x1000x64xf32>
    tpu.vector_store %arg6[%swap3A, %swap3A_48, %swap3A_49], %swap3A_52 {strides = array<i32>} : memref<2x1000x64xf32, #tpu.memory_space<vmem>>, vector<1x1000x64xf32>,
    %slice3A_53 = vector.extract_strided_slice %mul3A_46 {offsets = [0, 64], sizes = [1000, 64], strides = [1, 1]} : vector<1000x128xf32> to vector<1000x64xf32>
    %swap3A_54 = arith.constant 1 : index
    %swap3A_55 = arith.constant 0 : index
    %swap3A_56 = arith.constant 0 : index
    %swap3A_57 = vector.load %arg6[%swap3A_54, %swap3A_55, %swap3A_56] : memref<2x1000x64xf32, #tpu.memory_space<vmem>>, vector<1x1000x64xf32>
    %swap3A_58 = vector.shape_cast %swap3A_57 : vector<1x1000x64xf32> to vector<1000x64xf32>
    %swap3A_59 = vector.shape_cast %slice3A_53 : vector<1000x64xf32> to vector<1x1000x64xf32>
    tpu.vector_store %arg6[%swap3A_54, %swap3A_55, %swap3A_56], %swap3A_59 {strides = array<i32>} : memref<2x1000x64xf32, #tpu.memory_space<vmem>>, vector<1x1000x64xf32>,
    return
  }
  func.func @transform_0(%arg0: i32) -> (i32, i32, i32) {
    %c0_i32 = arith.constant 0 : i32
    %c0_i32_0 = arith.constant 0 : i32
    %c0_i32_1 = arith.constant 0 : i32
    return %c0_i32, %arg0, %c0_i32_0 : i32, i32, i32
  }
  func.func @transform_1(%arg0: i32) -> (i32, i32, i32) {
    %c0_i32 = arith.constant 0 : i32
    %c0_i32_0 = arith.constant 0 : i32
    %c0_i32_1 = arith.constant 0 : i32
    return %c0_i32, %arg0, %c0_i32_0 : i32, i32, i32
  }
  func.func @transform_2(%arg0: i32) -> (i32, i32, i32) {
    %c0_i32 = arith.constant 0 : i32
    %c0_i32_0 = arith.constant 0 : i32
    %c0_i32_1 = arith.constant 0 : i32
    return %c0_i32, %arg0, %c0_i32_0 : i32, i32, i32
  }
  func.func @transform_3(%arg0: i32) -> (i32, i32) {
    %c0_i32 = arith.constant 0 : i32
    %c0_i32_0 = arith.constant 0 : i32
    %c0_i32_1 = arith.constant 0 : i32
    return %c0_i32, %c0_i32_0 : i32, i32
  }
  func.func @transform_4(%arg0: i32) -> (i32, i32) {
    %c0_i32 = arith.constant 0 : i32
    %c0_i32_0 = arith.constant 0 : i32
    %c0_i32_1 = arith.constant 0 : i32
    return %c0_i32, %c0_i32_0 : i32, i32
  }
  func.func @transform_5(%arg0: i32) -> (i32, i32, i32) {
    %c0_i32 = arith.constant 0 : i32
    %c0_i32_0 = arith.constant 0 : i32
    %c0_i32_1 = arith.constant 0 : i32
    return %c0_i32, %arg0, %c0_i32_0 : i32, i32, i32
  }
}

module attributes {stable_mosaic.version = 14 : i64} {
  func.func @body(%arg0: i32, %arg1: memref<2x1000x64xf32, #tpu.memory_space<vmem>>, %arg2: memref<2x1000x64xf32, #tpu.memory_space<vmem>>, %arg3: memref<2x1000x16xf32, #tpu.memory_space<vmem>>, %arg4: memref<1x128xf32, #tpu.memory_space<vmem>>, %arg5: memref<1000x128xf32, #tpu.memory_space<vmem>>) attributes {dimension_semantics = [#tpu.dimension_semantics<arbitrary>], iteration_bounds = array<i64: 10>, scalar_prefetch = 0 : i64, scratch_operands = 0 : i64, tpu.core_type = #tpu.core_type<tc>, window_params = [{transform_indices = @transform_0, window_bounds = array<i64: 2, 1000, 64>}, {transform_indices = @transform_1, window_bounds = array<i64: 2, 1000, 64>}, {transform_indices = @transform_2, window_bounds = array<i64: 2, 1000, 16>}, {pipeline_mode = #tpu.pipeline_mode<synchronous>, transform_indices = @transform_3, window_bounds = array<i64: 1, 128>}, {transform_indices = @transform_4, window_bounds = array<i64: 1000, 128>}]} {
    %get3A = arith.constant 0 : index
    %get3A_0 = arith.constant 0 : index
    %get3A_1 = arith.constant 0 : index
    %get3A_2 = vector.load %arg3[%get3A, %get3A_0, %get3A_1] : memref<2x1000x16xf32, #tpu.memory_space<vmem>>, vector<1x1000x16xf32>
    %get3A_3 = vector.shape_cast %get3A_2 : vector<1x1000x16xf32> to vector<1000x16xf32>
    %slice3A = vector.extract_strided_slice %get3A_3 {offsets = [0, 0], sizes = [1000, 1], strides = [1, 1]} : vector<1000x16xf32> to vector<1000x1xf32>
    %get3A_4 = arith.constant 1 : index
    %get3A_5 = arith.constant 0 : index
    %get3A_6 = arith.constant 0 : index
    %get3A_7 = vector.load %arg3[%get3A_4, %get3A_5, %get3A_6] : memref<2x1000x16xf32, #tpu.memory_space<vmem>>, vector<1x1000x16xf32>
    %get3A_8 = vector.shape_cast %get3A_7 : vector<1x1000x16xf32> to vector<1000x16xf32>
    %slice3A_9 = vector.extract_strided_slice %get3A_8 {offsets = [0, 0], sizes = [1000, 1], strides = [1, 1]} : vector<1000x16xf32> to vector<1000x1xf32>
    %add3A = arith.addf %slice3A, %slice3A_9 : vector<1000x1xf32>
    %add3A_10 = arith.constant 1.000000e+00 : f32
    %add3A_11 = vector.broadcast %add3A_10 : f32 to vector<1000x1xf32>
    %add3A_12 = arith.addf %add3A, %add3A_11 : vector<1000x1xf32>
    %rsqrt3A = math.rsqrt %add3A_12 : vector<1000x1xf32>
    %get3A_13 = arith.constant 0 : index
    %get3A_14 = arith.constant 0 : index
    %get3A_15 = arith.constant 0 : index
    %get3A_16 = vector.load %arg1[%get3A_13, %get3A_14, %get3A_15] : memref<2x1000x64xf32, #tpu.memory_space<vmem>>, vector<1x1000x64xf32>
    %get3A_17 = vector.shape_cast %get3A_16 : vector<1x1000x64xf32> to vector<1000x64xf32>
    %get3A_18 = arith.constant 0 : index
    %get3A_19 = arith.constant 0 : index
    %get3A_20 = arith.constant 0 : index
    %get3A_21 = vector.load %arg2[%get3A_18, %get3A_19, %get3A_20] : memref<2x1000x64xf32, #tpu.memory_space<vmem>>, vector<1x1000x64xf32>
    %get3A_22 = vector.shape_cast %get3A_21 : vector<1x1000x64xf32> to vector<1000x64xf32>
    %add3A_23 = arith.addf %get3A_17, %get3A_22 : vector<1000x64xf32>
    %get3A_24 = arith.constant 1 : index
    %get3A_25 = arith.constant 0 : index
    %get3A_26 = arith.constant 0 : index
    %get3A_27 = vector.load %arg1[%get3A_24, %get3A_25, %get3A_26] : memref<2x1000x64xf32, #tpu.memory_space<vmem>>, vector<1x1000x64xf32>
    %get3A_28 = vector.shape_cast %get3A_27 : vector<1x1000x64xf32> to vector<1000x64xf32>
    %get3A_29 = arith.constant 1 : index
    %get3A_30 = arith.constant 0 : index
    %get3A_31 = arith.constant 0 : index
    %get3A_32 = vector.load %arg2[%get3A_29, %get3A_30, %get3A_31] : memref<2x1000x64xf32, #tpu.memory_space<vmem>>, vector<1x1000x64xf32>
    %get3A_33 = vector.shape_cast %get3A_32 : vector<1x1000x64xf32> to vector<1000x64xf32>
    %add3A_34 = arith.addf %get3A_28, %get3A_33 : vector<1000x64xf32>
    %concatenate3A = tpu.concatenate %add3A_23, %add3A_34 in 1 : vector<1000x64xf32>, vector<1000x64xf32> -> vector<1000x128xf32>
    %mul3A = vector.broadcast %rsqrt3A : vector<1000x1xf32> to vector<1000x128xf32>
    %mul3A_35 = arith.mulf %mul3A, %concatenate3A : vector<1000x128xf32>
    %get3A_36 = arith.constant 0 : index
    %get3A_37 = arith.constant 0 : index
    %get3A_38 = vector.load %arg4[%get3A_36, %get3A_37] : memref<1x128xf32, #tpu.memory_space<vmem>>, vector<1x128xf32>
    %add3A_39 = vector.broadcast %get3A_38 : vector<1x128xf32> to vector<1000x128xf32>
    %add3A_40 = arith.addf %mul3A_35, %add3A_39 : vector<1000x128xf32>
    %tanh3A = math.tanh %add3A_40 : vector<1000x128xf32>
    %swap3A = arith.constant 0 : index
    %swap3A_41 = arith.constant 0 : index
    %swap3A_42 = vector.load %arg5[%swap3A, %swap3A_41] : memref<1000x128xf32, #tpu.memory_space<vmem>>, vector<1000x128xf32>
    tpu.vector_store %arg5[%swap3A, %swap3A_41], %tanh3A {strides = array<i32>} : memref<1000x128xf32, #tpu.memory_space<vmem>>, vector<1000x128xf32>,
    return
  }
  func.func @transform_0(%arg0: i32) -> (i32, i32, i32) {
    %c0_i32 = arith.constant 0 : i32
    %c0_i32_0 = arith.constant 0 : i32
    %c0_i32_1 = arith.constant 0 : i32
    return %c0_i32, %arg0, %c0_i32_0 : i32, i32, i32
  }
  func.func @transform_1(%arg0: i32) -> (i32, i32, i32) {
    %c0_i32 = arith.constant 0 : i32
    %c0_i32_0 = arith.constant 0 : i32
    %c0_i32_1 = arith.constant 0 : i32
    return %c0_i32, %arg0, %c0_i32_0 : i32, i32, i32
  }
  func.func @transform_2(%arg0: i32) -> (i32, i32, i32) {
    %c0_i32 = arith.constant 0 : i32
    %c0_i32_0 = arith.constant 0 : i32
    %c0_i32_1 = arith.constant 0 : i32
    return %c0_i32, %arg0, %c0_i32_0 : i32, i32, i32
  }
  func.func @transform_3(%arg0: i32) -> (i32, i32) {
    %c0_i32 = arith.constant 0 : i32
    %c0_i32_0 = arith.constant 0 : i32
    %c0_i32_1 = arith.constant 0 : i32
    return %c0_i32, %c0_i32_0 : i32, i32
  }
  func.func @transform_4(%arg0: i32) -> (i32, i32) {
    %c0_i32 = arith.constant 0 : i32
    %c0_i32_0 = arith.constant 0 : i32
    return %arg0, %c0_i32 : i32, i32
  }
}

</mosaic_0001>

<sc_bundles>
// kernel: kernel.11.cloned.1.call-start
scs
__scs_entry_jumppad:
0x0: {  	(pc) =	sbr.rel $0x88, $3  }
0x1: {  	(tag) =	ssettag $0x0;
	lr =	simm.s32 $0x1  }
0x2: {  	[smem:$0x3F9B] =	sst lr;
	_ =	strace $0xD0000000  }
0x3: {  	_ = 	snop  }
0x4: {  	_ = 	snop  }
0x5: {  	_ = 	snop  }
0x6: {  	_ = 	snop  }
0x7: {  	_ = 	snop  }
__scs_overlays_trampoline_lowered:
0x8: {  	[smem:$0x3FAA] =	sst s0  }
0x9: {  	[smem:$0x3FAB] =	sst s1  }
0xa: {  	[smem:$0x3FAC] =	sst s2  }
0xb: {  	[smem:$0x3FAD] =	sst s3  }
0xc: {  	[smem:$0x3FAE] =	sst s4  }
0xd: {  	[smem:$0x3FAF] =	sst s5  }
0xe: {  	[smem:$0x3FB0] =	sst s6  }
0xf: {  	[smem:$0x3FB1] =	sst s7  }
0x10: {  	[smem:$0x3FB2] =	sst s8  }
0x11: {  	[smem:$0x3FB3] =	sst s9;
	s0 =	simm.s32 @!p0 $0x0  }
0x12: {  	s1 =	sld [smem:$0x3F99];
	s0 =	simm.s32 @p0 $0x1  }
0x13: {  	[smem:$0x3FB4] =	sst s0;
	s0 =	simm.s32 @!p1 $0x0  }
0x14: {  	s2 =	sld [smem:$0x3F98];
	s0 =	simm.s32 @p1 $0x1  }
0x15: {  	[smem:$0x3FB5] =	sst s0;
	s0 =	simm.s32 @!p2 $0x0  }
0x16: {  	s3 =	sld [smem:$0x3FDB];
	s0 =	simm.s32 @p2 $0x1  }
0x17: {  	s4 =	simm.s32 $0x1BF5;
	[smem:$0x3FB7] =	sst s0  }
0x18: {  	s0 =	sld [smem:$0x3F9A];
	_ =	swait.ge [sflag:s4], $0x0  }
0x19: {  	s7 =	sld [smem:$0x3F9B]  }
0x1a: {  	s8 =	sadd.s32 $0xFFFFE003, lr  }
0x1b: {  	s9 =	sadd.s32 $0xFFFFFEF7, lr;
	s5 =	simm.s32 $0xFFFFFFFF;
	p2 =	slt.u32 s8, $0xFFFFF086  }
0x1c: {  	p1 =	slt.u32 s9, $0xF7A;
	s5 =	simm.s32 @!p2 $0x0  }
0x1d: {  	s5 =	simm.s32 @p1 $0x1;
	p0 =	seq.s32 s7, s2  }
0x1e: {  	s7 =	smul.u32 @!p0 $0xF7A, s2;
	p2 =	seq.s32 @!p0 s5, $0x0  }
0x1f: {  	s9 =	smul.u32 $0xF7A, s1;
	s8 =	simm.s32 @!p0 $0x1BF5;
	p2 =	por !p2, p0  }
0x20: {  	[sflag:s8] =	ssyncset.s32 @!p0 $0xFFFFF086;
	s6 =	sadd.s32 @!p0 s3, s7;
	s7 =	simm.s32 @!p0 $0x108  }
0x21: {  	s3 =	sadd.s32 s3, s9;
	s6 =	sadd.s32 @!p0 $0x88, s6;
	s7 =	simm.s32 @p2 $0x1082  }
0x22: {  	[simem:s7], [sflag:s8] =	dma.local @!p0 [hbm:s6], $0xF7A  }
0x23: {  	s9 =	sor.u32 $0xD0000000, s2;
	s6 =	simm.s32 $0x108;
	_ =	swait.ge @!p0 [sflag:s8], $0x0  }
0x24: {  	s3 =	sadd.s32 $0x88, s3;
	s6 =	simm.s32 @!p1 $0x1082;
	[sflag:s4] =	ssyncset.s32 $0xFFFFF086  }
0x25: {  	[simem:s6], [sflag:s4] =	dma.local [hbm:s3], $0xF7A  }
0x26: {  	[smem:$0x3F9B] =	sst s1;
	(tag) =	ssettag s2;
	_ =	strace s9  }
0x27: {  	s1 =	sld [smem:$0x3FAB]  }
0x28: {  	s2 =	sld [smem:$0x3FAC]  }
0x29: {  	s4 =	sld [smem:$0x3FAE]  }
0x2a: {  	p0 =	seq.s32 s5, $0x0;
	s5 =	sld [smem:$0x3FAF]  }
0x2b: {  	s6 =	sld [smem:$0x3FB0]  }
0x2c: {  	s7 =	sld [smem:$0x3FB1]  }
0x2d: {  	s3 =	simm.s32 $0x108;
	s8 =	sld [smem:$0x3FB2]  }
0x2e: {  	s3 =	simm.s32 @!p0 $0x1082;
	s9 =	sld [smem:$0x3FB3]  }
0x2f: {  	lr =	sadd.s32 s0, s3;
	s0 =	sld [smem:$0x3FAA]  }
0x30: {  	s3 =	sld [smem:$0x3FAD]  }
0x31: {  	[smem:$0x3FB6] =	sst s10  }
0x32: {  	s10 =	sld [smem:$0x3FB4];
	_ =	sdelay $0x3  }
0x33: {  	p0 =	seq.s32 s10, $0x1;
	s10 =	sld [smem:$0x3FB6];
	_ =	sdelay $0x3  }
0x34: {  	[smem:$0x3FB6] =	sst s10  }
0x35: {  	s10 =	sld [smem:$0x3FB5];
	_ =	sdelay $0x3  }
0x36: {  	p1 =	seq.s32 s10, $0x1;
	s10 =	sld [smem:$0x3FB6];
	_ =	sdelay $0x3  }
0x37: {  	[smem:$0x3FB6] =	sst s10  }
0x38: {  	s10 =	sld [smem:$0x3FB7]  }
0x39: {  	_ = 	snop;
	(pc) =	sbr.ind lr, $3  }
0x3a: {  	_ = 	snop  }
0x3b: {  	_ = 	snop  }
0x3c: {  	p2 =	seq.s32 s10, $0x1;
	s10 =	sld [smem:$0x3FB6]  }
0x3d: {  	_ =	shalt  }
0x3e: {  	_ =	shalt  }
0x3f: {  	_ =	shalt  }
0x40: {  	_ =	shalt  }
0x41: {  	_ =	shalt  }
0x42: {  	_ =	shalt  }
0x43: {  	_ =	shalt  }
0x44: {  	_ =	shalt  }
0x45: {  	_ =	shalt  }
0x46: {  	_ =	shalt  }
0x47: {  	_ =	shalt  }
0x48: {  	_ =	shalt  }
0x49: {  	_ =	shalt  }
0x4a: {  	_ =	shalt  }
0x4b: {  	_ =	shalt  }
0x4c: {  	_ =	shalt  }
0x4d: {  	_ =	shalt  }
0x4e: {  	_ =	shalt  }
0x4f: {  	_ =	shalt  }
0x50: {  	_ =	shalt  }
0x51: {  	_ =	shalt  }
0x52: {  	_ =	shalt  }
0x53: {  	_ =	shalt  }
0x54: {  	_ =	shalt  }
0x55: {  	_ =	shalt  }
0x56: {  	_ =	shalt  }
0x57: {  	_ =	shalt  }
0x58: {  	_ =	shalt  }
0x59: {  	_ =	shalt  }
0x5a: {  	_ =	shalt  }
0x5b: {  	_ =	shalt  }
0x5c: {  	_ =	shalt  }
0x5d: {  	_ =	shalt  }
0x5e: {  	_ =	shalt  }
0x5f: {  	_ =	shalt  }
0x60: {  	_ =	shalt  }
0x61: {  	_ =	shalt  }
0x62: {  	_ =	shalt  }
0x63: {  	_ =	shalt  }
0x64: {  	_ =	shalt  }
0x65: {  	_ =	shalt  }
0x66: {  	_ =	shalt  }
0x67: {  	_ =	shalt  }
0x68: {  	_ =	shalt  }
0x69: {  	_ =	shalt  }
0x6a: {  	_ =	shalt  }
0x6b: {  	_ =	shalt  }
0x6c: {  	_ =	shalt  }
0x6d: {  	_ =	shalt  }
0x6e: {  	_ =	shalt  }
0x6f: {  	_ =	shalt  }
0x70: {  	_ =	shalt  }
0x71: {  	_ =	shalt  }
0x72: {  	_ =	shalt  }
0x73: {  	_ =	shalt  }
0x74: {  	_ =	shalt  }
0x75: {  	_ =	shalt  }
0x76: {  	_ =	shalt  }
0x77: {  	_ =	shalt  }
0x78: {  	_ =	shalt  }
0x79: {  	_ =	shalt  }
0x7a: {  	_ =	shalt  }
0x7b: {  	_ =	shalt  }
0x7c: {  	_ =	shalt  }
0x7d: {  	_ =	shalt  }
0x7e: {  	_ =	shalt  }
0x7f: {  	_ =	shalt  }
0x80: {  	_ =	shalt  }
0x81: {  	_ =	shalt  }
0x82: {  	_ =	shalt  }
0x83: {  	_ =	shalt  }
0x84: {  	_ =	shalt  }
0x85: {  	_ =	shalt  }
0x86: {  	_ =	shalt  }
0x87: {  	_ =	shalt  }
.Lfunc_end0:
.L_simem_size_0:
called_computation.1_lowered:
.L_overlay_start_0:
0x88: {  	s2 =	sld [smem:$0x3FD9]  }
0x89: {  	s3 =	sld [smem:$0x3FFE];
	_ =	sdelay $0x1  }
0x8a: {  	s1 =	srdreg.scid  }
0x8b: {  	s0 =	sand.u32 $0x1, s1  }
0x8c: {  	s17 =	sshll.u32 s0, $0xA;
	s2 =	sadd.s32 s3, s2  }
0x8d: {  	s2 =	sadd.s32 s2, s17  }
0x8e: {  	[smem:$0x3FC2] =	sst s2  }
0x8f: {  	_ = 	snop  }
0x90: {  	s2 =	sld [smem:$0x3FD0];
	(tm) =	ssettm $0x1  }
0x91: {  	s18 =	sld [smem:$0x3FFB];
	_ =	sdelay $0x3  }
0x92: {  	_ =	strace s18  }
0x93: {  	s3 =	sld [smem:$0x3FFC];
	_ =	sdelay $0x3  }
0x94: {  	_ =	strace s3  }
0x95: {  	s3 =	sld [smem:$0x3FFD];
	_ =	sdelay $0x3  }
0x96: {  	_ =	strace s3  }
0x97: {  	_ =	strace $0x8FFFFFFF  }
0x98: {  	s19 =	sld [smem:$0x3FDB];
	_ =	sdelay $0x1  }
0x99: {  	s4 =	simm.s32 $_scs_section_size  }
0x9a: {  	s5 =	simm.s32 $_size__tile_overlayer_lowered;
	s6 =	simm.s32 $_tile_overlayer_lowered  }
0x9b: {  	s22 =	simm.s32 $0x1BFF;
	s21 =	sshll.u32 s6, $0x1;
	s3 =	sadd.s32 s4, s19  }
0x9c: {  	s7 =	simm.s32 $0x0;
	s20 =	sshll.u32 s5, $0x1;
	s5 =	sadd.s32 s21, s3  }
0x9d: {  	[timem:s7], [sflag:s22] =	dma.local [hbm:s5], s20  }
0x9e: {  	_ =	swait.ge [sflag:s22], s20  }
0x9f: {  	s4 =	ssub.s32 $0x0, s20;
	[sflag:s22] =	ssyncset.done $0x0  }
0xa0: {  	[sflag:s22] =	ssyncadd.s32 s4;
	_ =	sdelay $0x1  }
0xa1: {  	s23 =	simm.s32 $0x1B8B  }
0xa2: {  	_ =	swait.ge [sflag:s23], $0x1  }
0xa3: {  	[sflag:s23] =	ssyncset.done $0x0  }
0xa4: {  	s25 =	simm.s32 $0x1B8E;
	s24 =	sld [smem:$0x3FFE];
	[sflag:s23] =	ssyncadd.s32 $0xFFFFFFFF  }
0xa5: {  	s26 =	simm.s32 $execute0_lowered;
	[smem:$0x3FD2] =	sst s25  }
0xa6: {  	s5 =	sshll.u32 s26, $0x1;
	_ =	strace $0x80000049;
	[dreg:$0x1] =	wrdreg $0xFFFFFFFF  }
0xa7: {  	s28 =	simm.s32 $_size_execute0_lowered;
	s3 =	sadd.s32 s3, s5;
	[dreg:$0x0] =	wrdreg $0x0  }
0xa8: {  	s5 =	sshll.u32 s28, $0x1;
	[dreg:$0x2] =	wrdreg s3  }
0xa9: {  	[dreg:$0x3] =	wrdreg s5  }
0xaa: {  	[dreg:$0x4] =	wrdreg $0xC0  }
0xab: {  	_ =	task [dreg:s7], $0x5FFFF  }
0xac: {  	[dreg:$0x1] =	wrdreg $0xFFFFFFFF  }
0xad: {  	[dreg:$0x0] =	wrdreg $0x60  }
0xae: {  	[dreg:$0x2] =	wrdreg s2  }
0xaf: {  	[dreg:$0x3] =	wrdreg s24  }
0xb0: {  	[dreg:$0x4] =	wrdreg $0x15D000  }
0xb1: {  	[dreg:$0x5] =	wrdreg $0x9  }
0xb2: {  	_ =	task.clear_ibuf [dreg:s7], $0x6FFFF;
	_ =	strace $0x90000049  }
0xb3: {  	s29 =	simm.s32 $0x9;
	_ =	strace $0x8000004B  }
0xb4: {  	_ =	swait.ge [sflag:s29], $0x1  }
0xb5: {  	[sflag:s29] =	ssyncadd.s32 $0xFFFFFFFF  }
0xb6: {  	_ =	strace $0x9000004B  }
0xb7: {  	_ =	sfence  }
0xb8: {  	s30 =	sld [smem:$0x0];
	_ =	sdelay $0x2  }
0xb9: {  	s31 =	sshll.u32 s1, $0xD;
	s1 =	sshrl.u32 s1, $0x2  }
0xba: {  	s3 =	sand.u32 $0x4000, s31;
	s1 =	sadd.s32 s1, s30  }
0xbb: {  	s0 =	sor.u32 s3, s0;
	s1 =	sshll.u32 s1, $0x11  }
0xbc: {  	s0 =	sor.u32 s1, s0  }
0xbd: {  	s0 =	sadd.s32 $0x8F2B, s0  }
0xbe: {  	[sflag:s0] =	ssyncadd.remote.s32 $0x1  }
0xbf: {  	_ =	sfence.sel $0xFFFF  }
0xc0: {  	[dreg:$0x0] =	wrdreg $0xFFFFFFFF;
	(pc) =	sbr.abs _section_cstart, $3  }
0xc1: {  	[dreg:$0x1] =	wrdreg $0xFFFFFFFF  }
0xc2: {  	_ =	task.clear_ibuf [dreg:s7], $0x2FFFF;
	_ =	strace $0x9FFFFFFF  }
0xc3: {  	(tm) =	ssettm $0x7FFFFFFF  }
tec
execute0_lowered:
.L_overlay_start_1:
0x0: {  	(tag) =	ssettag $0x1  }
0x1: {  	s2 =	rddreg [dreg:$0x0]  }
0x2: {  	s0 =	rddreg [dreg:$0x1]  }
0x3: {  	s3 =	rddreg [dreg:$0x2];
	s9 =	stileid.u32  }
0x4: {  	s4 =	srdreg.scid;
	s6 =	simm.s32 $0x0;
	s12 =	simm.s32 $0xD  }
0x5: {  	s14 =	simm.s32 $0x80;
	s15 =	simm.s32 $0x9D00;
	s16 =	simm.s32 $0xBD00  }
0x6: {  	s18 =	simm.s32 $0xDD00;
	s20 =	simm.s32 $0xFD00;
	s22 =	simm.s32 $0x11D00  }
0x7: {  	s28 =	simm.s32 $0x3;
	s29 =	simm.s32 $0x4;
	s30 =	simm.s32 $0x5  }
0x8: {  	s31 =	simm.s32 $0x6;
	s13 =	simm.s32 $0x9;
	s17 =	simm.s32 $0xA  }
0x9: {  	s19 =	simm.s32 $0xB;
	s21 =	simm.s32 $0xC;
	s1 =	smul.u32 $0x9D0, s9  }
0xa: {  	s4 =	sand.u32 $0x1, s4;
	s5 =	smul.u32 $0x9E00, s9;
	[smem:$0x7FF] =	sst s6  }
0xb: {  	s8 =	sadd.s32 $0x64600, s0;
	s25 =	sshll.u32 s9, $0x6;
	s23 =	smul.u32 $0x9E000, s4  }
0xc: {  	_ =	strace $0x8000004A;
	s7 =	ssub.s32 $0x2, s4;
	[dreg:$0x4] =	wrdreg s8  }
0xd: {  	s4 =	smul.u32 $0x2710, s4;
	s1 =	sadd.s32 s1, s0;
	s24 =	sshrl.u32 s7, $0x1  }
0xe: {  	s6 =	sadd.s32 s5, s23;
	s10 =	ssub.s32 s7, s24;
	s5 =	sadd.s32 s5, s3  }
0xf: {  	s26 =	sadd.s32 $0xB800, s1;
	s8 =	sadd.s32 $0x1400, s1;
	s24 =	simm.s32 $0x13D00  }
0x10: {  	s1 =	simm.s32 $0x8;
	s23 =	simm.s32 $0x0;
	s6 =	sshrl.u32 s6, $0x3  }
0x11: {  	[dreg:$0x5] =	wrdreg s26;
	s10 =	smax.u32 s10, $0x1;
	s11 =	sshrl.u32 s5, $0x3  }
0x12: {  	s26 =	simm.s32 $0x2;
	s0 =	sadd.s32 s6, s0;
	s6 =	sor.u32 $0x1C0D, s25  }
0x13: {  	v0 =	vmov s4;
	s25 =	simm.s32 $0x1;
	s9 =	sadd.s32 $0x65A00, s0;
	s0 =	simm.s32 $0x7  }
.LBB2_1:
0x14: {  	s4 =	rddreg [dreg:$0x4]  }
0x15: {  	[spmem:s11], [sflag:s6] =	dma.local [hbm:s4], $0x13C0  }
0x16: {  	_ =	swait.ge [sflag:s12], $0x13C0  }
0x17: {  	[sflag:s12] =	ssyncset.done $0x0  }
0x18: {  	s4 =	simm.s32 $0x0;
	s5 =	rddreg [dreg:$0x5];
	[sflag:s12] =	ssyncadd.s32 $0xFFFFEC40  }
0x19: {  	[tilespmem:s4], [sflag:$0xD] =	stream.linear.gather [hbm4b:s5+s4], $0x4E80, $0x38;
	[tilespmem:$0x1FB00] =	vst v63  }
0x1a: {  	_ =	swait.ge [sflag:s12], $0x4E80  }
0x1b: {  	[sflag:s12] =	ssyncset.done $0x0  }
0x1c: {  	s7 =	simm.s32 $0x4E80;
	[sflag:s12] =	ssyncadd.s32 $0xFFFFB180  }
0x1d: {  	[tilespmem:s7], [sflag:$0xD] =	stream.linear.gather [hbm4b:s8+s4], $0x4E80, $0x38;
	[tilespmem:$0x1FB00] =	vst v63  }
0x1e: {  	_ =	swait.ge [sflag:s12], $0x4E80  }
0x1f: {  	[sflag:s12] =	ssyncset.done $0x0  }
0x20: {  	s4 =	simm.s32 $0x0;
	[sflag:s12] =	ssyncadd.s32 $0xFFFFB180  }
0x21: {  	v3 =	vld [tilespmem:s4+$0x0]  }
0x22: {  	v5 =	vld [tilespmem:s4+$0x10]  }
0x23: {  	v4 =	vld [tilespmem:s4+$0x20]  }
0x24: {  	v2 =	vld [tilespmem:s4+$0x30]  }
0x25: {  	v1 =	vld [tilespmem:s4+$0x40]  }
0x26: {  	v6 =	vadd.s32 v0, v3;
	v3 =	vld [tilespmem:s4+$0x50]  }
0x27: {  	s5 =	simm.s32 $0x200;
	[tilespmem:s4+$0x0] =	vst v6;
	v6 =	vadd.s32 v0, v5;
	v5 =	vld [tilespmem:s4+$0x60]  }
.LBB2_2:
0x28: {  	s7 =	sshra.s32 s5, $0x2;
	p0 =	sne.s32 s5, $0x13800;
	[tilespmem:s4+$0x10] =	vst v6;
	v4 =	vadd.s32 v0, v4;
	v6 =	vld [tilespmem:s4+$0x70]  }
0x29: {  	v7 =	vld [tilespmem:s7+$0x0];
	[tilespmem:s4+$0x20] =	vst v4;
	v2 =	vadd.s32 v0, v2  }
0x2a: {  	v8 =	vld [tilespmem:s7+$0x10];
	[tilespmem:s4+$0x30] =	vst v2;
	v1 =	vadd.s32 v0, v1  }
.Ltmp0:
0x2b: {  	v4 =	vld [tilespmem:s7+$0x20];
	[tilespmem:s4+$0x40] =	vst v1;
	v1 =	vadd.s32 v0, v3;
	(pc) =	sbr.rel @p0 .LBB2_2-.Ltmp0, $4  }
0x2c: {  	v2 =	vld [tilespmem:s7+$0x30];
	[tilespmem:s4+$0x50] =	vst v1;
	v3 =	vadd.s32 v0, v5  }
0x2d: {  	v1 =	vld [tilespmem:s7+$0x40];
	[tilespmem:s4+$0x60] =	vst v3;
	v5 =	vadd.s32 v0, v6  }
0x2e: {  	v6 =	vadd.s32 v0, v7;
	v3 =	vld [tilespmem:s7+$0x50];
	[tilespmem:s4+$0x70] =	vst v5;
	s4 =	smov.u32 s7  }
0x2f: {  	s5 =	sadd.s32 $0x200, s5;
	[tilespmem:s4+$0x0] =	vst v6;
	v6 =	vadd.s32 v0, v8;
	v5 =	vld [tilespmem:s4+$0x60]  }
0x30: {  	[tilespmem:s4+$0x10] =	vst v6;
	v4 =	vadd.s32 v0, v4;
	v63 =	vld [tilespmem:s4+$0x70]  }
0x31: {  	[tilespmem:s4+$0x20] =	vst v4;
	v2 =	vadd.s32 v0, v2  }
0x32: {  	[tilespmem:s4+$0x30] =	vst v2;
	v1 =	vadd.s32 v0, v1  }
0x33: {  	[tilespmem:s4+$0x40] =	vst v1;
	v1 =	vadd.s32 v0, v3  }
0x34: {  	[tilespmem:s4+$0x50] =	vst v1;
	v1 =	vadd.s32 v0, v5  }
0x35: {  	[tilespmem:s4+$0x60] =	vst v1;
	v1 =	vadd.s32 v0, v63  }
0x36: {  	[tilespmem:s4+$0x70] =	vst v1  }
0x37: {  	s5 =	simm.s32 $0x0;
	[bflag:$0x0] =	sbarrier.arrive $0xFFFF  }
0x38: {  	[tilespmem:s15], [sflag:$0x1] =	stream.indirect.gather [hbm4b:s2+s14], $0x40, s5, s14, $0xb8;
	[tilespmem:$0x1FB00] =	vst v63  }
0x39: {  	_ = 	snop  }
0x3a: {  	[tilespmem:s16], [sflag:$0x2] =	stream.indirect.gather [hbm4b:s2+s14], $0x40, s14, s14, $0xb8;
	[tilespmem:$0x1FB00] =	vst v63  }
0x3b: {  	s7 =	simm.s32 $0x100  }
0x3c: {  	[tilespmem:s18], [sflag:$0x3] =	stream.indirect.gather [hbm4b:s2+s14], $0x40, s7, s14, $0xb8;
	[tilespmem:$0x1FB00] =	vst v63  }
0x3d: {  	s5 =	simm.s32 $0x180  }
0x3e: {  	[tilespmem:s20], [sflag:$0x4] =	stream.indirect.gather [hbm4b:s2+s14], $0x40, s5, s14, $0xb8;
	[tilespmem:$0x1FB00] =	vst v63  }
0x3f: {  	s7 =	simm.s32 $0x200  }
0x40: {  	[tilespmem:s22], [sflag:$0x5] =	stream.indirect.gather [hbm4b:s2+s14], $0x40, s7, s14, $0xb8;
	[tilespmem:$0x1FB00] =	vst v63  }
0x41: {  	s5 =	simm.s32 $0x280  }
0x42: {  	[tilespmem:s24], [sflag:$0x6] =	stream.indirect.gather [hbm4b:s2+s14], $0x40, s5, s14, $0xb8;
	[tilespmem:$0x1FB00] =	vst v63  }
0x43: {  	_ =	swait.ge [sflag:s25], $0x2000  }
0x44: {  	[sflag:s25] =	ssyncset.done $0x0  }
0x45: {  	s7 =	simm.s32 $0x4E80;
	[sflag:s25] =	ssyncadd.s32 $0xFFFFE000  }
0x46: {  	[spmem:s3] =	stream.indirect.scatter.add.f32 [tilespmem:s15], [sflag:$0x7], $0x40, s7, s14, $0xb8;
	[tilespmem:$0x1FB00] =	vst v63  }
0x47: {  	_ =	swait.ge [sflag:s26], $0x2000  }
0x48: {  	[sflag:s26] =	ssyncset.done $0x0  }
0x49: {  	s5 =	simm.s32 $0x4F00;
	[sflag:s26] =	ssyncadd.s32 $0xFFFFE000  }
0x4a: {  	[spmem:s3] =	stream.indirect.scatter.add.f32 [tilespmem:s16], [sflag:$0x8], $0x40, s5, s14, $0xb8;
	[tilespmem:$0x1FB00] =	vst v63  }
0x4b: {  	_ =	swait.ge [sflag:s28], $0x2000  }
0x4c: {  	[sflag:s28] =	ssyncset.done $0x0  }
0x4d: {  	s7 =	simm.s32 $0x4F80;
	[sflag:s28] =	ssyncadd.s32 $0xFFFFE000  }
0x4e: {  	[spmem:s3] =	stream.indirect.scatter.add.f32 [tilespmem:s18], [sflag:$0x9], $0x40, s7, s14, $0xb8;
	[tilespmem:$0x1FB00] =	vst v63  }
0x4f: {  	_ =	swait.ge [sflag:s29], $0x2000  }
0x50: {  	[sflag:s29] =	ssyncset.done $0x0  }
0x51: {  	s5 =	simm.s32 $0x5000;
	[sflag:s29] =	ssyncadd.s32 $0xFFFFE000  }
0x52: {  	[spmem:s3] =	stream.indirect.scatter.add.f32 [tilespmem:s20], [sflag:$0xA], $0x40, s5, s14, $0xb8;
	[tilespmem:$0x1FB00] =	vst v63  }
0x53: {  	_ =	swait.ge [sflag:s30], $0x2000  }
0x54: {  	[sflag:s30] =	ssyncset.done $0x0  }
0x55: {  	s7 =	simm.s32 $0x5080;
	[sflag:s30] =	ssyncadd.s32 $0xFFFFE000  }
0x56: {  	[spmem:s3] =	stream.indirect.scatter.add.f32 [tilespmem:s22], [sflag:$0xB], $0x40, s7, s14, $0xb8;
	[tilespmem:$0x1FB00] =	vst v63  }
0x57: {  	_ =	swait.ge [sflag:s31], $0x2000  }
0x58: {  	[sflag:s31] =	ssyncset.done $0x0  }
0x59: {  	s5 =	simm.s32 $0x5100;
	[sflag:s31] =	ssyncadd.s32 $0xFFFFE000  }
0x5a: {  	[spmem:s3] =	stream.indirect.scatter.add.f32 [tilespmem:s24], [sflag:$0xC], $0x40, s5, s14, $0xb8;
	[tilespmem:$0x1FB00] =	vst v63  }
0x5b: {  	_ =	swait.ge [sflag:s0], $0x2000  }
0x5c: {  	[sflag:s0] =	ssyncset.done $0x0  }
0x5d: {  	s7 =	simm.s32 $0x300;
	[sflag:s0] =	ssyncadd.s32 $0xFFFFE000  }
0x5e: {  	[tilespmem:s15], [sflag:$0x1] =	stream.indirect.gather [hbm4b:s2+s14], $0x40, s7, s14, $0xb8;
	[tilespmem:$0x1FB00] =	vst v63  }
0x5f: {  	_ =	swait.ge [sflag:s1], $0x2000  }
0x60: {  	[sflag:s1] =	ssyncset.done $0x0  }
0x61: {  	s5 =	simm.s32 $0x380;
	[sflag:s1] =	ssyncadd.s32 $0xFFFFE000  }
0x62: {  	[tilespmem:s16], [sflag:$0x2] =	stream.indirect.gather [hbm4b:s2+s14], $0x40, s5, s14, $0xb8;
	[tilespmem:$0x1FB00] =	vst v63  }
0x63: {  	_ =	swait.ge [sflag:s13], $0x2000  }
0x64: {  	[sflag:s13] =	ssyncset.done $0x0  }
0x65: {  	s7 =	simm.s32 $0x400;
	[sflag:s13] =	ssyncadd.s32 $0xFFFFE000  }
0x66: {  	[tilespmem:s18], [sflag:$0x3] =	stream.indirect.gather [hbm4b:s2+s14], $0x40, s7, s14, $0xb8;
	[tilespmem:$0x1FB00] =	vst v63  }
0x67: {  	_ =	swait.ge [sflag:s17], $0x2000  }
0x68: {  	[sflag:s17] =	ssyncset.done $0x0  }
0x69: {  	s5 =	simm.s32 $0x480;
	[sflag:s17] =	ssyncadd.s32 $0xFFFFE000  }
0x6a: {  	[tilespmem:s20], [sflag:$0x4] =	stream.indirect.gather [hbm4b:s2+s14], $0x40, s5, s14, $0xb8;
	[tilespmem:$0x1FB00] =	vst v63  }
0x6b: {  	_ =	swait.ge [sflag:s19], $0x2000  }
0x6c: {  	[sflag:s19] =	ssyncset.done $0x0  }
0x6d: {  	s7 =	simm.s32 $0x500;
	[sflag:s19] =	ssyncadd.s32 $0xFFFFE000  }
0x6e: {  	[tilespmem:s22], [sflag:$0x5] =	stream.indirect.gather [hbm4b:s2+s14], $0x40, s7, s14, $0xb8;
	[tilespmem:$0x1FB00] =	vst v63  }
0x6f: {  	_ =	swait.ge [sflag:s21], $0x2000  }
0x70: {  	[sflag:s21] =	ssyncset.done $0x0  }
0x71: {  	s4 =	simm.s32 $0xC00;
	s5 =	simm.s32 $0x580;
	[sflag:s21] =	ssyncadd.s32 $0xFFFFE000  }
.LBB2_4:
0x72: {  	[tilespmem:s24], [sflag:$0x6] =	stream.indirect.gather [hbm4b:s2+s14], $0x40, s5, s14, $0xb8;
	[tilespmem:$0x1FB00] =	vst v63  }
0x73: {  	s5 =	smov.u32 s4  }
0x74: {  	p0 =	sne.s32 s4, $0x12000;
	s4 =	sadd.s32 $0xC00, s4;
	_ =	swait.ge [sflag:s25], $0x2000  }
0x75: {  	s5 =	sshra.s32 s5, $0x2;
	[sflag:s25] =	ssyncset.done $0x0  }
0x76: {  	s7 =	sadd.s32 $0x4E80, s5;
	[sflag:s25] =	ssyncadd.s32 $0xFFFFE000  }
0x77: {  	[spmem:s3] =	stream.indirect.scatter.add.f32 [tilespmem:s15], [sflag:$0x7], $0x40, s7, s14, $0xb8;
	[tilespmem:$0x1FB00] =	vst v63  }
0x78: {  	_ =	swait.ge [sflag:s26], $0x2000  }
0x79: {  	[sflag:s26] =	ssyncset.done $0x0  }
0x7a: {  	s7 =	sadd.s32 $0x4F00, s5;
	[sflag:s26] =	ssyncadd.s32 $0xFFFFE000  }
0x7b: {  	[spmem:s3] =	stream.indirect.scatter.add.f32 [tilespmem:s16], [sflag:$0x8], $0x40, s7, s14, $0xb8;
	[tilespmem:$0x1FB00] =	vst v63  }
0x7c: {  	_ =	swait.ge [sflag:s28], $0x2000  }
0x7d: {  	[sflag:s28] =	ssyncset.done $0x0  }
0x7e: {  	s7 =	sadd.s32 $0x4F80, s5;
	[sflag:s28] =	ssyncadd.s32 $0xFFFFE000  }
0x7f: {  	[spmem:s3] =	stream.indirect.scatter.add.f32 [tilespmem:s18], [sflag:$0x9], $0x40, s7, s14, $0xb8;
	[tilespmem:$0x1FB00] =	vst v63  }
0x80: {  	_ =	swait.ge [sflag:s29], $0x2000  }
0x81: {  	[sflag:s29] =	ssyncset.done $0x0  }
0x82: {  	s7 =	sadd.s32 $0x5000, s5;
	[sflag:s29] =	ssyncadd.s32 $0xFFFFE000  }
0x83: {  	[spmem:s3] =	stream.indirect.scatter.add.f32 [tilespmem:s20], [sflag:$0xA], $0x40, s7, s14, $0xb8;
	[tilespmem:$0x1FB00] =	vst v63  }
0x84: {  	_ =	swait.ge [sflag:s30], $0x2000  }
0x85: {  	[sflag:s30] =	ssyncset.done $0x0  }
0x86: {  	s7 =	sadd.s32 $0x5080, s5;
	[sflag:s30] =	ssyncadd.s32 $0xFFFFE000  }
0x87: {  	[spmem:s3] =	stream.indirect.scatter.add.f32 [tilespmem:s22], [sflag:$0xB], $0x40, s7, s14, $0xb8;
	[tilespmem:$0x1FB00] =	vst v63  }
0x88: {  	_ =	swait.ge [sflag:s31], $0x2000  }
0x89: {  	[sflag:s31] =	ssyncset.done $0x0  }
0x8a: {  	s7 =	sadd.s32 $0x5100, s5;
	[sflag:s31] =	ssyncadd.s32 $0xFFFFE000  }
0x8b: {  	[spmem:s3] =	stream.indirect.scatter.add.f32 [tilespmem:s24], [sflag:$0xC], $0x40, s7, s14, $0xb8;
	[tilespmem:$0x1FB00] =	vst v63  }
0x8c: {  	_ =	swait.ge [sflag:s0], $0x2000  }
0x8d: {  	[sflag:s0] =	ssyncset.done $0x0  }
0x8e: {  	s7 =	sadd.s32 $0x300, s5;
	[sflag:s0] =	ssyncadd.s32 $0xFFFFE000  }
0x8f: {  	[tilespmem:s15], [sflag:$0x1] =	stream.indirect.gather [hbm4b:s2+s14], $0x40, s7, s14, $0xb8;
	[tilespmem:$0x1FB00] =	vst v63  }
0x90: {  	_ =	swait.ge [sflag:s1], $0x2000  }
0x91: {  	[sflag:s1] =	ssyncset.done $0x0  }
0x92: {  	s7 =	sadd.s32 $0x380, s5;
	[sflag:s1] =	ssyncadd.s32 $0xFFFFE000  }
0x93: {  	[tilespmem:s16], [sflag:$0x2] =	stream.indirect.gather [hbm4b:s2+s14], $0x40, s7, s14, $0xb8;
	[tilespmem:$0x1FB00] =	vst v63  }
0x94: {  	_ =	swait.ge [sflag:s13], $0x2000  }
0x95: {  	[sflag:s13] =	ssyncset.done $0x0  }
0x96: {  	s7 =	sadd.s32 $0x400, s5;
	[sflag:s13] =	ssyncadd.s32 $0xFFFFE000  }
0x97: {  	[tilespmem:s18], [sflag:$0x3] =	stream.indirect.gather [hbm4b:s2+s14], $0x40, s7, s14, $0xb8;
	[tilespmem:$0x1FB00] =	vst v63  }
0x98: {  	_ =	swait.ge [sflag:s17], $0x2000  }
0x99: {  	[sflag:s17] =	ssyncset.done $0x0  }
0x9a: {  	s7 =	sadd.s32 $0x480, s5;
	[sflag:s17] =	ssyncadd.s32 $0xFFFFE000  }
0x9b: {  	[tilespmem:s20], [sflag:$0x4] =	stream.indirect.gather [hbm4b:s2+s14], $0x40, s7, s14, $0xb8;
	[tilespmem:$0x1FB00] =	vst v63  }
0x9c: {  	_ =	swait.ge [sflag:s19], $0x2000  }
0x9d: {  	[sflag:s19] =	ssyncset.done $0x0  }
.Ltmp1:
0x9e: {  	s7 =	sadd.s32 $0x500, s5;
	[sflag:s19] =	ssyncadd.s32 $0xFFFFE000;
	(pc) =	sbr.rel @p0 .LBB2_4-.Ltmp1, $4  }
0x9f: {  	[tilespmem:s22], [sflag:$0x5] =	stream.indirect.gather [hbm4b:s2+s14], $0x40, s7, s14, $0xb8;
	[tilespmem:$0x1FB00] =	vst v63  }
0xa0: {  	_ =	swait.ge [sflag:s21], $0x2000  }
0xa1: {  	[sflag:s21] =	ssyncset.done $0x0  }
0xa2: {  	s5 =	sadd.s32 $0x580, s5;
	[sflag:s21] =	ssyncadd.s32 $0xFFFFE000  }
0xa3: {  	[tilespmem:s24], [sflag:$0x6] =	stream.indirect.gather [hbm4b:s2+s14], $0x40, s5, s14, $0xb8;
	[tilespmem:$0x1FB00] =	vst v63  }
0xa4: {  	_ =	swait.ge [sflag:s25], $0x2000  }
0xa5: {  	[sflag:s25] =	ssyncset.done $0x0  }
0xa6: {  	s4 =	simm.s32 $0x9980;
	[sflag:s25] =	ssyncadd.s32 $0xFFFFE000  }
0xa7: {  	[spmem:s3] =	stream.indirect.scatter.add.f32 [tilespmem:s15], [sflag:$0x7], $0x40, s4, s14, $0xb8;
	[tilespmem:$0x1FB00] =	vst v63  }
0xa8: {  	_ =	swait.ge [sflag:s26], $0x2000  }
0xa9: {  	[sflag:s26] =	ssyncset.done $0x0  }
0xaa: {  	s7 =	simm.s32 $0x9A00;
	[sflag:s26] =	ssyncadd.s32 $0xFFFFE000  }
0xab: {  	[spmem:s3] =	stream.indirect.scatter.add.f32 [tilespmem:s16], [sflag:$0x8], $0x40, s7, s14, $0xb8;
	[tilespmem:$0x1FB00] =	vst v63  }
0xac: {  	_ =	swait.ge [sflag:s28], $0x2000  }
0xad: {  	[sflag:s28] =	ssyncset.done $0x0  }
0xae: {  	s5 =	simm.s32 $0x9A80;
	[sflag:s28] =	ssyncadd.s32 $0xFFFFE000  }
0xaf: {  	[spmem:s3] =	stream.indirect.scatter.add.f32 [tilespmem:s18], [sflag:$0x9], $0x40, s5, s14, $0xb8;
	[tilespmem:$0x1FB00] =	vst v63  }
0xb0: {  	_ =	swait.ge [sflag:s29], $0x2000  }
0xb1: {  	[sflag:s29] =	ssyncset.done $0x0  }
0xb2: {  	s7 =	simm.s32 $0x9B00;
	[sflag:s29] =	ssyncadd.s32 $0xFFFFE000  }
0xb3: {  	[spmem:s3] =	stream.indirect.scatter.add.f32 [tilespmem:s20], [sflag:$0xA], $0x40, s7, s14, $0xb8;
	[tilespmem:$0x1FB00] =	vst v63  }
0xb4: {  	_ =	swait.ge [sflag:s30], $0x2000  }
0xb5: {  	[sflag:s30] =	ssyncset.done $0x0  }
0xb6: {  	s5 =	simm.s32 $0x9B80;
	[sflag:s30] =	ssyncadd.s32 $0xFFFFE000  }
0xb7: {  	[spmem:s3] =	stream.indirect.scatter.add.f32 [tilespmem:s22], [sflag:$0xB], $0x40, s5, s14, $0xb8;
	[tilespmem:$0x1FB00] =	vst v63  }
0xb8: {  	_ =	swait.ge [sflag:s31], $0x2000  }
0xb9: {  	[sflag:s31] =	ssyncset.done $0x0  }
0xba: {  	s7 =	simm.s32 $0x9C00;
	[sflag:s31] =	ssyncadd.s32 $0xFFFFE000  }
0xbb: {  	[spmem:s3] =	stream.indirect.scatter.add.f32 [tilespmem:s24], [sflag:$0xC], $0x40, s7, s14, $0xb8;
	[tilespmem:$0x1FB00] =	vst v63  }
0xbc: {  	_ =	swait.ge [sflag:s0], $0x2000  }
0xbd: {  	[sflag:s0] =	ssyncset.done $0x0  }
0xbe: {  	s5 =	simm.s32 $0x4E00;
	[sflag:s0] =	ssyncadd.s32 $0xFFFFE000  }
0xbf: {  	[tilespmem:s15], [sflag:$0x1] =	stream.indirect.gather [hbm4b:s2+s14], $0x40, s5, s14, $0xb8;
	[tilespmem:$0x1FB00] =	vst v63  }
0xc0: {  	_ =	swait.ge [sflag:s1], $0x2000  }
0xc1: {  	[sflag:s1] =	ssyncset.done $0x0  }
0xc2: {  	[sflag:s1] =	ssyncadd.s32 $0xFFFFE000  }
0xc3: {  	_ =	swait.ge [sflag:s13], $0x2000  }
0xc4: {  	[sflag:s13] =	ssyncset.done $0x0  }
0xc5: {  	[sflag:s13] =	ssyncadd.s32 $0xFFFFE000  }
0xc6: {  	_ =	swait.ge [sflag:s17], $0x2000  }
0xc7: {  	[sflag:s17] =	ssyncset.done $0x0  }
0xc8: {  	[sflag:s17] =	ssyncadd.s32 $0xFFFFE000  }
0xc9: {  	_ =	swait.ge [sflag:s19], $0x2000  }
0xca: {  	[sflag:s19] =	ssyncset.done $0x0  }
0xcb: {  	[sflag:s19] =	ssyncadd.s32 $0xFFFFE000  }
0xcc: {  	_ =	swait.ge [sflag:s21], $0x2000  }
0xcd: {  	[sflag:s21] =	ssyncset.done $0x0  }
0xce: {  	[sflag:s21] =	ssyncadd.s32 $0xFFFFE000  }
0xcf: {  	_ =	swait.ge [sflag:s25], $0x2000  }
0xd0: {  	[sflag:s25] =	ssyncset.done $0x0  }
0xd1: {  	s7 =	simm.s32 $0x9C80;
	[sflag:s25] =	ssyncadd.s32 $0xFFFFE000  }
0xd2: {  	[spmem:s3] =	stream.indirect.scatter.add.f32 [tilespmem:s15], [sflag:$0xD], $0x40, s7, s14, $0xb8;
	[tilespmem:$0x1FB00] =	vst v63  }
0xd3: {  	_ =	swait.ge [sflag:s12], $0x2000  }
0xd4: {  	s23 =	sadd.s32 $0x1, s23;
	[sflag:s12] =	ssyncset.done $0x0  }
0xd5: {  	p0 =	sne.s32 s23, s10;
	[sflag:s12] =	ssyncadd.s32 $0xFFFFE000  }
.Ltmp2:
0xd6: {  	[bflag:$0x0] =	sbarrier.arrive $0xFFFF;
	(pc) =	sbr.rel @p0 .LBB2_1-.Ltmp2, $4  }
0xd7: {  	[hbm:s9], [sflag:s6] =	dma.local [spmem:s11], $0x13C0  }
0xd8: {  	_ =	swait.ge [sflag:s12], $0x13C0  }
0xd9: {  	[sflag:s12] =	ssyncset.done $0x0  }
0xda: {  	[sflag:s12] =	ssyncadd.s32 $0xFFFFEC40  }
0xdb: {  	_ =	sfence.sel $0x180000  }
0xdc: {  	[bflag:$0x0] =	sbarrier.arrive $0xFFFF  }
0xdd: {  	_ =	strace $0x9000004A  }
0xde: {  	s0 =	stileid.u32;
	[bflag:$0x2] =	sbarrier.arrive $0xFFFF  }
0xdf: {  	p0 =	sne.s32 s0, $0x0;
	s0 =	rddreg [dreg:$0x3]  }
0xe0: {  	s0 =	sadd.s32 @!p0 $0x100000, s0  }
0xe1: {  	[sflag:s0] =	ssyncadd.tile.s32 @!p0 $0x1;
	_ =	shalt  }
.Lfunc_end2:
_tile_overlayer_lowered:
.L_overlay_start_2:
0xe2: {  	(tag) =	ssettag $0x2  }
0xe3: {  	s0 =	rddreg [dreg:$0x0];
	s2 =	stileid.u32  }
0xe4: {  	s1 =	rddreg [dreg:$0x1];
	p0 =	sne.s32 s2, $0x0  }
0xe5: {  	s3 =	rddreg [dreg:$0x2];
	[bflag:$0x3] =	sbarrier.arrive $0xFFFF;
	s2 =	simm.s32 @!p0 $0x1C0D  }
0xe6: {  	[timem:s3], [sflag:s2] =	dma.local @!p0 [hbm:s0], s1  }
0xe7: {  	s0 =	simm.s32 @!p0 $0xD  }
0xe8: {  	_ =	swait.ge @!p0 [sflag:s0], s1  }
0xe9: {  	s1 =	ssub.s32 @!p0 $0x0, s1;
	[sflag:s0] =	ssyncset.done @!p0 $0x0  }
0xea: {  	[sflag:s0] =	ssyncadd.s32 @!p0 s1  }
0xeb: {  	[bflag:$0x3] =	sbarrier.arrive $0xFFFF  }
0xec: {  	_ =	shalt  }

// kernel: kernel.14.cloned.1.call-start
scs
__scs_entry_jumppad:
0x0: {  	(pc) =	sbr.rel $0x88, $3  }
0x1: {  	(tag) =	ssettag $0x0;
	lr =	simm.s32 $0x1  }
0x2: {  	[smem:$0x3F9B] =	sst lr;
	_ =	strace $0xD0000000  }
0x3: {  	_ = 	snop  }
0x4: {  	_ = 	snop  }
0x5: {  	_ = 	snop  }
0x6: {  	_ = 	snop  }
0x7: {  	_ = 	snop  }
__scs_overlays_trampoline_lowered:
0x8: {  	[smem:$0x3FAA] =	sst s0  }
0x9: {  	[smem:$0x3FAB] =	sst s1  }
0xa: {  	[smem:$0x3FAC] =	sst s2  }
0xb: {  	[smem:$0x3FAD] =	sst s3  }
0xc: {  	[smem:$0x3FAE] =	sst s4  }
0xd: {  	[smem:$0x3FAF] =	sst s5  }
0xe: {  	[smem:$0x3FB0] =	sst s6  }
0xf: {  	[smem:$0x3FB1] =	sst s7  }
0x10: {  	[smem:$0x3FB2] =	sst s8  }
0x11: {  	[smem:$0x3FB3] =	sst s9;
	s0 =	simm.s32 @!p0 $0x0  }
0x12: {  	s1 =	sld [smem:$0x3F99];
	s0 =	simm.s32 @p0 $0x1  }
0x13: {  	[smem:$0x3FB4] =	sst s0;
	s0 =	simm.s32 @!p1 $0x0  }
0x14: {  	s2 =	sld [smem:$0x3F98];
	s0 =	simm.s32 @p1 $0x1  }
0x15: {  	[smem:$0x3FB5] =	sst s0;
	s0 =	simm.s32 @!p2 $0x0  }
0x16: {  	s3 =	sld [smem:$0x3FDB];
	s0 =	simm.s32 @p2 $0x1  }
0x17: {  	s4 =	simm.s32 $0x1BF5;
	[smem:$0x3FB7] =	sst s0  }
0x18: {  	s0 =	sld [smem:$0x3F9A];
	_ =	swait.ge [sflag:s4], $0x0  }
0x19: {  	s7 =	sld [smem:$0x3F9B]  }
0x1a: {  	s8 =	sadd.s32 $0xFFFFE003, lr  }
0x1b: {  	s9 =	sadd.s32 $0xFFFFFEF7, lr;
	s5 =	simm.s32 $0xFFFFFFFF;
	p2 =	slt.u32 s8, $0xFFFFF086  }
0x1c: {  	p1 =	slt.u32 s9, $0xF7A;
	s5 =	simm.s32 @!p2 $0x0  }
0x1d: {  	s5 =	simm.s32 @p1 $0x1;
	p0 =	seq.s32 s7, s2  }
0x1e: {  	s7 =	smul.u32 @!p0 $0xF7A, s2;
	p2 =	seq.s32 @!p0 s5, $0x0  }
0x1f: {  	s9 =	smul.u32 $0xF7A, s1;
	s8 =	simm.s32 @!p0 $0x1BF5;
	p2 =	por !p2, p0  }
0x20: {  	[sflag:s8] =	ssyncset.s32 @!p0 $0xFFFFF086;
	s6 =	sadd.s32 @!p0 s3, s7;
	s7 =	simm.s32 @!p0 $0x108  }
0x21: {  	s3 =	sadd.s32 s3, s9;
	s6 =	sadd.s32 @!p0 $0x88, s6;
	s7 =	simm.s32 @p2 $0x1082  }
0x22: {  	[simem:s7], [sflag:s8] =	dma.local @!p0 [hbm:s6], $0xF7A  }
0x23: {  	s9 =	sor.u32 $0xD0000000, s2;
	s6 =	simm.s32 $0x108;
	_ =	swait.ge @!p0 [sflag:s8], $0x0  }
0x24: {  	s3 =	sadd.s32 $0x88, s3;
	s6 =	simm.s32 @!p1 $0x1082;
	[sflag:s4] =	ssyncset.s32 $0xFFFFF086  }
0x25: {  	[simem:s6], [sflag:s4] =	dma.local [hbm:s3], $0xF7A  }
0x26: {  	[smem:$0x3F9B] =	sst s1;
	(tag) =	ssettag s2;
	_ =	strace s9  }
0x27: {  	s1 =	sld [smem:$0x3FAB]  }
0x28: {  	s2 =	sld [smem:$0x3FAC]  }
0x29: {  	s4 =	sld [smem:$0x3FAE]  }
0x2a: {  	p0 =	seq.s32 s5, $0x0;
	s5 =	sld [smem:$0x3FAF]  }
0x2b: {  	s6 =	sld [smem:$0x3FB0]  }
0x2c: {  	s7 =	sld [smem:$0x3FB1]  }
0x2d: {  	s3 =	simm.s32 $0x108;
	s8 =	sld [smem:$0x3FB2]  }
0x2e: {  	s3 =	simm.s32 @!p0 $0x1082;
	s9 =	sld [smem:$0x3FB3]  }
0x2f: {  	lr =	sadd.s32 s0, s3;
	s0 =	sld [smem:$0x3FAA]  }
0x30: {  	s3 =	sld [smem:$0x3FAD]  }
0x31: {  	[smem:$0x3FB6] =	sst s10  }
0x32: {  	s10 =	sld [smem:$0x3FB4];
	_ =	sdelay $0x3  }
0x33: {  	p0 =	seq.s32 s10, $0x1;
	s10 =	sld [smem:$0x3FB6];
	_ =	sdelay $0x3  }
0x34: {  	[smem:$0x3FB6] =	sst s10  }
0x35: {  	s10 =	sld [smem:$0x3FB5];
	_ =	sdelay $0x3  }
0x36: {  	p1 =	seq.s32 s10, $0x1;
	s10 =	sld [smem:$0x3FB6];
	_ =	sdelay $0x3  }
0x37: {  	[smem:$0x3FB6] =	sst s10  }
0x38: {  	s10 =	sld [smem:$0x3FB7]  }
0x39: {  	_ = 	snop;
	(pc) =	sbr.ind lr, $3  }
0x3a: {  	_ = 	snop  }
0x3b: {  	_ = 	snop  }
0x3c: {  	p2 =	seq.s32 s10, $0x1;
	s10 =	sld [smem:$0x3FB6]  }
0x3d: {  	_ =	shalt  }
0x3e: {  	_ =	shalt  }
0x3f: {  	_ =	shalt  }
0x40: {  	_ =	shalt  }
0x41: {  	_ =	shalt  }
0x42: {  	_ =	shalt  }
0x43: {  	_ =	shalt  }
0x44: {  	_ =	shalt  }
0x45: {  	_ =	shalt  }
0x46: {  	_ =	shalt  }
0x47: {  	_ =	shalt  }
0x48: {  	_ =	shalt  }
0x49: {  	_ =	shalt  }
0x4a: {  	_ =	shalt  }
0x4b: {  	_ =	shalt  }
0x4c: {  	_ =	shalt  }
0x4d: {  	_ =	shalt  }
0x4e: {  	_ =	shalt  }
0x4f: {  	_ =	shalt  }
0x50: {  	_ =	shalt  }
0x51: {  	_ =	shalt  }
0x52: {  	_ =	shalt  }
0x53: {  	_ =	shalt  }
0x54: {  	_ =	shalt  }
0x55: {  	_ =	shalt  }
0x56: {  	_ =	shalt  }
0x57: {  	_ =	shalt  }
0x58: {  	_ =	shalt  }
0x59: {  	_ =	shalt  }
0x5a: {  	_ =	shalt  }
0x5b: {  	_ =	shalt  }
0x5c: {  	_ =	shalt  }
0x5d: {  	_ =	shalt  }
0x5e: {  	_ =	shalt  }
0x5f: {  	_ =	shalt  }
0x60: {  	_ =	shalt  }
0x61: {  	_ =	shalt  }
0x62: {  	_ =	shalt  }
0x63: {  	_ =	shalt  }
0x64: {  	_ =	shalt  }
0x65: {  	_ =	shalt  }
0x66: {  	_ =	shalt  }
0x67: {  	_ =	shalt  }
0x68: {  	_ =	shalt  }
0x69: {  	_ =	shalt  }
0x6a: {  	_ =	shalt  }
0x6b: {  	_ =	shalt  }
0x6c: {  	_ =	shalt  }
0x6d: {  	_ =	shalt  }
0x6e: {  	_ =	shalt  }
0x6f: {  	_ =	shalt  }
0x70: {  	_ =	shalt  }
0x71: {  	_ =	shalt  }
0x72: {  	_ =	shalt  }
0x73: {  	_ =	shalt  }
0x74: {  	_ =	shalt  }
0x75: {  	_ =	shalt  }
0x76: {  	_ =	shalt  }
0x77: {  	_ =	shalt  }
0x78: {  	_ =	shalt  }
0x79: {  	_ =	shalt  }
0x7a: {  	_ =	shalt  }
0x7b: {  	_ =	shalt  }
0x7c: {  	_ =	shalt  }
0x7d: {  	_ =	shalt  }
0x7e: {  	_ =	shalt  }
0x7f: {  	_ =	shalt  }
0x80: {  	_ =	shalt  }
0x81: {  	_ =	shalt  }
0x82: {  	_ =	shalt  }
0x83: {  	_ =	shalt  }
0x84: {  	_ =	shalt  }
0x85: {  	_ =	shalt  }
0x86: {  	_ =	shalt  }
0x87: {  	_ =	shalt  }
.Lfunc_end0:
.L_simem_size_0:
called_computation.2_lowered:
.L_overlay_start_0:
0x88: {  	s2 =	sld [smem:$0x3FD9]  }
0x89: {  	s3 =	sld [smem:$0x3FFE];
	_ =	sdelay $0x1  }
0x8a: {  	s1 =	srdreg.scid  }
0x8b: {  	s0 =	sand.u32 $0x1, s1  }
0x8c: {  	s17 =	sshll.u32 s0, $0xA;
	s2 =	sadd.s32 s3, s2  }
0x8d: {  	s2 =	sadd.s32 s2, s17  }
0x8e: {  	[smem:$0x3FC2] =	sst s2  }
0x8f: {  	_ = 	snop  }
0x90: {  	s2 =	sld [smem:$0x3FD0];
	(tm) =	ssettm $0x1  }
0x91: {  	s18 =	sld [smem:$0x3FFB];
	_ =	sdelay $0x3  }
0x92: {  	_ =	strace s18  }
0x93: {  	s3 =	sld [smem:$0x3FFC];
	_ =	sdelay $0x3  }
0x94: {  	_ =	strace s3  }
0x95: {  	s3 =	sld [smem:$0x3FFD];
	_ =	sdelay $0x3  }
0x96: {  	_ =	strace s3  }
0x97: {  	_ =	strace $0x8FFFFFFF  }
0x98: {  	s19 =	sld [smem:$0x3FDB];
	_ =	sdelay $0x1  }
0x99: {  	s4 =	simm.s32 $_scs_section_size  }
0x9a: {  	s5 =	simm.s32 $_size__tile_overlayer_lowered;
	s6 =	simm.s32 $_tile_overlayer_lowered  }
0x9b: {  	s22 =	simm.s32 $0x1BFF;
	s21 =	sshll.u32 s6, $0x1;
	s3 =	sadd.s32 s4, s19  }
0x9c: {  	s7 =	simm.s32 $0x0;
	s20 =	sshll.u32 s5, $0x1;
	s5 =	sadd.s32 s21, s3  }
0x9d: {  	[timem:s7], [sflag:s22] =	dma.local [hbm:s5], s20  }
0x9e: {  	_ =	swait.ge [sflag:s22], s20  }
0x9f: {  	s4 =	ssub.s32 $0x0, s20;
	[sflag:s22] =	ssyncset.done $0x0  }
0xa0: {  	[sflag:s22] =	ssyncadd.s32 s4;
	_ =	sdelay $0x1  }
0xa1: {  	s23 =	simm.s32 $0x1B8B  }
0xa2: {  	_ =	swait.ge [sflag:s23], $0x1  }
0xa3: {  	[sflag:s23] =	ssyncset.done $0x0  }
0xa4: {  	s25 =	simm.s32 $0x1B8E;
	s24 =	sld [smem:$0x3FFE];
	[sflag:s23] =	ssyncadd.s32 $0xFFFFFFFF  }
0xa5: {  	s26 =	simm.s32 $execute0_lowered;
	[smem:$0x3FD2] =	sst s25  }
0xa6: {  	s5 =	sshll.u32 s26, $0x1;
	_ =	strace $0x8000004C;
	[dreg:$0x1] =	wrdreg $0xFFFFFFFF  }
0xa7: {  	s28 =	simm.s32 $_size_execute0_lowered;
	s3 =	sadd.s32 s3, s5;
	[dreg:$0x0] =	wrdreg $0x0  }
0xa8: {  	s5 =	sshll.u32 s28, $0x1;
	[dreg:$0x2] =	wrdreg s3  }
0xa9: {  	[dreg:$0x3] =	wrdreg s5  }
0xaa: {  	[dreg:$0x4] =	wrdreg $0xC0  }
0xab: {  	_ =	task [dreg:s7], $0x5FFFF  }
0xac: {  	[dreg:$0x1] =	wrdreg $0xFFFFFFFF  }
0xad: {  	[dreg:$0x0] =	wrdreg $0x60  }
0xae: {  	[dreg:$0x2] =	wrdreg s2  }
0xaf: {  	[dreg:$0x3] =	wrdreg s24  }
0xb0: {  	[dreg:$0x4] =	wrdreg $0x15D000  }
0xb1: {  	[dreg:$0x5] =	wrdreg $0x9  }
0xb2: {  	_ =	task.clear_ibuf [dreg:s7], $0x6FFFF;
	_ =	strace $0x9000004C  }
0xb3: {  	s29 =	simm.s32 $0x9;
	_ =	strace $0x8000004E  }
0xb4: {  	_ =	swait.ge [sflag:s29], $0x1  }
0xb5: {  	[sflag:s29] =	ssyncadd.s32 $0xFFFFFFFF  }
0xb6: {  	_ =	strace $0x9000004E  }
0xb7: {  	_ =	sfence  }
0xb8: {  	s30 =	sld [smem:$0x0];
	_ =	sdelay $0x2  }
0xb9: {  	s31 =	sshll.u32 s1, $0xD;
	s1 =	sshrl.u32 s1, $0x2  }
0xba: {  	s3 =	sand.u32 $0x4000, s31;
	s1 =	sadd.s32 s1, s30  }
0xbb: {  	s0 =	sor.u32 s3, s0;
	s1 =	sshll.u32 s1, $0x11  }
0xbc: {  	s0 =	sor.u32 s1, s0  }
0xbd: {  	s0 =	sadd.s32 $0x8F2B, s0  }
0xbe: {  	[sflag:s0] =	ssyncadd.remote.s32 $0x1  }
0xbf: {  	_ =	sfence.sel $0xFFFF  }
0xc0: {  	[dreg:$0x0] =	wrdreg $0xFFFFFFFF;
	(pc) =	sbr.abs _section_cstart, $3  }
0xc1: {  	[dreg:$0x1] =	wrdreg $0xFFFFFFFF  }
0xc2: {  	_ =	task.clear_ibuf [dreg:s7], $0x2FFFF;
	_ =	strace $0x9FFFFFFF  }
0xc3: {  	(tm) =	ssettm $0x7FFFFFFF  }
tec
execute0_lowered:
.L_overlay_start_1:
0x0: {  	(tag) =	ssettag $0x1  }
0x1: {  	s2 =	rddreg [dreg:$0x0]  }
0x2: {  	s0 =	rddreg [dreg:$0x1]  }
0x3: {  	s3 =	rddreg [dreg:$0x2];
	s9 =	stileid.u32  }
0x4: {  	s4 =	srdreg.scid;
	s6 =	simm.s32 $0x0;
	s12 =	simm.s32 $0xD  }
0x5: {  	s14 =	simm.s32 $0x80;
	s15 =	simm.s32 $0x9D00;
	s16 =	simm.s32 $0xBD00  }
0x6: {  	s18 =	simm.s32 $0xDD00;
	s20 =	simm.s32 $0xFD00;
	s22 =	simm.s32 $0x11D00  }
0x7: {  	s28 =	simm.s32 $0x3;
	s29 =	simm.s32 $0x4;
	s30 =	simm.s32 $0x5  }
0x8: {  	s31 =	simm.s32 $0x6;
	s13 =	simm.s32 $0x9;
	s17 =	simm.s32 $0xA  }
0x9: {  	s19 =	simm.s32 $0xB;
	s21 =	simm.s32 $0xC;
	s1 =	smul.u32 $0x9D0, s9  }
0xa: {  	s4 =	sand.u32 $0x1, s4;
	s5 =	smul.u32 $0x9E00, s9;
	[smem:$0x7FF] =	sst s6  }
0xb: {  	s8 =	sadd.s32 $0x64600, s0;
	s25 =	sshll.u32 s9, $0x6;
	s23 =	smul.u32 $0x9E000, s4  }
0xc: {  	_ =	strace $0x8000004D;
	s7 =	ssub.s32 $0x2, s4;
	[dreg:$0x4] =	wrdreg s8  }
0xd: {  	s4 =	smul.u32 $0x2710, s4;
	s1 =	sadd.s32 s1, s0;
	s24 =	sshrl.u32 s7, $0x1  }
0xe: {  	s6 =	sadd.s32 s5, s23;
	s10 =	ssub.s32 s7, s24;
	s5 =	sadd.s32 s5, s3  }
0xf: {  	s26 =	sadd.s32 $0xB800, s1;
	s8 =	sadd.s32 $0x1400, s1;
	s24 =	simm.s32 $0x13D00  }
0x10: {  	s1 =	simm.s32 $0x8;
	s23 =	simm.s32 $0x0;
	s6 =	sshrl.u32 s6, $0x3  }
0x11: {  	[dreg:$0x5] =	wrdreg s26;
	s10 =	smax.u32 s10, $0x1;
	s11 =	sshrl.u32 s5, $0x3  }
0x12: {  	s26 =	simm.s32 $0x2;
	s0 =	sadd.s32 s6, s0;
	s6 =	sor.u32 $0x1C0D, s25  }
0x13: {  	v0 =	vmov s4;
	s25 =	simm.s32 $0x1;
	s9 =	sadd.s32 $0x65A00, s0;
	s0 =	simm.s32 $0x7  }
.LBB2_1:
0x14: {  	s4 =	rddreg [dreg:$0x4]  }
0x15: {  	[spmem:s11], [sflag:s6] =	dma.local [hbm:s4], $0x13C0  }
0x16: {  	_ =	swait.ge [sflag:s12], $0x13C0  }
0x17: {  	[sflag:s12] =	ssyncset.done $0x0  }
0x18: {  	s4 =	simm.s32 $0x0;
	s5 =	rddreg [dreg:$0x5];
	[sflag:s12] =	ssyncadd.s32 $0xFFFFEC40  }
0x19: {  	[tilespmem:s4], [sflag:$0xD] =	stream.linear.gather [hbm4b:s5+s4], $0x4E80, $0x38;
	[tilespmem:$0x1FB00] =	vst v63  }
0x1a: {  	_ =	swait.ge [sflag:s12], $0x4E80  }
0x1b: {  	[sflag:s12] =	ssyncset.done $0x0  }
0x1c: {  	s7 =	simm.s32 $0x4E80;
	[sflag:s12] =	ssyncadd.s32 $0xFFFFB180  }
0x1d: {  	[tilespmem:s7], [sflag:$0xD] =	stream.linear.gather [hbm4b:s8+s4], $0x4E80, $0x38;
	[tilespmem:$0x1FB00] =	vst v63  }
0x1e: {  	_ =	swait.ge [sflag:s12], $0x4E80  }
0x1f: {  	[sflag:s12] =	ssyncset.done $0x0  }
0x20: {  	s4 =	simm.s32 $0x0;
	[sflag:s12] =	ssyncadd.s32 $0xFFFFB180  }
0x21: {  	v3 =	vld [tilespmem:s4+$0x0]  }
0x22: {  	v5 =	vld [tilespmem:s4+$0x10]  }
0x23: {  	v4 =	vld [tilespmem:s4+$0x20]  }
0x24: {  	v2 =	vld [tilespmem:s4+$0x30]  }
0x25: {  	v1 =	vld [tilespmem:s4+$0x40]  }
0x26: {  	v6 =	vadd.s32 v0, v3;
	v3 =	vld [tilespmem:s4+$0x50]  }
0x27: {  	s5 =	simm.s32 $0x200;
	[tilespmem:s4+$0x0] =	vst v6;
	v6 =	vadd.s32 v0, v5;
	v5 =	vld [tilespmem:s4+$0x60]  }
.LBB2_2:
0x28: {  	s7 =	sshra.s32 s5, $0x2;
	p0 =	sne.s32 s5, $0x13800;
	[tilespmem:s4+$0x10] =	vst v6;
	v4 =	vadd.s32 v0, v4;
	v6 =	vld [tilespmem:s4+$0x70]  }
0x29: {  	v7 =	vld [tilespmem:s7+$0x0];
	[tilespmem:s4+$0x20] =	vst v4;
	v2 =	vadd.s32 v0, v2  }
0x2a: {  	v8 =	vld [tilespmem:s7+$0x10];
	[tilespmem:s4+$0x30] =	vst v2;
	v1 =	vadd.s32 v0, v1  }
.Ltmp0:
0x2b: {  	v4 =	vld [tilespmem:s7+$0x20];
	[tilespmem:s4+$0x40] =	vst v1;
	v1 =	vadd.s32 v0, v3;
	(pc) =	sbr.rel @p0 .LBB2_2-.Ltmp0, $4  }
0x2c: {  	v2 =	vld [tilespmem:s7+$0x30];
	[tilespmem:s4+$0x50] =	vst v1;
	v3 =	vadd.s32 v0, v5  }
0x2d: {  	v1 =	vld [tilespmem:s7+$0x40];
	[tilespmem:s4+$0x60] =	vst v3;
	v5 =	vadd.s32 v0, v6  }
0x2e: {  	v6 =	vadd.s32 v0, v7;
	v3 =	vld [tilespmem:s7+$0x50];
	[tilespmem:s4+$0x70] =	vst v5;
	s4 =	smov.u32 s7  }
0x2f: {  	s5 =	sadd.s32 $0x200, s5;
	[tilespmem:s4+$0x0] =	vst v6;
	v6 =	vadd.s32 v0, v8;
	v5 =	vld [tilespmem:s4+$0x60]  }
0x30: {  	[tilespmem:s4+$0x10] =	vst v6;
	v4 =	vadd.s32 v0, v4;
	v63 =	vld [tilespmem:s4+$0x70]  }
0x31: {  	[tilespmem:s4+$0x20] =	vst v4;
	v2 =	vadd.s32 v0, v2  }
0x32: {  	[tilespmem:s4+$0x30] =	vst v2;
	v1 =	vadd.s32 v0, v1  }
0x33: {  	[tilespmem:s4+$0x40] =	vst v1;
	v1 =	vadd.s32 v0, v3  }
0x34: {  	[tilespmem:s4+$0x50] =	vst v1;
	v1 =	vadd.s32 v0, v5  }
0x35: {  	[tilespmem:s4+$0x60] =	vst v1;
	v1 =	vadd.s32 v0, v63  }
0x36: {  	[tilespmem:s4+$0x70] =	vst v1  }
0x37: {  	s5 =	simm.s32 $0x0;
	[bflag:$0x0] =	sbarrier.arrive $0xFFFF  }
0x38: {  	[tilespmem:s15], [sflag:$0x1] =	stream.indirect.gather [hbm4b:s2+s14], $0x40, s5, s14, $0xb8;
	[tilespmem:$0x1FB00] =	vst v63  }
0x39: {  	_ = 	snop  }
0x3a: {  	[tilespmem:s16], [sflag:$0x2] =	stream.indirect.gather [hbm4b:s2+s14], $0x40, s14, s14, $0xb8;
	[tilespmem:$0x1FB00] =	vst v63  }
0x3b: {  	s7 =	simm.s32 $0x100  }
0x3c: {  	[tilespmem:s18], [sflag:$0x3] =	stream.indirect.gather [hbm4b:s2+s14], $0x40, s7, s14, $0xb8;
	[tilespmem:$0x1FB00] =	vst v63  }
0x3d: {  	s5 =	simm.s32 $0x180  }
0x3e: {  	[tilespmem:s20], [sflag:$0x4] =	stream.indirect.gather [hbm4b:s2+s14], $0x40, s5, s14, $0xb8;
	[tilespmem:$0x1FB00] =	vst v63  }
0x3f: {  	s7 =	simm.s32 $0x200  }
0x40: {  	[tilespmem:s22], [sflag:$0x5] =	stream.indirect.gather [hbm4b:s2+s14], $0x40, s7, s14, $0xb8;
	[tilespmem:$0x1FB00] =	vst v63  }
0x41: {  	s5 =	simm.s32 $0x280  }
0x42: {  	[tilespmem:s24], [sflag:$0x6] =	stream.indirect.gather [hbm4b:s2+s14], $0x40, s5, s14, $0xb8;
	[tilespmem:$0x1FB00] =	vst v63  }
0x43: {  	_ =	swait.ge [sflag:s25], $0x2000  }
0x44: {  	[sflag:s25] =	ssyncset.done $0x0  }
0x45: {  	s7 =	simm.s32 $0x4E80;
	[sflag:s25] =	ssyncadd.s32 $0xFFFFE000  }
0x46: {  	[spmem:s3] =	stream.indirect.scatter.add.f32 [tilespmem:s15], [sflag:$0x7], $0x40, s7, s14, $0xb8;
	[tilespmem:$0x1FB00] =	vst v63  }
0x47: {  	_ =	swait.ge [sflag:s26], $0x2000  }
0x48: {  	[sflag:s26] =	ssyncset.done $0x0  }
0x49: {  	s5 =	simm.s32 $0x4F00;
	[sflag:s26] =	ssyncadd.s32 $0xFFFFE000  }
0x4a: {  	[spmem:s3] =	stream.indirect.scatter.add.f32 [tilespmem:s16], [sflag:$0x8], $0x40, s5, s14, $0xb8;
	[tilespmem:$0x1FB00] =	vst v63  }
0x4b: {  	_ =	swait.ge [sflag:s28], $0x2000  }
0x4c: {  	[sflag:s28] =	ssyncset.done $0x0  }
0x4d: {  	s7 =	simm.s32 $0x4F80;
	[sflag:s28] =	ssyncadd.s32 $0xFFFFE000  }
0x4e: {  	[spmem:s3] =	stream.indirect.scatter.add.f32 [tilespmem:s18], [sflag:$0x9], $0x40, s7, s14, $0xb8;
	[tilespmem:$0x1FB00] =	vst v63  }
0x4f: {  	_ =	swait.ge [sflag:s29], $0x2000  }
0x50: {  	[sflag:s29] =	ssyncset.done $0x0  }
0x51: {  	s5 =	simm.s32 $0x5000;
	[sflag:s29] =	ssyncadd.s32 $0xFFFFE000  }
0x52: {  	[spmem:s3] =	stream.indirect.scatter.add.f32 [tilespmem:s20], [sflag:$0xA], $0x40, s5, s14, $0xb8;
	[tilespmem:$0x1FB00] =	vst v63  }
0x53: {  	_ =	swait.ge [sflag:s30], $0x2000  }
0x54: {  	[sflag:s30] =	ssyncset.done $0x0  }
0x55: {  	s7 =	simm.s32 $0x5080;
	[sflag:s30] =	ssyncadd.s32 $0xFFFFE000  }
0x56: {  	[spmem:s3] =	stream.indirect.scatter.add.f32 [tilespmem:s22], [sflag:$0xB], $0x40, s7, s14, $0xb8;
	[tilespmem:$0x1FB00] =	vst v63  }
0x57: {  	_ =	swait.ge [sflag:s31], $0x2000  }
0x58: {  	[sflag:s31] =	ssyncset.done $0x0  }
0x59: {  	s5 =	simm.s32 $0x5100;
	[sflag:s31] =	ssyncadd.s32 $0xFFFFE000  }
0x5a: {  	[spmem:s3] =	stream.indirect.scatter.add.f32 [tilespmem:s24], [sflag:$0xC], $0x40, s5, s14, $0xb8;
	[tilespmem:$0x1FB00] =	vst v63  }
0x5b: {  	_ =	swait.ge [sflag:s0], $0x2000  }
0x5c: {  	[sflag:s0] =	ssyncset.done $0x0  }
0x5d: {  	s7 =	simm.s32 $0x300;
	[sflag:s0] =	ssyncadd.s32 $0xFFFFE000  }
0x5e: {  	[tilespmem:s15], [sflag:$0x1] =	stream.indirect.gather [hbm4b:s2+s14], $0x40, s7, s14, $0xb8;
	[tilespmem:$0x1FB00] =	vst v63  }
0x5f: {  	_ =	swait.ge [sflag:s1], $0x2000  }
0x60: {  	[sflag:s1] =	ssyncset.done $0x0  }
0x61: {  	s5 =	simm.s32 $0x380;
	[sflag:s1] =	ssyncadd.s32 $0xFFFFE000  }
0x62: {  	[tilespmem:s16], [sflag:$0x2] =	stream.indirect.gather [hbm4b:s2+s14], $0x40, s5, s14, $0xb8;
	[tilespmem:$0x1FB00] =	vst v63  }
0x63: {  	_ =	swait.ge [sflag:s13], $0x2000  }
0x64: {  	[sflag:s13] =	ssyncset.done $0x0  }
0x65: {  	s7 =	simm.s32 $0x400;
	[sflag:s13] =	ssyncadd.s32 $0xFFFFE000  }
0x66: {  	[tilespmem:s18], [sflag:$0x3] =	stream.indirect.gather [hbm4b:s2+s14], $0x40, s7, s14, $0xb8;
	[tilespmem:$0x1FB00] =	vst v63  }
0x67: {  	_ =	swait.ge [sflag:s17], $0x2000  }
0x68: {  	[sflag:s17] =	ssyncset.done $0x0  }
0x69: {  	s5 =	simm.s32 $0x480;
	[sflag:s17] =	ssyncadd.s32 $0xFFFFE000  }
0x6a: {  	[tilespmem:s20], [sflag:$0x4] =	stream.indirect.gather [hbm4b:s2+s14], $0x40, s5, s14, $0xb8;
	[tilespmem:$0x1FB00] =	vst v63  }
0x6b: {  	_ =	swait.ge [sflag:s19], $0x2000  }
0x6c: {  	[sflag:s19] =	ssyncset.done $0x0  }
0x6d: {  	s7 =	simm.s32 $0x500;
	[sflag:s19] =	ssyncadd.s32 $0xFFFFE000  }
0x6e: {  	[tilespmem:s22], [sflag:$0x5] =	stream.indirect.gather [hbm4b:s2+s14], $0x40, s7, s14, $0xb8;
	[tilespmem:$0x1FB00] =	vst v63  }
0x6f: {  	_ =	swait.ge [sflag:s21], $0x2000  }
0x70: {  	[sflag:s21] =	ssyncset.done $0x0  }
0x71: {  	s4 =	simm.s32 $0xC00;
	s5 =	simm.s32 $0x580;
	[sflag:s21] =	ssyncadd.s32 $0xFFFFE000  }
.LBB2_4:
0x72: {  	[tilespmem:s24], [sflag:$0x6] =	stream.indirect.gather [hbm4b:s2+s14], $0x40, s5, s14, $0xb8;
	[tilespmem:$0x1FB00] =	vst v63  }
0x73: {  	s5 =	smov.u32 s4  }
0x74: {  	p0 =	sne.s32 s4, $0x12000;
	s4 =	sadd.s32 $0xC00, s4;
	_ =	swait.ge [sflag:s25], $0x2000  }
0x75: {  	s5 =	sshra.s32 s5, $0x2;
	[sflag:s25] =	ssyncset.done $0x0  }
0x76: {  	s7 =	sadd.s32 $0x4E80, s5;
	[sflag:s25] =	ssyncadd.s32 $0xFFFFE000  }
0x77: {  	[spmem:s3] =	stream.indirect.scatter.add.f32 [tilespmem:s15], [sflag:$0x7], $0x40, s7, s14, $0xb8;
	[tilespmem:$0x1FB00] =	vst v63  }
0x78: {  	_ =	swait.ge [sflag:s26], $0x2000  }
0x79: {  	[sflag:s26] =	ssyncset.done $0x0  }
0x7a: {  	s7 =	sadd.s32 $0x4F00, s5;
	[sflag:s26] =	ssyncadd.s32 $0xFFFFE000  }
0x7b: {  	[spmem:s3] =	stream.indirect.scatter.add.f32 [tilespmem:s16], [sflag:$0x8], $0x40, s7, s14, $0xb8;
	[tilespmem:$0x1FB00] =	vst v63  }
0x7c: {  	_ =	swait.ge [sflag:s28], $0x2000  }
0x7d: {  	[sflag:s28] =	ssyncset.done $0x0  }
0x7e: {  	s7 =	sadd.s32 $0x4F80, s5;
	[sflag:s28] =	ssyncadd.s32 $0xFFFFE000  }
0x7f: {  	[spmem:s3] =	stream.indirect.scatter.add.f32 [tilespmem:s18], [sflag:$0x9], $0x40, s7, s14, $0xb8;
	[tilespmem:$0x1FB00] =	vst v63  }
0x80: {  	_ =	swait.ge [sflag:s29], $0x2000  }
0x81: {  	[sflag:s29] =	ssyncset.done $0x0  }
0x82: {  	s7 =	sadd.s32 $0x5000, s5;
	[sflag:s29] =	ssyncadd.s32 $0xFFFFE000  }
0x83: {  	[spmem:s3] =	stream.indirect.scatter.add.f32 [tilespmem:s20], [sflag:$0xA], $0x40, s7, s14, $0xb8;
	[tilespmem:$0x1FB00] =	vst v63  }
0x84: {  	_ =	swait.ge [sflag:s30], $0x2000  }
0x85: {  	[sflag:s30] =	ssyncset.done $0x0  }
0x86: {  	s7 =	sadd.s32 $0x5080, s5;
	[sflag:s30] =	ssyncadd.s32 $0xFFFFE000  }
0x87: {  	[spmem:s3] =	stream.indirect.scatter.add.f32 [tilespmem:s22], [sflag:$0xB], $0x40, s7, s14, $0xb8;
	[tilespmem:$0x1FB00] =	vst v63  }
0x88: {  	_ =	swait.ge [sflag:s31], $0x2000  }
0x89: {  	[sflag:s31] =	ssyncset.done $0x0  }
0x8a: {  	s7 =	sadd.s32 $0x5100, s5;
	[sflag:s31] =	ssyncadd.s32 $0xFFFFE000  }
0x8b: {  	[spmem:s3] =	stream.indirect.scatter.add.f32 [tilespmem:s24], [sflag:$0xC], $0x40, s7, s14, $0xb8;
	[tilespmem:$0x1FB00] =	vst v63  }
0x8c: {  	_ =	swait.ge [sflag:s0], $0x2000  }
0x8d: {  	[sflag:s0] =	ssyncset.done $0x0  }
0x8e: {  	s7 =	sadd.s32 $0x300, s5;
	[sflag:s0] =	ssyncadd.s32 $0xFFFFE000  }
0x8f: {  	[tilespmem:s15], [sflag:$0x1] =	stream.indirect.gather [hbm4b:s2+s14], $0x40, s7, s14, $0xb8;
	[tilespmem:$0x1FB00] =	vst v63  }
0x90: {  	_ =	swait.ge [sflag:s1], $0x2000  }
0x91: {  	[sflag:s1] =	ssyncset.done $0x0  }
0x92: {  	s7 =	sadd.s32 $0x380, s5;
	[sflag:s1] =	ssyncadd.s32 $0xFFFFE000  }
0x93: {  	[tilespmem:s16], [sflag:$0x2] =	stream.indirect.gather [hbm4b:s2+s14], $0x40, s7, s14, $0xb8;
	[tilespmem:$0x1FB00] =	vst v63  }
0x94: {  	_ =	swait.ge [sflag:s13], $0x2000  }
0x95: {  	[sflag:s13] =	ssyncset.done $0x0  }
0x96: {  	s7 =	sadd.s32 $0x400, s5;
	[sflag:s13] =	ssyncadd.s32 $0xFFFFE000  }
0x97: {  	[tilespmem:s18], [sflag:$0x3] =	stream.indirect.gather [hbm4b:s2+s14], $0x40, s7, s14, $0xb8;
	[tilespmem:$0x1FB00] =	vst v63  }
0x98: {  	_ =	swait.ge [sflag:s17], $0x2000  }
0x99: {  	[sflag:s17] =	ssyncset.done $0x0  }
0x9a: {  	s7 =	sadd.s32 $0x480, s5;
	[sflag:s17] =	ssyncadd.s32 $0xFFFFE000  }
0x9b: {  	[tilespmem:s20], [sflag:$0x4] =	stream.indirect.gather [hbm4b:s2+s14], $0x40, s7, s14, $0xb8;
	[tilespmem:$0x1FB00] =	vst v63  }
0x9c: {  	_ =	swait.ge [sflag:s19], $0x2000  }
0x9d: {  	[sflag:s19] =	ssyncset.done $0x0  }
.Ltmp1:
0x9e: {  	s7 =	sadd.s32 $0x500, s5;
	[sflag:s19] =	ssyncadd.s32 $0xFFFFE000;
	(pc) =	sbr.rel @p0 .LBB2_4-.Ltmp1, $4  }
0x9f: {  	[tilespmem:s22], [sflag:$0x5] =	stream.indirect.gather [hbm4b:s2+s14], $0x40, s7, s14, $0xb8;
	[tilespmem:$0x1FB00] =	vst v63  }
0xa0: {  	_ =	swait.ge [sflag:s21], $0x2000  }
0xa1: {  	[sflag:s21] =	ssyncset.done $0x0  }
0xa2: {  	s5 =	sadd.s32 $0x580, s5;
	[sflag:s21] =	ssyncadd.s32 $0xFFFFE000  }
0xa3: {  	[tilespmem:s24], [sflag:$0x6] =	stream.indirect.gather [hbm4b:s2+s14], $0x40, s5, s14, $0xb8;
	[tilespmem:$0x1FB00] =	vst v63  }
0xa4: {  	_ =	swait.ge [sflag:s25], $0x2000  }
0xa5: {  	[sflag:s25] =	ssyncset.done $0x0  }
0xa6: {  	s4 =	simm.s32 $0x9980;
	[sflag:s25] =	ssyncadd.s32 $0xFFFFE000  }
0xa7: {  	[spmem:s3] =	stream.indirect.scatter.add.f32 [tilespmem:s15], [sflag:$0x7], $0x40, s4, s14, $0xb8;
	[tilespmem:$0x1FB00] =	vst v63  }
0xa8: {  	_ =	swait.ge [sflag:s26], $0x2000  }
0xa9: {  	[sflag:s26] =	ssyncset.done $0x0  }
0xaa: {  	s7 =	simm.s32 $0x9A00;
	[sflag:s26] =	ssyncadd.s32 $0xFFFFE000  }
0xab: {  	[spmem:s3] =	stream.indirect.scatter.add.f32 [tilespmem:s16], [sflag:$0x8], $0x40, s7, s14, $0xb8;
	[tilespmem:$0x1FB00] =	vst v63  }
0xac: {  	_ =	swait.ge [sflag:s28], $0x2000  }
0xad: {  	[sflag:s28] =	ssyncset.done $0x0  }
0xae: {  	s5 =	simm.s32 $0x9A80;
	[sflag:s28] =	ssyncadd.s32 $0xFFFFE000  }
0xaf: {  	[spmem:s3] =	stream.indirect.scatter.add.f32 [tilespmem:s18], [sflag:$0x9], $0x40, s5, s14, $0xb8;
	[tilespmem:$0x1FB00] =	vst v63  }
0xb0: {  	_ =	swait.ge [sflag:s29], $0x2000  }
0xb1: {  	[sflag:s29] =	ssyncset.done $0x0  }
0xb2: {  	s7 =	simm.s32 $0x9B00;
	[sflag:s29] =	ssyncadd.s32 $0xFFFFE000  }
0xb3: {  	[spmem:s3] =	stream.indirect.scatter.add.f32 [tilespmem:s20], [sflag:$0xA], $0x40, s7, s14, $0xb8;
	[tilespmem:$0x1FB00] =	vst v63  }
0xb4: {  	_ =	swait.ge [sflag:s30], $0x2000  }
0xb5: {  	[sflag:s30] =	ssyncset.done $0x0  }
0xb6: {  	s5 =	simm.s32 $0x9B80;
	[sflag:s30] =	ssyncadd.s32 $0xFFFFE000  }
0xb7: {  	[spmem:s3] =	stream.indirect.scatter.add.f32 [tilespmem:s22], [sflag:$0xB], $0x40, s5, s14, $0xb8;
	[tilespmem:$0x1FB00] =	vst v63  }
0xb8: {  	_ =	swait.ge [sflag:s31], $0x2000  }
0xb9: {  	[sflag:s31] =	ssyncset.done $0x0  }
0xba: {  	s7 =	simm.s32 $0x9C00;
	[sflag:s31] =	ssyncadd.s32 $0xFFFFE000  }
0xbb: {  	[spmem:s3] =	stream.indirect.scatter.add.f32 [tilespmem:s24], [sflag:$0xC], $0x40, s7, s14, $0xb8;
	[tilespmem:$0x1FB00] =	vst v63  }
0xbc: {  	_ =	swait.ge [sflag:s0], $0x2000  }
0xbd: {  	[sflag:s0] =	ssyncset.done $0x0  }
0xbe: {  	s5 =	simm.s32 $0x4E00;
	[sflag:s0] =	ssyncadd.s32 $0xFFFFE000  }
0xbf: {  	[tilespmem:s15], [sflag:$0x1] =	stream.indirect.gather [hbm4b:s2+s14], $0x40, s5, s14, $0xb8;
	[tilespmem:$0x1FB00] =	vst v63  }
0xc0: {  	_ =	swait.ge [sflag:s1], $0x2000  }
0xc1: {  	[sflag:s1] =	ssyncset.done $0x0  }
0xc2: {  	[sflag:s1] =	ssyncadd.s32 $0xFFFFE000  }
0xc3: {  	_ =	swait.ge [sflag:s13], $0x2000  }
0xc4: {  	[sflag:s13] =	ssyncset.done $0x0  }
0xc5: {  	[sflag:s13] =	ssyncadd.s32 $0xFFFFE000  }
0xc6: {  	_ =	swait.ge [sflag:s17], $0x2000  }
0xc7: {  	[sflag:s17] =	ssyncset.done $0x0  }
0xc8: {  	[sflag:s17] =	ssyncadd.s32 $0xFFFFE000  }
0xc9: {  	_ =	swait.ge [sflag:s19], $0x2000  }
0xca: {  	[sflag:s19] =	ssyncset.done $0x0  }
0xcb: {  	[sflag:s19] =	ssyncadd.s32 $0xFFFFE000  }
0xcc: {  	_ =	swait.ge [sflag:s21], $0x2000  }
0xcd: {  	[sflag:s21] =	ssyncset.done $0x0  }
0xce: {  	[sflag:s21] =	ssyncadd.s32 $0xFFFFE000  }
0xcf: {  	_ =	swait.ge [sflag:s25], $0x2000  }
0xd0: {  	[sflag:s25] =	ssyncset.done $0x0  }
0xd1: {  	s7 =	simm.s32 $0x9C80;
	[sflag:s25] =	ssyncadd.s32 $0xFFFFE000  }
0xd2: {  	[spmem:s3] =	stream.indirect.scatter.add.f32 [tilespmem:s15], [sflag:$0xD], $0x40, s7, s14, $0xb8;
	[tilespmem:$0x1FB00] =	vst v63  }
0xd3: {  	_ =	swait.ge [sflag:s12], $0x2000  }
0xd4: {  	s23 =	sadd.s32 $0x1, s23;
	[sflag:s12] =	ssyncset.done $0x0  }
0xd5: {  	p0 =	sne.s32 s23, s10;
	[sflag:s12] =	ssyncadd.s32 $0xFFFFE000  }
.Ltmp2:
0xd6: {  	[bflag:$0x0] =	sbarrier.arrive $0xFFFF;
	(pc) =	sbr.rel @p0 .LBB2_1-.Ltmp2, $4  }
0xd7: {  	[hbm:s9], [sflag:s6] =	dma.local [spmem:s11], $0x13C0  }
0xd8: {  	_ =	swait.ge [sflag:s12], $0x13C0  }
0xd9: {  	[sflag:s12] =	ssyncset.done $0x0  }
0xda: {  	[sflag:s12] =	ssyncadd.s32 $0xFFFFEC40  }
0xdb: {  	_ =	sfence.sel $0x180000  }
0xdc: {  	[bflag:$0x0] =	sbarrier.arrive $0xFFFF  }
0xdd: {  	_ =	strace $0x9000004D  }
0xde: {  	s0 =	stileid.u32;
	[bflag:$0x2] =	sbarrier.arrive $0xFFFF  }
0xdf: {  	p0 =	sne.s32 s0, $0x0;
	s0 =	rddreg [dreg:$0x3]  }
0xe0: {  	s0 =	sadd.s32 @!p0 $0x100000, s0  }
0xe1: {  	[sflag:s0] =	ssyncadd.tile.s32 @!p0 $0x1;
	_ =	shalt  }
.Lfunc_end2:
_tile_overlayer_lowered:
.L_overlay_start_2:
0xe2: {  	(tag) =	ssettag $0x2  }
0xe3: {  	s0 =	rddreg [dreg:$0x0];
	s2 =	stileid.u32  }
0xe4: {  	s1 =	rddreg [dreg:$0x1];
	p0 =	sne.s32 s2, $0x0  }
0xe5: {  	s3 =	rddreg [dreg:$0x2];
	[bflag:$0x3] =	sbarrier.arrive $0xFFFF;
	s2 =	simm.s32 @!p0 $0x1C0D  }
0xe6: {  	[timem:s3], [sflag:s2] =	dma.local @!p0 [hbm:s0], s1  }
0xe7: {  	s0 =	simm.s32 @!p0 $0xD  }
0xe8: {  	_ =	swait.ge @!p0 [sflag:s0], s1  }
0xe9: {  	s1 =	ssub.s32 @!p0 $0x0, s1;
	[sflag:s0] =	ssyncset.done @!p0 $0x0  }
0xea: {  	[sflag:s0] =	ssyncadd.s32 @!p0 s1  }
0xeb: {  	[bflag:$0x3] =	sbarrier.arrive $0xFFFF  }
0xec: {  	_ =	shalt  }

// kernel: kernel.8.cloned.1.call-start
scs
__scs_entry_jumppad:
0x0: {  	(pc) =	sbr.rel $0x88, $3  }
0x1: {  	(tag) =	ssettag $0x0;
	lr =	simm.s32 $0x1  }
0x2: {  	[smem:$0x3F9B] =	sst lr;
	_ =	strace $0xD0000000  }
0x3: {  	_ = 	snop  }
0x4: {  	_ = 	snop  }
0x5: {  	_ = 	snop  }
0x6: {  	_ = 	snop  }
0x7: {  	_ = 	snop  }
__scs_overlays_trampoline_lowered:
0x8: {  	[smem:$0x3FAA] =	sst s0  }
0x9: {  	[smem:$0x3FAB] =	sst s1  }
0xa: {  	[smem:$0x3FAC] =	sst s2  }
0xb: {  	[smem:$0x3FAD] =	sst s3  }
0xc: {  	[smem:$0x3FAE] =	sst s4  }
0xd: {  	[smem:$0x3FAF] =	sst s5  }
0xe: {  	[smem:$0x3FB0] =	sst s6  }
0xf: {  	[smem:$0x3FB1] =	sst s7  }
0x10: {  	[smem:$0x3FB2] =	sst s8  }
0x11: {  	[smem:$0x3FB3] =	sst s9;
	s0 =	simm.s32 @!p0 $0x0  }
0x12: {  	s1 =	sld [smem:$0x3F99];
	s0 =	simm.s32 @p0 $0x1  }
0x13: {  	[smem:$0x3FB4] =	sst s0;
	s0 =	simm.s32 @!p1 $0x0  }
0x14: {  	s2 =	sld [smem:$0x3F98];
	s0 =	simm.s32 @p1 $0x1  }
0x15: {  	[smem:$0x3FB5] =	sst s0;
	s0 =	simm.s32 @!p2 $0x0  }
0x16: {  	s3 =	sld [smem:$0x3FDB];
	s0 =	simm.s32 @p2 $0x1  }
0x17: {  	s4 =	simm.s32 $0x1BF5;
	[smem:$0x3FB7] =	sst s0  }
0x18: {  	s0 =	sld [smem:$0x3F9A];
	_ =	swait.ge [sflag:s4], $0x0  }
0x19: {  	s7 =	sld [smem:$0x3F9B]  }
0x1a: {  	s8 =	sadd.s32 $0xFFFFE003, lr  }
0x1b: {  	s9 =	sadd.s32 $0xFFFFFEF7, lr;
	s5 =	simm.s32 $0xFFFFFFFF;
	p2 =	slt.u32 s8, $0xFFFFF086  }
0x1c: {  	p1 =	slt.u32 s9, $0xF7A;
	s5 =	simm.s32 @!p2 $0x0  }
0x1d: {  	s5 =	simm.s32 @p1 $0x1;
	p0 =	seq.s32 s7, s2  }
0x1e: {  	s7 =	smul.u32 @!p0 $0xF7A, s2;
	p2 =	seq.s32 @!p0 s5, $0x0  }
0x1f: {  	s9 =	smul.u32 $0xF7A, s1;
	s8 =	simm.s32 @!p0 $0x1BF5;
	p2 =	por !p2, p0  }
0x20: {  	[sflag:s8] =	ssyncset.s32 @!p0 $0xFFFFF086;
	s6 =	sadd.s32 @!p0 s3, s7;
	s7 =	simm.s32 @!p0 $0x108  }
0x21: {  	s3 =	sadd.s32 s3, s9;
	s6 =	sadd.s32 @!p0 $0x88, s6;
	s7 =	simm.s32 @p2 $0x1082  }
0x22: {  	[simem:s7], [sflag:s8] =	dma.local @!p0 [hbm:s6], $0xF7A  }
0x23: {  	s9 =	sor.u32 $0xD0000000, s2;
	s6 =	simm.s32 $0x108;
	_ =	swait.ge @!p0 [sflag:s8], $0x0  }
0x24: {  	s3 =	sadd.s32 $0x88, s3;
	s6 =	simm.s32 @!p1 $0x1082;
	[sflag:s4] =	ssyncset.s32 $0xFFFFF086  }
0x25: {  	[simem:s6], [sflag:s4] =	dma.local [hbm:s3], $0xF7A  }
0x26: {  	[smem:$0x3F9B] =	sst s1;
	(tag) =	ssettag s2;
	_ =	strace s9  }
0x27: {  	s1 =	sld [smem:$0x3FAB]  }
0x28: {  	s2 =	sld [smem:$0x3FAC]  }
0x29: {  	s4 =	sld [smem:$0x3FAE]  }
0x2a: {  	p0 =	seq.s32 s5, $0x0;
	s5 =	sld [smem:$0x3FAF]  }
0x2b: {  	s6 =	sld [smem:$0x3FB0]  }
0x2c: {  	s7 =	sld [smem:$0x3FB1]  }
0x2d: {  	s3 =	simm.s32 $0x108;
	s8 =	sld [smem:$0x3FB2]  }
0x2e: {  	s3 =	simm.s32 @!p0 $0x1082;
	s9 =	sld [smem:$0x3FB3]  }
0x2f: {  	lr =	sadd.s32 s0, s3;
	s0 =	sld [smem:$0x3FAA]  }
0x30: {  	s3 =	sld [smem:$0x3FAD]  }
0x31: {  	[smem:$0x3FB6] =	sst s10  }
0x32: {  	s10 =	sld [smem:$0x3FB4];
	_ =	sdelay $0x3  }
0x33: {  	p0 =	seq.s32 s10, $0x1;
	s10 =	sld [smem:$0x3FB6];
	_ =	sdelay $0x3  }
0x34: {  	[smem:$0x3FB6] =	sst s10  }
0x35: {  	s10 =	sld [smem:$0x3FB5];
	_ =	sdelay $0x3  }
0x36: {  	p1 =	seq.s32 s10, $0x1;
	s10 =	sld [smem:$0x3FB6];
	_ =	sdelay $0x3  }
0x37: {  	[smem:$0x3FB6] =	sst s10  }
0x38: {  	s10 =	sld [smem:$0x3FB7]  }
0x39: {  	_ = 	snop;
	(pc) =	sbr.ind lr, $3  }
0x3a: {  	_ = 	snop  }
0x3b: {  	_ = 	snop  }
0x3c: {  	p2 =	seq.s32 s10, $0x1;
	s10 =	sld [smem:$0x3FB6]  }
0x3d: {  	_ =	shalt  }
0x3e: {  	_ =	shalt  }
0x3f: {  	_ =	shalt  }
0x40: {  	_ =	shalt  }
0x41: {  	_ =	shalt  }
0x42: {  	_ =	shalt  }
0x43: {  	_ =	shalt  }
0x44: {  	_ =	shalt  }
0x45: {  	_ =	shalt  }
0x46: {  	_ =	shalt  }
0x47: {  	_ =	shalt  }
0x48: {  	_ =	shalt  }
0x49: {  	_ =	shalt  }
0x4a: {  	_ =	shalt  }
0x4b: {  	_ =	shalt  }
0x4c: {  	_ =	shalt  }
0x4d: {  	_ =	shalt  }
0x4e: {  	_ =	shalt  }
0x4f: {  	_ =	shalt  }
0x50: {  	_ =	shalt  }
0x51: {  	_ =	shalt  }
0x52: {  	_ =	shalt  }
0x53: {  	_ =	shalt  }
0x54: {  	_ =	shalt  }
0x55: {  	_ =	shalt  }
0x56: {  	_ =	shalt  }
0x57: {  	_ =	shalt  }
0x58: {  	_ =	shalt  }
0x59: {  	_ =	shalt  }
0x5a: {  	_ =	shalt  }
0x5b: {  	_ =	shalt  }
0x5c: {  	_ =	shalt  }
0x5d: {  	_ =	shalt  }
0x5e: {  	_ =	shalt  }
0x5f: {  	_ =	shalt  }
0x60: {  	_ =	shalt  }
0x61: {  	_ =	shalt  }
0x62: {  	_ =	shalt  }
0x63: {  	_ =	shalt  }
0x64: {  	_ =	shalt  }
0x65: {  	_ =	shalt  }
0x66: {  	_ =	shalt  }
0x67: {  	_ =	shalt  }
0x68: {  	_ =	shalt  }
0x69: {  	_ =	shalt  }
0x6a: {  	_ =	shalt  }
0x6b: {  	_ =	shalt  }
0x6c: {  	_ =	shalt  }
0x6d: {  	_ =	shalt  }
0x6e: {  	_ =	shalt  }
0x6f: {  	_ =	shalt  }
0x70: {  	_ =	shalt  }
0x71: {  	_ =	shalt  }
0x72: {  	_ =	shalt  }
0x73: {  	_ =	shalt  }
0x74: {  	_ =	shalt  }
0x75: {  	_ =	shalt  }
0x76: {  	_ =	shalt  }
0x77: {  	_ =	shalt  }
0x78: {  	_ =	shalt  }
0x79: {  	_ =	shalt  }
0x7a: {  	_ =	shalt  }
0x7b: {  	_ =	shalt  }
0x7c: {  	_ =	shalt  }
0x7d: {  	_ =	shalt  }
0x7e: {  	_ =	shalt  }
0x7f: {  	_ =	shalt  }
0x80: {  	_ =	shalt  }
0x81: {  	_ =	shalt  }
0x82: {  	_ =	shalt  }
0x83: {  	_ =	shalt  }
0x84: {  	_ =	shalt  }
0x85: {  	_ =	shalt  }
0x86: {  	_ =	shalt  }
0x87: {  	_ =	shalt  }
.Lfunc_end0:
.L_simem_size_0:
called_computation_lowered:
.L_overlay_start_0:
0x88: {  	s2 =	sld [smem:$0x3FD9]  }
0x89: {  	s3 =	sld [smem:$0x3FFE];
	_ =	sdelay $0x1  }
0x8a: {  	s1 =	srdreg.scid  }
0x8b: {  	s0 =	sand.u32 $0x1, s1  }
0x8c: {  	s17 =	sshll.u32 s0, $0xA;
	s2 =	sadd.s32 s3, s2  }
0x8d: {  	s2 =	sadd.s32 s2, s17  }
0x8e: {  	[smem:$0x3FC2] =	sst s2  }
0x8f: {  	_ = 	snop  }
0x90: {  	s2 =	sld [smem:$0x3FD0];
	(tm) =	ssettm $0x1  }
0x91: {  	s18 =	sld [smem:$0x3FFB];
	_ =	sdelay $0x3  }
0x92: {  	_ =	strace s18  }
0x93: {  	s3 =	sld [smem:$0x3FFC];
	_ =	sdelay $0x3  }
0x94: {  	_ =	strace s3  }
0x95: {  	s3 =	sld [smem:$0x3FFD];
	_ =	sdelay $0x3  }
0x96: {  	_ =	strace s3  }
0x97: {  	_ =	strace $0x8FFFFFFF  }
0x98: {  	s19 =	sld [smem:$0x3FDB];
	_ =	sdelay $0x1  }
0x99: {  	s4 =	simm.s32 $_scs_section_size  }
0x9a: {  	s5 =	simm.s32 $_size__tile_overlayer_lowered;
	s6 =	simm.s32 $_tile_overlayer_lowered  }
0x9b: {  	s22 =	simm.s32 $0x1BFF;
	s21 =	sshll.u32 s6, $0x1;
	s3 =	sadd.s32 s4, s19  }
0x9c: {  	s7 =	simm.s32 $0x0;
	s20 =	sshll.u32 s5, $0x1;
	s5 =	sadd.s32 s21, s3  }
0x9d: {  	[timem:s7], [sflag:s22] =	dma.local [hbm:s5], s20  }
0x9e: {  	_ =	swait.ge [sflag:s22], s20  }
0x9f: {  	s4 =	ssub.s32 $0x0, s20;
	[sflag:s22] =	ssyncset.done $0x0  }
0xa0: {  	[sflag:s22] =	ssyncadd.s32 s4;
	_ =	sdelay $0x1  }
0xa1: {  	s23 =	simm.s32 $0x1B8B  }
0xa2: {  	_ =	swait.ge [sflag:s23], $0x1  }
0xa3: {  	[sflag:s23] =	ssyncset.done $0x0  }
0xa4: {  	s25 =	simm.s32 $0x1B8E;
	s24 =	sld [smem:$0x3FFE];
	[sflag:s23] =	ssyncadd.s32 $0xFFFFFFFF  }
0xa5: {  	s26 =	simm.s32 $execute0_lowered;
	[smem:$0x3FD2] =	sst s25  }
0xa6: {  	s5 =	sshll.u32 s26, $0x1;
	_ =	strace $0x80000046;
	[dreg:$0x1] =	wrdreg $0xFFFFFFFF  }
0xa7: {  	s28 =	simm.s32 $_size_execute0_lowered;
	s3 =	sadd.s32 s3, s5;
	[dreg:$0x0] =	wrdreg $0x0  }
0xa8: {  	s5 =	sshll.u32 s28, $0x1;
	[dreg:$0x2] =	wrdreg s3  }
0xa9: {  	[dreg:$0x3] =	wrdreg s5  }
0xaa: {  	[dreg:$0x4] =	wrdreg $0xC0  }
0xab: {  	_ =	task [dreg:s7], $0x5FFFF  }
0xac: {  	[dreg:$0x1] =	wrdreg $0xFFFFFFFF  }
0xad: {  	[dreg:$0x0] =	wrdreg $0x60  }
0xae: {  	[dreg:$0x2] =	wrdreg s24  }
0xaf: {  	[dreg:$0x3] =	wrdreg s2  }
0xb0: {  	[dreg:$0x4] =	wrdreg $0x56800  }
0xb1: {  	[dreg:$0x5] =	wrdreg $0x9  }
0xb2: {  	_ =	task.clear_ibuf [dreg:s7], $0x6FFFF;
	_ =	strace $0x90000046  }
0xb3: {  	s29 =	simm.s32 $0x9;
	_ =	strace $0x80000048  }
0xb4: {  	_ =	swait.ge [sflag:s29], $0x1  }
0xb5: {  	[sflag:s29] =	ssyncadd.s32 $0xFFFFFFFF  }
0xb6: {  	_ =	strace $0x90000048  }
0xb7: {  	_ =	sfence  }
0xb8: {  	s30 =	sld [smem:$0x0];
	_ =	sdelay $0x2  }
0xb9: {  	s31 =	sshll.u32 s1, $0xD;
	s1 =	sshrl.u32 s1, $0x2  }
0xba: {  	s3 =	sand.u32 $0x4000, s31;
	s1 =	sadd.s32 s1, s30  }
0xbb: {  	s0 =	sor.u32 s3, s0;
	s1 =	sshll.u32 s1, $0x11  }
0xbc: {  	s0 =	sor.u32 s1, s0  }
0xbd: {  	s0 =	sadd.s32 $0x8F2B, s0  }
0xbe: {  	[sflag:s0] =	ssyncadd.remote.s32 $0x1  }
0xbf: {  	_ =	sfence.sel $0xFFFF  }
0xc0: {  	[dreg:$0x0] =	wrdreg $0xFFFFFFFF;
	(pc) =	sbr.abs _section_cstart, $3  }
0xc1: {  	[dreg:$0x1] =	wrdreg $0xFFFFFFFF  }
0xc2: {  	_ =	task.clear_ibuf [dreg:s7], $0x2FFFF;
	_ =	strace $0x9FFFFFFF  }
0xc3: {  	(tm) =	ssettm $0x7FFFFFFF  }
tec
execute0_lowered:
.L_overlay_start_1:
0x0: {  	(tag) =	ssettag $0x1  }
0x1: {  	s4 =	rddreg [dreg:$0x0]  }
0x2: {  	s8 =	rddreg [dreg:$0x1]  }
0x3: {  	s2 =	rddreg [dreg:$0x2]  }
0x4: {  	s0 =	rddreg [dreg:$0x3];
	s1 =	stileid.u32  }
0x5: {  	s5 =	srdreg.scid;
	s6 =	smul.u32 $0x9D0, s1  }
0x6: {  	s3 =	simm.s32 $0x0;
	s7 =	sand.u32 $0x1, s5;
	s10 =	smul.u32 $0x2780, s1  }
0x7: {  	s15 =	simm.s32 $0x1;
	s16 =	simm.s32 $0x0;
	s11 =	smul.u32 $0x27800, s7  }
0x8: {  	[smem:$0x7FF] =	sst s3;
	s29 =	sshll.u32 s1, $0x6;
	s13 =	smul.u32 $0x4E, s7  }
0x9: {  	_ =	strace $0x80000047;
	s5 =	ssub.s32 $0x2, s7;
	s14 =	smul.u32 $0x4F, s7  }
0xa: {  	s31 =	smul.u32 $0x9E00, s7;
	s6 =	sadd.s32 s6, s4;
	s9 =	sshrl.u32 s5, $0x1  }
0xb: {  	s4 =	sadd.s32 $0xB200, s4;
	s12 =	sadd.s32 s10, s2;
	s9 =	ssub.s32 s5, s9  }
.Ltmp0:
0xc: {  	s5 =	sor.u32 $0x1C02, s29;
	s10 =	sadd.s32 s10, s11;
	(pc) =	sbr.rel .LBB2_1-.Ltmp0, $4  }
0xd: {  	s30 =	sadd.s32 $0x4F, s13;
	s6 =	sadd.s32 $0x1400, s6;
	s11 =	sshrl.u32 s12, $0x3  }
0xe: {  	s12 =	simm.s32 $0x2;
	s13 =	simm.s32 $0x80;
	s10 =	sshrl.u32 s10, $0x3  }
0xf: {  	s7 =	ssub.s32 s30, s14;
	s9 =	smax.u32 s9, $0x1;
	p0 =	seq.s32 s30, s14  }
0x10: {  	v0 =	vimm.f32 $1.000000000e+00;
	s14 =	simm.s32 $0x4E80;
	s8 =	sadd.s32 s8, s10;
	s10 =	sshrl.u32 s31, $0x2  }
.LBB2_6:
0x11: {  	[sflag:s15] =	ssyncadd.s32 $0xFFFFF800  }
.LBB2_7:
0x12: {  	s16 =	sadd.s32 $0x1, s16  }
0x13: {  	p1 =	sne.s32 s16, s9  }
.Ltmp1:
0x14: {  	[bflag:$0x0] =	sbarrier.arrive $0xFFFF;
	(pc) =	sbr.rel @!p1 .LBB2_8-.Ltmp1, $4  }
0x15: {  	[hbm:s8], [sflag:s5] =	dma.local [spmem:s11], $0x4F0  }
0x16: {  	_ =	swait.ge [sflag:s12], $0x4F0  }
0x17: {  	[sflag:s12] =	ssyncset.done $0x0  }
0x18: {  	[sflag:s12] =	ssyncadd.s32 $0xFFFFFB10  }
.LBB2_1:
0x19: {  	[spmem:s11], [sflag:s5] =	dma.local [hbm:s4], $0x4F0  }
0x1a: {  	_ =	swait.ge [sflag:s12], $0x4F0  }
0x1b: {  	[sflag:s12] =	ssyncset.done $0x0  }
0x1c: {  	[sflag:s12] =	ssyncadd.s32 $0xFFFFFB10  }
0x1d: {  	[tilespmem:s3], [sflag:$0x2] =	stream.linear.gather [hbm4b:s6+s3], $0x4E80, $0x38;
	[tilespmem:$0x7E00] =	vst v63  }
0x1e: {  	_ =	swait.ge [sflag:s12], $0x4E80  }
0x1f: {  	[sflag:s12] =	ssyncset.done $0x0  }
0x20: {  	[sflag:s12] =	ssyncadd.s32 $0xFFFFB180  }
0x21: {  	[tilespmem:$0x4E80] =	vst v0  }
0x22: {  	[tilespmem:$0x4E90] =	vst v0  }
0x23: {  	[tilespmem:$0x4EA0] =	vst v0  }
0x24: {  	[tilespmem:$0x4EB0] =	vst v0  }
0x25: {  	[tilespmem:$0x4EC0] =	vst v0  }
0x26: {  	[tilespmem:$0x4ED0] =	vst v0  }
0x27: {  	[tilespmem:$0x4EE0] =	vst v0  }
0x28: {  	[tilespmem:$0x4EF0] =	vst v0  }
0x29: {  	[tilespmem:$0x4F00] =	vst v0  }
0x2a: {  	[tilespmem:$0x4F10] =	vst v0  }
0x2b: {  	[tilespmem:$0x4F20] =	vst v0  }
0x2c: {  	[tilespmem:$0x4F30] =	vst v0  }
0x2d: {  	[tilespmem:$0x4F40] =	vst v0  }
0x2e: {  	[tilespmem:$0x4F50] =	vst v0  }
0x2f: {  	[tilespmem:$0x4F60] =	vst v0  }
0x30: {  	[tilespmem:$0x4F70] =	vst v0  }
0x31: {  	[tilespmem:$0x4F80] =	vst v0  }
0x32: {  	[tilespmem:$0x4F90] =	vst v0  }
0x33: {  	[tilespmem:$0x4FA0] =	vst v0  }
0x34: {  	[tilespmem:$0x4FB0] =	vst v0  }
0x35: {  	[tilespmem:$0x4FC0] =	vst v0  }
0x36: {  	[tilespmem:$0x4FD0] =	vst v0  }
0x37: {  	[tilespmem:$0x4FE0] =	vst v0  }
0x38: {  	[tilespmem:$0x4FF0] =	vst v0  }
0x39: {  	[tilespmem:$0x5000] =	vst v0  }
0x3a: {  	[tilespmem:$0x5010] =	vst v0  }
0x3b: {  	[tilespmem:$0x5020] =	vst v0  }
0x3c: {  	[tilespmem:$0x5030] =	vst v0  }
0x3d: {  	[tilespmem:$0x5040] =	vst v0  }
0x3e: {  	[tilespmem:$0x5050] =	vst v0  }
0x3f: {  	[tilespmem:$0x5060] =	vst v0  }
0x40: {  	[tilespmem:$0x5070] =	vst v0  }
0x41: {  	[tilespmem:$0x5080] =	vst v0  }
0x42: {  	[tilespmem:$0x5090] =	vst v0  }
0x43: {  	[tilespmem:$0x50A0] =	vst v0  }
0x44: {  	[tilespmem:$0x50B0] =	vst v0  }
0x45: {  	[tilespmem:$0x50C0] =	vst v0  }
0x46: {  	[tilespmem:$0x50D0] =	vst v0  }
0x47: {  	[tilespmem:$0x50E0] =	vst v0  }
0x48: {  	[tilespmem:$0x50F0] =	vst v0  }
0x49: {  	[tilespmem:$0x5100] =	vst v0  }
0x4a: {  	[tilespmem:$0x5110] =	vst v0  }
0x4b: {  	[tilespmem:$0x5120] =	vst v0  }
0x4c: {  	[tilespmem:$0x5130] =	vst v0  }
0x4d: {  	[tilespmem:$0x5140] =	vst v0  }
0x4e: {  	[tilespmem:$0x5150] =	vst v0  }
0x4f: {  	[tilespmem:$0x5160] =	vst v0  }
0x50: {  	[tilespmem:$0x5170] =	vst v0  }
0x51: {  	[tilespmem:$0x5180] =	vst v0  }
0x52: {  	[tilespmem:$0x5190] =	vst v0  }
0x53: {  	[tilespmem:$0x51A0] =	vst v0  }
0x54: {  	[tilespmem:$0x51B0] =	vst v0  }
0x55: {  	[tilespmem:$0x51C0] =	vst v0  }
0x56: {  	[tilespmem:$0x51D0] =	vst v0  }
0x57: {  	[tilespmem:$0x51E0] =	vst v0  }
0x58: {  	[tilespmem:$0x51F0] =	vst v0  }
0x59: {  	[tilespmem:$0x5200] =	vst v0  }
0x5a: {  	[tilespmem:$0x5210] =	vst v0  }
0x5b: {  	[tilespmem:$0x5220] =	vst v0  }
0x5c: {  	[tilespmem:$0x5230] =	vst v0  }
0x5d: {  	[tilespmem:$0x5240] =	vst v0  }
0x5e: {  	[tilespmem:$0x5250] =	vst v0  }
0x5f: {  	[tilespmem:$0x5260] =	vst v0  }
0x60: {  	[tilespmem:$0x5270] =	vst v0  }
0x61: {  	[tilespmem:$0x5280] =	vst v0  }
0x62: {  	[tilespmem:$0x5290] =	vst v0  }
0x63: {  	[tilespmem:$0x52A0] =	vst v0  }
0x64: {  	[tilespmem:$0x52B0] =	vst v0  }
0x65: {  	[tilespmem:$0x52C0] =	vst v0  }
0x66: {  	[tilespmem:$0x52D0] =	vst v0  }
0x67: {  	[tilespmem:$0x52E0] =	vst v0  }
0x68: {  	[tilespmem:$0x52F0] =	vst v0  }
0x69: {  	[tilespmem:$0x5300] =	vst v0  }
0x6a: {  	[tilespmem:$0x5310] =	vst v0  }
0x6b: {  	[tilespmem:$0x5320] =	vst v0  }
0x6c: {  	[tilespmem:$0x5330] =	vst v0  }
0x6d: {  	[tilespmem:$0x5340] =	vst v0  }
0x6e: {  	[tilespmem:$0x5350] =	vst v0  }
0x6f: {  	[tilespmem:$0x5360] =	vst v0  }
0x70: {  	[tilespmem:$0x5370] =	vst v0  }
0x71: {  	[tilespmem:$0x5380] =	vst v0  }
0x72: {  	[tilespmem:$0x5390] =	vst v0  }
0x73: {  	[tilespmem:$0x53A0] =	vst v0  }
0x74: {  	[tilespmem:$0x53B0] =	vst v0  }
0x75: {  	[tilespmem:$0x53C0] =	vst v0  }
0x76: {  	[tilespmem:$0x53D0] =	vst v0  }
0x77: {  	[tilespmem:$0x53E0] =	vst v0  }
0x78: {  	[tilespmem:$0x53F0] =	vst v0  }
0x79: {  	[tilespmem:$0x5400] =	vst v0  }
0x7a: {  	[tilespmem:$0x5410] =	vst v0  }
0x7b: {  	[tilespmem:$0x5420] =	vst v0  }
0x7c: {  	[tilespmem:$0x5430] =	vst v0  }
0x7d: {  	[tilespmem:$0x5440] =	vst v0  }
0x7e: {  	[tilespmem:$0x5450] =	vst v0  }
0x7f: {  	[tilespmem:$0x5460] =	vst v0  }
0x80: {  	[tilespmem:$0x5470] =	vst v0  }
0x81: {  	[tilespmem:$0x5480] =	vst v0  }
0x82: {  	[tilespmem:$0x5490] =	vst v0  }
0x83: {  	[tilespmem:$0x54A0] =	vst v0  }
0x84: {  	[tilespmem:$0x54B0] =	vst v0  }
0x85: {  	[tilespmem:$0x54C0] =	vst v0  }
0x86: {  	[tilespmem:$0x54D0] =	vst v0  }
0x87: {  	[tilespmem:$0x54E0] =	vst v0  }
0x88: {  	[tilespmem:$0x54F0] =	vst v0  }
0x89: {  	[tilespmem:$0x5500] =	vst v0  }
0x8a: {  	[tilespmem:$0x5510] =	vst v0  }
0x8b: {  	[tilespmem:$0x5520] =	vst v0  }
0x8c: {  	[tilespmem:$0x5530] =	vst v0  }
0x8d: {  	[tilespmem:$0x5540] =	vst v0  }
0x8e: {  	[tilespmem:$0x5550] =	vst v0  }
0x8f: {  	[tilespmem:$0x5560] =	vst v0  }
0x90: {  	[tilespmem:$0x5570] =	vst v0  }
0x91: {  	[tilespmem:$0x5580] =	vst v0  }
0x92: {  	[tilespmem:$0x5590] =	vst v0  }
0x93: {  	[tilespmem:$0x55A0] =	vst v0  }
0x94: {  	[tilespmem:$0x55B0] =	vst v0  }
0x95: {  	[tilespmem:$0x55C0] =	vst v0  }
0x96: {  	[tilespmem:$0x55D0] =	vst v0  }
0x97: {  	[tilespmem:$0x55E0] =	vst v0  }
0x98: {  	[tilespmem:$0x55F0] =	vst v0  }
0x99: {  	[tilespmem:$0x5600] =	vst v0  }
0x9a: {  	[tilespmem:$0x5610] =	vst v0  }
0x9b: {  	[tilespmem:$0x5620] =	vst v0  }
0x9c: {  	[tilespmem:$0x5630] =	vst v0  }
0x9d: {  	[tilespmem:$0x5640] =	vst v0  }
.Ltmp2:
0x9e: {  	[tilespmem:$0x5650] =	vst v0;
	(pc) =	sbr.rel @p0 .LBB2_7-.Ltmp2, $3  }
0x9f: {  	[tilespmem:$0x5660] =	vst v0  }
0xa0: {  	[tilespmem:$0x5670] =	vst v0  }
0xa1: {  	[bflag:$0x0] =	sbarrier.arrive $0xFFFF;
	_ =	sdelay $0x1  }
0xa2: {  	p1 =	sne.s32 s7, $0x1  }
.Ltmp3:
0xa3: {  	_ = 	snop;
	(pc) =	sbr.rel @!p1 .LBB2_4-.Ltmp3, $3  }
0xa4: {  	_ =	sdelay $0x1  }
0xa5: {  	[spmem:s2] =	stream.indirect.scatter.add.f32 [tilespmem:s14], [sflag:$0x1], $0x10, s10, s13, $0xb8;
	[tilespmem:$0x7E00] =	vst v63  }
0xa6: {  	s17 =	sadd.s32 $0xFFFFFFFF, s7;
	s18 =	smov.u32 s10  }
.LBB2_3:
0xa7: {  	p1 =	sne.s32 s17, $0x1  }
.Ltmp4:
0xa8: {  	_ = 	snop;
	(pc) =	sbr.rel @p1 .LBB2_3-.Ltmp4, $3  }
0xa9: {  	_ = 	snop  }
0xaa: {  	s17 =	sadd.s32 $0xFFFFFFFF, s17;
	s18 =	sadd.s32 $0x80, s18;
	_ =	sdelay $0x1  }
0xab: {  	[spmem:s2] =	stream.indirect.scatter.add.f32 [tilespmem:s14], [sflag:$0x1], $0x10, s18, s13, $0xb8;
	[tilespmem:$0x7E00] =	vst v63  }
.LBB2_4:
0xac: {  	p1 =	sne.s32 s7, $0x1  }
.Ltmp5:
0xad: {  	_ = 	snop;
	(pc) =	sbr.rel @!p1 .LBB2_6-.Ltmp5, $3  }
0xae: {  	_ =	sdelay $0x1  }
0xaf: {  	_ =	swait.ge [sflag:s15], $0x800  }
0xb0: {  	s17 =	sadd.s32 $0xFFFFFFFF, s7;
	[sflag:s15] =	ssyncset.done $0x0  }
.LBB2_5:
0xb1: {  	p1 =	sne.s32 s17, $0x1;
	s17 =	sadd.s32 $0xFFFFFFFF, s17;
	[sflag:s15] =	ssyncadd.s32 $0xFFFFF800  }
.Ltmp6:
0xb2: {  	(pc) =	sbr.rel @p1 .LBB2_5-.Ltmp6, $3  }
0xb3: {  	_ =	sdelay $0x1  }
0xb4: {  	_ =	swait.ge [sflag:s15], $0x800  }
0xb5: {  	[sflag:s15] =	ssyncset.done $0x0  }
.Ltmp7:
0xb6: {  	_ = 	snop;
	(pc) =	sbr.rel .LBB2_6-.Ltmp7, $1  }
0xb7: {  	_ =	sdelay $0x3  }
.LBB2_8:
0xb8: {  	_ =	sfence.sel $0x180000  }
0xb9: {  	[bflag:$0x0] =	sbarrier.arrive $0xFFFF  }
0xba: {  	p0 =	sne.s32 s1, $0x0;
	_ =	strace $0x90000047  }
0xbb: {  	s0 =	sadd.s32 @!p0 $0x100000, s0;
	[bflag:$0x2] =	sbarrier.arrive $0xFFFF  }
0xbc: {  	[sflag:s0] =	ssyncadd.tile.s32 @!p0 $0x1;
	_ =	shalt  }
.Lfunc_end2:
_tile_overlayer_lowered:
.L_overlay_start_2:
0xbd: {  	(tag) =	ssettag $0x2  }
0xbe: {  	s0 =	rddreg [dreg:$0x0];
	s2 =	stileid.u32  }
0xbf: {  	s1 =	rddreg [dreg:$0x1];
	p0 =	sne.s32 s2, $0x0  }
0xc0: {  	s3 =	rddreg [dreg:$0x2];
	[bflag:$0x3] =	sbarrier.arrive $0xFFFF;
	s2 =	simm.s32 @!p0 $0x1C02  }
0xc1: {  	[timem:s3], [sflag:s2] =	dma.local @!p0 [hbm:s0], s1  }
0xc2: {  	s0 =	simm.s32 @!p0 $0x2  }
0xc3: {  	_ =	swait.ge @!p0 [sflag:s0], s1  }
0xc4: {  	s1 =	ssub.s32 @!p0 $0x0, s1;
	[sflag:s0] =	ssyncset.done @!p0 $0x0  }
0xc5: {  	[sflag:s0] =	ssyncadd.s32 @!p0 s1  }
0xc6: {  	[bflag:$0x3] =	sbarrier.arrive $0xFFFF  }
0xc7: {  	_ =	shalt  }

</sc_bundles>
